<compile_context>
chip_gen: v7x
topology: tpu7x:2x2x1
jax: 0.10.2.dev20260603
libtpu: 0.0.44.dev20260713+nightly
codegen_flags: <defaults>
</compile_context>

<pallas_src>
import functools

import jax
import jax.numpy as jnp
from jax import lax
from jax.experimental import pallas as pl
from jax.experimental.pallas import tpu as pltpu
from jax.experimental.pallas import tpu_sc as plsc

N = 10000
E = 320000
DIM = 128
NC = 2
NS = 16
NW = NC * NS
NPAD = 10240
CHUNK = NPAD
EPAD = NW * CHUNK
ROWS = CHUNK // 128
GROUPS = CHUNK // 16
HALF = NPAD // 2
SUB = 2048
SUBS = 11
EC = NS * SUBS * SUB

_mesh = plsc.VectorSubcoreMesh(core_axis_name="c", subcore_axis_name="s")
_sc_params = pltpu.CompilerParams(needs_layout_passes=False)


@functools.partial(
    pl.kernel,
    mesh=_mesh,
    out_type=(
        jax.ShapeDtypeStruct((NC, NPAD), jnp.float32),
        jax.ShapeDtypeStruct((NW, NPAD), jnp.float32),
    ),
    scratch_types=[
        pltpu.VMEM((ROWS, 128), jnp.int32),
        pltpu.VMEM((ROWS, 128), jnp.int32),
        pltpu.VMEM((ROWS, 128), jnp.float32),
        pltpu.VMEM((NPAD,), jnp.float32),
        pltpu.VMEM((NPAD // NS,), jnp.float32),
        pltpu.VMEM_SHARED((NPAD,), jnp.float32),
    ],
    compiler_params=_sc_params,
)
def _pass_a(src_h, dst_h, w_h, deg_out, rel_out, dst_v, src_v, w_v,
            rel_v, z_v, deg_sh):
    cid = lax.axis_index("c")
    sid = lax.axis_index("s")
    wid = sid * NC + cid

    pltpu.sync_copy(dst_h.at[wid], dst_v)
    pltpu.sync_copy(src_h.at[wid], src_v)
    pltpu.sync_copy(w_h.at[wid], w_v)

    zero16 = jnp.zeros((16,), jnp.float32)

    def zloop(i, _):
        z_v[pl.ds(i * 16, 16)] = zero16
        return 0
    lax.fori_loop(0, (NPAD // NS) // 16, zloop, 0)

    def rloop(i, _):
        rel_v[pl.ds(i * 16, 16)] = zero16
        return 0
    lax.fori_loop(0, NPAD // 16, rloop, 0)

    pltpu.sync_copy(z_v, deg_sh.at[pl.ds(sid * (NPAD // NS), NPAD // NS)])
    plsc.subcore_barrier()

    def dloop(j, _):
        pltpu.sync_copy(w_v.at[j], deg_sh.at[dst_v.at[j]], add=True)
        return 0
    lax.fori_loop(0, ROWS, dloop, 0)

    ones16 = jnp.ones((16,), jnp.float32)

    def mloop(i, _):
        r = i // 8
        c = i % 8
        d16 = dst_v[r, pl.ds(c * 16, 16)]
        s16 = src_v[r, pl.ds(c * 16, 16)]
        plsc.store_scatter(rel_v, [s16], ones16, mask=d16 == 0)
        return 0
    lax.fori_loop(0, GROUPS, mloop, 0)

    plsc.subcore_barrier()

    @pl.when(sid == 0)
    def _():
        pltpu.sync_copy(deg_sh, deg_out.at[cid])

    pltpu.sync_copy(rel_v, rel_out.at[wid])


def _kern_b(x_ref, gate_ref, wp_ref, bp_ref, deg_ref, rel_ref,
            p_ref, dinv_ref, relc_ref):
    x = x_ref[...]
    gate = gate_ref[...]
    p_ref[...] = lax.dot_general(
        x * gate, wp_ref[...], (((1,), (0,)), ((), ())),
        preferred_element_type=jnp.float32,
        precision=lax.Precision.HIGHEST) + bp_ref[...]
    deg = deg_ref[...]
    dsum = deg[0:80] + deg[80:160] + 1.0
    dinv_ref[...] = lax.rsqrt(dsum)
    rel = rel_ref[...]
    acc = rel[0:80]
    for i in range(1, NW):
        acc = acc + rel[i * 80:(i + 1) * 80]
    node = (lax.broadcasted_iota(jnp.int32, (80, 128), 0) * 128
            + lax.broadcasted_iota(jnp.int32, (80, 128), 1))
    relc_ref[...] = jnp.where((acc > 0.0) | (node == 0), 1.0, 0.0)


@functools.partial(
    pl.kernel,
    mesh=_mesh,
    out_type=(
        jax.ShapeDtypeStruct((NC, HALF, DIM), jnp.float32),
        jax.ShapeDtypeStruct((NC, NPAD), jnp.float32),
    ),
    scratch_types=[
        pltpu.VMEM((SUB,), jnp.int32),
        pltpu.VMEM((SUB,), jnp.int32),
        pltpu.VMEM((SUB,), jnp.float32),
        pltpu.VMEM((NPAD,), jnp.float32),
        pltpu.VMEM((NPAD,), jnp.float32),
        pltpu.VMEM((SUB,), jnp.int32),
        pltpu.VMEM((SUB,), jnp.int32),
        pltpu.VMEM((SUB,), jnp.float32),
        pltpu.VMEM((16,), jnp.float32),
        pltpu.VMEM((16, DIM), jnp.float32),
        pltpu.VMEM((16, DIM), jnp.float32),
        pltpu.VMEM((16,), jnp.float32),
        pltpu.VMEM((16, DIM), jnp.float32),
        pltpu.VMEM((NPAD // NS,), jnp.float32),
        pltpu.VMEM_SHARED((HALF, DIM), jnp.float32),
        pltpu.VMEM_SHARED((NPAD,), jnp.float32),
        pltpu.SemaphoreType.DMA,
    ],
    compiler_params=_sc_params,
)
def _pass_c(src_h, dst_h, w_h, dinv_h, rel_h, p_h,
            a1_out, beta_out,
            src_v, dst_v, w_v, dinv_v, rel_v, sel_s, sel_d, sel_n,
            normg, prow, srow, bval, zrow, z_v, a1_sh, beta_sh, sem):
    cid = lax.axis_index("c")
    sid = lax.axis_index("s")
    lo = cid * HALF

    pltpu.sync_copy(dinv_h, dinv_v)
    pltpu.sync_copy(rel_h, rel_v)

    zero16 = jnp.zeros((16,), jnp.float32)

    def z1(i, _):
        r = i // 8
        c = i % 8
        zrow[r, pl.ds(c * 16, 16)] = zero16
        return 0
    lax.fori_loop(0, 16 * 8, z1, 0)

    def z2(i, _):
        z_v[pl.ds(i * 16, 16)] = zero16
        return 0
    lax.fori_loop(0, (NPAD // NS) // 16, z2, 0)

    def z3(j, _):
        pltpu.sync_copy(zrow, a1_sh.at[pl.ds(sid * (HALF // NS) + j * 16, 16)])
        return 0
    lax.fori_loop(0, (HALF // NS) // 16, z3, 0)
    pltpu.sync_copy(z_v, beta_sh.at[pl.ds(sid * (NPAD // NS), NPAD // NS)])
    plsc.subcore_barrier()

    hi = lo + HALF
    lanes = lax.iota(jnp.int32, 16)

    def sub_loop(sub, _):
        pltpu.sync_copy(src_h.at[sid, sub], src_v)
        pltpu.sync_copy(dst_h.at[sid, sub], dst_v)
        pltpu.sync_copy(w_h.at[sid, sub], w_v)

        def sel_loop(i, off):
            s16 = src_v[pl.ds(i * 16, 16)]
            d16 = dst_v[pl.ds(i * 16, 16)]
            w16 = w_v[pl.ds(i * 16, 16)]
            dv_s = plsc.load_gather(dinv_v, [s16])
            dv_d = plsc.load_gather(dinv_v, [d16])
            r_d = plsc.load_gather(rel_v, [d16])
            n16 = dv_s * w16 * dv_d
            m = (r_d > 0.0) & (d16 >= lo) & (d16 < hi)
            plsc.store_compressed(sel_s.at[pl.ds(off, 16)], s16, mask=m)
            plsc.store_compressed(sel_d.at[pl.ds(off, 16)], d16, mask=m)
            plsc.store_compressed(sel_n.at[pl.ds(off, 16)], n16, mask=m)
            return off + jnp.sum(m.astype(jnp.int32))
        count = lax.fori_loop(0, SUB // 16, sel_loop, jnp.int32(0))

        def grp(j, _):
            base = j * 16
            s16 = sel_s[pl.ds(base, 16)]
            d16 = sel_d[pl.ds(base, 16)]
            n16 = sel_n[pl.ds(base, 16)]
            valid = (lanes + base) < count
            s16 = jnp.where(valid, s16, 0)
            d16c = jnp.where(valid, d16 - lo, 0)
            n16 = jnp.where(valid, n16, 0.0)
            pltpu.async_copy(p_h.at[s16], prow, sem).wait()
            for rr in range(16):
                nb = jnp.take_along_axis(
                    n16, jnp.full((16,), rr, jnp.int32), axis=0,
                    mode="promise_in_bounds")
                for cc in range(8):
                    srow[rr, pl.ds(cc * 16, 16)] = (
                        prow[rr, pl.ds(cc * 16, 16)] * nb)
            pltpu.sync_copy(srow, a1_sh.at[d16c], add=True)
            m0 = (d16 == 0) & valid
            bval[...] = jnp.where(m0, n16, 0.0)
            b_idx = jnp.where(m0, s16, 0)
            pltpu.sync_copy(bval, beta_sh.at[b_idx], add=True)
            return 0
        lax.fori_loop(0, (count + 15) // 16, grp, 0)
        return 0
    lax.fori_loop(0, SUBS, sub_loop, 0)

    plsc.subcore_barrier()

    @pl.when(sid == 0)
    def _():
        pltpu.sync_copy(a1_sh, a1_out.at[cid])
        pltpu.sync_copy(beta_sh, beta_out.at[cid])


def _kern_d(a1_ref, beta_ref, p0_ref, cg_ref, cp_ref,
            w1_ref, b1_ref, w2_ref, b2_ref, wh_ref, bh_ref, out_ref):
    z = a1_ref[...]
    h1 = jnp.maximum(
        lax.dot_general(z, w1_ref[...], (((1,), (0,)), ((), ())),
                        preferred_element_type=jnp.float32,
                        precision=lax.Precision.HIGHEST) + b1_ref[...], 0.0)
    beta = beta_ref[...]
    bsum = beta[0] + beta[1]
    m2 = lax.dot_general(bsum, h1, (((1,), (0,)), ((), ())),
                         preferred_element_type=jnp.float32,
                         precision=lax.Precision.HIGHEST)
    h2 = jnp.maximum(
        lax.dot_general(m2, w2_ref[...], (((1,), (0,)), ((), ())),
                        preferred_element_type=jnp.float32,
                        precision=lax.Precision.HIGHEST) + b2_ref[...], 0.0)
    cg = cg_ref[...]
    cp = cp_ref[...]
    g = (cg[:, 0:256] + cg[:, 256:512] +
         jnp.concatenate([h1[0:1, :], h2], axis=1)) / 3.0
    r = (cp[:, 0:128] + cp[:, 128:256] + p0_ref[...]) / 3.0
    feats = jnp.concatenate([g, r], axis=1)
    out_ref[...] = lax.dot_general(
        feats, wh_ref[...], (((1,), (0,)), ((), ())),
        preferred_element_type=jnp.float32,
        precision=lax.Precision.HIGHEST) + bh_ref[0, 0]


def kernel(x_exp, feat_gate, edge_gate, cached_gcn, cached_proj,
           W_proj, b_proj, W1, b1, W2, b2, W_head, b_head, edge_index):
    pad = EPAD - E
    src = jnp.pad(edge_index[0], (0, pad)).reshape(NW, ROWS, 128)
    dst = jnp.pad(edge_index[1], (0, pad),
                  constant_values=NPAD - 1).reshape(NW, ROWS, 128)
    w = jnp.pad(edge_gate, (0, pad)).reshape(NW, ROWS, 128)

    deg_parts, rel_parts = _pass_a(src, dst, w)

    x_pad = jnp.pad(x_exp, ((0, NPAD - N), (0, 0)))
    p, dinv80, rel80 = pl.pallas_call(
        _kern_b,
        out_shape=(
            jax.ShapeDtypeStruct((NPAD, DIM), jnp.float32),
            jax.ShapeDtypeStruct((80, 128), jnp.float32),
            jax.ShapeDtypeStruct((80, 128), jnp.float32),
        ),
    )(x_pad, feat_gate.reshape(1, DIM), W_proj, b_proj.reshape(1, DIM),
      deg_parts.reshape(NC * 80, 128), rel_parts.reshape(NW * 80, 128))

    dinv_flat = dinv80.reshape(NPAD)
    rel_flat = rel80.reshape(NPAD)

    pad2 = EC - E - N
    loops = jnp.arange(N, dtype=edge_index.dtype)
    src_c = jnp.concatenate(
        [edge_index[0], loops, jnp.zeros((pad2,), edge_index.dtype)]
    ).reshape(NS, SUBS, SUB)
    dst_c = jnp.concatenate(
        [edge_index[1], loops,
         jnp.full((pad2,), NPAD - 1, edge_index.dtype)]
    ).reshape(NS, SUBS, SUB)
    w_c = jnp.concatenate(
        [edge_gate, jnp.ones((N,), jnp.float32),
         jnp.zeros((pad2,), jnp.float32)]
    ).reshape(NS, SUBS, SUB)
    a1_halves, beta_parts = _pass_c(src_c, dst_c, w_c, dinv_flat, rel_flat, p)
    a1 = a1_halves.reshape(NPAD, DIM)

    p0 = lax.slice(p, (0, 0), (1, DIM))

    pred = pl.pallas_call(
        _kern_d,
        out_shape=jax.ShapeDtypeStruct((1, 1), jnp.float32),
    )(a1, beta_parts.reshape(NC, 1, NPAD), p0,
      cached_gcn.reshape(1, 512), cached_proj.reshape(1, 256),
      W1, b1.reshape(1, DIM), W2, b2.reshape(1, DIM),
      W_head, b_head.reshape(1, 1))

    return pred.reshape(())

# --- scband reference (transcript-rebuilt; emitter-appended) ---
"""Pipeline reference for scband-e2-emask-opt-wrapper-42640435315003 (READ-ONLY COPY).

The authoritative reference and input builder live on the scoring server;
editing this copy changes nothing except your own understanding.
"""

import jax, jax.numpy as jnp
import numpy as np

N = 10000
E = 320000
D = 128
P = 128
H = 128
T = 3
TARGET = 0


def gcn_conv(x, src, dst, ew, W, b):
    # PyG-style GCNConv with edge weights and added self-loops
    n = x.shape[0]
    loop = jnp.arange(n, dtype=src.dtype)
    s = jnp.concatenate([src, loop])
    d = jnp.concatenate([dst, loop])
    w = jnp.concatenate([ew, jnp.ones((n,), dtype=x.dtype)])
    deg = jax.ops.segment_sum(w, d, num_segments=n)
    dinv = jnp.where(deg > 0, deg ** -0.5, 0.0)
    norm = dinv[s] * w * dinv[d]
    h = x @ W
    msg = h[s] * norm[:, None]
    out = jax.ops.segment_sum(msg, d, num_segments=n)
    return out + b


def setup_inputs(seed: int = 0):
    key = jax.random.key(seed)
    ks = jax.random.split(key, 12)
    x_exp = jax.random.normal(ks[0], (N, D), dtype=jnp.float32)
    edge_index = jax.random.randint(ks[1], (2, E), 0, N, dtype=jnp.int32)
    feat_gate = jax.random.uniform(ks[2], (D,), dtype=jnp.float32)
    edge_gate = jax.random.uniform(ks[3], (E,), dtype=jnp.float32)
    cached_gcn = jax.random.normal(ks[4], (T - 1, 2 * H), dtype=jnp.float32)
    cached_proj = jax.random.normal(ks[5], (T - 1, P), dtype=jnp.float32)
    W_proj = jax.random.normal(ks[6], (D, P), dtype=jnp.float32) * (1.0 / np.sqrt(D))
    b_proj = jnp.zeros((P,), dtype=jnp.float32)
    W1 = jax.random.normal(ks[7], (P, H), dtype=jnp.float32) * (1.0 / np.sqrt(P))
    b1 = jnp.zeros((H,), dtype=jnp.float32)
    W2 = jax.random.normal(ks[8], (H, H), dtype=jnp.float32) * (1.0 / np.sqrt(H))
    b2 = jnp.zeros((H,), dtype=jnp.float32)
    W_head = jax.random.normal(ks[9], (2 * H + P, 1), dtype=jnp.float32) * 0.05
    b_head = jnp.zeros((1,), dtype=jnp.float32)
    return {"x_exp": x_exp, "feat_gate": feat_gate, "edge_gate": edge_gate,
            "cached_gcn": cached_gcn, "cached_proj": cached_proj,
            "W_proj": W_proj, "b_proj": b_proj, "W1": W1, "b1": b1,
            "W2": W2, "b2": b2, "W_head": W_head, "b_head": b_head,
            "edge_index": edge_index}


def reference(x_exp, feat_gate, edge_gate, cached_gcn, cached_proj,
              W_proj, b_proj, W1, b1, W2, b2, W_head, b_head, edge_index):
    src = edge_index[0]
    dst = edge_index[1]
    # feat_mask_scope='all': x * feat_gate broadcast over nodes
    x_masked = x_exp * feat_gate[None, :]
    # projection layer
    p = x_masked @ W_proj + b_proj
    # edge_mask_scope='all': edge weight is the edge gate directly
    h1 = jax.nn.relu(gcn_conv(p, src, dst, edge_gate, W1, b1))
    h2 = jax.nn.relu(gcn_conv(h1, src, dst, edge_gate, W2, b2))
    out = jnp.concatenate([h1, h2], axis=1)  # layer-concat as in _gcn_forward_concat
    # assemble temporal sequence: cached timesteps + explained timestep (last)
    seq_gcn = jnp.concatenate([cached_gcn, out[TARGET][None, :]], axis=0)[None]  # [1, T, 2H]
    seq_raw = jnp.concatenate([cached_proj, p[TARGET][None, :]], axis=0)[None]   # [1, T, P]
    feats = jnp.concatenate([seq_gcn, seq_raw], axis=-1).mean(axis=1)  # temporal readout
    pred = (feats @ W_head + b_head).reshape(())
    return pred

if __name__ == "__main__":
    import jax
    _d = setup_inputs()
    print(jax.jit(kernel)(*tuple(_d.values())))

</pallas_src>

<mosaic_0001>
#map = affine_map<(d0, d1) -> (0, 0, 0)>
#map1 = affine_map<(d0, d1) -> (0, 0)>
module attributes {stable_mosaic.version = 14 : i64} {
  func.func @_pass_a(%arg0: i32, %arg1: i32, %arg2: memref<32x80x128xi32, #tpu.memory_space<hbm>>, %arg3: memref<32x80x128xi32, #tpu.memory_space<hbm>>, %arg4: memref<32x80x128xf32, #tpu.memory_space<hbm>>, %arg5: memref<2x10240xf32, #tpu.memory_space<hbm>>, %arg6: memref<32x10240xf32, #tpu.memory_space<hbm>>, %arg7: memref<80x128xi32, #tpu.memory_space<vmem>>, %arg8: memref<80x128xi32, #tpu.memory_space<vmem>>, %arg9: memref<80x128xf32, #tpu.memory_space<vmem>>, %arg10: memref<10240xf32, #tpu.memory_space<vmem>>, %arg11: memref<640xf32, #tpu.memory_space<vmem>>, %arg12: memref<10240xf32, #tpu.memory_space<vmem_shared>>) attributes {dimension_semantics = [#tpu.dimension_semantics<core_parallel>, #tpu.dimension_semantics<subcore_parallel>], iteration_bounds = array<i64: 2, 16>, scalar_prefetch = 0 : i64, scratch_operands = 6 : i64, tpu.core_type = #tpu.core_type<sc_vector_subcore>, window_params = [{transform_indices = #map}, {transform_indices = #map}, {transform_indices = #map}, {transform_indices = #map1}, {transform_indices = #map1}]} {
    %mul3A = arith.constant 2 : i32
    %mul3A_0 = arith.muli %arg1, %mul3A : i32
    %add3A = arith.addi %mul3A_0, %arg0 : i32
    "tpu.region"() ({
      %run_scoped3A = tpu.sem_alloc : memref<!tpu.dma_semaphore, #tpu.memory_space<semaphore_mem>>
      %dma_start3A = arith.constant 0 : i32
      %dma_start3A_36 = arith.constant 0 : i32
      %dma_start3A_37 = tpu.memref_slice %arg3[%add3A, %dma_start3A, %dma_start3A_36] : memref<32x80x128xi32, #tpu.memory_space<hbm>> -> memref<1x80x128xi32, #tpu.memory_space<hbm>>
      %dma_start3A_38 = tpu.memref_squeeze %dma_start3A_37 : memref<1x80x128xi32, #tpu.memory_space<hbm>> -> memref<80x128xi32, #tpu.memory_space<hbm>>
      %dma_start3A_39 = arith.constant 0 : i32
      %dma_start3A_40 = arith.constant 0 : i32
      %dma_start3A_41 = tpu.memref_slice %arg3[%add3A, %dma_start3A_39, %dma_start3A_40] : memref<32x80x128xi32, #tpu.memory_space<hbm>> -> memref<1x80x128xi32, #tpu.memory_space<hbm>>
      %dma_start3A_42 = tpu.memref_squeeze %dma_start3A_41 : memref<1x80x128xi32, #tpu.memory_space<hbm>> -> memref<80x128xi32, #tpu.memory_space<hbm>>
      tpu.enqueue_dma source(%dma_start3A_42 : memref<80x128xi32, #tpu.memory_space<hbm>>) target(%arg7 : memref<80x128xi32, #tpu.memory_space<vmem>>) target_semaphore(%run_scoped3A : memref<!tpu.dma_semaphore, #tpu.memory_space<semaphore_mem>>)
      %dma_wait3A = arith.constant 0 : i32
      %dma_wait3A_43 = arith.constant 0 : i32
      %dma_wait3A_44 = tpu.memref_slice %arg3[%add3A, %dma_wait3A, %dma_wait3A_43] : memref<32x80x128xi32, #tpu.memory_space<hbm>> -> memref<1x80x128xi32, #tpu.memory_space<hbm>>
      %dma_wait3A_45 = tpu.memref_squeeze %dma_wait3A_44 : memref<1x80x128xi32, #tpu.memory_space<hbm>> -> memref<80x128xi32, #tpu.memory_space<hbm>>
      %dma_wait3A_46 = arith.constant 0 : i32
      %dma_wait3A_47 = arith.constant 0 : i32
      %dma_wait3A_48 = tpu.memref_slice %arg3[%add3A, %dma_wait3A_46, %dma_wait3A_47] : memref<32x80x128xi32, #tpu.memory_space<hbm>> -> memref<1x80x128xi32, #tpu.memory_space<hbm>>
      %dma_wait3A_49 = tpu.memref_squeeze %dma_wait3A_48 : memref<1x80x128xi32, #tpu.memory_space<hbm>> -> memref<80x128xi32, #tpu.memory_space<hbm>>
      tpu.wait_dma2 semaphore(%run_scoped3A : memref<!tpu.dma_semaphore, #tpu.memory_space<semaphore_mem>>) src(%dma_wait3A_49 : memref<80x128xi32, #tpu.memory_space<hbm>>) dst(%arg7 : memref<80x128xi32, #tpu.memory_space<vmem>>)
      tpu.yield
    }) : () -> ()
    "tpu.region"() ({
      %run_scoped3A = tpu.sem_alloc : memref<!tpu.dma_semaphore, #tpu.memory_space<semaphore_mem>>
      %dma_start3A = arith.constant 0 : i32
      %dma_start3A_36 = arith.constant 0 : i32
      %dma_start3A_37 = tpu.memref_slice %arg2[%add3A, %dma_start3A, %dma_start3A_36] : memref<32x80x128xi32, #tpu.memory_space<hbm>> -> memref<1x80x128xi32, #tpu.memory_space<hbm>>
      %dma_start3A_38 = tpu.memref_squeeze %dma_start3A_37 : memref<1x80x128xi32, #tpu.memory_space<hbm>> -> memref<80x128xi32, #tpu.memory_space<hbm>>
      %dma_start3A_39 = arith.constant 0 : i32
      %dma_start3A_40 = arith.constant 0 : i32
      %dma_start3A_41 = tpu.memref_slice %arg2[%add3A, %dma_start3A_39, %dma_start3A_40] : memref<32x80x128xi32, #tpu.memory_space<hbm>> -> memref<1x80x128xi32, #tpu.memory_space<hbm>>
      %dma_start3A_42 = tpu.memref_squeeze %dma_start3A_41 : memref<1x80x128xi32, #tpu.memory_space<hbm>> -> memref<80x128xi32, #tpu.memory_space<hbm>>
      tpu.enqueue_dma source(%dma_start3A_42 : memref<80x128xi32, #tpu.memory_space<hbm>>) target(%arg8 : memref<80x128xi32, #tpu.memory_space<vmem>>) target_semaphore(%run_scoped3A : memref<!tpu.dma_semaphore, #tpu.memory_space<semaphore_mem>>)
      %dma_wait3A = arith.constant 0 : i32
      %dma_wait3A_43 = arith.constant 0 : i32
      %dma_wait3A_44 = tpu.memref_slice %arg2[%add3A, %dma_wait3A, %dma_wait3A_43] : memref<32x80x128xi32, #tpu.memory_space<hbm>> -> memref<1x80x128xi32, #tpu.memory_space<hbm>>
      %dma_wait3A_45 = tpu.memref_squeeze %dma_wait3A_44 : memref<1x80x128xi32, #tpu.memory_space<hbm>> -> memref<80x128xi32, #tpu.memory_space<hbm>>
      %dma_wait3A_46 = arith.constant 0 : i32
      %dma_wait3A_47 = arith.constant 0 : i32
      %dma_wait3A_48 = tpu.memref_slice %arg2[%add3A, %dma_wait3A_46, %dma_wait3A_47] : memref<32x80x128xi32, #tpu.memory_space<hbm>> -> memref<1x80x128xi32, #tpu.memory_space<hbm>>
      %dma_wait3A_49 = tpu.memref_squeeze %dma_wait3A_48 : memref<1x80x128xi32, #tpu.memory_space<hbm>> -> memref<80x128xi32, #tpu.memory_space<hbm>>
      tpu.wait_dma2 semaphore(%run_scoped3A : memref<!tpu.dma_semaphore, #tpu.memory_space<semaphore_mem>>) src(%dma_wait3A_49 : memref<80x128xi32, #tpu.memory_space<hbm>>) dst(%arg8 : memref<80x128xi32, #tpu.memory_space<vmem>>)
      tpu.yield
    }) : () -> ()
    "tpu.region"() ({
      %run_scoped3A = tpu.sem_alloc : memref<!tpu.dma_semaphore, #tpu.memory_space<semaphore_mem>>
      %dma_start3A = arith.constant 0 : i32
      %dma_start3A_36 = arith.constant 0 : i32
      %dma_start3A_37 = tpu.memref_slice %arg4[%add3A, %dma_start3A, %dma_start3A_36] : memref<32x80x128xf32, #tpu.memory_space<hbm>> -> memref<1x80x128xf32, #tpu.memory_space<hbm>>
      %dma_start3A_38 = tpu.memref_squeeze %dma_start3A_37 : memref<1x80x128xf32, #tpu.memory_space<hbm>> -> memref<80x128xf32, #tpu.memory_space<hbm>>
      %dma_start3A_39 = arith.constant 0 : i32
      %dma_start3A_40 = arith.constant 0 : i32
      %dma_start3A_41 = tpu.memref_slice %arg4[%add3A, %dma_start3A_39, %dma_start3A_40] : memref<32x80x128xf32, #tpu.memory_space<hbm>> -> memref<1x80x128xf32, #tpu.memory_space<hbm>>
      %dma_start3A_42 = tpu.memref_squeeze %dma_start3A_41 : memref<1x80x128xf32, #tpu.memory_space<hbm>> -> memref<80x128xf32, #tpu.memory_space<hbm>>
      tpu.enqueue_dma source(%dma_start3A_42 : memref<80x128xf32, #tpu.memory_space<hbm>>) target(%arg9 : memref<80x128xf32, #tpu.memory_space<vmem>>) target_semaphore(%run_scoped3A : memref<!tpu.dma_semaphore, #tpu.memory_space<semaphore_mem>>)
      %dma_wait3A = arith.constant 0 : i32
      %dma_wait3A_43 = arith.constant 0 : i32
      %dma_wait3A_44 = tpu.memref_slice %arg4[%add3A, %dma_wait3A, %dma_wait3A_43] : memref<32x80x128xf32, #tpu.memory_space<hbm>> -> memref<1x80x128xf32, #tpu.memory_space<hbm>>
      %dma_wait3A_45 = tpu.memref_squeeze %dma_wait3A_44 : memref<1x80x128xf32, #tpu.memory_space<hbm>> -> memref<80x128xf32, #tpu.memory_space<hbm>>
      %dma_wait3A_46 = arith.constant 0 : i32
      %dma_wait3A_47 = arith.constant 0 : i32
      %dma_wait3A_48 = tpu.memref_slice %arg4[%add3A, %dma_wait3A_46, %dma_wait3A_47] : memref<32x80x128xf32, #tpu.memory_space<hbm>> -> memref<1x80x128xf32, #tpu.memory_space<hbm>>
      %dma_wait3A_49 = tpu.memref_squeeze %dma_wait3A_48 : memref<1x80x128xf32, #tpu.memory_space<hbm>> -> memref<80x128xf32, #tpu.memory_space<hbm>>
      tpu.wait_dma2 semaphore(%run_scoped3A : memref<!tpu.dma_semaphore, #tpu.memory_space<semaphore_mem>>) src(%dma_wait3A_49 : memref<80x128xf32, #tpu.memory_space<hbm>>) dst(%arg9 : memref<80x128xf32, #tpu.memory_space<vmem>>)
      tpu.yield
    }) : () -> ()
    %broadcast_in_dim3A = arith.constant 0.000000e+00 : f32
    %broadcast_in_dim3A_1 = vector.broadcast %broadcast_in_dim3A : f32 to vector<16xf32>
    %scan3A = arith.constant 0 : i32
    %scan3A_2 = arith.constant 0 : i32
    %scan3A_3 = arith.constant 40 : i32
    %scan3A_4 = arith.addi %scan3A_2, %scan3A_3 : i32
    %scan3A_5 = arith.constant 1 : i32
    %scan3A_6 = scf.for %scan3A_36 = %scan3A_2 to %scan3A_4 step %scan3A_5 iter_args(%scan3A_37 = %scan3A) -> (i32)  : i32 {
      %mul3A_38 = arith.constant 16 : i32
      %mul3A_39 = arith.muli %scan3A_36, %mul3A_38 : i32
      %swap3A = arith.index_cast %mul3A_39 : i32 to index
      %swap3A_40 = tpu.vector_load %arg11[%swap3A] {strides = array<i32>} : memref<640xf32, #tpu.memory_space<vmem>>, vector<16xf32>,
      tpu.vector_store %arg11[%swap3A], %broadcast_in_dim3A_1 {strides = array<i32>} : memref<640xf32, #tpu.memory_space<vmem>>, vector<16xf32>,
      %scan3A_41 = arith.constant 0 : i32
      scf.yield %scan3A_41 : i32
    }
    %scan3A_7 = arith.constant 40 : i32
    %scan3A_8 = arith.constant 0 : i32
    %scan3A_9 = arith.constant 0 : i32
    %scan3A_10 = arith.constant 640 : i32
    %scan3A_11 = arith.addi %scan3A_9, %scan3A_10 : i32
    %scan3A_12 = arith.constant 1 : i32
    %scan3A_13 = scf.for %scan3A_36 = %scan3A_9 to %scan3A_11 step %scan3A_12 iter_args(%scan3A_37 = %scan3A_8) -> (i32)  : i32 {
      %mul3A_38 = arith.constant 16 : i32
      %mul3A_39 = arith.muli %scan3A_36, %mul3A_38 : i32
      %swap3A = arith.index_cast %mul3A_39 : i32 to index
      %swap3A_40 = tpu.vector_load %arg10[%swap3A] {strides = array<i32>} : memref<10240xf32, #tpu.memory_space<vmem>>, vector<16xf32>,
      tpu.vector_store %arg10[%swap3A], %broadcast_in_dim3A_1 {strides = array<i32>} : memref<10240xf32, #tpu.memory_space<vmem>>, vector<16xf32>,
      %scan3A_41 = arith.constant 0 : i32
      scf.yield %scan3A_41 : i32
    }
    %scan3A_14 = arith.constant 640 : i32
    %mul3A_15 = arith.constant 640 : i32
    %mul3A_16 = arith.muli %arg1, %mul3A_15 : i32
    "tpu.region"() ({
      %run_scoped3A = tpu.sem_alloc : memref<!tpu.dma_semaphore, #tpu.memory_space<semaphore_mem>>
      %dma_start3A = tpu.memref_slice %arg12[%mul3A_16] : memref<10240xf32, #tpu.memory_space<vmem_shared>> -> memref<640xf32, #tpu.memory_space<vmem_shared>>
      %dma_start3A_36 = tpu.memref_slice %arg12[%mul3A_16] : memref<10240xf32, #tpu.memory_space<vmem_shared>> -> memref<640xf32, #tpu.memory_space<vmem_shared>>
      tpu.enqueue_dma source(%arg11 : memref<640xf32, #tpu.memory_space<vmem>>) target(%dma_start3A_36 : memref<640xf32, #tpu.memory_space<vmem_shared>>) target_semaphore(%run_scoped3A : memref<!tpu.dma_semaphore, #tpu.memory_space<semaphore_mem>>)
      %dma_wait3A = tpu.memref_slice %arg12[%mul3A_16] : memref<10240xf32, #tpu.memory_space<vmem_shared>> -> memref<640xf32, #tpu.memory_space<vmem_shared>>
      %dma_wait3A_37 = tpu.memref_slice %arg12[%mul3A_16] : memref<10240xf32, #tpu.memory_space<vmem_shared>> -> memref<640xf32, #tpu.memory_space<vmem_shared>>
      tpu.wait_dma2 semaphore(%run_scoped3A : memref<!tpu.dma_semaphore, #tpu.memory_space<semaphore_mem>>) src(%arg11 : memref<640xf32, #tpu.memory_space<vmem>>) dst(%dma_wait3A_37 : memref<640xf32, #tpu.memory_space<vmem_shared>>)
      tpu.yield
    }) : () -> ()
    %barrier3A = arith.constant 0 : index
    tpu.barrier barrier_id(%barrier3A)
    %scan3A_17 = arith.constant 0 : i32
    %scan3A_18 = arith.constant 0 : i32
    %scan3A_19 = arith.constant 80 : i32
    %scan3A_20 = arith.addi %scan3A_18, %scan3A_19 : i32
    %scan3A_21 = arith.constant 1 : i32
    %scan3A_22 = scf.for %scan3A_36 = %scan3A_18 to %scan3A_20 step %scan3A_21 iter_args(%scan3A_37 = %scan3A_17) -> (i32)  : i32 {
      "tpu.region"() ({
        %run_scoped3A = tpu.sem_alloc : memref<!tpu.dma_semaphore, #tpu.memory_space<semaphore_mem>>
        %dma_start3A = arith.constant 0 : i32
        %dma_start3A_39 = tpu.memref_slice %arg9[%scan3A_36, %dma_start3A] : memref<80x128xf32, #tpu.memory_space<vmem>> -> memref<1x128xf32, #tpu.memory_space<vmem>>
        %dma_start3A_40 = tpu.memref_squeeze %dma_start3A_39 : memref<1x128xf32, #tpu.memory_space<vmem>> -> memref<128xf32, #tpu.memory_space<vmem>>
        %dma_start3A_41 = arith.constant 0 : i32
        %dma_start3A_42 = tpu.memref_slice %arg7[%scan3A_36, %dma_start3A_41] : memref<80x128xi32, #tpu.memory_space<vmem>> -> memref<1x128xi32, #tpu.memory_space<vmem>>
        %dma_start3A_43 = tpu.memref_squeeze %dma_start3A_42 : memref<1x128xi32, #tpu.memory_space<vmem>> -> memref<128xi32, #tpu.memory_space<vmem>>
        %dma_start3A_44 = arith.constant 0 : i32
        %dma_start3A_45 = tpu.memref_slice %arg12[%dma_start3A_44] : memref<10240xf32, #tpu.memory_space<vmem_shared>> -> memref<10240xf32, #tpu.memory_space<vmem_shared>>
        tpu.enqueue_indirect_dma source(%dma_start3A_40 : memref<128xf32, #tpu.memory_space<vmem>>) target(%dma_start3A_45 : memref<10240xf32, #tpu.memory_space<vmem_shared>>) offsets(%dma_start3A_43 : memref<128xi32, #tpu.memory_space<vmem>>) semaphore(%run_scoped3A : memref<!tpu.dma_semaphore, #tpu.memory_space<semaphore_mem>>) {add = true}
        %dma_wait3A = arith.constant 0 : i32
        %dma_wait3A_46 = tpu.memref_slice %arg9[%scan3A_36, %dma_wait3A] : memref<80x128xf32, #tpu.memory_space<vmem>> -> memref<1x128xf32, #tpu.memory_space<vmem>>
        %dma_wait3A_47 = tpu.memref_squeeze %dma_wait3A_46 : memref<1x128xf32, #tpu.memory_space<vmem>> -> memref<128xf32, #tpu.memory_space<vmem>>
        %dma_wait3A_48 = arith.constant 0 : i32
        %dma_wait3A_49 = tpu.memref_slice %arg7[%scan3A_36, %dma_wait3A_48] : memref<80x128xi32, #tpu.memory_space<vmem>> -> memref<1x128xi32, #tpu.memory_space<vmem>>
        %dma_wait3A_50 = tpu.memref_squeeze %dma_wait3A_49 : memref<1x128xi32, #tpu.memory_space<vmem>> -> memref<128xi32, #tpu.memory_space<vmem>>
        %dma_wait3A_51 = arith.constant 0 : i32
        %dma_wait3A_52 = tpu.memref_slice %arg12[%dma_wait3A_51] : memref<10240xf32, #tpu.memory_space<vmem_shared>> -> memref<10240xf32, #tpu.memory_space<vmem_shared>>
        tpu.wait_indirect_dma semaphore(%run_scoped3A : memref<!tpu.dma_semaphore, #tpu.memory_space<semaphore_mem>>) src(%dma_wait3A_47 : memref<128xf32, #tpu.memory_space<vmem>>) dst(%dma_wait3A_52 : memref<10240xf32, #tpu.memory_space<vmem_shared>>)
        tpu.yield
      }) : () -> ()
      %scan3A_38 = arith.constant 0 : i32
      scf.yield %scan3A_38 : i32
    }
    %scan3A_23 = arith.constant 80 : i32
    %broadcast_in_dim3A_24 = arith.constant 1.000000e+00 : f32
    %broadcast_in_dim3A_25 = vector.broadcast %broadcast_in_dim3A_24 : f32 to vector<16xf32>
    %scan3A_26 = arith.constant 0 : i32
    %scan3A_27 = arith.constant 0 : i32
    %scan3A_28 = arith.constant 640 : i32
    %scan3A_29 = arith.addi %scan3A_27, %scan3A_28 : i32
    %scan3A_30 = arith.constant 1 : i32
    %scan3A_31 = scf.for %scan3A_36 = %scan3A_27 to %scan3A_29 step %scan3A_30 iter_args(%scan3A_37 = %scan3A_26) -> (i32)  : i32 {
      %jit3A = arith.constant 8 : i32
      %div3A = arith.divsi %scan3A_36, %jit3A : i32
      %sign3A = arith.constant 0 : i32
      %sign3A_38 = arith.cmpi sgt, %scan3A_36, %sign3A : i32
      %sign3A_39 = arith.extui %sign3A_38 : i1 to i32
      %sign3A_40 = arith.constant 0 : i32
      %sign3A_41 = arith.cmpi slt, %scan3A_36, %sign3A_40 : i32
      %sign3A_42 = arith.extui %sign3A_41 : i1 to i32
      %sign3A_43 = arith.subi %sign3A_39, %sign3A_42 : i32
      %sign3A_44 = arith.constant 0 : i32
      %sign3A_45 = arith.cmpi sgt, %jit3A, %sign3A_44 : i32
      %sign3A_46 = arith.extui %sign3A_45 : i1 to i32
      %sign3A_47 = arith.constant 0 : i32
      %sign3A_48 = arith.cmpi slt, %jit3A, %sign3A_47 : i32
      %sign3A_49 = arith.extui %sign3A_48 : i1 to i32
      %sign3A_50 = arith.subi %sign3A_46, %sign3A_49 : i32
      %ne3A = arith.cmpi ne, %sign3A_43, %sign3A_50 : i32
      %rem3A = arith.remsi %scan3A_36, %jit3A : i32
      %ne3A_51 = arith.constant 0 : i32
      %ne3A_52 = arith.cmpi ne, %rem3A, %ne3A_51 : i32
      %and3A = arith.andi %ne3A, %ne3A_52 : i1
      %sub3A = arith.constant 1 : i32
      %sub3A_53 = arith.subi %div3A, %sub3A : i32
      %select_n3A = arith.select %and3A, %sub3A_53, %div3A : i32
      %jit3A_54 = arith.constant 8 : i32
      %eq3A_55 = arith.constant 0 : i32
      %eq3A_56 = arith.cmpi eq, %jit3A_54, %eq3A_55 : i32
      %jit3A_57 = arith.constant 1 : i32
      %select_n3A_58 = arith.select %eq3A_56, %jit3A_57, %jit3A_54 : i32
      %rem3A_59 = arith.remsi %scan3A_36, %select_n3A_58 : i32
      %ne3A_60 = arith.constant 0 : i32
      %ne3A_61 = arith.cmpi ne, %rem3A_59, %ne3A_60 : i32
      %lt3A = arith.constant 0 : i32
      %lt3A_62 = arith.cmpi slt, %rem3A_59, %lt3A : i32
      %lt3A_63 = arith.constant 0 : i32
      %lt3A_64 = arith.cmpi slt, %select_n3A_58, %lt3A_63 : i32
      %ne3A_65 = arith.xori %lt3A_62, %lt3A_64 : i1
      %and3A_66 = arith.andi %ne3A_65, %ne3A_61 : i1
      %add3A_67 = arith.addi %rem3A_59, %select_n3A_58 : i32
      %select_n3A_68 = arith.select %and3A_66, %add3A_67, %rem3A_59 : i32
      %mul3A_69 = arith.constant 16 : i32
      %mul3A_70 = arith.muli %select_n3A_68, %mul3A_69 : i32
      %get3A = arith.index_cast %select_n3A : i32 to index
      %get3A_71 = arith.index_cast %mul3A_70 : i32 to index
      %get3A_72 = tpu.vector_load %arg7[%get3A, %get3A_71] {strides = array<i32>} : memref<80x128xi32, #tpu.memory_space<vmem>>, vector<16xi32>,
      %mul3A_73 = arith.constant 16 : i32
      %mul3A_74 = arith.muli %select_n3A_68, %mul3A_73 : i32
      %get3A_75 = arith.index_cast %select_n3A : i32 to index
      %get3A_76 = arith.index_cast %mul3A_74 : i32 to index
      %get3A_77 = tpu.vector_load %arg8[%get3A_75, %get3A_76] {strides = array<i32>} : memref<80x128xi32, #tpu.memory_space<vmem>>, vector<16xi32>,
      %eq3A_78 = arith.constant 0 : i32
      %eq3A_79 = vector.broadcast %eq3A_78 : i32 to vector<16xi32>
      %eq3A_80 = arith.cmpi eq, %get3A_72, %eq3A_79 : vector<16xi32>
      tpu.vector_store_idx %arg10[%get3A_77], %broadcast_in_dim3A_25 masked %eq3A_80 : memref<10240xf32, #tpu.memory_space<vmem>>[vector<16xi32>], vector<16xf32>, vector<16xi1>
      %scan3A_81 = arith.constant 0 : i32
      scf.yield %scan3A_81 : i32
    }
    %scan3A_32 = arith.constant 640 : i32
    %barrier3A_33 = arith.constant 0 : index
    tpu.barrier barrier_id(%barrier3A_33)
    %eq3A = arith.constant 0 : i32
    %eq3A_34 = arith.cmpi eq, %arg1, %eq3A : i32
    %convert_element_type3A = arith.extui %eq3A_34 : i1 to i32
    %cond3A = arith.constant 0 : i32
    %cond3A_35 = arith.cmpi ne, %convert_element_type3A, %cond3A : i32
    scf.if %cond3A_35 {
      "tpu.region"() ({
        %run_scoped3A = tpu.sem_alloc : memref<!tpu.dma_semaphore, #tpu.memory_space<semaphore_mem>>
        %dma_start3A = arith.constant 0 : i32
        %dma_start3A_36 = tpu.memref_slice %arg5[%arg0, %dma_start3A] : memref<2x10240xf32, #tpu.memory_space<hbm>> -> memref<1x10240xf32, #tpu.memory_space<hbm>>
        %dma_start3A_37 = tpu.memref_squeeze %dma_start3A_36 : memref<1x10240xf32, #tpu.memory_space<hbm>> -> memref<10240xf32, #tpu.memory_space<hbm>>
        tpu.enqueue_dma source(%arg12 : memref<10240xf32, #tpu.memory_space<vmem_shared>>) target(%dma_start3A_37 : memref<10240xf32, #tpu.memory_space<hbm>>) target_semaphore(%run_scoped3A : memref<!tpu.dma_semaphore, #tpu.memory_space<semaphore_mem>>)
        %dma_wait3A = arith.constant 0 : i32
        %dma_wait3A_38 = tpu.memref_slice %arg5[%arg0, %dma_wait3A] : memref<2x10240xf32, #tpu.memory_space<hbm>> -> memref<1x10240xf32, #tpu.memory_space<hbm>>
        %dma_wait3A_39 = tpu.memref_squeeze %dma_wait3A_38 : memref<1x10240xf32, #tpu.memory_space<hbm>> -> memref<10240xf32, #tpu.memory_space<hbm>>
        tpu.wait_dma2 semaphore(%run_scoped3A : memref<!tpu.dma_semaphore, #tpu.memory_space<semaphore_mem>>) src(%arg12 : memref<10240xf32, #tpu.memory_space<vmem_shared>>) dst(%dma_wait3A_39 : memref<10240xf32, #tpu.memory_space<hbm>>)
        tpu.yield
      }) : () -> ()
    } else {
    }
    "tpu.region"() ({
      %run_scoped3A = tpu.sem_alloc : memref<!tpu.dma_semaphore, #tpu.memory_space<semaphore_mem>>
      %dma_start3A = arith.constant 0 : i32
      %dma_start3A_36 = tpu.memref_slice %arg6[%add3A, %dma_start3A] : memref<32x10240xf32, #tpu.memory_space<hbm>> -> memref<1x10240xf32, #tpu.memory_space<hbm>>
      %dma_start3A_37 = tpu.memref_squeeze %dma_start3A_36 : memref<1x10240xf32, #tpu.memory_space<hbm>> -> memref<10240xf32, #tpu.memory_space<hbm>>
      %dma_start3A_38 = arith.constant 0 : i32
      %dma_start3A_39 = tpu.memref_slice %arg6[%add3A, %dma_start3A_38] : memref<32x10240xf32, #tpu.memory_space<hbm>> -> memref<1x10240xf32, #tpu.memory_space<hbm>>
      %dma_start3A_40 = tpu.memref_squeeze %dma_start3A_39 : memref<1x10240xf32, #tpu.memory_space<hbm>> -> memref<10240xf32, #tpu.memory_space<hbm>>
      tpu.enqueue_dma source(%arg10 : memref<10240xf32, #tpu.memory_space<vmem>>) target(%dma_start3A_40 : memref<10240xf32, #tpu.memory_space<hbm>>) target_semaphore(%run_scoped3A : memref<!tpu.dma_semaphore, #tpu.memory_space<semaphore_mem>>)
      %dma_wait3A = arith.constant 0 : i32
      %dma_wait3A_41 = tpu.memref_slice %arg6[%add3A, %dma_wait3A] : memref<32x10240xf32, #tpu.memory_space<hbm>> -> memref<1x10240xf32, #tpu.memory_space<hbm>>
      %dma_wait3A_42 = tpu.memref_squeeze %dma_wait3A_41 : memref<1x10240xf32, #tpu.memory_space<hbm>> -> memref<10240xf32, #tpu.memory_space<hbm>>
      %dma_wait3A_43 = arith.constant 0 : i32
      %dma_wait3A_44 = tpu.memref_slice %arg6[%add3A, %dma_wait3A_43] : memref<32x10240xf32, #tpu.memory_space<hbm>> -> memref<1x10240xf32, #tpu.memory_space<hbm>>
      %dma_wait3A_45 = tpu.memref_squeeze %dma_wait3A_44 : memref<1x10240xf32, #tpu.memory_space<hbm>> -> memref<10240xf32, #tpu.memory_space<hbm>>
      tpu.wait_dma2 semaphore(%run_scoped3A : memref<!tpu.dma_semaphore, #tpu.memory_space<semaphore_mem>>) src(%arg10 : memref<10240xf32, #tpu.memory_space<vmem>>) dst(%dma_wait3A_45 : memref<10240xf32, #tpu.memory_space<hbm>>)
      tpu.yield
    }) : () -> ()
    return
  }
}

#map = affine_map<(d0, d1) -> (0, 0, 0)>
#map1 = affine_map<(d0, d1) -> (0)>
#map2 = affine_map<(d0, d1) -> (0, 0)>
module attributes {stable_mosaic.version = 14 : i64} {
  func.func @_pass_c(%arg0: i32, %arg1: i32, %arg2: memref<16x11x2048xi32, #tpu.memory_space<hbm>>, %arg3: memref<16x11x2048xi32, #tpu.memory_space<hbm>>, %arg4: memref<16x11x2048xf32, #tpu.memory_space<hbm>>, %arg5: memref<10240xf32, #tpu.memory_space<hbm>>, %arg6: memref<10240xf32, #tpu.memory_space<hbm>>, %arg7: memref<10240x128xf32, #tpu.memory_space<hbm>>, %arg8: memref<2x5120x128xf32, #tpu.memory_space<hbm>>, %arg9: memref<2x10240xf32, #tpu.memory_space<hbm>>, %arg10: memref<2048xi32, #tpu.memory_space<vmem>>, %arg11: memref<2048xi32, #tpu.memory_space<vmem>>, %arg12: memref<2048xf32, #tpu.memory_space<vmem>>, %arg13: memref<10240xf32, #tpu.memory_space<vmem>>, %arg14: memref<10240xf32, #tpu.memory_space<vmem>>, %arg15: memref<2048xi32, #tpu.memory_space<vmem>>, %arg16: memref<2048xi32, #tpu.memory_space<vmem>>, %arg17: memref<2048xf32, #tpu.memory_space<vmem>>, %arg18: memref<16xf32, #tpu.memory_space<vmem>>, %arg19: memref<16x128xf32, #tpu.memory_space<vmem>>, %arg20: memref<16x128xf32, #tpu.memory_space<vmem>>, %arg21: memref<16xf32, #tpu.memory_space<vmem>>, %arg22: memref<16x128xf32, #tpu.memory_space<vmem>>, %arg23: memref<640xf32, #tpu.memory_space<vmem>>, %arg24: memref<5120x128xf32, #tpu.memory_space<vmem_shared>>, %arg25: memref<10240xf32, #tpu.memory_space<vmem_shared>>, %arg26: memref<!tpu.dma_semaphore, #tpu.memory_space<semaphore_mem>>) attributes {dimension_semantics = [#tpu.dimension_semantics<core_parallel>, #tpu.dimension_semantics<subcore_parallel>], iteration_bounds = array<i64: 2, 16>, scalar_prefetch = 0 : i64, scratch_operands = 17 : i64, tpu.core_type = #tpu.core_type<sc_vector_subcore>, window_params = [{transform_indices = #map}, {transform_indices = #map}, {transform_indices = #map}, {transform_indices = #map1}, {transform_indices = #map1}, {transform_indices = #map2}, {transform_indices = #map}, {transform_indices = #map2}]} {
    %mul3A = arith.constant 5120 : i32
    %mul3A_0 = arith.muli %arg0, %mul3A : i32
    "tpu.region"() ({
      %run_scoped3A = tpu.sem_alloc : memref<!tpu.dma_semaphore, #tpu.memory_space<semaphore_mem>>
      tpu.enqueue_dma source(%arg5 : memref<10240xf32, #tpu.memory_space<hbm>>) target(%arg13 : memref<10240xf32, #tpu.memory_space<vmem>>) target_semaphore(%run_scoped3A : memref<!tpu.dma_semaphore, #tpu.memory_space<semaphore_mem>>)
      tpu.wait_dma2 semaphore(%run_scoped3A : memref<!tpu.dma_semaphore, #tpu.memory_space<semaphore_mem>>) src(%arg5 : memref<10240xf32, #tpu.memory_space<hbm>>) dst(%arg13 : memref<10240xf32, #tpu.memory_space<vmem>>)
      tpu.yield
    }) : () -> ()
    "tpu.region"() ({
      %run_scoped3A = tpu.sem_alloc : memref<!tpu.dma_semaphore, #tpu.memory_space<semaphore_mem>>
      tpu.enqueue_dma source(%arg6 : memref<10240xf32, #tpu.memory_space<hbm>>) target(%arg14 : memref<10240xf32, #tpu.memory_space<vmem>>) target_semaphore(%run_scoped3A : memref<!tpu.dma_semaphore, #tpu.memory_space<semaphore_mem>>)
      tpu.wait_dma2 semaphore(%run_scoped3A : memref<!tpu.dma_semaphore, #tpu.memory_space<semaphore_mem>>) src(%arg6 : memref<10240xf32, #tpu.memory_space<hbm>>) dst(%arg14 : memref<10240xf32, #tpu.memory_space<vmem>>)
      tpu.yield
    }) : () -> ()
    %broadcast_in_dim3A = arith.constant 0.000000e+00 : f32
    %broadcast_in_dim3A_1 = vector.broadcast %broadcast_in_dim3A : f32 to vector<16xf32>
    %scan3A = arith.constant 0 : i32
    %scan3A_2 = arith.constant 0 : i32
    %scan3A_3 = arith.constant 128 : i32
    %scan3A_4 = arith.addi %scan3A_2, %scan3A_3 : i32
    %scan3A_5 = arith.constant 1 : i32
    %scan3A_6 = scf.for %scan3A_35 = %scan3A_2 to %scan3A_4 step %scan3A_5 iter_args(%scan3A_36 = %scan3A) -> (i32)  : i32 {
      %jit3A = arith.constant 8 : i32
      %div3A = arith.divsi %scan3A_35, %jit3A : i32
      %sign3A = arith.constant 0 : i32
      %sign3A_37 = arith.cmpi sgt, %scan3A_35, %sign3A : i32
      %sign3A_38 = arith.extui %sign3A_37 : i1 to i32
      %sign3A_39 = arith.constant 0 : i32
      %sign3A_40 = arith.cmpi slt, %scan3A_35, %sign3A_39 : i32
      %sign3A_41 = arith.extui %sign3A_40 : i1 to i32
      %sign3A_42 = arith.subi %sign3A_38, %sign3A_41 : i32
      %sign3A_43 = arith.constant 0 : i32
      %sign3A_44 = arith.cmpi sgt, %jit3A, %sign3A_43 : i32
      %sign3A_45 = arith.extui %sign3A_44 : i1 to i32
      %sign3A_46 = arith.constant 0 : i32
      %sign3A_47 = arith.cmpi slt, %jit3A, %sign3A_46 : i32
      %sign3A_48 = arith.extui %sign3A_47 : i1 to i32
      %sign3A_49 = arith.subi %sign3A_45, %sign3A_48 : i32
      %ne3A = arith.cmpi ne, %sign3A_42, %sign3A_49 : i32
      %rem3A = arith.remsi %scan3A_35, %jit3A : i32
      %ne3A_50 = arith.constant 0 : i32
      %ne3A_51 = arith.cmpi ne, %rem3A, %ne3A_50 : i32
      %and3A = arith.andi %ne3A, %ne3A_51 : i1
      %sub3A = arith.constant 1 : i32
      %sub3A_52 = arith.subi %div3A, %sub3A : i32
      %select_n3A = arith.select %and3A, %sub3A_52, %div3A : i32
      %jit3A_53 = arith.constant 8 : i32
      %eq3A_54 = arith.constant 0 : i32
      %eq3A_55 = arith.cmpi eq, %jit3A_53, %eq3A_54 : i32
      %jit3A_56 = arith.constant 1 : i32
      %select_n3A_57 = arith.select %eq3A_55, %jit3A_56, %jit3A_53 : i32
      %rem3A_58 = arith.remsi %scan3A_35, %select_n3A_57 : i32
      %ne3A_59 = arith.constant 0 : i32
      %ne3A_60 = arith.cmpi ne, %rem3A_58, %ne3A_59 : i32
      %lt3A = arith.constant 0 : i32
      %lt3A_61 = arith.cmpi slt, %rem3A_58, %lt3A : i32
      %lt3A_62 = arith.constant 0 : i32
      %lt3A_63 = arith.cmpi slt, %select_n3A_57, %lt3A_62 : i32
      %ne3A_64 = arith.xori %lt3A_61, %lt3A_63 : i1
      %and3A_65 = arith.andi %ne3A_64, %ne3A_60 : i1
      %add3A_66 = arith.addi %rem3A_58, %select_n3A_57 : i32
      %select_n3A_67 = arith.select %and3A_65, %add3A_66, %rem3A_58 : i32
      %mul3A_68 = arith.constant 16 : i32
      %mul3A_69 = arith.muli %select_n3A_67, %mul3A_68 : i32
      %swap3A = arith.index_cast %select_n3A : i32 to index
      %swap3A_70 = arith.index_cast %mul3A_69 : i32 to index
      %swap3A_71 = tpu.vector_load %arg22[%swap3A, %swap3A_70] {strides = array<i32>} : memref<16x128xf32, #tpu.memory_space<vmem>>, vector<16xf32>,
      tpu.vector_store %arg22[%swap3A, %swap3A_70], %broadcast_in_dim3A_1 {strides = array<i32>} : memref<16x128xf32, #tpu.memory_space<vmem>>, vector<16xf32>,
      %scan3A_72 = arith.constant 0 : i32
      scf.yield %scan3A_72 : i32
    }
    %scan3A_7 = arith.constant 128 : i32
    %scan3A_8 = arith.constant 0 : i32
    %scan3A_9 = arith.constant 0 : i32
    %scan3A_10 = arith.constant 40 : i32
    %scan3A_11 = arith.addi %scan3A_9, %scan3A_10 : i32
    %scan3A_12 = arith.constant 1 : i32
    %scan3A_13 = scf.for %scan3A_35 = %scan3A_9 to %scan3A_11 step %scan3A_12 iter_args(%scan3A_36 = %scan3A_8) -> (i32)  : i32 {
      %mul3A_37 = arith.constant 16 : i32
      %mul3A_38 = arith.muli %scan3A_35, %mul3A_37 : i32
      %swap3A = arith.index_cast %mul3A_38 : i32 to index
      %swap3A_39 = tpu.vector_load %arg23[%swap3A] {strides = array<i32>} : memref<640xf32, #tpu.memory_space<vmem>>, vector<16xf32>,
      tpu.vector_store %arg23[%swap3A], %broadcast_in_dim3A_1 {strides = array<i32>} : memref<640xf32, #tpu.memory_space<vmem>>, vector<16xf32>,
      %scan3A_40 = arith.constant 0 : i32
      scf.yield %scan3A_40 : i32
    }
    %scan3A_14 = arith.constant 40 : i32
    %scan3A_15 = arith.constant 0 : i32
    %scan3A_16 = arith.constant 0 : i32
    %scan3A_17 = arith.constant 20 : i32
    %scan3A_18 = arith.addi %scan3A_16, %scan3A_17 : i32
    %scan3A_19 = arith.constant 1 : i32
    %scan3A_20 = scf.for %scan3A_35 = %scan3A_16 to %scan3A_18 step %scan3A_19 iter_args(%scan3A_36 = %scan3A_15) -> (i32)  : i32 {
      %mul3A_37 = arith.constant 320 : i32
      %mul3A_38 = arith.muli %arg1, %mul3A_37 : i32
      %mul3A_39 = arith.constant 16 : i32
      %mul3A_40 = arith.muli %scan3A_35, %mul3A_39 : i32
      %add3A_41 = arith.addi %mul3A_38, %mul3A_40 : i32
      "tpu.region"() ({
        %run_scoped3A = tpu.sem_alloc : memref<!tpu.dma_semaphore, #tpu.memory_space<semaphore_mem>>
        %dma_start3A = arith.constant 0 : i32
        %dma_start3A_43 = tpu.memref_slice %arg24[%add3A_41, %dma_start3A] : memref<5120x128xf32, #tpu.memory_space<vmem_shared>> -> memref<16x128xf32, #tpu.memory_space<vmem_shared>>
        %dma_start3A_44 = arith.constant 0 : i32
        %dma_start3A_45 = tpu.memref_slice %arg24[%add3A_41, %dma_start3A_44] : memref<5120x128xf32, #tpu.memory_space<vmem_shared>> -> memref<16x128xf32, #tpu.memory_space<vmem_shared>>
        tpu.enqueue_dma source(%arg22 : memref<16x128xf32, #tpu.memory_space<vmem>>) target(%dma_start3A_45 : memref<16x128xf32, #tpu.memory_space<vmem_shared>>) target_semaphore(%run_scoped3A : memref<!tpu.dma_semaphore, #tpu.memory_space<semaphore_mem>>)
        %dma_wait3A = arith.constant 0 : i32
        %dma_wait3A_46 = tpu.memref_slice %arg24[%add3A_41, %dma_wait3A] : memref<5120x128xf32, #tpu.memory_space<vmem_shared>> -> memref<16x128xf32, #tpu.memory_space<vmem_shared>>
        %dma_wait3A_47 = arith.constant 0 : i32
        %dma_wait3A_48 = tpu.memref_slice %arg24[%add3A_41, %dma_wait3A_47] : memref<5120x128xf32, #tpu.memory_space<vmem_shared>> -> memref<16x128xf32, #tpu.memory_space<vmem_shared>>
        tpu.wait_dma2 semaphore(%run_scoped3A : memref<!tpu.dma_semaphore, #tpu.memory_space<semaphore_mem>>) src(%arg22 : memref<16x128xf32, #tpu.memory_space<vmem>>) dst(%dma_wait3A_48 : memref<16x128xf32, #tpu.memory_space<vmem_shared>>)
        tpu.yield
      }) : () -> ()
      %scan3A_42 = arith.constant 0 : i32
      scf.yield %scan3A_42 : i32
    }
    %scan3A_21 = arith.constant 20 : i32
    %mul3A_22 = arith.constant 640 : i32
    %mul3A_23 = arith.muli %arg1, %mul3A_22 : i32
    "tpu.region"() ({
      %run_scoped3A = tpu.sem_alloc : memref<!tpu.dma_semaphore, #tpu.memory_space<semaphore_mem>>
      %dma_start3A = tpu.memref_slice %arg25[%mul3A_23] : memref<10240xf32, #tpu.memory_space<vmem_shared>> -> memref<640xf32, #tpu.memory_space<vmem_shared>>
      %dma_start3A_35 = tpu.memref_slice %arg25[%mul3A_23] : memref<10240xf32, #tpu.memory_space<vmem_shared>> -> memref<640xf32, #tpu.memory_space<vmem_shared>>
      tpu.enqueue_dma source(%arg23 : memref<640xf32, #tpu.memory_space<vmem>>) target(%dma_start3A_35 : memref<640xf32, #tpu.memory_space<vmem_shared>>) target_semaphore(%run_scoped3A : memref<!tpu.dma_semaphore, #tpu.memory_space<semaphore_mem>>)
      %dma_wait3A = tpu.memref_slice %arg25[%mul3A_23] : memref<10240xf32, #tpu.memory_space<vmem_shared>> -> memref<640xf32, #tpu.memory_space<vmem_shared>>
      %dma_wait3A_36 = tpu.memref_slice %arg25[%mul3A_23] : memref<10240xf32, #tpu.memory_space<vmem_shared>> -> memref<640xf32, #tpu.memory_space<vmem_shared>>
      tpu.wait_dma2 semaphore(%run_scoped3A : memref<!tpu.dma_semaphore, #tpu.memory_space<semaphore_mem>>) src(%arg23 : memref<640xf32, #tpu.memory_space<vmem>>) dst(%dma_wait3A_36 : memref<640xf32, #tpu.memory_space<vmem_shared>>)
      tpu.yield
    }) : () -> ()
    %barrier3A = arith.constant 0 : index
    tpu.barrier barrier_id(%barrier3A)
    %add3A = arith.constant 5120 : i32
    %add3A_24 = arith.addi %mul3A_0, %add3A : i32
    %iota3A = tpu.iota {dimensions = array<i32: 0>} : vector<16xi32>
    %scan3A_25 = arith.constant 0 : i32
    %scan3A_26 = arith.constant 0 : i32
    %scan3A_27 = arith.constant 11 : i32
    %scan3A_28 = arith.addi %scan3A_26, %scan3A_27 : i32
    %scan3A_29 = arith.constant 1 : i32
    %scan3A_30 = scf.for %scan3A_35 = %scan3A_26 to %scan3A_28 step %scan3A_29 iter_args(%scan3A_36 = %scan3A_25) -> (i32)  : i32 {
      "tpu.region"() ({
        %run_scoped3A = tpu.sem_alloc : memref<!tpu.dma_semaphore, #tpu.memory_space<semaphore_mem>>
        %dma_start3A = arith.constant 0 : i32
        %dma_start3A_74 = tpu.memref_slice %arg2[%arg1, %scan3A_35, %dma_start3A] : memref<16x11x2048xi32, #tpu.memory_space<hbm>> -> memref<1x1x2048xi32, #tpu.memory_space<hbm>>
        %dma_start3A_75 = tpu.memref_squeeze %dma_start3A_74 : memref<1x1x2048xi32, #tpu.memory_space<hbm>> -> memref<2048xi32, #tpu.memory_space<hbm>>
        %dma_start3A_76 = arith.constant 0 : i32
        %dma_start3A_77 = tpu.memref_slice %arg2[%arg1, %scan3A_35, %dma_start3A_76] : memref<16x11x2048xi32, #tpu.memory_space<hbm>> -> memref<1x1x2048xi32, #tpu.memory_space<hbm>>
        %dma_start3A_78 = tpu.memref_squeeze %dma_start3A_77 : memref<1x1x2048xi32, #tpu.memory_space<hbm>> -> memref<2048xi32, #tpu.memory_space<hbm>>
        tpu.enqueue_dma source(%dma_start3A_78 : memref<2048xi32, #tpu.memory_space<hbm>>) target(%arg10 : memref<2048xi32, #tpu.memory_space<vmem>>) target_semaphore(%run_scoped3A : memref<!tpu.dma_semaphore, #tpu.memory_space<semaphore_mem>>)
        %dma_wait3A = arith.constant 0 : i32
        %dma_wait3A_79 = tpu.memref_slice %arg2[%arg1, %scan3A_35, %dma_wait3A] : memref<16x11x2048xi32, #tpu.memory_space<hbm>> -> memref<1x1x2048xi32, #tpu.memory_space<hbm>>
        %dma_wait3A_80 = tpu.memref_squeeze %dma_wait3A_79 : memref<1x1x2048xi32, #tpu.memory_space<hbm>> -> memref<2048xi32, #tpu.memory_space<hbm>>
        %dma_wait3A_81 = arith.constant 0 : i32
        %dma_wait3A_82 = tpu.memref_slice %arg2[%arg1, %scan3A_35, %dma_wait3A_81] : memref<16x11x2048xi32, #tpu.memory_space<hbm>> -> memref<1x1x2048xi32, #tpu.memory_space<hbm>>
        %dma_wait3A_83 = tpu.memref_squeeze %dma_wait3A_82 : memref<1x1x2048xi32, #tpu.memory_space<hbm>> -> memref<2048xi32, #tpu.memory_space<hbm>>
        tpu.wait_dma2 semaphore(%run_scoped3A : memref<!tpu.dma_semaphore, #tpu.memory_space<semaphore_mem>>) src(%dma_wait3A_83 : memref<2048xi32, #tpu.memory_space<hbm>>) dst(%arg10 : memref<2048xi32, #tpu.memory_space<vmem>>)
        tpu.yield
      }) : () -> ()
      "tpu.region"() ({
        %run_scoped3A = tpu.sem_alloc : memref<!tpu.dma_semaphore, #tpu.memory_space<semaphore_mem>>
        %dma_start3A = arith.constant 0 : i32
        %dma_start3A_74 = tpu.memref_slice %arg3[%arg1, %scan3A_35, %dma_start3A] : memref<16x11x2048xi32, #tpu.memory_space<hbm>> -> memref<1x1x2048xi32, #tpu.memory_space<hbm>>
        %dma_start3A_75 = tpu.memref_squeeze %dma_start3A_74 : memref<1x1x2048xi32, #tpu.memory_space<hbm>> -> memref<2048xi32, #tpu.memory_space<hbm>>
        %dma_start3A_76 = arith.constant 0 : i32
        %dma_start3A_77 = tpu.memref_slice %arg3[%arg1, %scan3A_35, %dma_start3A_76] : memref<16x11x2048xi32, #tpu.memory_space<hbm>> -> memref<1x1x2048xi32, #tpu.memory_space<hbm>>
        %dma_start3A_78 = tpu.memref_squeeze %dma_start3A_77 : memref<1x1x2048xi32, #tpu.memory_space<hbm>> -> memref<2048xi32, #tpu.memory_space<hbm>>
        tpu.enqueue_dma source(%dma_start3A_78 : memref<2048xi32, #tpu.memory_space<hbm>>) target(%arg11 : memref<2048xi32, #tpu.memory_space<vmem>>) target_semaphore(%run_scoped3A : memref<!tpu.dma_semaphore, #tpu.memory_space<semaphore_mem>>)
        %dma_wait3A = arith.constant 0 : i32
        %dma_wait3A_79 = tpu.memref_slice %arg3[%arg1, %scan3A_35, %dma_wait3A] : memref<16x11x2048xi32, #tpu.memory_space<hbm>> -> memref<1x1x2048xi32, #tpu.memory_space<hbm>>
        %dma_wait3A_80 = tpu.memref_squeeze %dma_wait3A_79 : memref<1x1x2048xi32, #tpu.memory_space<hbm>> -> memref<2048xi32, #tpu.memory_space<hbm>>
        %dma_wait3A_81 = arith.constant 0 : i32
        %dma_wait3A_82 = tpu.memref_slice %arg3[%arg1, %scan3A_35, %dma_wait3A_81] : memref<16x11x2048xi32, #tpu.memory_space<hbm>> -> memref<1x1x2048xi32, #tpu.memory_space<hbm>>
        %dma_wait3A_83 = tpu.memref_squeeze %dma_wait3A_82 : memref<1x1x2048xi32, #tpu.memory_space<hbm>> -> memref<2048xi32, #tpu.memory_space<hbm>>
        tpu.wait_dma2 semaphore(%run_scoped3A : memref<!tpu.dma_semaphore, #tpu.memory_space<semaphore_mem>>) src(%dma_wait3A_83 : memref<2048xi32, #tpu.memory_space<hbm>>) dst(%arg11 : memref<2048xi32, #tpu.memory_space<vmem>>)
        tpu.yield
      }) : () -> ()
      "tpu.region"() ({
        %run_scoped3A = tpu.sem_alloc : memref<!tpu.dma_semaphore, #tpu.memory_space<semaphore_mem>>
        %dma_start3A = arith.constant 0 : i32
        %dma_start3A_74 = tpu.memref_slice %arg4[%arg1, %scan3A_35, %dma_start3A] : memref<16x11x2048xf32, #tpu.memory_space<hbm>> -> memref<1x1x2048xf32, #tpu.memory_space<hbm>>
        %dma_start3A_75 = tpu.memref_squeeze %dma_start3A_74 : memref<1x1x2048xf32, #tpu.memory_space<hbm>> -> memref<2048xf32, #tpu.memory_space<hbm>>
        %dma_start3A_76 = arith.constant 0 : i32
        %dma_start3A_77 = tpu.memref_slice %arg4[%arg1, %scan3A_35, %dma_start3A_76] : memref<16x11x2048xf32, #tpu.memory_space<hbm>> -> memref<1x1x2048xf32, #tpu.memory_space<hbm>>
        %dma_start3A_78 = tpu.memref_squeeze %dma_start3A_77 : memref<1x1x2048xf32, #tpu.memory_space<hbm>> -> memref<2048xf32, #tpu.memory_space<hbm>>
        tpu.enqueue_dma source(%dma_start3A_78 : memref<2048xf32, #tpu.memory_space<hbm>>) target(%arg12 : memref<2048xf32, #tpu.memory_space<vmem>>) target_semaphore(%run_scoped3A : memref<!tpu.dma_semaphore, #tpu.memory_space<semaphore_mem>>)
        %dma_wait3A = arith.constant 0 : i32
        %dma_wait3A_79 = tpu.memref_slice %arg4[%arg1, %scan3A_35, %dma_wait3A] : memref<16x11x2048xf32, #tpu.memory_space<hbm>> -> memref<1x1x2048xf32, #tpu.memory_space<hbm>>
        %dma_wait3A_80 = tpu.memref_squeeze %dma_wait3A_79 : memref<1x1x2048xf32, #tpu.memory_space<hbm>> -> memref<2048xf32, #tpu.memory_space<hbm>>
        %dma_wait3A_81 = arith.constant 0 : i32
        %dma_wait3A_82 = tpu.memref_slice %arg4[%arg1, %scan3A_35, %dma_wait3A_81] : memref<16x11x2048xf32, #tpu.memory_space<hbm>> -> memref<1x1x2048xf32, #tpu.memory_space<hbm>>
        %dma_wait3A_83 = tpu.memref_squeeze %dma_wait3A_82 : memref<1x1x2048xf32, #tpu.memory_space<hbm>> -> memref<2048xf32, #tpu.memory_space<hbm>>
        tpu.wait_dma2 semaphore(%run_scoped3A : memref<!tpu.dma_semaphore, #tpu.memory_space<semaphore_mem>>) src(%dma_wait3A_83 : memref<2048xf32, #tpu.memory_space<hbm>>) dst(%arg12 : memref<2048xf32, #tpu.memory_space<vmem>>)
        tpu.yield
      }) : () -> ()
      %scan3A_37 = arith.constant 0 : i32
      %scan3A_38 = arith.constant 0 : i32
      %scan3A_39 = arith.constant 128 : i32
      %scan3A_40 = arith.addi %scan3A_38, %scan3A_39 : i32
      %scan3A_41 = arith.constant 1 : i32
      %scan3A_42 = scf.for %scan3A_74 = %scan3A_38 to %scan3A_40 step %scan3A_41 iter_args(%scan3A_75 = %scan3A_37) -> (i32)  : i32 {
        %mul3A_76 = arith.constant 16 : i32
        %mul3A_77 = arith.muli %scan3A_74, %mul3A_76 : i32
        %get3A = arith.index_cast %mul3A_77 : i32 to index
        %get3A_78 = tpu.vector_load %arg10[%get3A] {strides = array<i32>} : memref<2048xi32, #tpu.memory_space<vmem>>, vector<16xi32>,
        %mul3A_79 = arith.constant 16 : i32
        %mul3A_80 = arith.muli %scan3A_74, %mul3A_79 : i32
        %get3A_81 = arith.index_cast %mul3A_80 : i32 to index
        %get3A_82 = tpu.vector_load %arg11[%get3A_81] {strides = array<i32>} : memref<2048xi32, #tpu.memory_space<vmem>>, vector<16xi32>,
        %mul3A_83 = arith.constant 16 : i32
        %mul3A_84 = arith.muli %scan3A_74, %mul3A_83 : i32
        %get3A_85 = arith.index_cast %mul3A_84 : i32 to index
        %get3A_86 = tpu.vector_load %arg12[%get3A_85] {strides = array<i32>} : memref<2048xf32, #tpu.memory_space<vmem>>, vector<16xf32>,
        %gather3A = tpu.vector_load_idx %arg13[%get3A_78] : memref<10240xf32, #tpu.memory_space<vmem>>[vector<16xi32>], vector<16xf32>,
        %gather3A_87 = tpu.vector_load_idx %arg13[%get3A_82] : memref<10240xf32, #tpu.memory_space<vmem>>[vector<16xi32>], vector<16xf32>,
        %gather3A_88 = tpu.vector_load_idx %arg14[%get3A_82] : memref<10240xf32, #tpu.memory_space<vmem>>[vector<16xi32>], vector<16xf32>,
        %mul3A_89 = arith.mulf %gather3A, %get3A_86 : vector<16xf32>
        %mul3A_90 = arith.mulf %mul3A_89, %gather3A_87 : vector<16xf32>
        %gt3A = arith.constant 0.000000e+00 : f32
        %gt3A_91 = vector.broadcast %gt3A : f32 to vector<16xf32>
        %gt3A_92 = arith.cmpf ogt, %gather3A_88, %gt3A_91 : vector<16xf32>
        %ge3A = vector.broadcast %mul3A_0 : i32 to vector<16xi32>
        %ge3A_93 = arith.cmpi sge, %get3A_82, %ge3A : vector<16xi32>
        %and3A_94 = arith.andi %gt3A_92, %ge3A_93 : vector<16xi1>
        %lt3A = vector.broadcast %add3A_24 : i32 to vector<16xi32>
        %lt3A_95 = arith.cmpi slt, %get3A_82, %lt3A : vector<16xi32>
        %and3A_96 = arith.andi %and3A_94, %lt3A_95 : vector<16xi1>
        %swap3A = arith.index_cast %scan3A_75 : i32 to index
        %swap3A_97 = tpu.vector_load %arg15[%swap3A] masked %and3A_96 {strides = array<i32>} : memref<2048xi32, #tpu.memory_space<vmem>>, vector<16xi32>, vector<16xi1>
        tpu.vector_store %arg15[%swap3A], %get3A_78 masked %and3A_96 {strides = array<i32>} : memref<2048xi32, #tpu.memory_space<vmem>>, vector<16xi32>, vector<16xi1>
        %swap3A_98 = arith.index_cast %scan3A_75 : i32 to index
        %swap3A_99 = tpu.vector_load %arg16[%swap3A_98] masked %and3A_96 {strides = array<i32>} : memref<2048xi32, #tpu.memory_space<vmem>>, vector<16xi32>, vector<16xi1>
        tpu.vector_store %arg16[%swap3A_98], %get3A_82 masked %and3A_96 {strides = array<i32>} : memref<2048xi32, #tpu.memory_space<vmem>>, vector<16xi32>, vector<16xi1>
        %swap3A_100 = arith.index_cast %scan3A_75 : i32 to index
        %swap3A_101 = tpu.vector_load %arg17[%swap3A_100] masked %and3A_96 {strides = array<i32>} : memref<2048xf32, #tpu.memory_space<vmem>>, vector<16xf32>, vector<16xi1>
        tpu.vector_store %arg17[%swap3A_100], %mul3A_90 masked %and3A_96 {strides = array<i32>} : memref<2048xf32, #tpu.memory_space<vmem>>, vector<16xf32>, vector<16xi1>
        %convert_element_type3A_102 = arith.extui %and3A_96 : vector<16xi1> to vector<16xi32>
        %reduce_sum3A = arith.constant true
        %reduce_sum3A_103 = vector.broadcast %reduce_sum3A : i1 to vector<16xi1>
        %reduce_sum3A_104 = tpu.scan <sum>, %convert_element_type3A_102 masked %reduce_sum3A_103 : vector<16xi32>, vector<16xi1> -> vector<16xi32>
        %reduce_sum3A_105 = vector.extract %reduce_sum3A_104[15] : i32 from vector<16xi32>
        %add3A_106 = arith.addi %scan3A_75, %reduce_sum3A_105 : i32
        scf.yield %add3A_106 : i32
      }
      %scan3A_43 = arith.constant 128 : i32
      %add3A_44 = arith.constant 15 : i32
      %add3A_45 = arith.addi %scan3A_42, %add3A_44 : i32
      %jit3A = arith.constant 16 : i32
      %div3A = arith.divsi %add3A_45, %jit3A : i32
      %sign3A = arith.constant 0 : i32
      %sign3A_46 = arith.cmpi sgt, %add3A_45, %sign3A : i32
      %sign3A_47 = arith.extui %sign3A_46 : i1 to i32
      %sign3A_48 = arith.constant 0 : i32
      %sign3A_49 = arith.cmpi slt, %add3A_45, %sign3A_48 : i32
      %sign3A_50 = arith.extui %sign3A_49 : i1 to i32
      %sign3A_51 = arith.subi %sign3A_47, %sign3A_50 : i32
      %sign3A_52 = arith.constant 0 : i32
      %sign3A_53 = arith.cmpi sgt, %jit3A, %sign3A_52 : i32
      %sign3A_54 = arith.extui %sign3A_53 : i1 to i32
      %sign3A_55 = arith.constant 0 : i32
      %sign3A_56 = arith.cmpi slt, %jit3A, %sign3A_55 : i32
      %sign3A_57 = arith.extui %sign3A_56 : i1 to i32
      %sign3A_58 = arith.subi %sign3A_54, %sign3A_57 : i32
      %ne3A = arith.cmpi ne, %sign3A_51, %sign3A_58 : i32
      %rem3A = arith.remsi %add3A_45, %jit3A : i32
      %ne3A_59 = arith.constant 0 : i32
      %ne3A_60 = arith.cmpi ne, %rem3A, %ne3A_59 : i32
      %and3A = arith.andi %ne3A, %ne3A_60 : i1
      %sub3A = arith.constant 1 : i32
      %sub3A_61 = arith.subi %div3A, %sub3A : i32
      %select_n3A = arith.select %and3A, %sub3A_61, %div3A : i32
      %while3A = arith.constant 0 : i32
      %while3A_62 = arith.constant 0 : i32
      %while3A_63 = arith.subi %select_n3A, %while3A : i32
      %while3A_64 = arith.addi %while3A, %while3A_63 : i32
      %while3A_65 = arith.constant 1 : i32
      %while3A_66 = arith.divsi %while3A_63, %while3A_65 : i32
      %while3A_67 = arith.muli %while3A_66, %while3A_65 : i32
      %while3A_68 = arith.addi %while3A, %while3A_67 : i32
      %while3A_69 = arith.constant 1 : i32
      %while3A_70 = scf.for %while3A_74 = %while3A to %while3A_68 step %while3A_69 iter_args(%while3A_75 = %while3A_62) -> (i32)  : i32 {
        %mul3A_76 = arith.constant 16 : i32
        %mul3A_77 = arith.muli %while3A_74, %mul3A_76 : i32
        %get3A = arith.index_cast %mul3A_77 : i32 to index
        %get3A_78 = tpu.vector_load %arg15[%get3A] {strides = array<i32>} : memref<2048xi32, #tpu.memory_space<vmem>>, vector<16xi32>,
        %get3A_79 = arith.index_cast %mul3A_77 : i32 to index
        %get3A_80 = tpu.vector_load %arg16[%get3A_79] {strides = array<i32>} : memref<2048xi32, #tpu.memory_space<vmem>>, vector<16xi32>,
        %get3A_81 = arith.index_cast %mul3A_77 : i32 to index
        %get3A_82 = tpu.vector_load %arg17[%get3A_81] {strides = array<i32>} : memref<2048xf32, #tpu.memory_space<vmem>>, vector<16xf32>,
        %add3A_83 = vector.broadcast %mul3A_77 : i32 to vector<16xi32>
        %add3A_84 = arith.addi %iota3A, %add3A_83 : vector<16xi32>
        %lt3A = vector.broadcast %scan3A_42 : i32 to vector<16xi32>
        %lt3A_85 = arith.cmpi slt, %add3A_84, %lt3A : vector<16xi32>
        %jit3A_86 = arith.constant 0 : i32
        %broadcast_in_dim3A_87 = vector.broadcast %jit3A_86 : i32 to vector<16xi32>
        %select_n3A_88 = arith.select %lt3A_85, %get3A_78, %broadcast_in_dim3A_87 : vector<16xi1>, vector<16xi32>
        %sub3A_89 = vector.broadcast %mul3A_0 : i32 to vector<16xi32>
        %sub3A_90 = arith.subi %get3A_80, %sub3A_89 : vector<16xi32>
        %jit3A_91 = arith.constant 0 : i32
        %broadcast_in_dim3A_92 = vector.broadcast %jit3A_91 : i32 to vector<16xi32>
        %select_n3A_93 = arith.select %lt3A_85, %sub3A_90, %broadcast_in_dim3A_92 : vector<16xi1>, vector<16xi32>
        %jit3A_94 = arith.constant 0.000000e+00 : f32
        %broadcast_in_dim3A_95 = vector.broadcast %jit3A_94 : f32 to vector<16xf32>
        %select_n3A_96 = arith.select %lt3A_85, %get3A_82, %broadcast_in_dim3A_95 : vector<16xi1>, vector<16xf32>
        %dma_start3A = arith.constant 0 : i32
        %dma_start3A_97 = arith.constant 0 : i32
        %dma_start3A_98 = tpu.memref_slice %arg7[%dma_start3A, %dma_start3A_97] : memref<10240x128xf32, #tpu.memory_space<hbm>> -> memref<10240x128xf32, #tpu.memory_space<hbm>>
        tpu.enqueue_indirect_dma source(%dma_start3A_98 : memref<10240x128xf32, #tpu.memory_space<hbm>>) target(%arg19 : memref<16x128xf32, #tpu.memory_space<vmem>>) offsets(%select_n3A_88 : vector<16xi32>) semaphore(%arg26 : memref<!tpu.dma_semaphore, #tpu.memory_space<semaphore_mem>>)
        %dma_wait3A = arith.constant 0 : i32
        %dma_wait3A_99 = arith.constant 0 : i32
        %dma_wait3A_100 = tpu.memref_slice %arg7[%dma_wait3A, %dma_wait3A_99] : memref<10240x128xf32, #tpu.memory_space<hbm>> -> memref<10240x128xf32, #tpu.memory_space<hbm>>
        tpu.wait_indirect_dma semaphore(%arg26 : memref<!tpu.dma_semaphore, #tpu.memory_space<semaphore_mem>>) src(%dma_wait3A_100 : memref<10240x128xf32, #tpu.memory_space<hbm>>) dst(%arg19 : memref<16x128xf32, #tpu.memory_space<vmem>>)
        %broadcast_in_dim3A_101 = arith.constant 0 : i32
        %broadcast_in_dim3A_102 = vector.broadcast %broadcast_in_dim3A_101 : i32 to vector<16xi32>
        %reshape3A = vector.shape_cast %broadcast_in_dim3A_102 : vector<16xi32> to vector<16x1xi32>
        %gather3A = vector.shape_cast %reshape3A : vector<16x1xi32> to vector<16xi32>
        %gather3A_103 = tpu.dynamic_gather %select_n3A_96[%gather3A] in [0] : vector<16xf32>, vector<16xi32> -> vector<16xf32>
        %get3A_104 = arith.constant 0 : i32
        %get3A_105 = arith.index_cast %get3A_104 : i32 to index
        %get3A_106 = arith.constant 0 : index
        %get3A_107 = tpu.vector_load %arg19[%get3A_105, %get3A_106] {strides = array<i32>} : memref<16x128xf32, #tpu.memory_space<vmem>>, vector<16xf32>,
        %mul3A_108 = arith.mulf %get3A_107, %gather3A_103 : vector<16xf32>
        %swap3A = arith.constant 0 : i32
        %swap3A_109 = arith.index_cast %swap3A : i32 to index
        %swap3A_110 = arith.constant 0 : index
        %swap3A_111 = tpu.vector_load %arg20[%swap3A_109, %swap3A_110] {strides = array<i32>} : memref<16x128xf32, #tpu.memory_space<vmem>>, vector<16xf32>,
        tpu.vector_store %arg20[%swap3A_109, %swap3A_110], %mul3A_108 {strides = array<i32>} : memref<16x128xf32, #tpu.memory_space<vmem>>, vector<16xf32>,
        %get3A_112 = arith.constant 0 : i32
        %get3A_113 = arith.index_cast %get3A_112 : i32 to index
        %get3A_114 = arith.constant 16 : index
        %get3A_115 = tpu.vector_load %arg19[%get3A_113, %get3A_114] {strides = array<i32>} : memref<16x128xf32, #tpu.memory_space<vmem>>, vector<16xf32>,
        %mul3A_116 = arith.mulf %get3A_115, %gather3A_103 : vector<16xf32>
        %swap3A_117 = arith.constant 0 : i32
        %swap3A_118 = arith.index_cast %swap3A_117 : i32 to index
        %swap3A_119 = arith.constant 16 : index
        %swap3A_120 = tpu.vector_load %arg20[%swap3A_118, %swap3A_119] {strides = array<i32>} : memref<16x128xf32, #tpu.memory_space<vmem>>, vector<16xf32>,
        tpu.vector_store %arg20[%swap3A_118, %swap3A_119], %mul3A_116 {strides = array<i32>} : memref<16x128xf32, #tpu.memory_space<vmem>>, vector<16xf32>,
        %get3A_121 = arith.constant 0 : i32
        %get3A_122 = arith.index_cast %get3A_121 : i32 to index
        %get3A_123 = arith.constant 32 : index
        %get3A_124 = tpu.vector_load %arg19[%get3A_122, %get3A_123] {strides = array<i32>} : memref<16x128xf32, #tpu.memory_space<vmem>>, vector<16xf32>,
        %mul3A_125 = arith.mulf %get3A_124, %gather3A_103 : vector<16xf32>
        %swap3A_126 = arith.constant 0 : i32
        %swap3A_127 = arith.index_cast %swap3A_126 : i32 to index
        %swap3A_128 = arith.constant 32 : index
        %swap3A_129 = tpu.vector_load %arg20[%swap3A_127, %swap3A_128] {strides = array<i32>} : memref<16x128xf32, #tpu.memory_space<vmem>>, vector<16xf32>,
        tpu.vector_store %arg20[%swap3A_127, %swap3A_128], %mul3A_125 {strides = array<i32>} : memref<16x128xf32, #tpu.memory_space<vmem>>, vector<16xf32>,
        %get3A_130 = arith.constant 0 : i32
        %get3A_131 = arith.index_cast %get3A_130 : i32 to index
        %get3A_132 = arith.constant 48 : index
        %get3A_133 = tpu.vector_load %arg19[%get3A_131, %get3A_132] {strides = array<i32>} : memref<16x128xf32, #tpu.memory_space<vmem>>, vector<16xf32>,
        %mul3A_134 = arith.mulf %get3A_133, %gather3A_103 : vector<16xf32>
        %swap3A_135 = arith.constant 0 : i32
        %swap3A_136 = arith.index_cast %swap3A_135 : i32 to index
        %swap3A_137 = arith.constant 48 : index
        %swap3A_138 = tpu.vector_load %arg20[%swap3A_136, %swap3A_137] {strides = array<i32>} : memref<16x128xf32, #tpu.memory_space<vmem>>, vector<16xf32>,
        tpu.vector_store %arg20[%swap3A_136, %swap3A_137], %mul3A_134 {strides = array<i32>} : memref<16x128xf32, #tpu.memory_space<vmem>>, vector<16xf32>,
        %get3A_139 = arith.constant 0 : i32
        %get3A_140 = arith.index_cast %get3A_139 : i32 to index
        %get3A_141 = arith.constant 64 : index
        %get3A_142 = tpu.vector_load %arg19[%get3A_140, %get3A_141] {strides = array<i32>} : memref<16x128xf32, #tpu.memory_space<vmem>>, vector<16xf32>,
        %mul3A_143 = arith.mulf %get3A_142, %gather3A_103 : vector<16xf32>
        %swap3A_144 = arith.constant 0 : i32
        %swap3A_145 = arith.index_cast %swap3A_144 : i32 to index
        %swap3A_146 = arith.constant 64 : index
        %swap3A_147 = tpu.vector_load %arg20[%swap3A_145, %swap3A_146] {strides = array<i32>} : memref<16x128xf32, #tpu.memory_space<vmem>>, vector<16xf32>,
        tpu.vector_store %arg20[%swap3A_145, %swap3A_146], %mul3A_143 {strides = array<i32>} : memref<16x128xf32, #tpu.memory_space<vmem>>, vector<16xf32>,
        %get3A_148 = arith.constant 0 : i32
        %get3A_149 = arith.index_cast %get3A_148 : i32 to index
        %get3A_150 = arith.constant 80 : index
        %get3A_151 = tpu.vector_load %arg19[%get3A_149, %get3A_150] {strides = array<i32>} : memref<16x128xf32, #tpu.memory_space<vmem>>, vector<16xf32>,
        %mul3A_152 = arith.mulf %get3A_151, %gather3A_103 : vector<16xf32>
        %swap3A_153 = arith.constant 0 : i32
        %swap3A_154 = arith.index_cast %swap3A_153 : i32 to index
        %swap3A_155 = arith.constant 80 : index
        %swap3A_156 = tpu.vector_load %arg20[%swap3A_154, %swap3A_155] {strides = array<i32>} : memref<16x128xf32, #tpu.memory_space<vmem>>, vector<16xf32>,
        tpu.vector_store %arg20[%swap3A_154, %swap3A_155], %mul3A_152 {strides = array<i32>} : memref<16x128xf32, #tpu.memory_space<vmem>>, vector<16xf32>,
        %get3A_157 = arith.constant 0 : i32
        %get3A_158 = arith.index_cast %get3A_157 : i32 to index
        %get3A_159 = arith.constant 96 : index
        %get3A_160 = tpu.vector_load %arg19[%get3A_158, %get3A_159] {strides = array<i32>} : memref<16x128xf32, #tpu.memory_space<vmem>>, vector<16xf32>,
        %mul3A_161 = arith.mulf %get3A_160, %gather3A_103 : vector<16xf32>
        %swap3A_162 = arith.constant 0 : i32
        %swap3A_163 = arith.index_cast %swap3A_162 : i32 to index
        %swap3A_164 = arith.constant 96 : index
        %swap3A_165 = tpu.vector_load %arg20[%swap3A_163, %swap3A_164] {strides = array<i32>} : memref<16x128xf32, #tpu.memory_space<vmem>>, vector<16xf32>,
        tpu.vector_store %arg20[%swap3A_163, %swap3A_164], %mul3A_161 {strides = array<i32>} : memref<16x128xf32, #tpu.memory_space<vmem>>, vector<16xf32>,
        %get3A_166 = arith.constant 0 : i32
        %get3A_167 = arith.index_cast %get3A_166 : i32 to index
        %get3A_168 = arith.constant 112 : index
        %get3A_169 = tpu.vector_load %arg19[%get3A_167, %get3A_168] {strides = array<i32>} : memref<16x128xf32, #tpu.memory_space<vmem>>, vector<16xf32>,
        %mul3A_170 = arith.mulf %get3A_169, %gather3A_103 : vector<16xf32>
        %swap3A_171 = arith.constant 0 : i32
        %swap3A_172 = arith.index_cast %swap3A_171 : i32 to index
        %swap3A_173 = arith.constant 112 : index
        %swap3A_174 = tpu.vector_load %arg20[%swap3A_172, %swap3A_173] {strides = array<i32>} : memref<16x128xf32, #tpu.memory_space<vmem>>, vector<16xf32>,
        tpu.vector_store %arg20[%swap3A_172, %swap3A_173], %mul3A_170 {strides = array<i32>} : memref<16x128xf32, #tpu.memory_space<vmem>>, vector<16xf32>,
        %broadcast_in_dim3A_175 = arith.constant 1 : i32
        %broadcast_in_dim3A_176 = vector.broadcast %broadcast_in_dim3A_175 : i32 to vector<16xi32>
        %reshape3A_177 = vector.shape_cast %broadcast_in_dim3A_176 : vector<16xi32> to vector<16x1xi32>
        %gather3A_178 = vector.shape_cast %reshape3A_177 : vector<16x1xi32> to vector<16xi32>
        %gather3A_179 = tpu.dynamic_gather %select_n3A_96[%gather3A_178] in [0] : vector<16xf32>, vector<16xi32> -> vector<16xf32>
        %get3A_180 = arith.constant 1 : i32
        %get3A_181 = arith.index_cast %get3A_180 : i32 to index
        %get3A_182 = arith.constant 0 : index
        %get3A_183 = tpu.vector_load %arg19[%get3A_181, %get3A_182] {strides = array<i32>} : memref<16x128xf32, #tpu.memory_space<vmem>>, vector<16xf32>,
        %mul3A_184 = arith.mulf %get3A_183, %gather3A_179 : vector<16xf32>
        %swap3A_185 = arith.constant 1 : i32
        %swap3A_186 = arith.index_cast %swap3A_185 : i32 to index
        %swap3A_187 = arith.constant 0 : index
        %swap3A_188 = tpu.vector_load %arg20[%swap3A_186, %swap3A_187] {strides = array<i32>} : memref<16x128xf32, #tpu.memory_space<vmem>>, vector<16xf32>,
        tpu.vector_store %arg20[%swap3A_186, %swap3A_187], %mul3A_184 {strides = array<i32>} : memref<16x128xf32, #tpu.memory_space<vmem>>, vector<16xf32>,
        %get3A_189 = arith.constant 1 : i32
        %get3A_190 = arith.index_cast %get3A_189 : i32 to index
        %get3A_191 = arith.constant 16 : index
        %get3A_192 = tpu.vector_load %arg19[%get3A_190, %get3A_191] {strides = array<i32>} : memref<16x128xf32, #tpu.memory_space<vmem>>, vector<16xf32>,
        %mul3A_193 = arith.mulf %get3A_192, %gather3A_179 : vector<16xf32>
        %swap3A_194 = arith.constant 1 : i32
        %swap3A_195 = arith.index_cast %swap3A_194 : i32 to index
        %swap3A_196 = arith.constant 16 : index
        %swap3A_197 = tpu.vector_load %arg20[%swap3A_195, %swap3A_196] {strides = array<i32>} : memref<16x128xf32, #tpu.memory_space<vmem>>, vector<16xf32>,
        tpu.vector_store %arg20[%swap3A_195, %swap3A_196], %mul3A_193 {strides = array<i32>} : memref<16x128xf32, #tpu.memory_space<vmem>>, vector<16xf32>,
        %get3A_198 = arith.constant 1 : i32
        %get3A_199 = arith.index_cast %get3A_198 : i32 to index
        %get3A_200 = arith.constant 32 : index
        %get3A_201 = tpu.vector_load %arg19[%get3A_199, %get3A_200] {strides = array<i32>} : memref<16x128xf32, #tpu.memory_space<vmem>>, vector<16xf32>,
        %mul3A_202 = arith.mulf %get3A_201, %gather3A_179 : vector<16xf32>
        %swap3A_203 = arith.constant 1 : i32
        %swap3A_204 = arith.index_cast %swap3A_203 : i32 to index
        %swap3A_205 = arith.constant 32 : index
        %swap3A_206 = tpu.vector_load %arg20[%swap3A_204, %swap3A_205] {strides = array<i32>} : memref<16x128xf32, #tpu.memory_space<vmem>>, vector<16xf32>,
        tpu.vector_store %arg20[%swap3A_204, %swap3A_205], %mul3A_202 {strides = array<i32>} : memref<16x128xf32, #tpu.memory_space<vmem>>, vector<16xf32>,
        %get3A_207 = arith.constant 1 : i32
        %get3A_208 = arith.index_cast %get3A_207 : i32 to index
        %get3A_209 = arith.constant 48 : index
        %get3A_210 = tpu.vector_load %arg19[%get3A_208, %get3A_209] {strides = array<i32>} : memref<16x128xf32, #tpu.memory_space<vmem>>, vector<16xf32>,
        %mul3A_211 = arith.mulf %get3A_210, %gather3A_179 : vector<16xf32>
        %swap3A_212 = arith.constant 1 : i32
        %swap3A_213 = arith.index_cast %swap3A_212 : i32 to index
        %swap3A_214 = arith.constant 48 : index
        %swap3A_215 = tpu.vector_load %arg20[%swap3A_213, %swap3A_214] {strides = array<i32>} : memref<16x128xf32, #tpu.memory_space<vmem>>, vector<16xf32>,
        tpu.vector_store %arg20[%swap3A_213, %swap3A_214], %mul3A_211 {strides = array<i32>} : memref<16x128xf32, #tpu.memory_space<vmem>>, vector<16xf32>,
        %get3A_216 = arith.constant 1 : i32
        %get3A_217 = arith.index_cast %get3A_216 : i32 to index
        %get3A_218 = arith.constant 64 : index
        %get3A_219 = tpu.vector_load %arg19[%get3A_217, %get3A_218] {strides = array<i32>} : memref<16x128xf32, #tpu.memory_space<vmem>>, vector<16xf32>,
        %mul3A_220 = arith.mulf %get3A_219, %gather3A_179 : vector<16xf32>
        %swap3A_221 = arith.constant 1 : i32
        %swap3A_222 = arith.index_cast %swap3A_221 : i32 to index
        %swap3A_223 = arith.constant 64 : index
        %swap3A_224 = tpu.vector_load %arg20[%swap3A_222, %swap3A_223] {strides = array<i32>} : memref<16x128xf32, #tpu.memory_space<vmem>>, vector<16xf32>,
        tpu.vector_store %arg20[%swap3A_222, %swap3A_223], %mul3A_220 {strides = array<i32>} : memref<16x128xf32, #tpu.memory_space<vmem>>, vector<16xf32>,
        %get3A_225 = arith.constant 1 : i32
        %get3A_226 = arith.index_cast %get3A_225 : i32 to index
        %get3A_227 = arith.constant 80 : index
        %get3A_228 = tpu.vector_load %arg19[%get3A_226, %get3A_227] {strides = array<i32>} : memref<16x128xf32, #tpu.memory_space<vmem>>, vector<16xf32>,
        %mul3A_229 = arith.mulf %get3A_228, %gather3A_179 : vector<16xf32>
        %swap3A_230 = arith.constant 1 : i32
        %swap3A_231 = arith.index_cast %swap3A_230 : i32 to index
        %swap3A_232 = arith.constant 80 : index
        %swap3A_233 = tpu.vector_load %arg20[%swap3A_231, %swap3A_232] {strides = array<i32>} : memref<16x128xf32, #tpu.memory_space<vmem>>, vector<16xf32>,
        tpu.vector_store %arg20[%swap3A_231, %swap3A_232], %mul3A_229 {strides = array<i32>} : memref<16x128xf32, #tpu.memory_space<vmem>>, vector<16xf32>,
        %get3A_234 = arith.constant 1 : i32
        %get3A_235 = arith.index_cast %get3A_234 : i32 to index
        %get3A_236 = arith.constant 96 : index
        %get3A_237 = tpu.vector_load %arg19[%get3A_235, %get3A_236] {strides = array<i32>} : memref<16x128xf32, #tpu.memory_space<vmem>>, vector<16xf32>,
        %mul3A_238 = arith.mulf %get3A_237, %gather3A_179 : vector<16xf32>
        %swap3A_239 = arith.constant 1 : i32
        %swap3A_240 = arith.index_cast %swap3A_239 : i32 to index
        %swap3A_241 = arith.constant 96 : index
        %swap3A_242 = tpu.vector_load %arg20[%swap3A_240, %swap3A_241] {strides = array<i32>} : memref<16x128xf32, #tpu.memory_space<vmem>>, vector<16xf32>,
        tpu.vector_store %arg20[%swap3A_240, %swap3A_241], %mul3A_238 {strides = array<i32>} : memref<16x128xf32, #tpu.memory_space<vmem>>, vector<16xf32>,
        %get3A_243 = arith.constant 1 : i32
        %get3A_244 = arith.index_cast %get3A_243 : i32 to index
        %get3A_245 = arith.constant 112 : index
        %get3A_246 = tpu.vector_load %arg19[%get3A_244, %get3A_245] {strides = array<i32>} : memref<16x128xf32, #tpu.memory_space<vmem>>, vector<16xf32>,
        %mul3A_247 = arith.mulf %get3A_246, %gather3A_179 : vector<16xf32>
        %swap3A_248 = arith.constant 1 : i32
        %swap3A_249 = arith.index_cast %swap3A_248 : i32 to index
        %swap3A_250 = arith.constant 112 : index
        %swap3A_251 = tpu.vector_load %arg20[%swap3A_249, %swap3A_250] {strides = array<i32>} : memref<16x128xf32, #tpu.memory_space<vmem>>, vector<16xf32>,
        tpu.vector_store %arg20[%swap3A_249, %swap3A_250], %mul3A_247 {strides = array<i32>} : memref<16x128xf32, #tpu.memory_space<vmem>>, vector<16xf32>,
        %broadcast_in_dim3A_252 = arith.constant 2 : i32
        %broadcast_in_dim3A_253 = vector.broadcast %broadcast_in_dim3A_252 : i32 to vector<16xi32>
        %reshape3A_254 = vector.shape_cast %broadcast_in_dim3A_253 : vector<16xi32> to vector<16x1xi32>
        %gather3A_255 = vector.shape_cast %reshape3A_254 : vector<16x1xi32> to vector<16xi32>
        %gather3A_256 = tpu.dynamic_gather %select_n3A_96[%gather3A_255] in [0] : vector<16xf32>, vector<16xi32> -> vector<16xf32>
        %get3A_257 = arith.constant 2 : i32
        %get3A_258 = arith.index_cast %get3A_257 : i32 to index
        %get3A_259 = arith.constant 0 : index
        %get3A_260 = tpu.vector_load %arg19[%get3A_258, %get3A_259] {strides = array<i32>} : memref<16x128xf32, #tpu.memory_space<vmem>>, vector<16xf32>,
        %mul3A_261 = arith.mulf %get3A_260, %gather3A_256 : vector<16xf32>
        %swap3A_262 = arith.constant 2 : i32
        %swap3A_263 = arith.index_cast %swap3A_262 : i32 to index
        %swap3A_264 = arith.constant 0 : index
        %swap3A_265 = tpu.vector_load %arg20[%swap3A_263, %swap3A_264] {strides = array<i32>} : memref<16x128xf32, #tpu.memory_space<vmem>>, vector<16xf32>,
        tpu.vector_store %arg20[%swap3A_263, %swap3A_264], %mul3A_261 {strides = array<i32>} : memref<16x128xf32, #tpu.memory_space<vmem>>, vector<16xf32>,
        %get3A_266 = arith.constant 2 : i32
        %get3A_267 = arith.index_cast %get3A_266 : i32 to index
        %get3A_268 = arith.constant 16 : index
        %get3A_269 = tpu.vector_load %arg19[%get3A_267, %get3A_268] {strides = array<i32>} : memref<16x128xf32, #tpu.memory_space<vmem>>, vector<16xf32>,
        %mul3A_270 = arith.mulf %get3A_269, %gather3A_256 : vector<16xf32>
        %swap3A_271 = arith.constant 2 : i32
        %swap3A_272 = arith.index_cast %swap3A_271 : i32 to index
        %swap3A_273 = arith.constant 16 : index
        %swap3A_274 = tpu.vector_load %arg20[%swap3A_272, %swap3A_273] {strides = array<i32>} : memref<16x128xf32, #tpu.memory_space<vmem>>, vector<16xf32>,
        tpu.vector_store %arg20[%swap3A_272, %swap3A_273], %mul3A_270 {strides = array<i32>} : memref<16x128xf32, #tpu.memory_space<vmem>>, vector<16xf32>,
        %get3A_275 = arith.constant 2 : i32
        %get3A_276 = arith.index_cast %get3A_275 : i32 to index
        %get3A_277 = arith.constant 32 : index
        %get3A_278 = tpu.vector_load %arg19[%get3A_276, %get3A_277] {strides = array<i32>} : memref<16x128xf32, #tpu.memory_space<vmem>>, vector<16xf32>,
        %mul3A_279 = arith.mulf %get3A_278, %gather3A_256 : vector<16xf32>
        %swap3A_280 = arith.constant 2 : i32
        %swap3A_281 = arith.index_cast %swap3A_280 : i32 to index
        %swap3A_282 = arith.constant 32 : index
        %swap3A_283 = tpu.vector_load %arg20[%swap3A_281, %swap3A_282] {strides = array<i32>} : memref<16x128xf32, #tpu.memory_space<vmem>>, vector<16xf32>,
        tpu.vector_store %arg20[%swap3A_281, %swap3A_282], %mul3A_279 {strides = array<i32>} : memref<16x128xf32, #tpu.memory_space<vmem>>, vector<16xf32>,
        %get3A_284 = arith.constant 2 : i32
        %get3A_285 = arith.index_cast %get3A_284 : i32 to index
        %get3A_286 = arith.constant 48 : index
        %get3A_287 = tpu.vector_load %arg19[%get3A_285, %get3A_286] {strides = array<i32>} : memref<16x128xf32, #tpu.memory_space<vmem>>, vector<16xf32>,
        %mul3A_288 = arith.mulf %get3A_287, %gather3A_256 : vector<16xf32>
        %swap3A_289 = arith.constant 2 : i32
        %swap3A_290 = arith.index_cast %swap3A_289 : i32 to index
        %swap3A_291 = arith.constant 48 : index
        %swap3A_292 = tpu.vector_load %arg20[%swap3A_290, %swap3A_291] {strides = array<i32>} : memref<16x128xf32, #tpu.memory_space<vmem>>, vector<16xf32>,
        tpu.vector_store %arg20[%swap3A_290, %swap3A_291], %mul3A_288 {strides = array<i32>} : memref<16x128xf32, #tpu.memory_space<vmem>>, vector<16xf32>,
        %get3A_293 = arith.constant 2 : i32
        %get3A_294 = arith.index_cast %get3A_293 : i32 to index
        %get3A_295 = arith.constant 64 : index
        %get3A_296 = tpu.vector_load %arg19[%get3A_294, %get3A_295] {strides = array<i32>} : memref<16x128xf32, #tpu.memory_space<vmem>>, vector<16xf32>,
        %mul3A_297 = arith.mulf %get3A_296, %gather3A_256 : vector<16xf32>
        %swap3A_298 = arith.constant 2 : i32
        %swap3A_299 = arith.index_cast %swap3A_298 : i32 to index
        %swap3A_300 = arith.constant 64 : index
        %swap3A_301 = tpu.vector_load %arg20[%swap3A_299, %swap3A_300] {strides = array<i32>} : memref<16x128xf32, #tpu.memory_space<vmem>>, vector<16xf32>,
        tpu.vector_store %arg20[%swap3A_299, %swap3A_300], %mul3A_297 {strides = array<i32>} : memref<16x128xf32, #tpu.memory_space<vmem>>, vector<16xf32>,
        %get3A_302 = arith.constant 2 : i32
        %get3A_303 = arith.index_cast %get3A_302 : i32 to index
        %get3A_304 = arith.constant 80 : index
        %get3A_305 = tpu.vector_load %arg19[%get3A_303, %get3A_304] {strides = array<i32>} : memref<16x128xf32, #tpu.memory_space<vmem>>, vector<16xf32>,
        %mul3A_306 = arith.mulf %get3A_305, %gather3A_256 : vector<16xf32>
        %swap3A_307 = arith.constant 2 : i32
        %swap3A_308 = arith.index_cast %swap3A_307 : i32 to index
        %swap3A_309 = arith.constant 80 : index
        %swap3A_310 = tpu.vector_load %arg20[%swap3A_308, %swap3A_309] {strides = array<i32>} : memref<16x128xf32, #tpu.memory_space<vmem>>, vector<16xf32>,
        tpu.vector_store %arg20[%swap3A_308, %swap3A_309], %mul3A_306 {strides = array<i32>} : memref<16x128xf32, #tpu.memory_space<vmem>>, vector<16xf32>,
        %get3A_311 = arith.constant 2 : i32
        %get3A_312 = arith.index_cast %get3A_311 : i32 to index
        %get3A_313 = arith.constant 96 : index
        %get3A_314 = tpu.vector_load %arg19[%get3A_312, %get3A_313] {strides = array<i32>} : memref<16x128xf32, #tpu.memory_space<vmem>>, vector<16xf32>,
        %mul3A_315 = arith.mulf %get3A_314, %gather3A_256 : vector<16xf32>
        %swap3A_316 = arith.constant 2 : i32
        %swap3A_317 = arith.index_cast %swap3A_316 : i32 to index
        %swap3A_318 = arith.constant 96 : index
        %swap3A_319 = tpu.vector_load %arg20[%swap3A_317, %swap3A_318] {strides = array<i32>} : memref<16x128xf32, #tpu.memory_space<vmem>>, vector<16xf32>,
        tpu.vector_store %arg20[%swap3A_317, %swap3A_318], %mul3A_315 {strides = array<i32>} : memref<16x128xf32, #tpu.memory_space<vmem>>, vector<16xf32>,
        %get3A_320 = arith.constant 2 : i32
        %get3A_321 = arith.index_cast %get3A_320 : i32 to index
        %get3A_322 = arith.constant 112 : index
        %get3A_323 = tpu.vector_load %arg19[%get3A_321, %get3A_322] {strides = array<i32>} : memref<16x128xf32, #tpu.memory_space<vmem>>, vector<16xf32>,
        %mul3A_324 = arith.mulf %get3A_323, %gather3A_256 : vector<16xf32>
        %swap3A_325 = arith.constant 2 : i32
        %swap3A_326 = arith.index_cast %swap3A_325 : i32 to index
        %swap3A_327 = arith.constant 112 : index
        %swap3A_328 = tpu.vector_load %arg20[%swap3A_326, %swap3A_327] {strides = array<i32>} : memref<16x128xf32, #tpu.memory_space<vmem>>, vector<16xf32>,
        tpu.vector_store %arg20[%swap3A_326, %swap3A_327], %mul3A_324 {strides = array<i32>} : memref<16x128xf32, #tpu.memory_space<vmem>>, vector<16xf32>,
        %broadcast_in_dim3A_329 = arith.constant 3 : i32
        %broadcast_in_dim3A_330 = vector.broadcast %broadcast_in_dim3A_329 : i32 to vector<16xi32>
        %reshape3A_331 = vector.shape_cast %broadcast_in_dim3A_330 : vector<16xi32> to vector<16x1xi32>
        %gather3A_332 = vector.shape_cast %reshape3A_331 : vector<16x1xi32> to vector<16xi32>
        %gather3A_333 = tpu.dynamic_gather %select_n3A_96[%gather3A_332] in [0] : vector<16xf32>, vector<16xi32> -> vector<16xf32>
        %get3A_334 = arith.constant 3 : i32
        %get3A_335 = arith.index_cast %get3A_334 : i32 to index
        %get3A_336 = arith.constant 0 : index
        %get3A_337 = tpu.vector_load %arg19[%get3A_335, %get3A_336] {strides = array<i32>} : memref<16x128xf32, #tpu.memory_space<vmem>>, vector<16xf32>,
        %mul3A_338 = arith.mulf %get3A_337, %gather3A_333 : vector<16xf32>
        %swap3A_339 = arith.constant 3 : i32
        %swap3A_340 = arith.index_cast %swap3A_339 : i32 to index
        %swap3A_341 = arith.constant 0 : index
        %swap3A_342 = tpu.vector_load %arg20[%swap3A_340, %swap3A_341] {strides = array<i32>} : memref<16x128xf32, #tpu.memory_space<vmem>>, vector<16xf32>,
        tpu.vector_store %arg20[%swap3A_340, %swap3A_341], %mul3A_338 {strides = array<i32>} : memref<16x128xf32, #tpu.memory_space<vmem>>, vector<16xf32>,
        %get3A_343 = arith.constant 3 : i32
        %get3A_344 = arith.index_cast %get3A_343 : i32 to index
        %get3A_345 = arith.constant 16 : index
        %get3A_346 = tpu.vector_load %arg19[%get3A_344, %get3A_345] {strides = array<i32>} : memref<16x128xf32, #tpu.memory_space<vmem>>, vector<16xf32>,
        %mul3A_347 = arith.mulf %get3A_346, %gather3A_333 : vector<16xf32>
        %swap3A_348 = arith.constant 3 : i32
        %swap3A_349 = arith.index_cast %swap3A_348 : i32 to index
        %swap3A_350 = arith.constant 16 : index
        %swap3A_351 = tpu.vector_load %arg20[%swap3A_349, %swap3A_350] {strides = array<i32>} : memref<16x128xf32, #tpu.memory_space<vmem>>, vector<16xf32>,
        tpu.vector_store %arg20[%swap3A_349, %swap3A_350], %mul3A_347 {strides = array<i32>} : memref<16x128xf32, #tpu.memory_space<vmem>>, vector<16xf32>,
        %get3A_352 = arith.constant 3 : i32
        %get3A_353 = arith.index_cast %get3A_352 : i32 to index
        %get3A_354 = arith.constant 32 : index
        %get3A_355 = tpu.vector_load %arg19[%get3A_353, %get3A_354] {strides = array<i32>} : memref<16x128xf32, #tpu.memory_space<vmem>>, vector<16xf32>,
        %mul3A_356 = arith.mulf %get3A_355, %gather3A_333 : vector<16xf32>
        %swap3A_357 = arith.constant 3 : i32
        %swap3A_358 = arith.index_cast %swap3A_357 : i32 to index
        %swap3A_359 = arith.constant 32 : index
        %swap3A_360 = tpu.vector_load %arg20[%swap3A_358, %swap3A_359] {strides = array<i32>} : memref<16x128xf32, #tpu.memory_space<vmem>>, vector<16xf32>,
        tpu.vector_store %arg20[%swap3A_358, %swap3A_359], %mul3A_356 {strides = array<i32>} : memref<16x128xf32, #tpu.memory_space<vmem>>, vector<16xf32>,
        %get3A_361 = arith.constant 3 : i32
        %get3A_362 = arith.index_cast %get3A_361 : i32 to index
        %get3A_363 = arith.constant 48 : index
        %get3A_364 = tpu.vector_load %arg19[%get3A_362, %get3A_363] {strides = array<i32>} : memref<16x128xf32, #tpu.memory_space<vmem>>, vector<16xf32>,
        %mul3A_365 = arith.mulf %get3A_364, %gather3A_333 : vector<16xf32>
        %swap3A_366 = arith.constant 3 : i32
        %swap3A_367 = arith.index_cast %swap3A_366 : i32 to index
        %swap3A_368 = arith.constant 48 : index
        %swap3A_369 = tpu.vector_load %arg20[%swap3A_367, %swap3A_368] {strides = array<i32>} : memref<16x128xf32, #tpu.memory_space<vmem>>, vector<16xf32>,
        tpu.vector_store %arg20[%swap3A_367, %swap3A_368], %mul3A_365 {strides = array<i32>} : memref<16x128xf32, #tpu.memory_space<vmem>>, vector<16xf32>,
        %get3A_370 = arith.constant 3 : i32
        %get3A_371 = arith.index_cast %get3A_370 : i32 to index
        %get3A_372 = arith.constant 64 : index
        %get3A_373 = tpu.vector_load %arg19[%get3A_371, %get3A_372] {strides = array<i32>} : memref<16x128xf32, #tpu.memory_space<vmem>>, vector<16xf32>,
        %mul3A_374 = arith.mulf %get3A_373, %gather3A_333 : vector<16xf32>
        %swap3A_375 = arith.constant 3 : i32
        %swap3A_376 = arith.index_cast %swap3A_375 : i32 to index
        %swap3A_377 = arith.constant 64 : index
        %swap3A_378 = tpu.vector_load %arg20[%swap3A_376, %swap3A_377] {strides = array<i32>} : memref<16x128xf32, #tpu.memory_space<vmem>>, vector<16xf32>,
        tpu.vector_store %arg20[%swap3A_376, %swap3A_377], %mul3A_374 {strides = array<i32>} : memref<16x128xf32, #tpu.memory_space<vmem>>, vector<16xf32>,
        %get3A_379 = arith.constant 3 : i32
        %get3A_380 = arith.index_cast %get3A_379 : i32 to index
        %get3A_381 = arith.constant 80 : index
        %get3A_382 = tpu.vector_load %arg19[%get3A_380, %get3A_381] {strides = array<i32>} : memref<16x128xf32, #tpu.memory_space<vmem>>, vector<16xf32>,
        %mul3A_383 = arith.mulf %get3A_382, %gather3A_333 : vector<16xf32>
        %swap3A_384 = arith.constant 3 : i32
        %swap3A_385 = arith.index_cast %swap3A_384 : i32 to index
        %swap3A_386 = arith.constant 80 : index
        %swap3A_387 = tpu.vector_load %arg20[%swap3A_385, %swap3A_386] {strides = array<i32>} : memref<16x128xf32, #tpu.memory_space<vmem>>, vector<16xf32>,
        tpu.vector_store %arg20[%swap3A_385, %swap3A_386], %mul3A_383 {strides = array<i32>} : memref<16x128xf32, #tpu.memory_space<vmem>>, vector<16xf32>,
        %get3A_388 = arith.constant 3 : i32
        %get3A_389 = arith.index_cast %get3A_388 : i32 to index
        %get3A_390 = arith.constant 96 : index
        %get3A_391 = tpu.vector_load %arg19[%get3A_389, %get3A_390] {strides = array<i32>} : memref<16x128xf32, #tpu.memory_space<vmem>>, vector<16xf32>,
        %mul3A_392 = arith.mulf %get3A_391, %gather3A_333 : vector<16xf32>
        %swap3A_393 = arith.constant 3 : i32
        %swap3A_394 = arith.index_cast %swap3A_393 : i32 to index
        %swap3A_395 = arith.constant 96 : index
        %swap3A_396 = tpu.vector_load %arg20[%swap3A_394, %swap3A_395] {strides = array<i32>} : memref<16x128xf32, #tpu.memory_space<vmem>>, vector<16xf32>,
        tpu.vector_store %arg20[%swap3A_394, %swap3A_395], %mul3A_392 {strides = array<i32>} : memref<16x128xf32, #tpu.memory_space<vmem>>, vector<16xf32>,
        %get3A_397 = arith.constant 3 : i32
        %get3A_398 = arith.index_cast %get3A_397 : i32 to index
        %get3A_399 = arith.constant 112 : index
        %get3A_400 = tpu.vector_load %arg19[%get3A_398, %get3A_399] {strides = array<i32>} : memref<16x128xf32, #tpu.memory_space<vmem>>, vector<16xf32>,
        %mul3A_401 = arith.mulf %get3A_400, %gather3A_333 : vector<16xf32>
        %swap3A_402 = arith.constant 3 : i32
        %swap3A_403 = arith.index_cast %swap3A_402 : i32 to index
        %swap3A_404 = arith.constant 112 : index
        %swap3A_405 = tpu.vector_load %arg20[%swap3A_403, %swap3A_404] {strides = array<i32>} : memref<16x128xf32, #tpu.memory_space<vmem>>, vector<16xf32>,
        tpu.vector_store %arg20[%swap3A_403, %swap3A_404], %mul3A_401 {strides = array<i32>} : memref<16x128xf32, #tpu.memory_space<vmem>>, vector<16xf32>,
        %broadcast_in_dim3A_406 = arith.constant 4 : i32
        %broadcast_in_dim3A_407 = vector.broadcast %broadcast_in_dim3A_406 : i32 to vector<16xi32>
        %reshape3A_408 = vector.shape_cast %broadcast_in_dim3A_407 : vector<16xi32> to vector<16x1xi32>
        %gather3A_409 = vector.shape_cast %reshape3A_408 : vector<16x1xi32> to vector<16xi32>
        %gather3A_410 = tpu.dynamic_gather %select_n3A_96[%gather3A_409] in [0] : vector<16xf32>, vector<16xi32> -> vector<16xf32>
        %get3A_411 = arith.constant 4 : i32
        %get3A_412 = arith.index_cast %get3A_411 : i32 to index
        %get3A_413 = arith.constant 0 : index
        %get3A_414 = tpu.vector_load %arg19[%get3A_412, %get3A_413] {strides = array<i32>} : memref<16x128xf32, #tpu.memory_space<vmem>>, vector<16xf32>,
        %mul3A_415 = arith.mulf %get3A_414, %gather3A_410 : vector<16xf32>
        %swap3A_416 = arith.constant 4 : i32
        %swap3A_417 = arith.index_cast %swap3A_416 : i32 to index
        %swap3A_418 = arith.constant 0 : index
        %swap3A_419 = tpu.vector_load %arg20[%swap3A_417, %swap3A_418] {strides = array<i32>} : memref<16x128xf32, #tpu.memory_space<vmem>>, vector<16xf32>,
        tpu.vector_store %arg20[%swap3A_417, %swap3A_418], %mul3A_415 {strides = array<i32>} : memref<16x128xf32, #tpu.memory_space<vmem>>, vector<16xf32>,
        %get3A_420 = arith.constant 4 : i32
        %get3A_421 = arith.index_cast %get3A_420 : i32 to index
        %get3A_422 = arith.constant 16 : index
        %get3A_423 = tpu.vector_load %arg19[%get3A_421, %get3A_422] {strides = array<i32>} : memref<16x128xf32, #tpu.memory_space<vmem>>, vector<16xf32>,
        %mul3A_424 = arith.mulf %get3A_423, %gather3A_410 : vector<16xf32>
        %swap3A_425 = arith.constant 4 : i32
        %swap3A_426 = arith.index_cast %swap3A_425 : i32 to index
        %swap3A_427 = arith.constant 16 : index
        %swap3A_428 = tpu.vector_load %arg20[%swap3A_426, %swap3A_427] {strides = array<i32>} : memref<16x128xf32, #tpu.memory_space<vmem>>, vector<16xf32>,
        tpu.vector_store %arg20[%swap3A_426, %swap3A_427], %mul3A_424 {strides = array<i32>} : memref<16x128xf32, #tpu.memory_space<vmem>>, vector<16xf32>,
        %get3A_429 = arith.constant 4 : i32
        %get3A_430 = arith.index_cast %get3A_429 : i32 to index
        %get3A_431 = arith.constant 32 : index
        %get3A_432 = tpu.vector_load %arg19[%get3A_430, %get3A_431] {strides = array<i32>} : memref<16x128xf32, #tpu.memory_space<vmem>>, vector<16xf32>,
        %mul3A_433 = arith.mulf %get3A_432, %gather3A_410 : vector<16xf32>
        %swap3A_434 = arith.constant 4 : i32
        %swap3A_435 = arith.index_cast %swap3A_434 : i32 to index
        %swap3A_436 = arith.constant 32 : index
        %swap3A_437 = tpu.vector_load %arg20[%swap3A_435, %swap3A_436] {strides = array<i32>} : memref<16x128xf32, #tpu.memory_space<vmem>>, vector<16xf32>,
        tpu.vector_store %arg20[%swap3A_435, %swap3A_436], %mul3A_433 {strides = array<i32>} : memref<16x128xf32, #tpu.memory_space<vmem>>, vector<16xf32>,
        %get3A_438 = arith.constant 4 : i32
        %get3A_439 = arith.index_cast %get3A_438 : i32 to index
        %get3A_440 = arith.constant 48 : index
        %get3A_441 = tpu.vector_load %arg19[%get3A_439, %get3A_440] {strides = array<i32>} : memref<16x128xf32, #tpu.memory_space<vmem>>, vector<16xf32>,
        %mul3A_442 = arith.mulf %get3A_441, %gather3A_410 : vector<16xf32>
        %swap3A_443 = arith.constant 4 : i32
        %swap3A_444 = arith.index_cast %swap3A_443 : i32 to index
        %swap3A_445 = arith.constant 48 : index
        %swap3A_446 = tpu.vector_load %arg20[%swap3A_444, %swap3A_445] {strides = array<i32>} : memref<16x128xf32, #tpu.memory_space<vmem>>, vector<16xf32>,
        tpu.vector_store %arg20[%swap3A_444, %swap3A_445], %mul3A_442 {strides = array<i32>} : memref<16x128xf32, #tpu.memory_space<vmem>>, vector<16xf32>,
        %get3A_447 = arith.constant 4 : i32
        %get3A_448 = arith.index_cast %get3A_447 : i32 to index
        %get3A_449 = arith.constant 64 : index
        %get3A_450 = tpu.vector_load %arg19[%get3A_448, %get3A_449] {strides = array<i32>} : memref<16x128xf32, #tpu.memory_space<vmem>>, vector<16xf32>,
        %mul3A_451 = arith.mulf %get3A_450, %gather3A_410 : vector<16xf32>
        %swap3A_452 = arith.constant 4 : i32
        %swap3A_453 = arith.index_cast %swap3A_452 : i32 to index
        %swap3A_454 = arith.constant 64 : index
        %swap3A_455 = tpu.vector_load %arg20[%swap3A_453, %swap3A_454] {strides = array<i32>} : memref<16x128xf32, #tpu.memory_space<vmem>>, vector<16xf32>,
        tpu.vector_store %arg20[%swap3A_453, %swap3A_454], %mul3A_451 {strides = array<i32>} : memref<16x128xf32, #tpu.memory_space<vmem>>, vector<16xf32>,
        %get3A_456 = arith.constant 4 : i32
        %get3A_457 = arith.index_cast %get3A_456 : i32 to index
        %get3A_458 = arith.constant 80 : index
        %get3A_459 = tpu.vector_load %arg19[%get3A_457, %get3A_458] {strides = array<i32>} : memref<16x128xf32, #tpu.memory_space<vmem>>, vector<16xf32>,
        %mul3A_460 = arith.mulf %get3A_459, %gather3A_410 : vector<16xf32>
        %swap3A_461 = arith.constant 4 : i32
        %swap3A_462 = arith.index_cast %swap3A_461 : i32 to index
        %swap3A_463 = arith.constant 80 : index
        %swap3A_464 = tpu.vector_load %arg20[%swap3A_462, %swap3A_463] {strides = array<i32>} : memref<16x128xf32, #tpu.memory_space<vmem>>, vector<16xf32>,
        tpu.vector_store %arg20[%swap3A_462, %swap3A_463], %mul3A_460 {strides = array<i32>} : memref<16x128xf32, #tpu.memory_space<vmem>>, vector<16xf32>,
        %get3A_465 = arith.constant 4 : i32
        %get3A_466 = arith.index_cast %get3A_465 : i32 to index
        %get3A_467 = arith.constant 96 : index
        %get3A_468 = tpu.vector_load %arg19[%get3A_466, %get3A_467] {strides = array<i32>} : memref<16x128xf32, #tpu.memory_space<vmem>>, vector<16xf32>,
        %mul3A_469 = arith.mulf %get3A_468, %gather3A_410 : vector<16xf32>
        %swap3A_470 = arith.constant 4 : i32
        %swap3A_471 = arith.index_cast %swap3A_470 : i32 to index
        %swap3A_472 = arith.constant 96 : index
        %swap3A_473 = tpu.vector_load %arg20[%swap3A_471, %swap3A_472] {strides = array<i32>} : memref<16x128xf32, #tpu.memory_space<vmem>>, vector<16xf32>,
        tpu.vector_store %arg20[%swap3A_471, %swap3A_472], %mul3A_469 {strides = array<i32>} : memref<16x128xf32, #tpu.memory_space<vmem>>, vector<16xf32>,
        %get3A_474 = arith.constant 4 : i32
        %get3A_475 = arith.index_cast %get3A_474 : i32 to index
        %get3A_476 = arith.constant 112 : index
        %get3A_477 = tpu.vector_load %arg19[%get3A_475, %get3A_476] {strides = array<i32>} : memref<16x128xf32, #tpu.memory_space<vmem>>, vector<16xf32>,
        %mul3A_478 = arith.mulf %get3A_477, %gather3A_410 : vector<16xf32>
        %swap3A_479 = arith.constant 4 : i32
        %swap3A_480 = arith.index_cast %swap3A_479 : i32 to index
        %swap3A_481 = arith.constant 112 : index
        %swap3A_482 = tpu.vector_load %arg20[%swap3A_480, %swap3A_481] {strides = array<i32>} : memref<16x128xf32, #tpu.memory_space<vmem>>, vector<16xf32>,
        tpu.vector_store %arg20[%swap3A_480, %swap3A_481], %mul3A_478 {strides = array<i32>} : memref<16x128xf32, #tpu.memory_space<vmem>>, vector<16xf32>,
        %broadcast_in_dim3A_483 = arith.constant 5 : i32
        %broadcast_in_dim3A_484 = vector.broadcast %broadcast_in_dim3A_483 : i32 to vector<16xi32>
        %reshape3A_485 = vector.shape_cast %broadcast_in_dim3A_484 : vector<16xi32> to vector<16x1xi32>
        %gather3A_486 = vector.shape_cast %reshape3A_485 : vector<16x1xi32> to vector<16xi32>
        %gather3A_487 = tpu.dynamic_gather %select_n3A_96[%gather3A_486] in [0] : vector<16xf32>, vector<16xi32> -> vector<16xf32>
        %get3A_488 = arith.constant 5 : i32
        %get3A_489 = arith.index_cast %get3A_488 : i32 to index
        %get3A_490 = arith.constant 0 : index
        %get3A_491 = tpu.vector_load %arg19[%get3A_489, %get3A_490] {strides = array<i32>} : memref<16x128xf32, #tpu.memory_space<vmem>>, vector<16xf32>,
        %mul3A_492 = arith.mulf %get3A_491, %gather3A_487 : vector<16xf32>
        %swap3A_493 = arith.constant 5 : i32
        %swap3A_494 = arith.index_cast %swap3A_493 : i32 to index
        %swap3A_495 = arith.constant 0 : index
        %swap3A_496 = tpu.vector_load %arg20[%swap3A_494, %swap3A_495] {strides = array<i32>} : memref<16x128xf32, #tpu.memory_space<vmem>>, vector<16xf32>,
        tpu.vector_store %arg20[%swap3A_494, %swap3A_495], %mul3A_492 {strides = array<i32>} : memref<16x128xf32, #tpu.memory_space<vmem>>, vector<16xf32>,
        %get3A_497 = arith.constant 5 : i32
        %get3A_498 = arith.index_cast %get3A_497 : i32 to index
        %get3A_499 = arith.constant 16 : index
        %get3A_500 = tpu.vector_load %arg19[%get3A_498, %get3A_499] {strides = array<i32>} : memref<16x128xf32, #tpu.memory_space<vmem>>, vector<16xf32>,
        %mul3A_501 = arith.mulf %get3A_500, %gather3A_487 : vector<16xf32>
        %swap3A_502 = arith.constant 5 : i32
        %swap3A_503 = arith.index_cast %swap3A_502 : i32 to index
        %swap3A_504 = arith.constant 16 : index
        %swap3A_505 = tpu.vector_load %arg20[%swap3A_503, %swap3A_504] {strides = array<i32>} : memref<16x128xf32, #tpu.memory_space<vmem>>, vector<16xf32>,
        tpu.vector_store %arg20[%swap3A_503, %swap3A_504], %mul3A_501 {strides = array<i32>} : memref<16x128xf32, #tpu.memory_space<vmem>>, vector<16xf32>,
        %get3A_506 = arith.constant 5 : i32
        %get3A_507 = arith.index_cast %get3A_506 : i32 to index
        %get3A_508 = arith.constant 32 : index
        %get3A_509 = tpu.vector_load %arg19[%get3A_507, %get3A_508] {strides = array<i32>} : memref<16x128xf32, #tpu.memory_space<vmem>>, vector<16xf32>,
        %mul3A_510 = arith.mulf %get3A_509, %gather3A_487 : vector<16xf32>
        %swap3A_511 = arith.constant 5 : i32
        %swap3A_512 = arith.index_cast %swap3A_511 : i32 to index
        %swap3A_513 = arith.constant 32 : index
        %swap3A_514 = tpu.vector_load %arg20[%swap3A_512, %swap3A_513] {strides = array<i32>} : memref<16x128xf32, #tpu.memory_space<vmem>>, vector<16xf32>,
        tpu.vector_store %arg20[%swap3A_512, %swap3A_513], %mul3A_510 {strides = array<i32>} : memref<16x128xf32, #tpu.memory_space<vmem>>, vector<16xf32>,
        %get3A_515 = arith.constant 5 : i32
        %get3A_516 = arith.index_cast %get3A_515 : i32 to index
        %get3A_517 = arith.constant 48 : index
        %get3A_518 = tpu.vector_load %arg19[%get3A_516, %get3A_517] {strides = array<i32>} : memref<16x128xf32, #tpu.memory_space<vmem>>, vector<16xf32>,
        %mul3A_519 = arith.mulf %get3A_518, %gather3A_487 : vector<16xf32>
        %swap3A_520 = arith.constant 5 : i32
        %swap3A_521 = arith.index_cast %swap3A_520 : i32 to index
        %swap3A_522 = arith.constant 48 : index
        %swap3A_523 = tpu.vector_load %arg20[%swap3A_521, %swap3A_522] {strides = array<i32>} : memref<16x128xf32, #tpu.memory_space<vmem>>, vector<16xf32>,
        tpu.vector_store %arg20[%swap3A_521, %swap3A_522], %mul3A_519 {strides = array<i32>} : memref<16x128xf32, #tpu.memory_space<vmem>>, vector<16xf32>,
        %get3A_524 = arith.constant 5 : i32
        %get3A_525 = arith.index_cast %get3A_524 : i32 to index
        %get3A_526 = arith.constant 64 : index
        %get3A_527 = tpu.vector_load %arg19[%get3A_525, %get3A_526] {strides = array<i32>} : memref<16x128xf32, #tpu.memory_space<vmem>>, vector<16xf32>,
        %mul3A_528 = arith.mulf %get3A_527, %gather3A_487 : vector<16xf32>
        %swap3A_529 = arith.constant 5 : i32
        %swap3A_530 = arith.index_cast %swap3A_529 : i32 to index
        %swap3A_531 = arith.constant 64 : index
        %swap3A_532 = tpu.vector_load %arg20[%swap3A_530, %swap3A_531] {strides = array<i32>} : memref<16x128xf32, #tpu.memory_space<vmem>>, vector<16xf32>,
        tpu.vector_store %arg20[%swap3A_530, %swap3A_531], %mul3A_528 {strides = array<i32>} : memref<16x128xf32, #tpu.memory_space<vmem>>, vector<16xf32>,
        %get3A_533 = arith.constant 5 : i32
        %get3A_534 = arith.index_cast %get3A_533 : i32 to index
        %get3A_535 = arith.constant 80 : index
        %get3A_536 = tpu.vector_load %arg19[%get3A_534, %get3A_535] {strides = array<i32>} : memref<16x128xf32, #tpu.memory_space<vmem>>, vector<16xf32>,
        %mul3A_537 = arith.mulf %get3A_536, %gather3A_487 : vector<16xf32>
        %swap3A_538 = arith.constant 5 : i32
        %swap3A_539 = arith.index_cast %swap3A_538 : i32 to index
        %swap3A_540 = arith.constant 80 : index
        %swap3A_541 = tpu.vector_load %arg20[%swap3A_539, %swap3A_540] {strides = array<i32>} : memref<16x128xf32, #tpu.memory_space<vmem>>, vector<16xf32>,
        tpu.vector_store %arg20[%swap3A_539, %swap3A_540], %mul3A_537 {strides = array<i32>} : memref<16x128xf32, #tpu.memory_space<vmem>>, vector<16xf32>,
        %get3A_542 = arith.constant 5 : i32
        %get3A_543 = arith.index_cast %get3A_542 : i32 to index
        %get3A_544 = arith.constant 96 : index
        %get3A_545 = tpu.vector_load %arg19[%get3A_543, %get3A_544] {strides = array<i32>} : memref<16x128xf32, #tpu.memory_space<vmem>>, vector<16xf32>,
        %mul3A_546 = arith.mulf %get3A_545, %gather3A_487 : vector<16xf32>
        %swap3A_547 = arith.constant 5 : i32
        %swap3A_548 = arith.index_cast %swap3A_547 : i32 to index
        %swap3A_549 = arith.constant 96 : index
        %swap3A_550 = tpu.vector_load %arg20[%swap3A_548, %swap3A_549] {strides = array<i32>} : memref<16x128xf32, #tpu.memory_space<vmem>>, vector<16xf32>,
        tpu.vector_store %arg20[%swap3A_548, %swap3A_549], %mul3A_546 {strides = array<i32>} : memref<16x128xf32, #tpu.memory_space<vmem>>, vector<16xf32>,
        %get3A_551 = arith.constant 5 : i32
        %get3A_552 = arith.index_cast %get3A_551 : i32 to index
        %get3A_553 = arith.constant 112 : index
        %get3A_554 = tpu.vector_load %arg19[%get3A_552, %get3A_553] {strides = array<i32>} : memref<16x128xf32, #tpu.memory_space<vmem>>, vector<16xf32>,
        %mul3A_555 = arith.mulf %get3A_554, %gather3A_487 : vector<16xf32>
        %swap3A_556 = arith.constant 5 : i32
        %swap3A_557 = arith.index_cast %swap3A_556 : i32 to index
        %swap3A_558 = arith.constant 112 : index
        %swap3A_559 = tpu.vector_load %arg20[%swap3A_557, %swap3A_558] {strides = array<i32>} : memref<16x128xf32, #tpu.memory_space<vmem>>, vector<16xf32>,
        tpu.vector_store %arg20[%swap3A_557, %swap3A_558], %mul3A_555 {strides = array<i32>} : memref<16x128xf32, #tpu.memory_space<vmem>>, vector<16xf32>,
        %broadcast_in_dim3A_560 = arith.constant 6 : i32
        %broadcast_in_dim3A_561 = vector.broadcast %broadcast_in_dim3A_560 : i32 to vector<16xi32>
        %reshape3A_562 = vector.shape_cast %broadcast_in_dim3A_561 : vector<16xi32> to vector<16x1xi32>
        %gather3A_563 = vector.shape_cast %reshape3A_562 : vector<16x1xi32> to vector<16xi32>
        %gather3A_564 = tpu.dynamic_gather %select_n3A_96[%gather3A_563] in [0] : vector<16xf32>, vector<16xi32> -> vector<16xf32>
        %get3A_565 = arith.constant 6 : i32
        %get3A_566 = arith.index_cast %get3A_565 : i32 to index
        %get3A_567 = arith.constant 0 : index
        %get3A_568 = tpu.vector_load %arg19[%get3A_566, %get3A_567] {strides = array<i32>} : memref<16x128xf32, #tpu.memory_space<vmem>>, vector<16xf32>,
        %mul3A_569 = arith.mulf %get3A_568, %gather3A_564 : vector<16xf32>
        %swap3A_570 = arith.constant 6 : i32
        %swap3A_571 = arith.index_cast %swap3A_570 : i32 to index
        %swap3A_572 = arith.constant 0 : index
        %swap3A_573 = tpu.vector_load %arg20[%swap3A_571, %swap3A_572] {strides = array<i32>} : memref<16x128xf32, #tpu.memory_space<vmem>>, vector<16xf32>,
        tpu.vector_store %arg20[%swap3A_571, %swap3A_572], %mul3A_569 {strides = array<i32>} : memref<16x128xf32, #tpu.memory_space<vmem>>, vector<16xf32>,
        %get3A_574 = arith.constant 6 : i32
        %get3A_575 = arith.index_cast %get3A_574 : i32 to index
        %get3A_576 = arith.constant 16 : index
        %get3A_577 = tpu.vector_load %arg19[%get3A_575, %get3A_576] {strides = array<i32>} : memref<16x128xf32, #tpu.memory_space<vmem>>, vector<16xf32>,
        %mul3A_578 = arith.mulf %get3A_577, %gather3A_564 : vector<16xf32>
        %swap3A_579 = arith.constant 6 : i32
        %swap3A_580 = arith.index_cast %swap3A_579 : i32 to index
        %swap3A_581 = arith.constant 16 : index
        %swap3A_582 = tpu.vector_load %arg20[%swap3A_580, %swap3A_581] {strides = array<i32>} : memref<16x128xf32, #tpu.memory_space<vmem>>, vector<16xf32>,
        tpu.vector_store %arg20[%swap3A_580, %swap3A_581], %mul3A_578 {strides = array<i32>} : memref<16x128xf32, #tpu.memory_space<vmem>>, vector<16xf32>,
        %get3A_583 = arith.constant 6 : i32
        %get3A_584 = arith.index_cast %get3A_583 : i32 to index
        %get3A_585 = arith.constant 32 : index
        %get3A_586 = tpu.vector_load %arg19[%get3A_584, %get3A_585] {strides = array<i32>} : memref<16x128xf32, #tpu.memory_space<vmem>>, vector<16xf32>,
        %mul3A_587 = arith.mulf %get3A_586, %gather3A_564 : vector<16xf32>
        %swap3A_588 = arith.constant 6 : i32
        %swap3A_589 = arith.index_cast %swap3A_588 : i32 to index
        %swap3A_590 = arith.constant 32 : index
        %swap3A_591 = tpu.vector_load %arg20[%swap3A_589, %swap3A_590] {strides = array<i32>} : memref<16x128xf32, #tpu.memory_space<vmem>>, vector<16xf32>,
        tpu.vector_store %arg20[%swap3A_589, %swap3A_590], %mul3A_587 {strides = array<i32>} : memref<16x128xf32, #tpu.memory_space<vmem>>, vector<16xf32>,
        %get3A_592 = arith.constant 6 : i32
        %get3A_593 = arith.index_cast %get3A_592 : i32 to index
        %get3A_594 = arith.constant 48 : index
        %get3A_595 = tpu.vector_load %arg19[%get3A_593, %get3A_594] {strides = array<i32>} : memref<16x128xf32, #tpu.memory_space<vmem>>, vector<16xf32>,
        %mul3A_596 = arith.mulf %get3A_595, %gather3A_564 : vector<16xf32>
        %swap3A_597 = arith.constant 6 : i32
        %swap3A_598 = arith.index_cast %swap3A_597 : i32 to index
        %swap3A_599 = arith.constant 48 : index
        %swap3A_600 = tpu.vector_load %arg20[%swap3A_598, %swap3A_599] {strides = array<i32>} : memref<16x128xf32, #tpu.memory_space<vmem>>, vector<16xf32>,
        tpu.vector_store %arg20[%swap3A_598, %swap3A_599], %mul3A_596 {strides = array<i32>} : memref<16x128xf32, #tpu.memory_space<vmem>>, vector<16xf32>,
        %get3A_601 = arith.constant 6 : i32
        %get3A_602 = arith.index_cast %get3A_601 : i32 to index
        %get3A_603 = arith.constant 64 : index
        %get3A_604 = tpu.vector_load %arg19[%get3A_602, %get3A_603] {strides = array<i32>} : memref<16x128xf32, #tpu.memory_space<vmem>>, vector<16xf32>,
        %mul3A_605 = arith.mulf %get3A_604, %gather3A_564 : vector<16xf32>
        %swap3A_606 = arith.constant 6 : i32
        %swap3A_607 = arith.index_cast %swap3A_606 : i32 to index
        %swap3A_608 = arith.constant 64 : index
        %swap3A_609 = tpu.vector_load %arg20[%swap3A_607, %swap3A_608] {strides = array<i32>} : memref<16x128xf32, #tpu.memory_space<vmem>>, vector<16xf32>,
        tpu.vector_store %arg20[%swap3A_607, %swap3A_608], %mul3A_605 {strides = array<i32>} : memref<16x128xf32, #tpu.memory_space<vmem>>, vector<16xf32>,
        %get3A_610 = arith.constant 6 : i32
        %get3A_611 = arith.index_cast %get3A_610 : i32 to index
        %get3A_612 = arith.constant 80 : index
        %get3A_613 = tpu.vector_load %arg19[%get3A_611, %get3A_612] {strides = array<i32>} : memref<16x128xf32, #tpu.memory_space<vmem>>, vector<16xf32>,
        %mul3A_614 = arith.mulf %get3A_613, %gather3A_564 : vector<16xf32>
        %swap3A_615 = arith.constant 6 : i32
        %swap3A_616 = arith.index_cast %swap3A_615 : i32 to index
        %swap3A_617 = arith.constant 80 : index
        %swap3A_618 = tpu.vector_load %arg20[%swap3A_616, %swap3A_617] {strides = array<i32>} : memref<16x128xf32, #tpu.memory_space<vmem>>, vector<16xf32>,
        tpu.vector_store %arg20[%swap3A_616, %swap3A_617], %mul3A_614 {strides = array<i32>} : memref<16x128xf32, #tpu.memory_space<vmem>>, vector<16xf32>,
        %get3A_619 = arith.constant 6 : i32
        %get3A_620 = arith.index_cast %get3A_619 : i32 to index
        %get3A_621 = arith.constant 96 : index
        %get3A_622 = tpu.vector_load %arg19[%get3A_620, %get3A_621] {strides = array<i32>} : memref<16x128xf32, #tpu.memory_space<vmem>>, vector<16xf32>,
        %mul3A_623 = arith.mulf %get3A_622, %gather3A_564 : vector<16xf32>
        %swap3A_624 = arith.constant 6 : i32
        %swap3A_625 = arith.index_cast %swap3A_624 : i32 to index
        %swap3A_626 = arith.constant 96 : index
        %swap3A_627 = tpu.vector_load %arg20[%swap3A_625, %swap3A_626] {strides = array<i32>} : memref<16x128xf32, #tpu.memory_space<vmem>>, vector<16xf32>,
        tpu.vector_store %arg20[%swap3A_625, %swap3A_626], %mul3A_623 {strides = array<i32>} : memref<16x128xf32, #tpu.memory_space<vmem>>, vector<16xf32>,
        %get3A_628 = arith.constant 6 : i32
        %get3A_629 = arith.index_cast %get3A_628 : i32 to index
        %get3A_630 = arith.constant 112 : index
        %get3A_631 = tpu.vector_load %arg19[%get3A_629, %get3A_630] {strides = array<i32>} : memref<16x128xf32, #tpu.memory_space<vmem>>, vector<16xf32>,
        %mul3A_632 = arith.mulf %get3A_631, %gather3A_564 : vector<16xf32>
        %swap3A_633 = arith.constant 6 : i32
        %swap3A_634 = arith.index_cast %swap3A_633 : i32 to index
        %swap3A_635 = arith.constant 112 : index
        %swap3A_636 = tpu.vector_load %arg20[%swap3A_634, %swap3A_635] {strides = array<i32>} : memref<16x128xf32, #tpu.memory_space<vmem>>, vector<16xf32>,
        tpu.vector_store %arg20[%swap3A_634, %swap3A_635], %mul3A_632 {strides = array<i32>} : memref<16x128xf32, #tpu.memory_space<vmem>>, vector<16xf32>,
        %broadcast_in_dim3A_637 = arith.constant 7 : i32
        %broadcast_in_dim3A_638 = vector.broadcast %broadcast_in_dim3A_637 : i32 to vector<16xi32>
        %reshape3A_639 = vector.shape_cast %broadcast_in_dim3A_638 : vector<16xi32> to vector<16x1xi32>
        %gather3A_640 = vector.shape_cast %reshape3A_639 : vector<16x1xi32> to vector<16xi32>
        %gather3A_641 = tpu.dynamic_gather %select_n3A_96[%gather3A_640] in [0] : vector<16xf32>, vector<16xi32> -> vector<16xf32>
        %get3A_642 = arith.constant 7 : i32
        %get3A_643 = arith.index_cast %get3A_642 : i32 to index
        %get3A_644 = arith.constant 0 : index
        %get3A_645 = tpu.vector_load %arg19[%get3A_643, %get3A_644] {strides = array<i32>} : memref<16x128xf32, #tpu.memory_space<vmem>>, vector<16xf32>,
        %mul3A_646 = arith.mulf %get3A_645, %gather3A_641 : vector<16xf32>
        %swap3A_647 = arith.constant 7 : i32
        %swap3A_648 = arith.index_cast %swap3A_647 : i32 to index
        %swap3A_649 = arith.constant 0 : index
        %swap3A_650 = tpu.vector_load %arg20[%swap3A_648, %swap3A_649] {strides = array<i32>} : memref<16x128xf32, #tpu.memory_space<vmem>>, vector<16xf32>,
        tpu.vector_store %arg20[%swap3A_648, %swap3A_649], %mul3A_646 {strides = array<i32>} : memref<16x128xf32, #tpu.memory_space<vmem>>, vector<16xf32>,
        %get3A_651 = arith.constant 7 : i32
        %get3A_652 = arith.index_cast %get3A_651 : i32 to index
        %get3A_653 = arith.constant 16 : index
        %get3A_654 = tpu.vector_load %arg19[%get3A_652, %get3A_653] {strides = array<i32>} : memref<16x128xf32, #tpu.memory_space<vmem>>, vector<16xf32>,
        %mul3A_655 = arith.mulf %get3A_654, %gather3A_641 : vector<16xf32>
        %swap3A_656 = arith.constant 7 : i32
        %swap3A_657 = arith.index_cast %swap3A_656 : i32 to index
        %swap3A_658 = arith.constant 16 : index
        %swap3A_659 = tpu.vector_load %arg20[%swap3A_657, %swap3A_658] {strides = array<i32>} : memref<16x128xf32, #tpu.memory_space<vmem>>, vector<16xf32>,
        tpu.vector_store %arg20[%swap3A_657, %swap3A_658], %mul3A_655 {strides = array<i32>} : memref<16x128xf32, #tpu.memory_space<vmem>>, vector<16xf32>,
        %get3A_660 = arith.constant 7 : i32
        %get3A_661 = arith.index_cast %get3A_660 : i32 to index
        %get3A_662 = arith.constant 32 : index
        %get3A_663 = tpu.vector_load %arg19[%get3A_661, %get3A_662] {strides = array<i32>} : memref<16x128xf32, #tpu.memory_space<vmem>>, vector<16xf32>,
        %mul3A_664 = arith.mulf %get3A_663, %gather3A_641 : vector<16xf32>
        %swap3A_665 = arith.constant 7 : i32
        %swap3A_666 = arith.index_cast %swap3A_665 : i32 to index
        %swap3A_667 = arith.constant 32 : index
        %swap3A_668 = tpu.vector_load %arg20[%swap3A_666, %swap3A_667] {strides = array<i32>} : memref<16x128xf32, #tpu.memory_space<vmem>>, vector<16xf32>,
        tpu.vector_store %arg20[%swap3A_666, %swap3A_667], %mul3A_664 {strides = array<i32>} : memref<16x128xf32, #tpu.memory_space<vmem>>, vector<16xf32>,
        %get3A_669 = arith.constant 7 : i32
        %get3A_670 = arith.index_cast %get3A_669 : i32 to index
        %get3A_671 = arith.constant 48 : index
        %get3A_672 = tpu.vector_load %arg19[%get3A_670, %get3A_671] {strides = array<i32>} : memref<16x128xf32, #tpu.memory_space<vmem>>, vector<16xf32>,
        %mul3A_673 = arith.mulf %get3A_672, %gather3A_641 : vector<16xf32>
        %swap3A_674 = arith.constant 7 : i32
        %swap3A_675 = arith.index_cast %swap3A_674 : i32 to index
        %swap3A_676 = arith.constant 48 : index
        %swap3A_677 = tpu.vector_load %arg20[%swap3A_675, %swap3A_676] {strides = array<i32>} : memref<16x128xf32, #tpu.memory_space<vmem>>, vector<16xf32>,
        tpu.vector_store %arg20[%swap3A_675, %swap3A_676], %mul3A_673 {strides = array<i32>} : memref<16x128xf32, #tpu.memory_space<vmem>>, vector<16xf32>,
        %get3A_678 = arith.constant 7 : i32
        %get3A_679 = arith.index_cast %get3A_678 : i32 to index
        %get3A_680 = arith.constant 64 : index
        %get3A_681 = tpu.vector_load %arg19[%get3A_679, %get3A_680] {strides = array<i32>} : memref<16x128xf32, #tpu.memory_space<vmem>>, vector<16xf32>,
        %mul3A_682 = arith.mulf %get3A_681, %gather3A_641 : vector<16xf32>
        %swap3A_683 = arith.constant 7 : i32
        %swap3A_684 = arith.index_cast %swap3A_683 : i32 to index
        %swap3A_685 = arith.constant 64 : index
        %swap3A_686 = tpu.vector_load %arg20[%swap3A_684, %swap3A_685] {strides = array<i32>} : memref<16x128xf32, #tpu.memory_space<vmem>>, vector<16xf32>,
        tpu.vector_store %arg20[%swap3A_684, %swap3A_685], %mul3A_682 {strides = array<i32>} : memref<16x128xf32, #tpu.memory_space<vmem>>, vector<16xf32>,
        %get3A_687 = arith.constant 7 : i32
        %get3A_688 = arith.index_cast %get3A_687 : i32 to index
        %get3A_689 = arith.constant 80 : index
        %get3A_690 = tpu.vector_load %arg19[%get3A_688, %get3A_689] {strides = array<i32>} : memref<16x128xf32, #tpu.memory_space<vmem>>, vector<16xf32>,
        %mul3A_691 = arith.mulf %get3A_690, %gather3A_641 : vector<16xf32>
        %swap3A_692 = arith.constant 7 : i32
        %swap3A_693 = arith.index_cast %swap3A_692 : i32 to index
        %swap3A_694 = arith.constant 80 : index
        %swap3A_695 = tpu.vector_load %arg20[%swap3A_693, %swap3A_694] {strides = array<i32>} : memref<16x128xf32, #tpu.memory_space<vmem>>, vector<16xf32>,
        tpu.vector_store %arg20[%swap3A_693, %swap3A_694], %mul3A_691 {strides = array<i32>} : memref<16x128xf32, #tpu.memory_space<vmem>>, vector<16xf32>,
        %get3A_696 = arith.constant 7 : i32
        %get3A_697 = arith.index_cast %get3A_696 : i32 to index
        %get3A_698 = arith.constant 96 : index
        %get3A_699 = tpu.vector_load %arg19[%get3A_697, %get3A_698] {strides = array<i32>} : memref<16x128xf32, #tpu.memory_space<vmem>>, vector<16xf32>,
        %mul3A_700 = arith.mulf %get3A_699, %gather3A_641 : vector<16xf32>
        %swap3A_701 = arith.constant 7 : i32
        %swap3A_702 = arith.index_cast %swap3A_701 : i32 to index
        %swap3A_703 = arith.constant 96 : index
        %swap3A_704 = tpu.vector_load %arg20[%swap3A_702, %swap3A_703] {strides = array<i32>} : memref<16x128xf32, #tpu.memory_space<vmem>>, vector<16xf32>,
        tpu.vector_store %arg20[%swap3A_702, %swap3A_703], %mul3A_700 {strides = array<i32>} : memref<16x128xf32, #tpu.memory_space<vmem>>, vector<16xf32>,
        %get3A_705 = arith.constant 7 : i32
        %get3A_706 = arith.index_cast %get3A_705 : i32 to index
        %get3A_707 = arith.constant 112 : index
        %get3A_708 = tpu.vector_load %arg19[%get3A_706, %get3A_707] {strides = array<i32>} : memref<16x128xf32, #tpu.memory_space<vmem>>, vector<16xf32>,
        %mul3A_709 = arith.mulf %get3A_708, %gather3A_641 : vector<16xf32>
        %swap3A_710 = arith.constant 7 : i32
        %swap3A_711 = arith.index_cast %swap3A_710 : i32 to index
        %swap3A_712 = arith.constant 112 : index
        %swap3A_713 = tpu.vector_load %arg20[%swap3A_711, %swap3A_712] {strides = array<i32>} : memref<16x128xf32, #tpu.memory_space<vmem>>, vector<16xf32>,
        tpu.vector_store %arg20[%swap3A_711, %swap3A_712], %mul3A_709 {strides = array<i32>} : memref<16x128xf32, #tpu.memory_space<vmem>>, vector<16xf32>,
        %broadcast_in_dim3A_714 = arith.constant 8 : i32
        %broadcast_in_dim3A_715 = vector.broadcast %broadcast_in_dim3A_714 : i32 to vector<16xi32>
        %reshape3A_716 = vector.shape_cast %broadcast_in_dim3A_715 : vector<16xi32> to vector<16x1xi32>
        %gather3A_717 = vector.shape_cast %reshape3A_716 : vector<16x1xi32> to vector<16xi32>
        %gather3A_718 = tpu.dynamic_gather %select_n3A_96[%gather3A_717] in [0] : vector<16xf32>, vector<16xi32> -> vector<16xf32>
        %get3A_719 = arith.constant 8 : i32
        %get3A_720 = arith.index_cast %get3A_719 : i32 to index
        %get3A_721 = arith.constant 0 : index
        %get3A_722 = tpu.vector_load %arg19[%get3A_720, %get3A_721] {strides = array<i32>} : memref<16x128xf32, #tpu.memory_space<vmem>>, vector<16xf32>,
        %mul3A_723 = arith.mulf %get3A_722, %gather3A_718 : vector<16xf32>
        %swap3A_724 = arith.constant 8 : i32
        %swap3A_725 = arith.index_cast %swap3A_724 : i32 to index
        %swap3A_726 = arith.constant 0 : index
        %swap3A_727 = tpu.vector_load %arg20[%swap3A_725, %swap3A_726] {strides = array<i32>} : memref<16x128xf32, #tpu.memory_space<vmem>>, vector<16xf32>,
        tpu.vector_store %arg20[%swap3A_725, %swap3A_726], %mul3A_723 {strides = array<i32>} : memref<16x128xf32, #tpu.memory_space<vmem>>, vector<16xf32>,
        %get3A_728 = arith.constant 8 : i32
        %get3A_729 = arith.index_cast %get3A_728 : i32 to index
        %get3A_730 = arith.constant 16 : index
        %get3A_731 = tpu.vector_load %arg19[%get3A_729, %get3A_730] {strides = array<i32>} : memref<16x128xf32, #tpu.memory_space<vmem>>, vector<16xf32>,
        %mul3A_732 = arith.mulf %get3A_731, %gather3A_718 : vector<16xf32>
        %swap3A_733 = arith.constant 8 : i32
        %swap3A_734 = arith.index_cast %swap3A_733 : i32 to index
        %swap3A_735 = arith.constant 16 : index
        %swap3A_736 = tpu.vector_load %arg20[%swap3A_734, %swap3A_735] {strides = array<i32>} : memref<16x128xf32, #tpu.memory_space<vmem>>, vector<16xf32>,
        tpu.vector_store %arg20[%swap3A_734, %swap3A_735], %mul3A_732 {strides = array<i32>} : memref<16x128xf32, #tpu.memory_space<vmem>>, vector<16xf32>,
        %get3A_737 = arith.constant 8 : i32
        %get3A_738 = arith.index_cast %get3A_737 : i32 to index
        %get3A_739 = arith.constant 32 : index
        %get3A_740 = tpu.vector_load %arg19[%get3A_738, %get3A_739] {strides = array<i32>} : memref<16x128xf32, #tpu.memory_space<vmem>>, vector<16xf32>,
        %mul3A_741 = arith.mulf %get3A_740, %gather3A_718 : vector<16xf32>
        %swap3A_742 = arith.constant 8 : i32
        %swap3A_743 = arith.index_cast %swap3A_742 : i32 to index
        %swap3A_744 = arith.constant 32 : index
        %swap3A_745 = tpu.vector_load %arg20[%swap3A_743, %swap3A_744] {strides = array<i32>} : memref<16x128xf32, #tpu.memory_space<vmem>>, vector<16xf32>,
        tpu.vector_store %arg20[%swap3A_743, %swap3A_744], %mul3A_741 {strides = array<i32>} : memref<16x128xf32, #tpu.memory_space<vmem>>, vector<16xf32>,
        %get3A_746 = arith.constant 8 : i32
        %get3A_747 = arith.index_cast %get3A_746 : i32 to index
        %get3A_748 = arith.constant 48 : index
        %get3A_749 = tpu.vector_load %arg19[%get3A_747, %get3A_748] {strides = array<i32>} : memref<16x128xf32, #tpu.memory_space<vmem>>, vector<16xf32>,
        %mul3A_750 = arith.mulf %get3A_749, %gather3A_718 : vector<16xf32>
        %swap3A_751 = arith.constant 8 : i32
        %swap3A_752 = arith.index_cast %swap3A_751 : i32 to index
        %swap3A_753 = arith.constant 48 : index
        %swap3A_754 = tpu.vector_load %arg20[%swap3A_752, %swap3A_753] {strides = array<i32>} : memref<16x128xf32, #tpu.memory_space<vmem>>, vector<16xf32>,
        tpu.vector_store %arg20[%swap3A_752, %swap3A_753], %mul3A_750 {strides = array<i32>} : memref<16x128xf32, #tpu.memory_space<vmem>>, vector<16xf32>,
        %get3A_755 = arith.constant 8 : i32
        %get3A_756 = arith.index_cast %get3A_755 : i32 to index
        %get3A_757 = arith.constant 64 : index
        %get3A_758 = tpu.vector_load %arg19[%get3A_756, %get3A_757] {strides = array<i32>} : memref<16x128xf32, #tpu.memory_space<vmem>>, vector<16xf32>,
        %mul3A_759 = arith.mulf %get3A_758, %gather3A_718 : vector<16xf32>
        %swap3A_760 = arith.constant 8 : i32
        %swap3A_761 = arith.index_cast %swap3A_760 : i32 to index
        %swap3A_762 = arith.constant 64 : index
        %swap3A_763 = tpu.vector_load %arg20[%swap3A_761, %swap3A_762] {strides = array<i32>} : memref<16x128xf32, #tpu.memory_space<vmem>>, vector<16xf32>,
        tpu.vector_store %arg20[%swap3A_761, %swap3A_762], %mul3A_759 {strides = array<i32>} : memref<16x128xf32, #tpu.memory_space<vmem>>, vector<16xf32>,
        %get3A_764 = arith.constant 8 : i32
        %get3A_765 = arith.index_cast %get3A_764 : i32 to index
        %get3A_766 = arith.constant 80 : index
        %get3A_767 = tpu.vector_load %arg19[%get3A_765, %get3A_766] {strides = array<i32>} : memref<16x128xf32, #tpu.memory_space<vmem>>, vector<16xf32>,
        %mul3A_768 = arith.mulf %get3A_767, %gather3A_718 : vector<16xf32>
        %swap3A_769 = arith.constant 8 : i32
        %swap3A_770 = arith.index_cast %swap3A_769 : i32 to index
        %swap3A_771 = arith.constant 80 : index
        %swap3A_772 = tpu.vector_load %arg20[%swap3A_770, %swap3A_771] {strides = array<i32>} : memref<16x128xf32, #tpu.memory_space<vmem>>, vector<16xf32>,
        tpu.vector_store %arg20[%swap3A_770, %swap3A_771], %mul3A_768 {strides = array<i32>} : memref<16x128xf32, #tpu.memory_space<vmem>>, vector<16xf32>,
        %get3A_773 = arith.constant 8 : i32
        %get3A_774 = arith.index_cast %get3A_773 : i32 to index
        %get3A_775 = arith.constant 96 : index
        %get3A_776 = tpu.vector_load %arg19[%get3A_774, %get3A_775] {strides = array<i32>} : memref<16x128xf32, #tpu.memory_space<vmem>>, vector<16xf32>,
        %mul3A_777 = arith.mulf %get3A_776, %gather3A_718 : vector<16xf32>
        %swap3A_778 = arith.constant 8 : i32
        %swap3A_779 = arith.index_cast %swap3A_778 : i32 to index
        %swap3A_780 = arith.constant 96 : index
        %swap3A_781 = tpu.vector_load %arg20[%swap3A_779, %swap3A_780] {strides = array<i32>} : memref<16x128xf32, #tpu.memory_space<vmem>>, vector<16xf32>,
        tpu.vector_store %arg20[%swap3A_779, %swap3A_780], %mul3A_777 {strides = array<i32>} : memref<16x128xf32, #tpu.memory_space<vmem>>, vector<16xf32>,
        %get3A_782 = arith.constant 8 : i32
        %get3A_783 = arith.index_cast %get3A_782 : i32 to index
        %get3A_784 = arith.constant 112 : index
        %get3A_785 = tpu.vector_load %arg19[%get3A_783, %get3A_784] {strides = array<i32>} : memref<16x128xf32, #tpu.memory_space<vmem>>, vector<16xf32>,
        %mul3A_786 = arith.mulf %get3A_785, %gather3A_718 : vector<16xf32>
        %swap3A_787 = arith.constant 8 : i32
        %swap3A_788 = arith.index_cast %swap3A_787 : i32 to index
        %swap3A_789 = arith.constant 112 : index
        %swap3A_790 = tpu.vector_load %arg20[%swap3A_788, %swap3A_789] {strides = array<i32>} : memref<16x128xf32, #tpu.memory_space<vmem>>, vector<16xf32>,
        tpu.vector_store %arg20[%swap3A_788, %swap3A_789], %mul3A_786 {strides = array<i32>} : memref<16x128xf32, #tpu.memory_space<vmem>>, vector<16xf32>,
        %broadcast_in_dim3A_791 = arith.constant 9 : i32
        %broadcast_in_dim3A_792 = vector.broadcast %broadcast_in_dim3A_791 : i32 to vector<16xi32>
        %reshape3A_793 = vector.shape_cast %broadcast_in_dim3A_792 : vector<16xi32> to vector<16x1xi32>
        %gather3A_794 = vector.shape_cast %reshape3A_793 : vector<16x1xi32> to vector<16xi32>
        %gather3A_795 = tpu.dynamic_gather %select_n3A_96[%gather3A_794] in [0] : vector<16xf32>, vector<16xi32> -> vector<16xf32>
        %get3A_796 = arith.constant 9 : i32
        %get3A_797 = arith.index_cast %get3A_796 : i32 to index
        %get3A_798 = arith.constant 0 : index
        %get3A_799 = tpu.vector_load %arg19[%get3A_797, %get3A_798] {strides = array<i32>} : memref<16x128xf32, #tpu.memory_space<vmem>>, vector<16xf32>,
        %mul3A_800 = arith.mulf %get3A_799, %gather3A_795 : vector<16xf32>
        %swap3A_801 = arith.constant 9 : i32
        %swap3A_802 = arith.index_cast %swap3A_801 : i32 to index
        %swap3A_803 = arith.constant 0 : index
        %swap3A_804 = tpu.vector_load %arg20[%swap3A_802, %swap3A_803] {strides = array<i32>} : memref<16x128xf32, #tpu.memory_space<vmem>>, vector<16xf32>,
        tpu.vector_store %arg20[%swap3A_802, %swap3A_803], %mul3A_800 {strides = array<i32>} : memref<16x128xf32, #tpu.memory_space<vmem>>, vector<16xf32>,
        %get3A_805 = arith.constant 9 : i32
        %get3A_806 = arith.index_cast %get3A_805 : i32 to index
        %get3A_807 = arith.constant 16 : index
        %get3A_808 = tpu.vector_load %arg19[%get3A_806, %get3A_807] {strides = array<i32>} : memref<16x128xf32, #tpu.memory_space<vmem>>, vector<16xf32>,
        %mul3A_809 = arith.mulf %get3A_808, %gather3A_795 : vector<16xf32>
        %swap3A_810 = arith.constant 9 : i32
        %swap3A_811 = arith.index_cast %swap3A_810 : i32 to index
        %swap3A_812 = arith.constant 16 : index
        %swap3A_813 = tpu.vector_load %arg20[%swap3A_811, %swap3A_812] {strides = array<i32>} : memref<16x128xf32, #tpu.memory_space<vmem>>, vector<16xf32>,
        tpu.vector_store %arg20[%swap3A_811, %swap3A_812], %mul3A_809 {strides = array<i32>} : memref<16x128xf32, #tpu.memory_space<vmem>>, vector<16xf32>,
        %get3A_814 = arith.constant 9 : i32
        %get3A_815 = arith.index_cast %get3A_814 : i32 to index
        %get3A_816 = arith.constant 32 : index
        %get3A_817 = tpu.vector_load %arg19[%get3A_815, %get3A_816] {strides = array<i32>} : memref<16x128xf32, #tpu.memory_space<vmem>>, vector<16xf32>,
        %mul3A_818 = arith.mulf %get3A_817, %gather3A_795 : vector<16xf32>
        %swap3A_819 = arith.constant 9 : i32
        %swap3A_820 = arith.index_cast %swap3A_819 : i32 to index
        %swap3A_821 = arith.constant 32 : index
        %swap3A_822 = tpu.vector_load %arg20[%swap3A_820, %swap3A_821] {strides = array<i32>} : memref<16x128xf32, #tpu.memory_space<vmem>>, vector<16xf32>,
        tpu.vector_store %arg20[%swap3A_820, %swap3A_821], %mul3A_818 {strides = array<i32>} : memref<16x128xf32, #tpu.memory_space<vmem>>, vector<16xf32>,
        %get3A_823 = arith.constant 9 : i32
        %get3A_824 = arith.index_cast %get3A_823 : i32 to index
        %get3A_825 = arith.constant 48 : index
        %get3A_826 = tpu.vector_load %arg19[%get3A_824, %get3A_825] {strides = array<i32>} : memref<16x128xf32, #tpu.memory_space<vmem>>, vector<16xf32>,
        %mul3A_827 = arith.mulf %get3A_826, %gather3A_795 : vector<16xf32>
        %swap3A_828 = arith.constant 9 : i32
        %swap3A_829 = arith.index_cast %swap3A_828 : i32 to index
        %swap3A_830 = arith.constant 48 : index
        %swap3A_831 = tpu.vector_load %arg20[%swap3A_829, %swap3A_830] {strides = array<i32>} : memref<16x128xf32, #tpu.memory_space<vmem>>, vector<16xf32>,
        tpu.vector_store %arg20[%swap3A_829, %swap3A_830], %mul3A_827 {strides = array<i32>} : memref<16x128xf32, #tpu.memory_space<vmem>>, vector<16xf32>,
        %get3A_832 = arith.constant 9 : i32
        %get3A_833 = arith.index_cast %get3A_832 : i32 to index
        %get3A_834 = arith.constant 64 : index
        %get3A_835 = tpu.vector_load %arg19[%get3A_833, %get3A_834] {strides = array<i32>} : memref<16x128xf32, #tpu.memory_space<vmem>>, vector<16xf32>,
        %mul3A_836 = arith.mulf %get3A_835, %gather3A_795 : vector<16xf32>
        %swap3A_837 = arith.constant 9 : i32
        %swap3A_838 = arith.index_cast %swap3A_837 : i32 to index
        %swap3A_839 = arith.constant 64 : index
        %swap3A_840 = tpu.vector_load %arg20[%swap3A_838, %swap3A_839] {strides = array<i32>} : memref<16x128xf32, #tpu.memory_space<vmem>>, vector<16xf32>,
        tpu.vector_store %arg20[%swap3A_838, %swap3A_839], %mul3A_836 {strides = array<i32>} : memref<16x128xf32, #tpu.memory_space<vmem>>, vector<16xf32>,
        %get3A_841 = arith.constant 9 : i32
        %get3A_842 = arith.index_cast %get3A_841 : i32 to index
        %get3A_843 = arith.constant 80 : index
        %get3A_844 = tpu.vector_load %arg19[%get3A_842, %get3A_843] {strides = array<i32>} : memref<16x128xf32, #tpu.memory_space<vmem>>, vector<16xf32>,
        %mul3A_845 = arith.mulf %get3A_844, %gather3A_795 : vector<16xf32>
        %swap3A_846 = arith.constant 9 : i32
        %swap3A_847 = arith.index_cast %swap3A_846 : i32 to index
        %swap3A_848 = arith.constant 80 : index
        %swap3A_849 = tpu.vector_load %arg20[%swap3A_847, %swap3A_848] {strides = array<i32>} : memref<16x128xf32, #tpu.memory_space<vmem>>, vector<16xf32>,
        tpu.vector_store %arg20[%swap3A_847, %swap3A_848], %mul3A_845 {strides = array<i32>} : memref<16x128xf32, #tpu.memory_space<vmem>>, vector<16xf32>,
        %get3A_850 = arith.constant 9 : i32
        %get3A_851 = arith.index_cast %get3A_850 : i32 to index
        %get3A_852 = arith.constant 96 : index
        %get3A_853 = tpu.vector_load %arg19[%get3A_851, %get3A_852] {strides = array<i32>} : memref<16x128xf32, #tpu.memory_space<vmem>>, vector<16xf32>,
        %mul3A_854 = arith.mulf %get3A_853, %gather3A_795 : vector<16xf32>
        %swap3A_855 = arith.constant 9 : i32
        %swap3A_856 = arith.index_cast %swap3A_855 : i32 to index
        %swap3A_857 = arith.constant 96 : index
        %swap3A_858 = tpu.vector_load %arg20[%swap3A_856, %swap3A_857] {strides = array<i32>} : memref<16x128xf32, #tpu.memory_space<vmem>>, vector<16xf32>,
        tpu.vector_store %arg20[%swap3A_856, %swap3A_857], %mul3A_854 {strides = array<i32>} : memref<16x128xf32, #tpu.memory_space<vmem>>, vector<16xf32>,
        %get3A_859 = arith.constant 9 : i32
        %get3A_860 = arith.index_cast %get3A_859 : i32 to index
        %get3A_861 = arith.constant 112 : index
        %get3A_862 = tpu.vector_load %arg19[%get3A_860, %get3A_861] {strides = array<i32>} : memref<16x128xf32, #tpu.memory_space<vmem>>, vector<16xf32>,
        %mul3A_863 = arith.mulf %get3A_862, %gather3A_795 : vector<16xf32>
        %swap3A_864 = arith.constant 9 : i32
        %swap3A_865 = arith.index_cast %swap3A_864 : i32 to index
        %swap3A_866 = arith.constant 112 : index
        %swap3A_867 = tpu.vector_load %arg20[%swap3A_865, %swap3A_866] {strides = array<i32>} : memref<16x128xf32, #tpu.memory_space<vmem>>, vector<16xf32>,
        tpu.vector_store %arg20[%swap3A_865, %swap3A_866], %mul3A_863 {strides = array<i32>} : memref<16x128xf32, #tpu.memory_space<vmem>>, vector<16xf32>,
        %broadcast_in_dim3A_868 = arith.constant 10 : i32
        %broadcast_in_dim3A_869 = vector.broadcast %broadcast_in_dim3A_868 : i32 to vector<16xi32>
        %reshape3A_870 = vector.shape_cast %broadcast_in_dim3A_869 : vector<16xi32> to vector<16x1xi32>
        %gather3A_871 = vector.shape_cast %reshape3A_870 : vector<16x1xi32> to vector<16xi32>
        %gather3A_872 = tpu.dynamic_gather %select_n3A_96[%gather3A_871] in [0] : vector<16xf32>, vector<16xi32> -> vector<16xf32>
        %get3A_873 = arith.constant 10 : i32
        %get3A_874 = arith.index_cast %get3A_873 : i32 to index
        %get3A_875 = arith.constant 0 : index
        %get3A_876 = tpu.vector_load %arg19[%get3A_874, %get3A_875] {strides = array<i32>} : memref<16x128xf32, #tpu.memory_space<vmem>>, vector<16xf32>,
        %mul3A_877 = arith.mulf %get3A_876, %gather3A_872 : vector<16xf32>
        %swap3A_878 = arith.constant 10 : i32
        %swap3A_879 = arith.index_cast %swap3A_878 : i32 to index
        %swap3A_880 = arith.constant 0 : index
        %swap3A_881 = tpu.vector_load %arg20[%swap3A_879, %swap3A_880] {strides = array<i32>} : memref<16x128xf32, #tpu.memory_space<vmem>>, vector<16xf32>,
        tpu.vector_store %arg20[%swap3A_879, %swap3A_880], %mul3A_877 {strides = array<i32>} : memref<16x128xf32, #tpu.memory_space<vmem>>, vector<16xf32>,
        %get3A_882 = arith.constant 10 : i32
        %get3A_883 = arith.index_cast %get3A_882 : i32 to index
        %get3A_884 = arith.constant 16 : index
        %get3A_885 = tpu.vector_load %arg19[%get3A_883, %get3A_884] {strides = array<i32>} : memref<16x128xf32, #tpu.memory_space<vmem>>, vector<16xf32>,
        %mul3A_886 = arith.mulf %get3A_885, %gather3A_872 : vector<16xf32>
        %swap3A_887 = arith.constant 10 : i32
        %swap3A_888 = arith.index_cast %swap3A_887 : i32 to index
        %swap3A_889 = arith.constant 16 : index
        %swap3A_890 = tpu.vector_load %arg20[%swap3A_888, %swap3A_889] {strides = array<i32>} : memref<16x128xf32, #tpu.memory_space<vmem>>, vector<16xf32>,
        tpu.vector_store %arg20[%swap3A_888, %swap3A_889], %mul3A_886 {strides = array<i32>} : memref<16x128xf32, #tpu.memory_space<vmem>>, vector<16xf32>,
        %get3A_891 = arith.constant 10 : i32
        %get3A_892 = arith.index_cast %get3A_891 : i32 to index
        %get3A_893 = arith.constant 32 : index
        %get3A_894 = tpu.vector_load %arg19[%get3A_892, %get3A_893] {strides = array<i32>} : memref<16x128xf32, #tpu.memory_space<vmem>>, vector<16xf32>,
        %mul3A_895 = arith.mulf %get3A_894, %gather3A_872 : vector<16xf32>
        %swap3A_896 = arith.constant 10 : i32
        %swap3A_897 = arith.index_cast %swap3A_896 : i32 to index
        %swap3A_898 = arith.constant 32 : index
        %swap3A_899 = tpu.vector_load %arg20[%swap3A_897, %swap3A_898] {strides = array<i32>} : memref<16x128xf32, #tpu.memory_space<vmem>>, vector<16xf32>,
        tpu.vector_store %arg20[%swap3A_897, %swap3A_898], %mul3A_895 {strides = array<i32>} : memref<16x128xf32, #tpu.memory_space<vmem>>, vector<16xf32>,
        %get3A_900 = arith.constant 10 : i32
        %get3A_901 = arith.index_cast %get3A_900 : i32 to index
        %get3A_902 = arith.constant 48 : index
        %get3A_903 = tpu.vector_load %arg19[%get3A_901, %get3A_902] {strides = array<i32>} : memref<16x128xf32, #tpu.memory_space<vmem>>, vector<16xf32>,
        %mul3A_904 = arith.mulf %get3A_903, %gather3A_872 : vector<16xf32>
        %swap3A_905 = arith.constant 10 : i32
        %swap3A_906 = arith.index_cast %swap3A_905 : i32 to index
        %swap3A_907 = arith.constant 48 : index
        %swap3A_908 = tpu.vector_load %arg20[%swap3A_906, %swap3A_907] {strides = array<i32>} : memref<16x128xf32, #tpu.memory_space<vmem>>, vector<16xf32>,
        tpu.vector_store %arg20[%swap3A_906, %swap3A_907], %mul3A_904 {strides = array<i32>} : memref<16x128xf32, #tpu.memory_space<vmem>>, vector<16xf32>,
        %get3A_909 = arith.constant 10 : i32
        %get3A_910 = arith.index_cast %get3A_909 : i32 to index
        %get3A_911 = arith.constant 64 : index
        %get3A_912 = tpu.vector_load %arg19[%get3A_910, %get3A_911] {strides = array<i32>} : memref<16x128xf32, #tpu.memory_space<vmem>>, vector<16xf32>,
        %mul3A_913 = arith.mulf %get3A_912, %gather3A_872 : vector<16xf32>
        %swap3A_914 = arith.constant 10 : i32
        %swap3A_915 = arith.index_cast %swap3A_914 : i32 to index
        %swap3A_916 = arith.constant 64 : index
        %swap3A_917 = tpu.vector_load %arg20[%swap3A_915, %swap3A_916] {strides = array<i32>} : memref<16x128xf32, #tpu.memory_space<vmem>>, vector<16xf32>,
        tpu.vector_store %arg20[%swap3A_915, %swap3A_916], %mul3A_913 {strides = array<i32>} : memref<16x128xf32, #tpu.memory_space<vmem>>, vector<16xf32>,
        %get3A_918 = arith.constant 10 : i32
        %get3A_919 = arith.index_cast %get3A_918 : i32 to index
        %get3A_920 = arith.constant 80 : index
        %get3A_921 = tpu.vector_load %arg19[%get3A_919, %get3A_920] {strides = array<i32>} : memref<16x128xf32, #tpu.memory_space<vmem>>, vector<16xf32>,
        %mul3A_922 = arith.mulf %get3A_921, %gather3A_872 : vector<16xf32>
        %swap3A_923 = arith.constant 10 : i32
        %swap3A_924 = arith.index_cast %swap3A_923 : i32 to index
        %swap3A_925 = arith.constant 80 : index
        %swap3A_926 = tpu.vector_load %arg20[%swap3A_924, %swap3A_925] {strides = array<i32>} : memref<16x128xf32, #tpu.memory_space<vmem>>, vector<16xf32>,
        tpu.vector_store %arg20[%swap3A_924, %swap3A_925], %mul3A_922 {strides = array<i32>} : memref<16x128xf32, #tpu.memory_space<vmem>>, vector<16xf32>,
        %get3A_927 = arith.constant 10 : i32
        %get3A_928 = arith.index_cast %get3A_927 : i32 to index
        %get3A_929 = arith.constant 96 : index
        %get3A_930 = tpu.vector_load %arg19[%get3A_928, %get3A_929] {strides = array<i32>} : memref<16x128xf32, #tpu.memory_space<vmem>>, vector<16xf32>,
        %mul3A_931 = arith.mulf %get3A_930, %gather3A_872 : vector<16xf32>
        %swap3A_932 = arith.constant 10 : i32
        %swap3A_933 = arith.index_cast %swap3A_932 : i32 to index
        %swap3A_934 = arith.constant 96 : index
        %swap3A_935 = tpu.vector_load %arg20[%swap3A_933, %swap3A_934] {strides = array<i32>} : memref<16x128xf32, #tpu.memory_space<vmem>>, vector<16xf32>,
        tpu.vector_store %arg20[%swap3A_933, %swap3A_934], %mul3A_931 {strides = array<i32>} : memref<16x128xf32, #tpu.memory_space<vmem>>, vector<16xf32>,
        %get3A_936 = arith.constant 10 : i32
        %get3A_937 = arith.index_cast %get3A_936 : i32 to index
        %get3A_938 = arith.constant 112 : index
        %get3A_939 = tpu.vector_load %arg19[%get3A_937, %get3A_938] {strides = array<i32>} : memref<16x128xf32, #tpu.memory_space<vmem>>, vector<16xf32>,
        %mul3A_940 = arith.mulf %get3A_939, %gather3A_872 : vector<16xf32>
        %swap3A_941 = arith.constant 10 : i32
        %swap3A_942 = arith.index_cast %swap3A_941 : i32 to index
        %swap3A_943 = arith.constant 112 : index
        %swap3A_944 = tpu.vector_load %arg20[%swap3A_942, %swap3A_943] {strides = array<i32>} : memref<16x128xf32, #tpu.memory_space<vmem>>, vector<16xf32>,
        tpu.vector_store %arg20[%swap3A_942, %swap3A_943], %mul3A_940 {strides = array<i32>} : memref<16x128xf32, #tpu.memory_space<vmem>>, vector<16xf32>,
        %broadcast_in_dim3A_945 = arith.constant 11 : i32
        %broadcast_in_dim3A_946 = vector.broadcast %broadcast_in_dim3A_945 : i32 to vector<16xi32>
        %reshape3A_947 = vector.shape_cast %broadcast_in_dim3A_946 : vector<16xi32> to vector<16x1xi32>
        %gather3A_948 = vector.shape_cast %reshape3A_947 : vector<16x1xi32> to vector<16xi32>
        %gather3A_949 = tpu.dynamic_gather %select_n3A_96[%gather3A_948] in [0] : vector<16xf32>, vector<16xi32> -> vector<16xf32>
        %get3A_950 = arith.constant 11 : i32
        %get3A_951 = arith.index_cast %get3A_950 : i32 to index
        %get3A_952 = arith.constant 0 : index
        %get3A_953 = tpu.vector_load %arg19[%get3A_951, %get3A_952] {strides = array<i32>} : memref<16x128xf32, #tpu.memory_space<vmem>>, vector<16xf32>,
        %mul3A_954 = arith.mulf %get3A_953, %gather3A_949 : vector<16xf32>
        %swap3A_955 = arith.constant 11 : i32
        %swap3A_956 = arith.index_cast %swap3A_955 : i32 to index
        %swap3A_957 = arith.constant 0 : index
        %swap3A_958 = tpu.vector_load %arg20[%swap3A_956, %swap3A_957] {strides = array<i32>} : memref<16x128xf32, #tpu.memory_space<vmem>>, vector<16xf32>,
        tpu.vector_store %arg20[%swap3A_956, %swap3A_957], %mul3A_954 {strides = array<i32>} : memref<16x128xf32, #tpu.memory_space<vmem>>, vector<16xf32>,
        %get3A_959 = arith.constant 11 : i32
        %get3A_960 = arith.index_cast %get3A_959 : i32 to index
        %get3A_961 = arith.constant 16 : index
        %get3A_962 = tpu.vector_load %arg19[%get3A_960, %get3A_961] {strides = array<i32>} : memref<16x128xf32, #tpu.memory_space<vmem>>, vector<16xf32>,
        %mul3A_963 = arith.mulf %get3A_962, %gather3A_949 : vector<16xf32>
        %swap3A_964 = arith.constant 11 : i32
        %swap3A_965 = arith.index_cast %swap3A_964 : i32 to index
        %swap3A_966 = arith.constant 16 : index
        %swap3A_967 = tpu.vector_load %arg20[%swap3A_965, %swap3A_966] {strides = array<i32>} : memref<16x128xf32, #tpu.memory_space<vmem>>, vector<16xf32>,
        tpu.vector_store %arg20[%swap3A_965, %swap3A_966], %mul3A_963 {strides = array<i32>} : memref<16x128xf32, #tpu.memory_space<vmem>>, vector<16xf32>,
        %get3A_968 = arith.constant 11 : i32
        %get3A_969 = arith.index_cast %get3A_968 : i32 to index
        %get3A_970 = arith.constant 32 : index
        %get3A_971 = tpu.vector_load %arg19[%get3A_969, %get3A_970] {strides = array<i32>} : memref<16x128xf32, #tpu.memory_space<vmem>>, vector<16xf32>,
        %mul3A_972 = arith.mulf %get3A_971, %gather3A_949 : vector<16xf32>
        %swap3A_973 = arith.constant 11 : i32
        %swap3A_974 = arith.index_cast %swap3A_973 : i32 to index
        %swap3A_975 = arith.constant 32 : index
        %swap3A_976 = tpu.vector_load %arg20[%swap3A_974, %swap3A_975] {strides = array<i32>} : memref<16x128xf32, #tpu.memory_space<vmem>>, vector<16xf32>,
        tpu.vector_store %arg20[%swap3A_974, %swap3A_975], %mul3A_972 {strides = array<i32>} : memref<16x128xf32, #tpu.memory_space<vmem>>, vector<16xf32>,
        %get3A_977 = arith.constant 11 : i32
        %get3A_978 = arith.index_cast %get3A_977 : i32 to index
        %get3A_979 = arith.constant 48 : index
        %get3A_980 = tpu.vector_load %arg19[%get3A_978, %get3A_979] {strides = array<i32>} : memref<16x128xf32, #tpu.memory_space<vmem>>, vector<16xf32>,
        %mul3A_981 = arith.mulf %get3A_980, %gather3A_949 : vector<16xf32>
        %swap3A_982 = arith.constant 11 : i32
        %swap3A_983 = arith.index_cast %swap3A_982 : i32 to index
        %swap3A_984 = arith.constant 48 : index
        %swap3A_985 = tpu.vector_load %arg20[%swap3A_983, %swap3A_984] {strides = array<i32>} : memref<16x128xf32, #tpu.memory_space<vmem>>, vector<16xf32>,
        tpu.vector_store %arg20[%swap3A_983, %swap3A_984], %mul3A_981 {strides = array<i32>} : memref<16x128xf32, #tpu.memory_space<vmem>>, vector<16xf32>,
        %get3A_986 = arith.constant 11 : i32
        %get3A_987 = arith.index_cast %get3A_986 : i32 to index
        %get3A_988 = arith.constant 64 : index
        %get3A_989 = tpu.vector_load %arg19[%get3A_987, %get3A_988] {strides = array<i32>} : memref<16x128xf32, #tpu.memory_space<vmem>>, vector<16xf32>,
        %mul3A_990 = arith.mulf %get3A_989, %gather3A_949 : vector<16xf32>
        %swap3A_991 = arith.constant 11 : i32
        %swap3A_992 = arith.index_cast %swap3A_991 : i32 to index
        %swap3A_993 = arith.constant 64 : index
        %swap3A_994 = tpu.vector_load %arg20[%swap3A_992, %swap3A_993] {strides = array<i32>} : memref<16x128xf32, #tpu.memory_space<vmem>>, vector<16xf32>,
        tpu.vector_store %arg20[%swap3A_992, %swap3A_993], %mul3A_990 {strides = array<i32>} : memref<16x128xf32, #tpu.memory_space<vmem>>, vector<16xf32>,
        %get3A_995 = arith.constant 11 : i32
        %get3A_996 = arith.index_cast %get3A_995 : i32 to index
        %get3A_997 = arith.constant 80 : index
        %get3A_998 = tpu.vector_load %arg19[%get3A_996, %get3A_997] {strides = array<i32>} : memref<16x128xf32, #tpu.memory_space<vmem>>, vector<16xf32>,
        %mul3A_999 = arith.mulf %get3A_998, %gather3A_949 : vector<16xf32>
        %swap3A_1000 = arith.constant 11 : i32
        %swap3A_1001 = arith.index_cast %swap3A_1000 : i32 to index
        %swap3A_1002 = arith.constant 80 : index
        %swap3A_1003 = tpu.vector_load %arg20[%swap3A_1001, %swap3A_1002] {strides = array<i32>} : memref<16x128xf32, #tpu.memory_space<vmem>>, vector<16xf32>,
        tpu.vector_store %arg20[%swap3A_1001, %swap3A_1002], %mul3A_999 {strides = array<i32>} : memref<16x128xf32, #tpu.memory_space<vmem>>, vector<16xf32>,
        %get3A_1004 = arith.constant 11 : i32
        %get3A_1005 = arith.index_cast %get3A_1004 : i32 to index
        %get3A_1006 = arith.constant 96 : index
        %get3A_1007 = tpu.vector_load %arg19[%get3A_1005, %get3A_1006] {strides = array<i32>} : memref<16x128xf32, #tpu.memory_space<vmem>>, vector<16xf32>,
        %mul3A_1008 = arith.mulf %get3A_1007, %gather3A_949 : vector<16xf32>
        %swap3A_1009 = arith.constant 11 : i32
        %swap3A_1010 = arith.index_cast %swap3A_1009 : i32 to index
        %swap3A_1011 = arith.constant 96 : index
        %swap3A_1012 = tpu.vector_load %arg20[%swap3A_1010, %swap3A_1011] {strides = array<i32>} : memref<16x128xf32, #tpu.memory_space<vmem>>, vector<16xf32>,
        tpu.vector_store %arg20[%swap3A_1010, %swap3A_1011], %mul3A_1008 {strides = array<i32>} : memref<16x128xf32, #tpu.memory_space<vmem>>, vector<16xf32>,
        %get3A_1013 = arith.constant 11 : i32
        %get3A_1014 = arith.index_cast %get3A_1013 : i32 to index
        %get3A_1015 = arith.constant 112 : index
        %get3A_1016 = tpu.vector_load %arg19[%get3A_1014, %get3A_1015] {strides = array<i32>} : memref<16x128xf32, #tpu.memory_space<vmem>>, vector<16xf32>,
        %mul3A_1017 = arith.mulf %get3A_1016, %gather3A_949 : vector<16xf32>
        %swap3A_1018 = arith.constant 11 : i32
        %swap3A_1019 = arith.index_cast %swap3A_1018 : i32 to index
        %swap3A_1020 = arith.constant 112 : index
        %swap3A_1021 = tpu.vector_load %arg20[%swap3A_1019, %swap3A_1020] {strides = array<i32>} : memref<16x128xf32, #tpu.memory_space<vmem>>, vector<16xf32>,
        tpu.vector_store %arg20[%swap3A_1019, %swap3A_1020], %mul3A_1017 {strides = array<i32>} : memref<16x128xf32, #tpu.memory_space<vmem>>, vector<16xf32>,
        %broadcast_in_dim3A_1022 = arith.constant 12 : i32
        %broadcast_in_dim3A_1023 = vector.broadcast %broadcast_in_dim3A_1022 : i32 to vector<16xi32>
        %reshape3A_1024 = vector.shape_cast %broadcast_in_dim3A_1023 : vector<16xi32> to vector<16x1xi32>
        %gather3A_1025 = vector.shape_cast %reshape3A_1024 : vector<16x1xi32> to vector<16xi32>
        %gather3A_1026 = tpu.dynamic_gather %select_n3A_96[%gather3A_1025] in [0] : vector<16xf32>, vector<16xi32> -> vector<16xf32>
        %get3A_1027 = arith.constant 12 : i32
        %get3A_1028 = arith.index_cast %get3A_1027 : i32 to index
        %get3A_1029 = arith.constant 0 : index
        %get3A_1030 = tpu.vector_load %arg19[%get3A_1028, %get3A_1029] {strides = array<i32>} : memref<16x128xf32, #tpu.memory_space<vmem>>, vector<16xf32>,
        %mul3A_1031 = arith.mulf %get3A_1030, %gather3A_1026 : vector<16xf32>
        %swap3A_1032 = arith.constant 12 : i32
        %swap3A_1033 = arith.index_cast %swap3A_1032 : i32 to index
        %swap3A_1034 = arith.constant 0 : index
        %swap3A_1035 = tpu.vector_load %arg20[%swap3A_1033, %swap3A_1034] {strides = array<i32>} : memref<16x128xf32, #tpu.memory_space<vmem>>, vector<16xf32>,
        tpu.vector_store %arg20[%swap3A_1033, %swap3A_1034], %mul3A_1031 {strides = array<i32>} : memref<16x128xf32, #tpu.memory_space<vmem>>, vector<16xf32>,
        %get3A_1036 = arith.constant 12 : i32
        %get3A_1037 = arith.index_cast %get3A_1036 : i32 to index
        %get3A_1038 = arith.constant 16 : index
        %get3A_1039 = tpu.vector_load %arg19[%get3A_1037, %get3A_1038] {strides = array<i32>} : memref<16x128xf32, #tpu.memory_space<vmem>>, vector<16xf32>,
        %mul3A_1040 = arith.mulf %get3A_1039, %gather3A_1026 : vector<16xf32>
        %swap3A_1041 = arith.constant 12 : i32
        %swap3A_1042 = arith.index_cast %swap3A_1041 : i32 to index
        %swap3A_1043 = arith.constant 16 : index
        %swap3A_1044 = tpu.vector_load %arg20[%swap3A_1042, %swap3A_1043] {strides = array<i32>} : memref<16x128xf32, #tpu.memory_space<vmem>>, vector<16xf32>,
        tpu.vector_store %arg20[%swap3A_1042, %swap3A_1043], %mul3A_1040 {strides = array<i32>} : memref<16x128xf32, #tpu.memory_space<vmem>>, vector<16xf32>,
        %get3A_1045 = arith.constant 12 : i32
        %get3A_1046 = arith.index_cast %get3A_1045 : i32 to index
        %get3A_1047 = arith.constant 32 : index
        %get3A_1048 = tpu.vector_load %arg19[%get3A_1046, %get3A_1047] {strides = array<i32>} : memref<16x128xf32, #tpu.memory_space<vmem>>, vector<16xf32>,
        %mul3A_1049 = arith.mulf %get3A_1048, %gather3A_1026 : vector<16xf32>
        %swap3A_1050 = arith.constant 12 : i32
        %swap3A_1051 = arith.index_cast %swap3A_1050 : i32 to index
        %swap3A_1052 = arith.constant 32 : index
        %swap3A_1053 = tpu.vector_load %arg20[%swap3A_1051, %swap3A_1052] {strides = array<i32>} : memref<16x128xf32, #tpu.memory_space<vmem>>, vector<16xf32>,
        tpu.vector_store %arg20[%swap3A_1051, %swap3A_1052], %mul3A_1049 {strides = array<i32>} : memref<16x128xf32, #tpu.memory_space<vmem>>, vector<16xf32>,
        %get3A_1054 = arith.constant 12 : i32
        %get3A_1055 = arith.index_cast %get3A_1054 : i32 to index
        %get3A_1056 = arith.constant 48 : index
        %get3A_1057 = tpu.vector_load %arg19[%get3A_1055, %get3A_1056] {strides = array<i32>} : memref<16x128xf32, #tpu.memory_space<vmem>>, vector<16xf32>,
        %mul3A_1058 = arith.mulf %get3A_1057, %gather3A_1026 : vector<16xf32>
        %swap3A_1059 = arith.constant 12 : i32
        %swap3A_1060 = arith.index_cast %swap3A_1059 : i32 to index
        %swap3A_1061 = arith.constant 48 : index
        %swap3A_1062 = tpu.vector_load %arg20[%swap3A_1060, %swap3A_1061] {strides = array<i32>} : memref<16x128xf32, #tpu.memory_space<vmem>>, vector<16xf32>,
        tpu.vector_store %arg20[%swap3A_1060, %swap3A_1061], %mul3A_1058 {strides = array<i32>} : memref<16x128xf32, #tpu.memory_space<vmem>>, vector<16xf32>,
        %get3A_1063 = arith.constant 12 : i32
        %get3A_1064 = arith.index_cast %get3A_1063 : i32 to index
        %get3A_1065 = arith.constant 64 : index
        %get3A_1066 = tpu.vector_load %arg19[%get3A_1064, %get3A_1065] {strides = array<i32>} : memref<16x128xf32, #tpu.memory_space<vmem>>, vector<16xf32>,
        %mul3A_1067 = arith.mulf %get3A_1066, %gather3A_1026 : vector<16xf32>
        %swap3A_1068 = arith.constant 12 : i32
        %swap3A_1069 = arith.index_cast %swap3A_1068 : i32 to index
        %swap3A_1070 = arith.constant 64 : index
        %swap3A_1071 = tpu.vector_load %arg20[%swap3A_1069, %swap3A_1070] {strides = array<i32>} : memref<16x128xf32, #tpu.memory_space<vmem>>, vector<16xf32>,
        tpu.vector_store %arg20[%swap3A_1069, %swap3A_1070], %mul3A_1067 {strides = array<i32>} : memref<16x128xf32, #tpu.memory_space<vmem>>, vector<16xf32>,
        %get3A_1072 = arith.constant 12 : i32
        %get3A_1073 = arith.index_cast %get3A_1072 : i32 to index
        %get3A_1074 = arith.constant 80 : index
        %get3A_1075 = tpu.vector_load %arg19[%get3A_1073, %get3A_1074] {strides = array<i32>} : memref<16x128xf32, #tpu.memory_space<vmem>>, vector<16xf32>,
        %mul3A_1076 = arith.mulf %get3A_1075, %gather3A_1026 : vector<16xf32>
        %swap3A_1077 = arith.constant 12 : i32
        %swap3A_1078 = arith.index_cast %swap3A_1077 : i32 to index
        %swap3A_1079 = arith.constant 80 : index
        %swap3A_1080 = tpu.vector_load %arg20[%swap3A_1078, %swap3A_1079] {strides = array<i32>} : memref<16x128xf32, #tpu.memory_space<vmem>>, vector<16xf32>,
        tpu.vector_store %arg20[%swap3A_1078, %swap3A_1079], %mul3A_1076 {strides = array<i32>} : memref<16x128xf32, #tpu.memory_space<vmem>>, vector<16xf32>,
        %get3A_1081 = arith.constant 12 : i32
        %get3A_1082 = arith.index_cast %get3A_1081 : i32 to index
        %get3A_1083 = arith.constant 96 : index
        %get3A_1084 = tpu.vector_load %arg19[%get3A_1082, %get3A_1083] {strides = array<i32>} : memref<16x128xf32, #tpu.memory_space<vmem>>, vector<16xf32>,
        %mul3A_1085 = arith.mulf %get3A_1084, %gather3A_1026 : vector<16xf32>
        %swap3A_1086 = arith.constant 12 : i32
        %swap3A_1087 = arith.index_cast %swap3A_1086 : i32 to index
        %swap3A_1088 = arith.constant 96 : index
        %swap3A_1089 = tpu.vector_load %arg20[%swap3A_1087, %swap3A_1088] {strides = array<i32>} : memref<16x128xf32, #tpu.memory_space<vmem>>, vector<16xf32>,
        tpu.vector_store %arg20[%swap3A_1087, %swap3A_1088], %mul3A_1085 {strides = array<i32>} : memref<16x128xf32, #tpu.memory_space<vmem>>, vector<16xf32>,
        %get3A_1090 = arith.constant 12 : i32
        %get3A_1091 = arith.index_cast %get3A_1090 : i32 to index
        %get3A_1092 = arith.constant 112 : index
        %get3A_1093 = tpu.vector_load %arg19[%get3A_1091, %get3A_1092] {strides = array<i32>} : memref<16x128xf32, #tpu.memory_space<vmem>>, vector<16xf32>,
        %mul3A_1094 = arith.mulf %get3A_1093, %gather3A_1026 : vector<16xf32>
        %swap3A_1095 = arith.constant 12 : i32
        %swap3A_1096 = arith.index_cast %swap3A_1095 : i32 to index
        %swap3A_1097 = arith.constant 112 : index
        %swap3A_1098 = tpu.vector_load %arg20[%swap3A_1096, %swap3A_1097] {strides = array<i32>} : memref<16x128xf32, #tpu.memory_space<vmem>>, vector<16xf32>,
        tpu.vector_store %arg20[%swap3A_1096, %swap3A_1097], %mul3A_1094 {strides = array<i32>} : memref<16x128xf32, #tpu.memory_space<vmem>>, vector<16xf32>,
        %broadcast_in_dim3A_1099 = arith.constant 13 : i32
        %broadcast_in_dim3A_1100 = vector.broadcast %broadcast_in_dim3A_1099 : i32 to vector<16xi32>
        %reshape3A_1101 = vector.shape_cast %broadcast_in_dim3A_1100 : vector<16xi32> to vector<16x1xi32>
        %gather3A_1102 = vector.shape_cast %reshape3A_1101 : vector<16x1xi32> to vector<16xi32>
        %gather3A_1103 = tpu.dynamic_gather %select_n3A_96[%gather3A_1102] in [0] : vector<16xf32>, vector<16xi32> -> vector<16xf32>
        %get3A_1104 = arith.constant 13 : i32
        %get3A_1105 = arith.index_cast %get3A_1104 : i32 to index
        %get3A_1106 = arith.constant 0 : index
        %get3A_1107 = tpu.vector_load %arg19[%get3A_1105, %get3A_1106] {strides = array<i32>} : memref<16x128xf32, #tpu.memory_space<vmem>>, vector<16xf32>,
        %mul3A_1108 = arith.mulf %get3A_1107, %gather3A_1103 : vector<16xf32>
        %swap3A_1109 = arith.constant 13 : i32
        %swap3A_1110 = arith.index_cast %swap3A_1109 : i32 to index
        %swap3A_1111 = arith.constant 0 : index
        %swap3A_1112 = tpu.vector_load %arg20[%swap3A_1110, %swap3A_1111] {strides = array<i32>} : memref<16x128xf32, #tpu.memory_space<vmem>>, vector<16xf32>,
        tpu.vector_store %arg20[%swap3A_1110, %swap3A_1111], %mul3A_1108 {strides = array<i32>} : memref<16x128xf32, #tpu.memory_space<vmem>>, vector<16xf32>,
        %get3A_1113 = arith.constant 13 : i32
        %get3A_1114 = arith.index_cast %get3A_1113 : i32 to index
        %get3A_1115 = arith.constant 16 : index
        %get3A_1116 = tpu.vector_load %arg19[%get3A_1114, %get3A_1115] {strides = array<i32>} : memref<16x128xf32, #tpu.memory_space<vmem>>, vector<16xf32>,
        %mul3A_1117 = arith.mulf %get3A_1116, %gather3A_1103 : vector<16xf32>
        %swap3A_1118 = arith.constant 13 : i32
        %swap3A_1119 = arith.index_cast %swap3A_1118 : i32 to index
        %swap3A_1120 = arith.constant 16 : index
        %swap3A_1121 = tpu.vector_load %arg20[%swap3A_1119, %swap3A_1120] {strides = array<i32>} : memref<16x128xf32, #tpu.memory_space<vmem>>, vector<16xf32>,
        tpu.vector_store %arg20[%swap3A_1119, %swap3A_1120], %mul3A_1117 {strides = array<i32>} : memref<16x128xf32, #tpu.memory_space<vmem>>, vector<16xf32>,
        %get3A_1122 = arith.constant 13 : i32
        %get3A_1123 = arith.index_cast %get3A_1122 : i32 to index
        %get3A_1124 = arith.constant 32 : index
        %get3A_1125 = tpu.vector_load %arg19[%get3A_1123, %get3A_1124] {strides = array<i32>} : memref<16x128xf32, #tpu.memory_space<vmem>>, vector<16xf32>,
        %mul3A_1126 = arith.mulf %get3A_1125, %gather3A_1103 : vector<16xf32>
        %swap3A_1127 = arith.constant 13 : i32
        %swap3A_1128 = arith.index_cast %swap3A_1127 : i32 to index
        %swap3A_1129 = arith.constant 32 : index
        %swap3A_1130 = tpu.vector_load %arg20[%swap3A_1128, %swap3A_1129] {strides = array<i32>} : memref<16x128xf32, #tpu.memory_space<vmem>>, vector<16xf32>,
        tpu.vector_store %arg20[%swap3A_1128, %swap3A_1129], %mul3A_1126 {strides = array<i32>} : memref<16x128xf32, #tpu.memory_space<vmem>>, vector<16xf32>,
        %get3A_1131 = arith.constant 13 : i32
        %get3A_1132 = arith.index_cast %get3A_1131 : i32 to index
        %get3A_1133 = arith.constant 48 : index
        %get3A_1134 = tpu.vector_load %arg19[%get3A_1132, %get3A_1133] {strides = array<i32>} : memref<16x128xf32, #tpu.memory_space<vmem>>, vector<16xf32>,
        %mul3A_1135 = arith.mulf %get3A_1134, %gather3A_1103 : vector<16xf32>
        %swap3A_1136 = arith.constant 13 : i32
        %swap3A_1137 = arith.index_cast %swap3A_1136 : i32 to index
        %swap3A_1138 = arith.constant 48 : index
        %swap3A_1139 = tpu.vector_load %arg20[%swap3A_1137, %swap3A_1138] {strides = array<i32>} : memref<16x128xf32, #tpu.memory_space<vmem>>, vector<16xf32>,
        tpu.vector_store %arg20[%swap3A_1137, %swap3A_1138], %mul3A_1135 {strides = array<i32>} : memref<16x128xf32, #tpu.memory_space<vmem>>, vector<16xf32>,
        %get3A_1140 = arith.constant 13 : i32
        %get3A_1141 = arith.index_cast %get3A_1140 : i32 to index
        %get3A_1142 = arith.constant 64 : index
        %get3A_1143 = tpu.vector_load %arg19[%get3A_1141, %get3A_1142] {strides = array<i32>} : memref<16x128xf32, #tpu.memory_space<vmem>>, vector<16xf32>,
        %mul3A_1144 = arith.mulf %get3A_1143, %gather3A_1103 : vector<16xf32>
        %swap3A_1145 = arith.constant 13 : i32
        %swap3A_1146 = arith.index_cast %swap3A_1145 : i32 to index
        %swap3A_1147 = arith.constant 64 : index
        %swap3A_1148 = tpu.vector_load %arg20[%swap3A_1146, %swap3A_1147] {strides = array<i32>} : memref<16x128xf32, #tpu.memory_space<vmem>>, vector<16xf32>,
        tpu.vector_store %arg20[%swap3A_1146, %swap3A_1147], %mul3A_1144 {strides = array<i32>} : memref<16x128xf32, #tpu.memory_space<vmem>>, vector<16xf32>,
        %get3A_1149 = arith.constant 13 : i32
        %get3A_1150 = arith.index_cast %get3A_1149 : i32 to index
        %get3A_1151 = arith.constant 80 : index
        %get3A_1152 = tpu.vector_load %arg19[%get3A_1150, %get3A_1151] {strides = array<i32>} : memref<16x128xf32, #tpu.memory_space<vmem>>, vector<16xf32>,
        %mul3A_1153 = arith.mulf %get3A_1152, %gather3A_1103 : vector<16xf32>
        %swap3A_1154 = arith.constant 13 : i32
        %swap3A_1155 = arith.index_cast %swap3A_1154 : i32 to index
        %swap3A_1156 = arith.constant 80 : index
        %swap3A_1157 = tpu.vector_load %arg20[%swap3A_1155, %swap3A_1156] {strides = array<i32>} : memref<16x128xf32, #tpu.memory_space<vmem>>, vector<16xf32>,
        tpu.vector_store %arg20[%swap3A_1155, %swap3A_1156], %mul3A_1153 {strides = array<i32>} : memref<16x128xf32, #tpu.memory_space<vmem>>, vector<16xf32>,
        %get3A_1158 = arith.constant 13 : i32
        %get3A_1159 = arith.index_cast %get3A_1158 : i32 to index
        %get3A_1160 = arith.constant 96 : index
        %get3A_1161 = tpu.vector_load %arg19[%get3A_1159, %get3A_1160] {strides = array<i32>} : memref<16x128xf32, #tpu.memory_space<vmem>>, vector<16xf32>,
        %mul3A_1162 = arith.mulf %get3A_1161, %gather3A_1103 : vector<16xf32>
        %swap3A_1163 = arith.constant 13 : i32
        %swap3A_1164 = arith.index_cast %swap3A_1163 : i32 to index
        %swap3A_1165 = arith.constant 96 : index
        %swap3A_1166 = tpu.vector_load %arg20[%swap3A_1164, %swap3A_1165] {strides = array<i32>} : memref<16x128xf32, #tpu.memory_space<vmem>>, vector<16xf32>,
        tpu.vector_store %arg20[%swap3A_1164, %swap3A_1165], %mul3A_1162 {strides = array<i32>} : memref<16x128xf32, #tpu.memory_space<vmem>>, vector<16xf32>,
        %get3A_1167 = arith.constant 13 : i32
        %get3A_1168 = arith.index_cast %get3A_1167 : i32 to index
        %get3A_1169 = arith.constant 112 : index
        %get3A_1170 = tpu.vector_load %arg19[%get3A_1168, %get3A_1169] {strides = array<i32>} : memref<16x128xf32, #tpu.memory_space<vmem>>, vector<16xf32>,
        %mul3A_1171 = arith.mulf %get3A_1170, %gather3A_1103 : vector<16xf32>
        %swap3A_1172 = arith.constant 13 : i32
        %swap3A_1173 = arith.index_cast %swap3A_1172 : i32 to index
        %swap3A_1174 = arith.constant 112 : index
        %swap3A_1175 = tpu.vector_load %arg20[%swap3A_1173, %swap3A_1174] {strides = array<i32>} : memref<16x128xf32, #tpu.memory_space<vmem>>, vector<16xf32>,
        tpu.vector_store %arg20[%swap3A_1173, %swap3A_1174], %mul3A_1171 {strides = array<i32>} : memref<16x128xf32, #tpu.memory_space<vmem>>, vector<16xf32>,
        %broadcast_in_dim3A_1176 = arith.constant 14 : i32
        %broadcast_in_dim3A_1177 = vector.broadcast %broadcast_in_dim3A_1176 : i32 to vector<16xi32>
        %reshape3A_1178 = vector.shape_cast %broadcast_in_dim3A_1177 : vector<16xi32> to vector<16x1xi32>
        %gather3A_1179 = vector.shape_cast %reshape3A_1178 : vector<16x1xi32> to vector<16xi32>
        %gather3A_1180 = tpu.dynamic_gather %select_n3A_96[%gather3A_1179] in [0] : vector<16xf32>, vector<16xi32> -> vector<16xf32>
        %get3A_1181 = arith.constant 14 : i32
        %get3A_1182 = arith.index_cast %get3A_1181 : i32 to index
        %get3A_1183 = arith.constant 0 : index
        %get3A_1184 = tpu.vector_load %arg19[%get3A_1182, %get3A_1183] {strides = array<i32>} : memref<16x128xf32, #tpu.memory_space<vmem>>, vector<16xf32>,
        %mul3A_1185 = arith.mulf %get3A_1184, %gather3A_1180 : vector<16xf32>
        %swap3A_1186 = arith.constant 14 : i32
        %swap3A_1187 = arith.index_cast %swap3A_1186 : i32 to index
        %swap3A_1188 = arith.constant 0 : index
        %swap3A_1189 = tpu.vector_load %arg20[%swap3A_1187, %swap3A_1188] {strides = array<i32>} : memref<16x128xf32, #tpu.memory_space<vmem>>, vector<16xf32>,
        tpu.vector_store %arg20[%swap3A_1187, %swap3A_1188], %mul3A_1185 {strides = array<i32>} : memref<16x128xf32, #tpu.memory_space<vmem>>, vector<16xf32>,
        %get3A_1190 = arith.constant 14 : i32
        %get3A_1191 = arith.index_cast %get3A_1190 : i32 to index
        %get3A_1192 = arith.constant 16 : index
        %get3A_1193 = tpu.vector_load %arg19[%get3A_1191, %get3A_1192] {strides = array<i32>} : memref<16x128xf32, #tpu.memory_space<vmem>>, vector<16xf32>,
        %mul3A_1194 = arith.mulf %get3A_1193, %gather3A_1180 : vector<16xf32>
        %swap3A_1195 = arith.constant 14 : i32
        %swap3A_1196 = arith.index_cast %swap3A_1195 : i32 to index
        %swap3A_1197 = arith.constant 16 : index
        %swap3A_1198 = tpu.vector_load %arg20[%swap3A_1196, %swap3A_1197] {strides = array<i32>} : memref<16x128xf32, #tpu.memory_space<vmem>>, vector<16xf32>,
        tpu.vector_store %arg20[%swap3A_1196, %swap3A_1197], %mul3A_1194 {strides = array<i32>} : memref<16x128xf32, #tpu.memory_space<vmem>>, vector<16xf32>,
        %get3A_1199 = arith.constant 14 : i32
        %get3A_1200 = arith.index_cast %get3A_1199 : i32 to index
        %get3A_1201 = arith.constant 32 : index
        %get3A_1202 = tpu.vector_load %arg19[%get3A_1200, %get3A_1201] {strides = array<i32>} : memref<16x128xf32, #tpu.memory_space<vmem>>, vector<16xf32>,
        %mul3A_1203 = arith.mulf %get3A_1202, %gather3A_1180 : vector<16xf32>
        %swap3A_1204 = arith.constant 14 : i32
        %swap3A_1205 = arith.index_cast %swap3A_1204 : i32 to index
        %swap3A_1206 = arith.constant 32 : index
        %swap3A_1207 = tpu.vector_load %arg20[%swap3A_1205, %swap3A_1206] {strides = array<i32>} : memref<16x128xf32, #tpu.memory_space<vmem>>, vector<16xf32>,
        tpu.vector_store %arg20[%swap3A_1205, %swap3A_1206], %mul3A_1203 {strides = array<i32>} : memref<16x128xf32, #tpu.memory_space<vmem>>, vector<16xf32>,
        %get3A_1208 = arith.constant 14 : i32
        %get3A_1209 = arith.index_cast %get3A_1208 : i32 to index
        %get3A_1210 = arith.constant 48 : index
        %get3A_1211 = tpu.vector_load %arg19[%get3A_1209, %get3A_1210] {strides = array<i32>} : memref<16x128xf32, #tpu.memory_space<vmem>>, vector<16xf32>,
        %mul3A_1212 = arith.mulf %get3A_1211, %gather3A_1180 : vector<16xf32>
        %swap3A_1213 = arith.constant 14 : i32
        %swap3A_1214 = arith.index_cast %swap3A_1213 : i32 to index
        %swap3A_1215 = arith.constant 48 : index
        %swap3A_1216 = tpu.vector_load %arg20[%swap3A_1214, %swap3A_1215] {strides = array<i32>} : memref<16x128xf32, #tpu.memory_space<vmem>>, vector<16xf32>,
        tpu.vector_store %arg20[%swap3A_1214, %swap3A_1215], %mul3A_1212 {strides = array<i32>} : memref<16x128xf32, #tpu.memory_space<vmem>>, vector<16xf32>,
        %get3A_1217 = arith.constant 14 : i32
        %get3A_1218 = arith.index_cast %get3A_1217 : i32 to index
        %get3A_1219 = arith.constant 64 : index
        %get3A_1220 = tpu.vector_load %arg19[%get3A_1218, %get3A_1219] {strides = array<i32>} : memref<16x128xf32, #tpu.memory_space<vmem>>, vector<16xf32>,
        %mul3A_1221 = arith.mulf %get3A_1220, %gather3A_1180 : vector<16xf32>
        %swap3A_1222 = arith.constant 14 : i32
        %swap3A_1223 = arith.index_cast %swap3A_1222 : i32 to index
        %swap3A_1224 = arith.constant 64 : index
        %swap3A_1225 = tpu.vector_load %arg20[%swap3A_1223, %swap3A_1224] {strides = array<i32>} : memref<16x128xf32, #tpu.memory_space<vmem>>, vector<16xf32>,
        tpu.vector_store %arg20[%swap3A_1223, %swap3A_1224], %mul3A_1221 {strides = array<i32>} : memref<16x128xf32, #tpu.memory_space<vmem>>, vector<16xf32>,
        %get3A_1226 = arith.constant 14 : i32
        %get3A_1227 = arith.index_cast %get3A_1226 : i32 to index
        %get3A_1228 = arith.constant 80 : index
        %get3A_1229 = tpu.vector_load %arg19[%get3A_1227, %get3A_1228] {strides = array<i32>} : memref<16x128xf32, #tpu.memory_space<vmem>>, vector<16xf32>,
        %mul3A_1230 = arith.mulf %get3A_1229, %gather3A_1180 : vector<16xf32>
        %swap3A_1231 = arith.constant 14 : i32
        %swap3A_1232 = arith.index_cast %swap3A_1231 : i32 to index
        %swap3A_1233 = arith.constant 80 : index
        %swap3A_1234 = tpu.vector_load %arg20[%swap3A_1232, %swap3A_1233] {strides = array<i32>} : memref<16x128xf32, #tpu.memory_space<vmem>>, vector<16xf32>,
        tpu.vector_store %arg20[%swap3A_1232, %swap3A_1233], %mul3A_1230 {strides = array<i32>} : memref<16x128xf32, #tpu.memory_space<vmem>>, vector<16xf32>,
        %get3A_1235 = arith.constant 14 : i32
        %get3A_1236 = arith.index_cast %get3A_1235 : i32 to index
        %get3A_1237 = arith.constant 96 : index
        %get3A_1238 = tpu.vector_load %arg19[%get3A_1236, %get3A_1237] {strides = array<i32>} : memref<16x128xf32, #tpu.memory_space<vmem>>, vector<16xf32>,
        %mul3A_1239 = arith.mulf %get3A_1238, %gather3A_1180 : vector<16xf32>
        %swap3A_1240 = arith.constant 14 : i32
        %swap3A_1241 = arith.index_cast %swap3A_1240 : i32 to index
        %swap3A_1242 = arith.constant 96 : index
        %swap3A_1243 = tpu.vector_load %arg20[%swap3A_1241, %swap3A_1242] {strides = array<i32>} : memref<16x128xf32, #tpu.memory_space<vmem>>, vector<16xf32>,
        tpu.vector_store %arg20[%swap3A_1241, %swap3A_1242], %mul3A_1239 {strides = array<i32>} : memref<16x128xf32, #tpu.memory_space<vmem>>, vector<16xf32>,
        %get3A_1244 = arith.constant 14 : i32
        %get3A_1245 = arith.index_cast %get3A_1244 : i32 to index
        %get3A_1246 = arith.constant 112 : index
        %get3A_1247 = tpu.vector_load %arg19[%get3A_1245, %get3A_1246] {strides = array<i32>} : memref<16x128xf32, #tpu.memory_space<vmem>>, vector<16xf32>,
        %mul3A_1248 = arith.mulf %get3A_1247, %gather3A_1180 : vector<16xf32>
        %swap3A_1249 = arith.constant 14 : i32
        %swap3A_1250 = arith.index_cast %swap3A_1249 : i32 to index
        %swap3A_1251 = arith.constant 112 : index
        %swap3A_1252 = tpu.vector_load %arg20[%swap3A_1250, %swap3A_1251] {strides = array<i32>} : memref<16x128xf32, #tpu.memory_space<vmem>>, vector<16xf32>,
        tpu.vector_store %arg20[%swap3A_1250, %swap3A_1251], %mul3A_1248 {strides = array<i32>} : memref<16x128xf32, #tpu.memory_space<vmem>>, vector<16xf32>,
        %broadcast_in_dim3A_1253 = arith.constant 15 : i32
        %broadcast_in_dim3A_1254 = vector.broadcast %broadcast_in_dim3A_1253 : i32 to vector<16xi32>
        %reshape3A_1255 = vector.shape_cast %broadcast_in_dim3A_1254 : vector<16xi32> to vector<16x1xi32>
        %gather3A_1256 = vector.shape_cast %reshape3A_1255 : vector<16x1xi32> to vector<16xi32>
        %gather3A_1257 = tpu.dynamic_gather %select_n3A_96[%gather3A_1256] in [0] : vector<16xf32>, vector<16xi32> -> vector<16xf32>
        %get3A_1258 = arith.constant 15 : i32
        %get3A_1259 = arith.index_cast %get3A_1258 : i32 to index
        %get3A_1260 = arith.constant 0 : index
        %get3A_1261 = tpu.vector_load %arg19[%get3A_1259, %get3A_1260] {strides = array<i32>} : memref<16x128xf32, #tpu.memory_space<vmem>>, vector<16xf32>,
        %mul3A_1262 = arith.mulf %get3A_1261, %gather3A_1257 : vector<16xf32>
        %swap3A_1263 = arith.constant 15 : i32
        %swap3A_1264 = arith.index_cast %swap3A_1263 : i32 to index
        %swap3A_1265 = arith.constant 0 : index
        %swap3A_1266 = tpu.vector_load %arg20[%swap3A_1264, %swap3A_1265] {strides = array<i32>} : memref<16x128xf32, #tpu.memory_space<vmem>>, vector<16xf32>,
        tpu.vector_store %arg20[%swap3A_1264, %swap3A_1265], %mul3A_1262 {strides = array<i32>} : memref<16x128xf32, #tpu.memory_space<vmem>>, vector<16xf32>,
        %get3A_1267 = arith.constant 15 : i32
        %get3A_1268 = arith.index_cast %get3A_1267 : i32 to index
        %get3A_1269 = arith.constant 16 : index
        %get3A_1270 = tpu.vector_load %arg19[%get3A_1268, %get3A_1269] {strides = array<i32>} : memref<16x128xf32, #tpu.memory_space<vmem>>, vector<16xf32>,
        %mul3A_1271 = arith.mulf %get3A_1270, %gather3A_1257 : vector<16xf32>
        %swap3A_1272 = arith.constant 15 : i32
        %swap3A_1273 = arith.index_cast %swap3A_1272 : i32 to index
        %swap3A_1274 = arith.constant 16 : index
        %swap3A_1275 = tpu.vector_load %arg20[%swap3A_1273, %swap3A_1274] {strides = array<i32>} : memref<16x128xf32, #tpu.memory_space<vmem>>, vector<16xf32>,
        tpu.vector_store %arg20[%swap3A_1273, %swap3A_1274], %mul3A_1271 {strides = array<i32>} : memref<16x128xf32, #tpu.memory_space<vmem>>, vector<16xf32>,
        %get3A_1276 = arith.constant 15 : i32
        %get3A_1277 = arith.index_cast %get3A_1276 : i32 to index
        %get3A_1278 = arith.constant 32 : index
        %get3A_1279 = tpu.vector_load %arg19[%get3A_1277, %get3A_1278] {strides = array<i32>} : memref<16x128xf32, #tpu.memory_space<vmem>>, vector<16xf32>,
        %mul3A_1280 = arith.mulf %get3A_1279, %gather3A_1257 : vector<16xf32>
        %swap3A_1281 = arith.constant 15 : i32
        %swap3A_1282 = arith.index_cast %swap3A_1281 : i32 to index
        %swap3A_1283 = arith.constant 32 : index
        %swap3A_1284 = tpu.vector_load %arg20[%swap3A_1282, %swap3A_1283] {strides = array<i32>} : memref<16x128xf32, #tpu.memory_space<vmem>>, vector<16xf32>,
        tpu.vector_store %arg20[%swap3A_1282, %swap3A_1283], %mul3A_1280 {strides = array<i32>} : memref<16x128xf32, #tpu.memory_space<vmem>>, vector<16xf32>,
        %get3A_1285 = arith.constant 15 : i32
        %get3A_1286 = arith.index_cast %get3A_1285 : i32 to index
        %get3A_1287 = arith.constant 48 : index
        %get3A_1288 = tpu.vector_load %arg19[%get3A_1286, %get3A_1287] {strides = array<i32>} : memref<16x128xf32, #tpu.memory_space<vmem>>, vector<16xf32>,
        %mul3A_1289 = arith.mulf %get3A_1288, %gather3A_1257 : vector<16xf32>
        %swap3A_1290 = arith.constant 15 : i32
        %swap3A_1291 = arith.index_cast %swap3A_1290 : i32 to index
        %swap3A_1292 = arith.constant 48 : index
        %swap3A_1293 = tpu.vector_load %arg20[%swap3A_1291, %swap3A_1292] {strides = array<i32>} : memref<16x128xf32, #tpu.memory_space<vmem>>, vector<16xf32>,
        tpu.vector_store %arg20[%swap3A_1291, %swap3A_1292], %mul3A_1289 {strides = array<i32>} : memref<16x128xf32, #tpu.memory_space<vmem>>, vector<16xf32>,
        %get3A_1294 = arith.constant 15 : i32
        %get3A_1295 = arith.index_cast %get3A_1294 : i32 to index
        %get3A_1296 = arith.constant 64 : index
        %get3A_1297 = tpu.vector_load %arg19[%get3A_1295, %get3A_1296] {strides = array<i32>} : memref<16x128xf32, #tpu.memory_space<vmem>>, vector<16xf32>,
        %mul3A_1298 = arith.mulf %get3A_1297, %gather3A_1257 : vector<16xf32>
        %swap3A_1299 = arith.constant 15 : i32
        %swap3A_1300 = arith.index_cast %swap3A_1299 : i32 to index
        %swap3A_1301 = arith.constant 64 : index
        %swap3A_1302 = tpu.vector_load %arg20[%swap3A_1300, %swap3A_1301] {strides = array<i32>} : memref<16x128xf32, #tpu.memory_space<vmem>>, vector<16xf32>,
        tpu.vector_store %arg20[%swap3A_1300, %swap3A_1301], %mul3A_1298 {strides = array<i32>} : memref<16x128xf32, #tpu.memory_space<vmem>>, vector<16xf32>,
        %get3A_1303 = arith.constant 15 : i32
        %get3A_1304 = arith.index_cast %get3A_1303 : i32 to index
        %get3A_1305 = arith.constant 80 : index
        %get3A_1306 = tpu.vector_load %arg19[%get3A_1304, %get3A_1305] {strides = array<i32>} : memref<16x128xf32, #tpu.memory_space<vmem>>, vector<16xf32>,
        %mul3A_1307 = arith.mulf %get3A_1306, %gather3A_1257 : vector<16xf32>
        %swap3A_1308 = arith.constant 15 : i32
        %swap3A_1309 = arith.index_cast %swap3A_1308 : i32 to index
        %swap3A_1310 = arith.constant 80 : index
        %swap3A_1311 = tpu.vector_load %arg20[%swap3A_1309, %swap3A_1310] {strides = array<i32>} : memref<16x128xf32, #tpu.memory_space<vmem>>, vector<16xf32>,
        tpu.vector_store %arg20[%swap3A_1309, %swap3A_1310], %mul3A_1307 {strides = array<i32>} : memref<16x128xf32, #tpu.memory_space<vmem>>, vector<16xf32>,
        %get3A_1312 = arith.constant 15 : i32
        %get3A_1313 = arith.index_cast %get3A_1312 : i32 to index
        %get3A_1314 = arith.constant 96 : index
        %get3A_1315 = tpu.vector_load %arg19[%get3A_1313, %get3A_1314] {strides = array<i32>} : memref<16x128xf32, #tpu.memory_space<vmem>>, vector<16xf32>,
        %mul3A_1316 = arith.mulf %get3A_1315, %gather3A_1257 : vector<16xf32>
        %swap3A_1317 = arith.constant 15 : i32
        %swap3A_1318 = arith.index_cast %swap3A_1317 : i32 to index
        %swap3A_1319 = arith.constant 96 : index
        %swap3A_1320 = tpu.vector_load %arg20[%swap3A_1318, %swap3A_1319] {strides = array<i32>} : memref<16x128xf32, #tpu.memory_space<vmem>>, vector<16xf32>,
        tpu.vector_store %arg20[%swap3A_1318, %swap3A_1319], %mul3A_1316 {strides = array<i32>} : memref<16x128xf32, #tpu.memory_space<vmem>>, vector<16xf32>,
        %get3A_1321 = arith.constant 15 : i32
        %get3A_1322 = arith.index_cast %get3A_1321 : i32 to index
        %get3A_1323 = arith.constant 112 : index
        %get3A_1324 = tpu.vector_load %arg19[%get3A_1322, %get3A_1323] {strides = array<i32>} : memref<16x128xf32, #tpu.memory_space<vmem>>, vector<16xf32>,
        %mul3A_1325 = arith.mulf %get3A_1324, %gather3A_1257 : vector<16xf32>
        %swap3A_1326 = arith.constant 15 : i32
        %swap3A_1327 = arith.index_cast %swap3A_1326 : i32 to index
        %swap3A_1328 = arith.constant 112 : index
        %swap3A_1329 = tpu.vector_load %arg20[%swap3A_1327, %swap3A_1328] {strides = array<i32>} : memref<16x128xf32, #tpu.memory_space<vmem>>, vector<16xf32>,
        tpu.vector_store %arg20[%swap3A_1327, %swap3A_1328], %mul3A_1325 {strides = array<i32>} : memref<16x128xf32, #tpu.memory_space<vmem>>, vector<16xf32>,
        "tpu.region"() ({
          %run_scoped3A = tpu.sem_alloc : memref<!tpu.dma_semaphore, #tpu.memory_space<semaphore_mem>>
          %dma_start3A_1343 = arith.constant 0 : i32
          %dma_start3A_1344 = arith.constant 0 : i32
          %dma_start3A_1345 = tpu.memref_slice %arg24[%dma_start3A_1343, %dma_start3A_1344] : memref<5120x128xf32, #tpu.memory_space<vmem_shared>> -> memref<5120x128xf32, #tpu.memory_space<vmem_shared>>
          tpu.enqueue_indirect_dma source(%arg20 : memref<16x128xf32, #tpu.memory_space<vmem>>) target(%dma_start3A_1345 : memref<5120x128xf32, #tpu.memory_space<vmem_shared>>) offsets(%select_n3A_93 : vector<16xi32>) semaphore(%run_scoped3A : memref<!tpu.dma_semaphore, #tpu.memory_space<semaphore_mem>>) {add = true}
          %dma_wait3A_1346 = arith.constant 0 : i32
          %dma_wait3A_1347 = arith.constant 0 : i32
          %dma_wait3A_1348 = tpu.memref_slice %arg24[%dma_wait3A_1346, %dma_wait3A_1347] : memref<5120x128xf32, #tpu.memory_space<vmem_shared>> -> memref<5120x128xf32, #tpu.memory_space<vmem_shared>>
          tpu.wait_indirect_dma semaphore(%run_scoped3A : memref<!tpu.dma_semaphore, #tpu.memory_space<semaphore_mem>>) src(%arg20 : memref<16x128xf32, #tpu.memory_space<vmem>>) dst(%dma_wait3A_1348 : memref<5120x128xf32, #tpu.memory_space<vmem_shared>>)
          tpu.yield
        }) : () -> ()
        %eq3A_1330 = arith.constant 0 : i32
        %eq3A_1331 = vector.broadcast %eq3A_1330 : i32 to vector<16xi32>
        %eq3A_1332 = arith.cmpi eq, %get3A_80, %eq3A_1331 : vector<16xi32>
        %and3A_1333 = arith.andi %eq3A_1332, %lt3A_85 : vector<16xi1>
        %jit3A_1334 = arith.constant 0.000000e+00 : f32
        %broadcast_in_dim3A_1335 = vector.broadcast %jit3A_1334 : f32 to vector<16xf32>
        %select_n3A_1336 = arith.select %and3A_1333, %select_n3A_96, %broadcast_in_dim3A_1335 : vector<16xi1>, vector<16xf32>
        %swap3A_1337 = arith.constant 0 : index
        %swap3A_1338 = tpu.vector_load %arg21[%swap3A_1337] {strides = array<i32>} : memref<16xf32, #tpu.memory_space<vmem>>, vector<16xf32>,
        tpu.vector_store %arg21[%swap3A_1337], %select_n3A_1336 {strides = array<i32>} : memref<16xf32, #tpu.memory_space<vmem>>, vector<16xf32>,
        %jit3A_1339 = arith.constant 0 : i32
        %broadcast_in_dim3A_1340 = vector.broadcast %jit3A_1339 : i32 to vector<16xi32>
        %select_n3A_1341 = arith.select %and3A_1333, %select_n3A_88, %broadcast_in_dim3A_1340 : vector<16xi1>, vector<16xi32>
        "tpu.region"() ({
          %run_scoped3A = tpu.sem_alloc : memref<!tpu.dma_semaphore, #tpu.memory_space<semaphore_mem>>
          %dma_start3A_1343 = arith.constant 0 : i32
          %dma_start3A_1344 = tpu.memref_slice %arg25[%dma_start3A_1343] : memref<10240xf32, #tpu.memory_space<vmem_shared>> -> memref<10240xf32, #tpu.memory_space<vmem_shared>>
          tpu.enqueue_indirect_dma source(%arg21 : memref<16xf32, #tpu.memory_space<vmem>>) target(%dma_start3A_1344 : memref<10240xf32, #tpu.memory_space<vmem_shared>>) offsets(%select_n3A_1341 : vector<16xi32>) semaphore(%run_scoped3A : memref<!tpu.dma_semaphore, #tpu.memory_space<semaphore_mem>>) {add = true}
          %dma_wait3A_1345 = arith.constant 0 : i32
          %dma_wait3A_1346 = tpu.memref_slice %arg25[%dma_wait3A_1345] : memref<10240xf32, #tpu.memory_space<vmem_shared>> -> memref<10240xf32, #tpu.memory_space<vmem_shared>>
          tpu.wait_indirect_dma semaphore(%run_scoped3A : memref<!tpu.dma_semaphore, #tpu.memory_space<semaphore_mem>>) src(%arg21 : memref<16xf32, #tpu.memory_space<vmem>>) dst(%dma_wait3A_1346 : memref<10240xf32, #tpu.memory_space<vmem_shared>>)
          tpu.yield
        }) : () -> ()
        %while3A_1342 = arith.constant 0 : i32
        scf.yield %while3A_1342 : i32
      }
      %while3A_71 = arith.constant 1 : i32
      %while3A_72 = scf.for %while3A_74 = %while3A_68 to %while3A_64 step %while3A_71 iter_args(%while3A_75 = %while3A_70) -> (i32)  : i32 {
        %mul3A_76 = arith.constant 16 : i32
        %mul3A_77 = arith.muli %while3A_74, %mul3A_76 : i32
        %get3A = arith.index_cast %mul3A_77 : i32 to index
        %get3A_78 = tpu.vector_load %arg15[%get3A] {strides = array<i32>} : memref<2048xi32, #tpu.memory_space<vmem>>, vector<16xi32>,
        %get3A_79 = arith.index_cast %mul3A_77 : i32 to index
        %get3A_80 = tpu.vector_load %arg16[%get3A_79] {strides = array<i32>} : memref<2048xi32, #tpu.memory_space<vmem>>, vector<16xi32>,
        %get3A_81 = arith.index_cast %mul3A_77 : i32 to index
        %get3A_82 = tpu.vector_load %arg17[%get3A_81] {strides = array<i32>} : memref<2048xf32, #tpu.memory_space<vmem>>, vector<16xf32>,
        %add3A_83 = vector.broadcast %mul3A_77 : i32 to vector<16xi32>
        %add3A_84 = arith.addi %iota3A, %add3A_83 : vector<16xi32>
        %lt3A = vector.broadcast %scan3A_42 : i32 to vector<16xi32>
        %lt3A_85 = arith.cmpi slt, %add3A_84, %lt3A : vector<16xi32>
        %jit3A_86 = arith.constant 0 : i32
        %broadcast_in_dim3A_87 = vector.broadcast %jit3A_86 : i32 to vector<16xi32>
        %select_n3A_88 = arith.select %lt3A_85, %get3A_78, %broadcast_in_dim3A_87 : vector<16xi1>, vector<16xi32>
        %sub3A_89 = vector.broadcast %mul3A_0 : i32 to vector<16xi32>
        %sub3A_90 = arith.subi %get3A_80, %sub3A_89 : vector<16xi32>
        %jit3A_91 = arith.constant 0 : i32
        %broadcast_in_dim3A_92 = vector.broadcast %jit3A_91 : i32 to vector<16xi32>
        %select_n3A_93 = arith.select %lt3A_85, %sub3A_90, %broadcast_in_dim3A_92 : vector<16xi1>, vector<16xi32>
        %jit3A_94 = arith.constant 0.000000e+00 : f32
        %broadcast_in_dim3A_95 = vector.broadcast %jit3A_94 : f32 to vector<16xf32>
        %select_n3A_96 = arith.select %lt3A_85, %get3A_82, %broadcast_in_dim3A_95 : vector<16xi1>, vector<16xf32>
        %dma_start3A = arith.constant 0 : i32
        %dma_start3A_97 = arith.constant 0 : i32
        %dma_start3A_98 = tpu.memref_slice %arg7[%dma_start3A, %dma_start3A_97] : memref<10240x128xf32, #tpu.memory_space<hbm>> -> memref<10240x128xf32, #tpu.memory_space<hbm>>
        tpu.enqueue_indirect_dma source(%dma_start3A_98 : memref<10240x128xf32, #tpu.memory_space<hbm>>) target(%arg19 : memref<16x128xf32, #tpu.memory_space<vmem>>) offsets(%select_n3A_88 : vector<16xi32>) semaphore(%arg26 : memref<!tpu.dma_semaphore, #tpu.memory_space<semaphore_mem>>)
        %dma_wait3A = arith.constant 0 : i32
        %dma_wait3A_99 = arith.constant 0 : i32
        %dma_wait3A_100 = tpu.memref_slice %arg7[%dma_wait3A, %dma_wait3A_99] : memref<10240x128xf32, #tpu.memory_space<hbm>> -> memref<10240x128xf32, #tpu.memory_space<hbm>>
        tpu.wait_indirect_dma semaphore(%arg26 : memref<!tpu.dma_semaphore, #tpu.memory_space<semaphore_mem>>) src(%dma_wait3A_100 : memref<10240x128xf32, #tpu.memory_space<hbm>>) dst(%arg19 : memref<16x128xf32, #tpu.memory_space<vmem>>)
        %broadcast_in_dim3A_101 = arith.constant 0 : i32
        %broadcast_in_dim3A_102 = vector.broadcast %broadcast_in_dim3A_101 : i32 to vector<16xi32>
        %reshape3A = vector.shape_cast %broadcast_in_dim3A_102 : vector<16xi32> to vector<16x1xi32>
        %gather3A = vector.shape_cast %reshape3A : vector<16x1xi32> to vector<16xi32>
        %gather3A_103 = tpu.dynamic_gather %select_n3A_96[%gather3A] in [0] : vector<16xf32>, vector<16xi32> -> vector<16xf32>
        %get3A_104 = arith.constant 0 : i32
        %get3A_105 = arith.index_cast %get3A_104 : i32 to index
        %get3A_106 = arith.constant 0 : index
        %get3A_107 = tpu.vector_load %arg19[%get3A_105, %get3A_106] {strides = array<i32>} : memref<16x128xf32, #tpu.memory_space<vmem>>, vector<16xf32>,
        %mul3A_108 = arith.mulf %get3A_107, %gather3A_103 : vector<16xf32>
        %swap3A = arith.constant 0 : i32
        %swap3A_109 = arith.index_cast %swap3A : i32 to index
        %swap3A_110 = arith.constant 0 : index
        %swap3A_111 = tpu.vector_load %arg20[%swap3A_109, %swap3A_110] {strides = array<i32>} : memref<16x128xf32, #tpu.memory_space<vmem>>, vector<16xf32>,
        tpu.vector_store %arg20[%swap3A_109, %swap3A_110], %mul3A_108 {strides = array<i32>} : memref<16x128xf32, #tpu.memory_space<vmem>>, vector<16xf32>,
        %get3A_112 = arith.constant 0 : i32
        %get3A_113 = arith.index_cast %get3A_112 : i32 to index
        %get3A_114 = arith.constant 16 : index
        %get3A_115 = tpu.vector_load %arg19[%get3A_113, %get3A_114] {strides = array<i32>} : memref<16x128xf32, #tpu.memory_space<vmem>>, vector<16xf32>,
        %mul3A_116 = arith.mulf %get3A_115, %gather3A_103 : vector<16xf32>
        %swap3A_117 = arith.constant 0 : i32
        %swap3A_118 = arith.index_cast %swap3A_117 : i32 to index
        %swap3A_119 = arith.constant 16 : index
        %swap3A_120 = tpu.vector_load %arg20[%swap3A_118, %swap3A_119] {strides = array<i32>} : memref<16x128xf32, #tpu.memory_space<vmem>>, vector<16xf32>,
        tpu.vector_store %arg20[%swap3A_118, %swap3A_119], %mul3A_116 {strides = array<i32>} : memref<16x128xf32, #tpu.memory_space<vmem>>, vector<16xf32>,
        %get3A_121 = arith.constant 0 : i32
        %get3A_122 = arith.index_cast %get3A_121 : i32 to index
        %get3A_123 = arith.constant 32 : index
        %get3A_124 = tpu.vector_load %arg19[%get3A_122, %get3A_123] {strides = array<i32>} : memref<16x128xf32, #tpu.memory_space<vmem>>, vector<16xf32>,
        %mul3A_125 = arith.mulf %get3A_124, %gather3A_103 : vector<16xf32>
        %swap3A_126 = arith.constant 0 : i32
        %swap3A_127 = arith.index_cast %swap3A_126 : i32 to index
        %swap3A_128 = arith.constant 32 : index
        %swap3A_129 = tpu.vector_load %arg20[%swap3A_127, %swap3A_128] {strides = array<i32>} : memref<16x128xf32, #tpu.memory_space<vmem>>, vector<16xf32>,
        tpu.vector_store %arg20[%swap3A_127, %swap3A_128], %mul3A_125 {strides = array<i32>} : memref<16x128xf32, #tpu.memory_space<vmem>>, vector<16xf32>,
        %get3A_130 = arith.constant 0 : i32
        %get3A_131 = arith.index_cast %get3A_130 : i32 to index
        %get3A_132 = arith.constant 48 : index
        %get3A_133 = tpu.vector_load %arg19[%get3A_131, %get3A_132] {strides = array<i32>} : memref<16x128xf32, #tpu.memory_space<vmem>>, vector<16xf32>,
        %mul3A_134 = arith.mulf %get3A_133, %gather3A_103 : vector<16xf32>
        %swap3A_135 = arith.constant 0 : i32
        %swap3A_136 = arith.index_cast %swap3A_135 : i32 to index
        %swap3A_137 = arith.constant 48 : index
        %swap3A_138 = tpu.vector_load %arg20[%swap3A_136, %swap3A_137] {strides = array<i32>} : memref<16x128xf32, #tpu.memory_space<vmem>>, vector<16xf32>,
        tpu.vector_store %arg20[%swap3A_136, %swap3A_137], %mul3A_134 {strides = array<i32>} : memref<16x128xf32, #tpu.memory_space<vmem>>, vector<16xf32>,
        %get3A_139 = arith.constant 0 : i32
        %get3A_140 = arith.index_cast %get3A_139 : i32 to index
        %get3A_141 = arith.constant 64 : index
        %get3A_142 = tpu.vector_load %arg19[%get3A_140, %get3A_141] {strides = array<i32>} : memref<16x128xf32, #tpu.memory_space<vmem>>, vector<16xf32>,
        %mul3A_143 = arith.mulf %get3A_142, %gather3A_103 : vector<16xf32>
        %swap3A_144 = arith.constant 0 : i32
        %swap3A_145 = arith.index_cast %swap3A_144 : i32 to index
        %swap3A_146 = arith.constant 64 : index
        %swap3A_147 = tpu.vector_load %arg20[%swap3A_145, %swap3A_146] {strides = array<i32>} : memref<16x128xf32, #tpu.memory_space<vmem>>, vector<16xf32>,
        tpu.vector_store %arg20[%swap3A_145, %swap3A_146], %mul3A_143 {strides = array<i32>} : memref<16x128xf32, #tpu.memory_space<vmem>>, vector<16xf32>,
        %get3A_148 = arith.constant 0 : i32
        %get3A_149 = arith.index_cast %get3A_148 : i32 to index
        %get3A_150 = arith.constant 80 : index
        %get3A_151 = tpu.vector_load %arg19[%get3A_149, %get3A_150] {strides = array<i32>} : memref<16x128xf32, #tpu.memory_space<vmem>>, vector<16xf32>,
        %mul3A_152 = arith.mulf %get3A_151, %gather3A_103 : vector<16xf32>
        %swap3A_153 = arith.constant 0 : i32
        %swap3A_154 = arith.index_cast %swap3A_153 : i32 to index
        %swap3A_155 = arith.constant 80 : index
        %swap3A_156 = tpu.vector_load %arg20[%swap3A_154, %swap3A_155] {strides = array<i32>} : memref<16x128xf32, #tpu.memory_space<vmem>>, vector<16xf32>,
        tpu.vector_store %arg20[%swap3A_154, %swap3A_155], %mul3A_152 {strides = array<i32>} : memref<16x128xf32, #tpu.memory_space<vmem>>, vector<16xf32>,
        %get3A_157 = arith.constant 0 : i32
        %get3A_158 = arith.index_cast %get3A_157 : i32 to index
        %get3A_159 = arith.constant 96 : index
        %get3A_160 = tpu.vector_load %arg19[%get3A_158, %get3A_159] {strides = array<i32>} : memref<16x128xf32, #tpu.memory_space<vmem>>, vector<16xf32>,
        %mul3A_161 = arith.mulf %get3A_160, %gather3A_103 : vector<16xf32>
        %swap3A_162 = arith.constant 0 : i32
        %swap3A_163 = arith.index_cast %swap3A_162 : i32 to index
        %swap3A_164 = arith.constant 96 : index
        %swap3A_165 = tpu.vector_load %arg20[%swap3A_163, %swap3A_164] {strides = array<i32>} : memref<16x128xf32, #tpu.memory_space<vmem>>, vector<16xf32>,
        tpu.vector_store %arg20[%swap3A_163, %swap3A_164], %mul3A_161 {strides = array<i32>} : memref<16x128xf32, #tpu.memory_space<vmem>>, vector<16xf32>,
        %get3A_166 = arith.constant 0 : i32
        %get3A_167 = arith.index_cast %get3A_166 : i32 to index
        %get3A_168 = arith.constant 112 : index
        %get3A_169 = tpu.vector_load %arg19[%get3A_167, %get3A_168] {strides = array<i32>} : memref<16x128xf32, #tpu.memory_space<vmem>>, vector<16xf32>,
        %mul3A_170 = arith.mulf %get3A_169, %gather3A_103 : vector<16xf32>
        %swap3A_171 = arith.constant 0 : i32
        %swap3A_172 = arith.index_cast %swap3A_171 : i32 to index
        %swap3A_173 = arith.constant 112 : index
        %swap3A_174 = tpu.vector_load %arg20[%swap3A_172, %swap3A_173] {strides = array<i32>} : memref<16x128xf32, #tpu.memory_space<vmem>>, vector<16xf32>,
        tpu.vector_store %arg20[%swap3A_172, %swap3A_173], %mul3A_170 {strides = array<i32>} : memref<16x128xf32, #tpu.memory_space<vmem>>, vector<16xf32>,
        %broadcast_in_dim3A_175 = arith.constant 1 : i32
        %broadcast_in_dim3A_176 = vector.broadcast %broadcast_in_dim3A_175 : i32 to vector<16xi32>
        %reshape3A_177 = vector.shape_cast %broadcast_in_dim3A_176 : vector<16xi32> to vector<16x1xi32>
        %gather3A_178 = vector.shape_cast %reshape3A_177 : vector<16x1xi32> to vector<16xi32>
        %gather3A_179 = tpu.dynamic_gather %select_n3A_96[%gather3A_178] in [0] : vector<16xf32>, vector<16xi32> -> vector<16xf32>
        %get3A_180 = arith.constant 1 : i32
        %get3A_181 = arith.index_cast %get3A_180 : i32 to index
        %get3A_182 = arith.constant 0 : index
        %get3A_183 = tpu.vector_load %arg19[%get3A_181, %get3A_182] {strides = array<i32>} : memref<16x128xf32, #tpu.memory_space<vmem>>, vector<16xf32>,
        %mul3A_184 = arith.mulf %get3A_183, %gather3A_179 : vector<16xf32>
        %swap3A_185 = arith.constant 1 : i32
        %swap3A_186 = arith.index_cast %swap3A_185 : i32 to index
        %swap3A_187 = arith.constant 0 : index
        %swap3A_188 = tpu.vector_load %arg20[%swap3A_186, %swap3A_187] {strides = array<i32>} : memref<16x128xf32, #tpu.memory_space<vmem>>, vector<16xf32>,
        tpu.vector_store %arg20[%swap3A_186, %swap3A_187], %mul3A_184 {strides = array<i32>} : memref<16x128xf32, #tpu.memory_space<vmem>>, vector<16xf32>,
        %get3A_189 = arith.constant 1 : i32
        %get3A_190 = arith.index_cast %get3A_189 : i32 to index
        %get3A_191 = arith.constant 16 : index
        %get3A_192 = tpu.vector_load %arg19[%get3A_190, %get3A_191] {strides = array<i32>} : memref<16x128xf32, #tpu.memory_space<vmem>>, vector<16xf32>,
        %mul3A_193 = arith.mulf %get3A_192, %gather3A_179 : vector<16xf32>
        %swap3A_194 = arith.constant 1 : i32
        %swap3A_195 = arith.index_cast %swap3A_194 : i32 to index
        %swap3A_196 = arith.constant 16 : index
        %swap3A_197 = tpu.vector_load %arg20[%swap3A_195, %swap3A_196] {strides = array<i32>} : memref<16x128xf32, #tpu.memory_space<vmem>>, vector<16xf32>,
        tpu.vector_store %arg20[%swap3A_195, %swap3A_196], %mul3A_193 {strides = array<i32>} : memref<16x128xf32, #tpu.memory_space<vmem>>, vector<16xf32>,
        %get3A_198 = arith.constant 1 : i32
        %get3A_199 = arith.index_cast %get3A_198 : i32 to index
        %get3A_200 = arith.constant 32 : index
        %get3A_201 = tpu.vector_load %arg19[%get3A_199, %get3A_200] {strides = array<i32>} : memref<16x128xf32, #tpu.memory_space<vmem>>, vector<16xf32>,
        %mul3A_202 = arith.mulf %get3A_201, %gather3A_179 : vector<16xf32>
        %swap3A_203 = arith.constant 1 : i32
        %swap3A_204 = arith.index_cast %swap3A_203 : i32 to index
        %swap3A_205 = arith.constant 32 : index
        %swap3A_206 = tpu.vector_load %arg20[%swap3A_204, %swap3A_205] {strides = array<i32>} : memref<16x128xf32, #tpu.memory_space<vmem>>, vector<16xf32>,
        tpu.vector_store %arg20[%swap3A_204, %swap3A_205], %mul3A_202 {strides = array<i32>} : memref<16x128xf32, #tpu.memory_space<vmem>>, vector<16xf32>,
        %get3A_207 = arith.constant 1 : i32
        %get3A_208 = arith.index_cast %get3A_207 : i32 to index
        %get3A_209 = arith.constant 48 : index
        %get3A_210 = tpu.vector_load %arg19[%get3A_208, %get3A_209] {strides = array<i32>} : memref<16x128xf32, #tpu.memory_space<vmem>>, vector<16xf32>,
        %mul3A_211 = arith.mulf %get3A_210, %gather3A_179 : vector<16xf32>
        %swap3A_212 = arith.constant 1 : i32
        %swap3A_213 = arith.index_cast %swap3A_212 : i32 to index
        %swap3A_214 = arith.constant 48 : index
        %swap3A_215 = tpu.vector_load %arg20[%swap3A_213, %swap3A_214] {strides = array<i32>} : memref<16x128xf32, #tpu.memory_space<vmem>>, vector<16xf32>,
        tpu.vector_store %arg20[%swap3A_213, %swap3A_214], %mul3A_211 {strides = array<i32>} : memref<16x128xf32, #tpu.memory_space<vmem>>, vector<16xf32>,
        %get3A_216 = arith.constant 1 : i32
        %get3A_217 = arith.index_cast %get3A_216 : i32 to index
        %get3A_218 = arith.constant 64 : index
        %get3A_219 = tpu.vector_load %arg19[%get3A_217, %get3A_218] {strides = array<i32>} : memref<16x128xf32, #tpu.memory_space<vmem>>, vector<16xf32>,
        %mul3A_220 = arith.mulf %get3A_219, %gather3A_179 : vector<16xf32>
        %swap3A_221 = arith.constant 1 : i32
        %swap3A_222 = arith.index_cast %swap3A_221 : i32 to index
        %swap3A_223 = arith.constant 64 : index
        %swap3A_224 = tpu.vector_load %arg20[%swap3A_222, %swap3A_223] {strides = array<i32>} : memref<16x128xf32, #tpu.memory_space<vmem>>, vector<16xf32>,
        tpu.vector_store %arg20[%swap3A_222, %swap3A_223], %mul3A_220 {strides = array<i32>} : memref<16x128xf32, #tpu.memory_space<vmem>>, vector<16xf32>,
        %get3A_225 = arith.constant 1 : i32
        %get3A_226 = arith.index_cast %get3A_225 : i32 to index
        %get3A_227 = arith.constant 80 : index
        %get3A_228 = tpu.vector_load %arg19[%get3A_226, %get3A_227] {strides = array<i32>} : memref<16x128xf32, #tpu.memory_space<vmem>>, vector<16xf32>,
        %mul3A_229 = arith.mulf %get3A_228, %gather3A_179 : vector<16xf32>
        %swap3A_230 = arith.constant 1 : i32
        %swap3A_231 = arith.index_cast %swap3A_230 : i32 to index
        %swap3A_232 = arith.constant 80 : index
        %swap3A_233 = tpu.vector_load %arg20[%swap3A_231, %swap3A_232] {strides = array<i32>} : memref<16x128xf32, #tpu.memory_space<vmem>>, vector<16xf32>,
        tpu.vector_store %arg20[%swap3A_231, %swap3A_232], %mul3A_229 {strides = array<i32>} : memref<16x128xf32, #tpu.memory_space<vmem>>, vector<16xf32>,
        %get3A_234 = arith.constant 1 : i32
        %get3A_235 = arith.index_cast %get3A_234 : i32 to index
        %get3A_236 = arith.constant 96 : index
        %get3A_237 = tpu.vector_load %arg19[%get3A_235, %get3A_236] {strides = array<i32>} : memref<16x128xf32, #tpu.memory_space<vmem>>, vector<16xf32>,
        %mul3A_238 = arith.mulf %get3A_237, %gather3A_179 : vector<16xf32>
        %swap3A_239 = arith.constant 1 : i32
        %swap3A_240 = arith.index_cast %swap3A_239 : i32 to index
        %swap3A_241 = arith.constant 96 : index
        %swap3A_242 = tpu.vector_load %arg20[%swap3A_240, %swap3A_241] {strides = array<i32>} : memref<16x128xf32, #tpu.memory_space<vmem>>, vector<16xf32>,
        tpu.vector_store %arg20[%swap3A_240, %swap3A_241], %mul3A_238 {strides = array<i32>} : memref<16x128xf32, #tpu.memory_space<vmem>>, vector<16xf32>,
        %get3A_243 = arith.constant 1 : i32
        %get3A_244 = arith.index_cast %get3A_243 : i32 to index
        %get3A_245 = arith.constant 112 : index
        %get3A_246 = tpu.vector_load %arg19[%get3A_244, %get3A_245] {strides = array<i32>} : memref<16x128xf32, #tpu.memory_space<vmem>>, vector<16xf32>,
        %mul3A_247 = arith.mulf %get3A_246, %gather3A_179 : vector<16xf32>
        %swap3A_248 = arith.constant 1 : i32
        %swap3A_249 = arith.index_cast %swap3A_248 : i32 to index
        %swap3A_250 = arith.constant 112 : index
        %swap3A_251 = tpu.vector_load %arg20[%swap3A_249, %swap3A_250] {strides = array<i32>} : memref<16x128xf32, #tpu.memory_space<vmem>>, vector<16xf32>,
        tpu.vector_store %arg20[%swap3A_249, %swap3A_250], %mul3A_247 {strides = array<i32>} : memref<16x128xf32, #tpu.memory_space<vmem>>, vector<16xf32>,
        %broadcast_in_dim3A_252 = arith.constant 2 : i32
        %broadcast_in_dim3A_253 = vector.broadcast %broadcast_in_dim3A_252 : i32 to vector<16xi32>
        %reshape3A_254 = vector.shape_cast %broadcast_in_dim3A_253 : vector<16xi32> to vector<16x1xi32>
        %gather3A_255 = vector.shape_cast %reshape3A_254 : vector<16x1xi32> to vector<16xi32>
        %gather3A_256 = tpu.dynamic_gather %select_n3A_96[%gather3A_255] in [0] : vector<16xf32>, vector<16xi32> -> vector<16xf32>
        %get3A_257 = arith.constant 2 : i32
        %get3A_258 = arith.index_cast %get3A_257 : i32 to index
        %get3A_259 = arith.constant 0 : index
        %get3A_260 = tpu.vector_load %arg19[%get3A_258, %get3A_259] {strides = array<i32>} : memref<16x128xf32, #tpu.memory_space<vmem>>, vector<16xf32>,
        %mul3A_261 = arith.mulf %get3A_260, %gather3A_256 : vector<16xf32>
        %swap3A_262 = arith.constant 2 : i32
        %swap3A_263 = arith.index_cast %swap3A_262 : i32 to index
        %swap3A_264 = arith.constant 0 : index
        %swap3A_265 = tpu.vector_load %arg20[%swap3A_263, %swap3A_264] {strides = array<i32>} : memref<16x128xf32, #tpu.memory_space<vmem>>, vector<16xf32>,
        tpu.vector_store %arg20[%swap3A_263, %swap3A_264], %mul3A_261 {strides = array<i32>} : memref<16x128xf32, #tpu.memory_space<vmem>>, vector<16xf32>,
        %get3A_266 = arith.constant 2 : i32
        %get3A_267 = arith.index_cast %get3A_266 : i32 to index
        %get3A_268 = arith.constant 16 : index
        %get3A_269 = tpu.vector_load %arg19[%get3A_267, %get3A_268] {strides = array<i32>} : memref<16x128xf32, #tpu.memory_space<vmem>>, vector<16xf32>,
        %mul3A_270 = arith.mulf %get3A_269, %gather3A_256 : vector<16xf32>
        %swap3A_271 = arith.constant 2 : i32
        %swap3A_272 = arith.index_cast %swap3A_271 : i32 to index
        %swap3A_273 = arith.constant 16 : index
        %swap3A_274 = tpu.vector_load %arg20[%swap3A_272, %swap3A_273] {strides = array<i32>} : memref<16x128xf32, #tpu.memory_space<vmem>>, vector<16xf32>,
        tpu.vector_store %arg20[%swap3A_272, %swap3A_273], %mul3A_270 {strides = array<i32>} : memref<16x128xf32, #tpu.memory_space<vmem>>, vector<16xf32>,
        %get3A_275 = arith.constant 2 : i32
        %get3A_276 = arith.index_cast %get3A_275 : i32 to index
        %get3A_277 = arith.constant 32 : index
        %get3A_278 = tpu.vector_load %arg19[%get3A_276, %get3A_277] {strides = array<i32>} : memref<16x128xf32, #tpu.memory_space<vmem>>, vector<16xf32>,
        %mul3A_279 = arith.mulf %get3A_278, %gather3A_256 : vector<16xf32>
        %swap3A_280 = arith.constant 2 : i32
        %swap3A_281 = arith.index_cast %swap3A_280 : i32 to index
        %swap3A_282 = arith.constant 32 : index
        %swap3A_283 = tpu.vector_load %arg20[%swap3A_281, %swap3A_282] {strides = array<i32>} : memref<16x128xf32, #tpu.memory_space<vmem>>, vector<16xf32>,
        tpu.vector_store %arg20[%swap3A_281, %swap3A_282], %mul3A_279 {strides = array<i32>} : memref<16x128xf32, #tpu.memory_space<vmem>>, vector<16xf32>,
        %get3A_284 = arith.constant 2 : i32
        %get3A_285 = arith.index_cast %get3A_284 : i32 to index
        %get3A_286 = arith.constant 48 : index
        %get3A_287 = tpu.vector_load %arg19[%get3A_285, %get3A_286] {strides = array<i32>} : memref<16x128xf32, #tpu.memory_space<vmem>>, vector<16xf32>,
        %mul3A_288 = arith.mulf %get3A_287, %gather3A_256 : vector<16xf32>
        %swap3A_289 = arith.constant 2 : i32
        %swap3A_290 = arith.index_cast %swap3A_289 : i32 to index
        %swap3A_291 = arith.constant 48 : index
        %swap3A_292 = tpu.vector_load %arg20[%swap3A_290, %swap3A_291] {strides = array<i32>} : memref<16x128xf32, #tpu.memory_space<vmem>>, vector<16xf32>,
        tpu.vector_store %arg20[%swap3A_290, %swap3A_291], %mul3A_288 {strides = array<i32>} : memref<16x128xf32, #tpu.memory_space<vmem>>, vector<16xf32>,
        %get3A_293 = arith.constant 2 : i32
        %get3A_294 = arith.index_cast %get3A_293 : i32 to index
        %get3A_295 = arith.constant 64 : index
        %get3A_296 = tpu.vector_load %arg19[%get3A_294, %get3A_295] {strides = array<i32>} : memref<16x128xf32, #tpu.memory_space<vmem>>, vector<16xf32>,
        %mul3A_297 = arith.mulf %get3A_296, %gather3A_256 : vector<16xf32>
        %swap3A_298 = arith.constant 2 : i32
        %swap3A_299 = arith.index_cast %swap3A_298 : i32 to index
        %swap3A_300 = arith.constant 64 : index
        %swap3A_301 = tpu.vector_load %arg20[%swap3A_299, %swap3A_300] {strides = array<i32>} : memref<16x128xf32, #tpu.memory_space<vmem>>, vector<16xf32>,
        tpu.vector_store %arg20[%swap3A_299, %swap3A_300], %mul3A_297 {strides = array<i32>} : memref<16x128xf32, #tpu.memory_space<vmem>>, vector<16xf32>,
        %get3A_302 = arith.constant 2 : i32
        %get3A_303 = arith.index_cast %get3A_302 : i32 to index
        %get3A_304 = arith.constant 80 : index
        %get3A_305 = tpu.vector_load %arg19[%get3A_303, %get3A_304] {strides = array<i32>} : memref<16x128xf32, #tpu.memory_space<vmem>>, vector<16xf32>,
        %mul3A_306 = arith.mulf %get3A_305, %gather3A_256 : vector<16xf32>
        %swap3A_307 = arith.constant 2 : i32
        %swap3A_308 = arith.index_cast %swap3A_307 : i32 to index
        %swap3A_309 = arith.constant 80 : index
        %swap3A_310 = tpu.vector_load %arg20[%swap3A_308, %swap3A_309] {strides = array<i32>} : memref<16x128xf32, #tpu.memory_space<vmem>>, vector<16xf32>,
        tpu.vector_store %arg20[%swap3A_308, %swap3A_309], %mul3A_306 {strides = array<i32>} : memref<16x128xf32, #tpu.memory_space<vmem>>, vector<16xf32>,
        %get3A_311 = arith.constant 2 : i32
        %get3A_312 = arith.index_cast %get3A_311 : i32 to index
        %get3A_313 = arith.constant 96 : index
        %get3A_314 = tpu.vector_load %arg19[%get3A_312, %get3A_313] {strides = array<i32>} : memref<16x128xf32, #tpu.memory_space<vmem>>, vector<16xf32>,
        %mul3A_315 = arith.mulf %get3A_314, %gather3A_256 : vector<16xf32>
        %swap3A_316 = arith.constant 2 : i32
        %swap3A_317 = arith.index_cast %swap3A_316 : i32 to index
        %swap3A_318 = arith.constant 96 : index
        %swap3A_319 = tpu.vector_load %arg20[%swap3A_317, %swap3A_318] {strides = array<i32>} : memref<16x128xf32, #tpu.memory_space<vmem>>, vector<16xf32>,
        tpu.vector_store %arg20[%swap3A_317, %swap3A_318], %mul3A_315 {strides = array<i32>} : memref<16x128xf32, #tpu.memory_space<vmem>>, vector<16xf32>,
        %get3A_320 = arith.constant 2 : i32
        %get3A_321 = arith.index_cast %get3A_320 : i32 to index
        %get3A_322 = arith.constant 112 : index
        %get3A_323 = tpu.vector_load %arg19[%get3A_321, %get3A_322] {strides = array<i32>} : memref<16x128xf32, #tpu.memory_space<vmem>>, vector<16xf32>,
        %mul3A_324 = arith.mulf %get3A_323, %gather3A_256 : vector<16xf32>
        %swap3A_325 = arith.constant 2 : i32
        %swap3A_326 = arith.index_cast %swap3A_325 : i32 to index
        %swap3A_327 = arith.constant 112 : index
        %swap3A_328 = tpu.vector_load %arg20[%swap3A_326, %swap3A_327] {strides = array<i32>} : memref<16x128xf32, #tpu.memory_space<vmem>>, vector<16xf32>,
        tpu.vector_store %arg20[%swap3A_326, %swap3A_327], %mul3A_324 {strides = array<i32>} : memref<16x128xf32, #tpu.memory_space<vmem>>, vector<16xf32>,
        %broadcast_in_dim3A_329 = arith.constant 3 : i32
        %broadcast_in_dim3A_330 = vector.broadcast %broadcast_in_dim3A_329 : i32 to vector<16xi32>
        %reshape3A_331 = vector.shape_cast %broadcast_in_dim3A_330 : vector<16xi32> to vector<16x1xi32>
        %gather3A_332 = vector.shape_cast %reshape3A_331 : vector<16x1xi32> to vector<16xi32>
        %gather3A_333 = tpu.dynamic_gather %select_n3A_96[%gather3A_332] in [0] : vector<16xf32>, vector<16xi32> -> vector<16xf32>
        %get3A_334 = arith.constant 3 : i32
        %get3A_335 = arith.index_cast %get3A_334 : i32 to index
        %get3A_336 = arith.constant 0 : index
        %get3A_337 = tpu.vector_load %arg19[%get3A_335, %get3A_336] {strides = array<i32>} : memref<16x128xf32, #tpu.memory_space<vmem>>, vector<16xf32>,
        %mul3A_338 = arith.mulf %get3A_337, %gather3A_333 : vector<16xf32>
        %swap3A_339 = arith.constant 3 : i32
        %swap3A_340 = arith.index_cast %swap3A_339 : i32 to index
        %swap3A_341 = arith.constant 0 : index
        %swap3A_342 = tpu.vector_load %arg20[%swap3A_340, %swap3A_341] {strides = array<i32>} : memref<16x128xf32, #tpu.memory_space<vmem>>, vector<16xf32>,
        tpu.vector_store %arg20[%swap3A_340, %swap3A_341], %mul3A_338 {strides = array<i32>} : memref<16x128xf32, #tpu.memory_space<vmem>>, vector<16xf32>,
        %get3A_343 = arith.constant 3 : i32
        %get3A_344 = arith.index_cast %get3A_343 : i32 to index
        %get3A_345 = arith.constant 16 : index
        %get3A_346 = tpu.vector_load %arg19[%get3A_344, %get3A_345] {strides = array<i32>} : memref<16x128xf32, #tpu.memory_space<vmem>>, vector<16xf32>,
        %mul3A_347 = arith.mulf %get3A_346, %gather3A_333 : vector<16xf32>
        %swap3A_348 = arith.constant 3 : i32
        %swap3A_349 = arith.index_cast %swap3A_348 : i32 to index
        %swap3A_350 = arith.constant 16 : index
        %swap3A_351 = tpu.vector_load %arg20[%swap3A_349, %swap3A_350] {strides = array<i32>} : memref<16x128xf32, #tpu.memory_space<vmem>>, vector<16xf32>,
        tpu.vector_store %arg20[%swap3A_349, %swap3A_350], %mul3A_347 {strides = array<i32>} : memref<16x128xf32, #tpu.memory_space<vmem>>, vector<16xf32>,
        %get3A_352 = arith.constant 3 : i32
        %get3A_353 = arith.index_cast %get3A_352 : i32 to index
        %get3A_354 = arith.constant 32 : index
        %get3A_355 = tpu.vector_load %arg19[%get3A_353, %get3A_354] {strides = array<i32>} : memref<16x128xf32, #tpu.memory_space<vmem>>, vector<16xf32>,
        %mul3A_356 = arith.mulf %get3A_355, %gather3A_333 : vector<16xf32>
        %swap3A_357 = arith.constant 3 : i32
        %swap3A_358 = arith.index_cast %swap3A_357 : i32 to index
        %swap3A_359 = arith.constant 32 : index
        %swap3A_360 = tpu.vector_load %arg20[%swap3A_358, %swap3A_359] {strides = array<i32>} : memref<16x128xf32, #tpu.memory_space<vmem>>, vector<16xf32>,
        tpu.vector_store %arg20[%swap3A_358, %swap3A_359], %mul3A_356 {strides = array<i32>} : memref<16x128xf32, #tpu.memory_space<vmem>>, vector<16xf32>,
        %get3A_361 = arith.constant 3 : i32
        %get3A_362 = arith.index_cast %get3A_361 : i32 to index
        %get3A_363 = arith.constant 48 : index
        %get3A_364 = tpu.vector_load %arg19[%get3A_362, %get3A_363] {strides = array<i32>} : memref<16x128xf32, #tpu.memory_space<vmem>>, vector<16xf32>,
        %mul3A_365 = arith.mulf %get3A_364, %gather3A_333 : vector<16xf32>
        %swap3A_366 = arith.constant 3 : i32
        %swap3A_367 = arith.index_cast %swap3A_366 : i32 to index
        %swap3A_368 = arith.constant 48 : index
        %swap3A_369 = tpu.vector_load %arg20[%swap3A_367, %swap3A_368] {strides = array<i32>} : memref<16x128xf32, #tpu.memory_space<vmem>>, vector<16xf32>,
        tpu.vector_store %arg20[%swap3A_367, %swap3A_368], %mul3A_365 {strides = array<i32>} : memref<16x128xf32, #tpu.memory_space<vmem>>, vector<16xf32>,
        %get3A_370 = arith.constant 3 : i32
        %get3A_371 = arith.index_cast %get3A_370 : i32 to index
        %get3A_372 = arith.constant 64 : index
        %get3A_373 = tpu.vector_load %arg19[%get3A_371, %get3A_372] {strides = array<i32>} : memref<16x128xf32, #tpu.memory_space<vmem>>, vector<16xf32>,
        %mul3A_374 = arith.mulf %get3A_373, %gather3A_333 : vector<16xf32>
        %swap3A_375 = arith.constant 3 : i32
        %swap3A_376 = arith.index_cast %swap3A_375 : i32 to index
        %swap3A_377 = arith.constant 64 : index
        %swap3A_378 = tpu.vector_load %arg20[%swap3A_376, %swap3A_377] {strides = array<i32>} : memref<16x128xf32, #tpu.memory_space<vmem>>, vector<16xf32>,
        tpu.vector_store %arg20[%swap3A_376, %swap3A_377], %mul3A_374 {strides = array<i32>} : memref<16x128xf32, #tpu.memory_space<vmem>>, vector<16xf32>,
        %get3A_379 = arith.constant 3 : i32
        %get3A_380 = arith.index_cast %get3A_379 : i32 to index
        %get3A_381 = arith.constant 80 : index
        %get3A_382 = tpu.vector_load %arg19[%get3A_380, %get3A_381] {strides = array<i32>} : memref<16x128xf32, #tpu.memory_space<vmem>>, vector<16xf32>,
        %mul3A_383 = arith.mulf %get3A_382, %gather3A_333 : vector<16xf32>
        %swap3A_384 = arith.constant 3 : i32
        %swap3A_385 = arith.index_cast %swap3A_384 : i32 to index
        %swap3A_386 = arith.constant 80 : index
        %swap3A_387 = tpu.vector_load %arg20[%swap3A_385, %swap3A_386] {strides = array<i32>} : memref<16x128xf32, #tpu.memory_space<vmem>>, vector<16xf32>,
        tpu.vector_store %arg20[%swap3A_385, %swap3A_386], %mul3A_383 {strides = array<i32>} : memref<16x128xf32, #tpu.memory_space<vmem>>, vector<16xf32>,
        %get3A_388 = arith.constant 3 : i32
        %get3A_389 = arith.index_cast %get3A_388 : i32 to index
        %get3A_390 = arith.constant 96 : index
        %get3A_391 = tpu.vector_load %arg19[%get3A_389, %get3A_390] {strides = array<i32>} : memref<16x128xf32, #tpu.memory_space<vmem>>, vector<16xf32>,
        %mul3A_392 = arith.mulf %get3A_391, %gather3A_333 : vector<16xf32>
        %swap3A_393 = arith.constant 3 : i32
        %swap3A_394 = arith.index_cast %swap3A_393 : i32 to index
        %swap3A_395 = arith.constant 96 : index
        %swap3A_396 = tpu.vector_load %arg20[%swap3A_394, %swap3A_395] {strides = array<i32>} : memref<16x128xf32, #tpu.memory_space<vmem>>, vector<16xf32>,
        tpu.vector_store %arg20[%swap3A_394, %swap3A_395], %mul3A_392 {strides = array<i32>} : memref<16x128xf32, #tpu.memory_space<vmem>>, vector<16xf32>,
        %get3A_397 = arith.constant 3 : i32
        %get3A_398 = arith.index_cast %get3A_397 : i32 to index
        %get3A_399 = arith.constant 112 : index
        %get3A_400 = tpu.vector_load %arg19[%get3A_398, %get3A_399] {strides = array<i32>} : memref<16x128xf32, #tpu.memory_space<vmem>>, vector<16xf32>,
        %mul3A_401 = arith.mulf %get3A_400, %gather3A_333 : vector<16xf32>
        %swap3A_402 = arith.constant 3 : i32
        %swap3A_403 = arith.index_cast %swap3A_402 : i32 to index
        %swap3A_404 = arith.constant 112 : index
        %swap3A_405 = tpu.vector_load %arg20[%swap3A_403, %swap3A_404] {strides = array<i32>} : memref<16x128xf32, #tpu.memory_space<vmem>>, vector<16xf32>,
        tpu.vector_store %arg20[%swap3A_403, %swap3A_404], %mul3A_401 {strides = array<i32>} : memref<16x128xf32, #tpu.memory_space<vmem>>, vector<16xf32>,
        %broadcast_in_dim3A_406 = arith.constant 4 : i32
        %broadcast_in_dim3A_407 = vector.broadcast %broadcast_in_dim3A_406 : i32 to vector<16xi32>
        %reshape3A_408 = vector.shape_cast %broadcast_in_dim3A_407 : vector<16xi32> to vector<16x1xi32>
        %gather3A_409 = vector.shape_cast %reshape3A_408 : vector<16x1xi32> to vector<16xi32>
        %gather3A_410 = tpu.dynamic_gather %select_n3A_96[%gather3A_409] in [0] : vector<16xf32>, vector<16xi32> -> vector<16xf32>
        %get3A_411 = arith.constant 4 : i32
        %get3A_412 = arith.index_cast %get3A_411 : i32 to index
        %get3A_413 = arith.constant 0 : index
        %get3A_414 = tpu.vector_load %arg19[%get3A_412, %get3A_413] {strides = array<i32>} : memref<16x128xf32, #tpu.memory_space<vmem>>, vector<16xf32>,
        %mul3A_415 = arith.mulf %get3A_414, %gather3A_410 : vector<16xf32>
        %swap3A_416 = arith.constant 4 : i32
        %swap3A_417 = arith.index_cast %swap3A_416 : i32 to index
        %swap3A_418 = arith.constant 0 : index
        %swap3A_419 = tpu.vector_load %arg20[%swap3A_417, %swap3A_418] {strides = array<i32>} : memref<16x128xf32, #tpu.memory_space<vmem>>, vector<16xf32>,
        tpu.vector_store %arg20[%swap3A_417, %swap3A_418], %mul3A_415 {strides = array<i32>} : memref<16x128xf32, #tpu.memory_space<vmem>>, vector<16xf32>,
        %get3A_420 = arith.constant 4 : i32
        %get3A_421 = arith.index_cast %get3A_420 : i32 to index
        %get3A_422 = arith.constant 16 : index
        %get3A_423 = tpu.vector_load %arg19[%get3A_421, %get3A_422] {strides = array<i32>} : memref<16x128xf32, #tpu.memory_space<vmem>>, vector<16xf32>,
        %mul3A_424 = arith.mulf %get3A_423, %gather3A_410 : vector<16xf32>
        %swap3A_425 = arith.constant 4 : i32
        %swap3A_426 = arith.index_cast %swap3A_425 : i32 to index
        %swap3A_427 = arith.constant 16 : index
        %swap3A_428 = tpu.vector_load %arg20[%swap3A_426, %swap3A_427] {strides = array<i32>} : memref<16x128xf32, #tpu.memory_space<vmem>>, vector<16xf32>,
        tpu.vector_store %arg20[%swap3A_426, %swap3A_427], %mul3A_424 {strides = array<i32>} : memref<16x128xf32, #tpu.memory_space<vmem>>, vector<16xf32>,
        %get3A_429 = arith.constant 4 : i32
        %get3A_430 = arith.index_cast %get3A_429 : i32 to index
        %get3A_431 = arith.constant 32 : index
        %get3A_432 = tpu.vector_load %arg19[%get3A_430, %get3A_431] {strides = array<i32>} : memref<16x128xf32, #tpu.memory_space<vmem>>, vector<16xf32>,
        %mul3A_433 = arith.mulf %get3A_432, %gather3A_410 : vector<16xf32>
        %swap3A_434 = arith.constant 4 : i32
        %swap3A_435 = arith.index_cast %swap3A_434 : i32 to index
        %swap3A_436 = arith.constant 32 : index
        %swap3A_437 = tpu.vector_load %arg20[%swap3A_435, %swap3A_436] {strides = array<i32>} : memref<16x128xf32, #tpu.memory_space<vmem>>, vector<16xf32>,
        tpu.vector_store %arg20[%swap3A_435, %swap3A_436], %mul3A_433 {strides = array<i32>} : memref<16x128xf32, #tpu.memory_space<vmem>>, vector<16xf32>,
        %get3A_438 = arith.constant 4 : i32
        %get3A_439 = arith.index_cast %get3A_438 : i32 to index
        %get3A_440 = arith.constant 48 : index
        %get3A_441 = tpu.vector_load %arg19[%get3A_439, %get3A_440] {strides = array<i32>} : memref<16x128xf32, #tpu.memory_space<vmem>>, vector<16xf32>,
        %mul3A_442 = arith.mulf %get3A_441, %gather3A_410 : vector<16xf32>
        %swap3A_443 = arith.constant 4 : i32
        %swap3A_444 = arith.index_cast %swap3A_443 : i32 to index
        %swap3A_445 = arith.constant 48 : index
        %swap3A_446 = tpu.vector_load %arg20[%swap3A_444, %swap3A_445] {strides = array<i32>} : memref<16x128xf32, #tpu.memory_space<vmem>>, vector<16xf32>,
        tpu.vector_store %arg20[%swap3A_444, %swap3A_445], %mul3A_442 {strides = array<i32>} : memref<16x128xf32, #tpu.memory_space<vmem>>, vector<16xf32>,
        %get3A_447 = arith.constant 4 : i32
        %get3A_448 = arith.index_cast %get3A_447 : i32 to index
        %get3A_449 = arith.constant 64 : index
        %get3A_450 = tpu.vector_load %arg19[%get3A_448, %get3A_449] {strides = array<i32>} : memref<16x128xf32, #tpu.memory_space<vmem>>, vector<16xf32>,
        %mul3A_451 = arith.mulf %get3A_450, %gather3A_410 : vector<16xf32>
        %swap3A_452 = arith.constant 4 : i32
        %swap3A_453 = arith.index_cast %swap3A_452 : i32 to index
        %swap3A_454 = arith.constant 64 : index
        %swap3A_455 = tpu.vector_load %arg20[%swap3A_453, %swap3A_454] {strides = array<i32>} : memref<16x128xf32, #tpu.memory_space<vmem>>, vector<16xf32>,
        tpu.vector_store %arg20[%swap3A_453, %swap3A_454], %mul3A_451 {strides = array<i32>} : memref<16x128xf32, #tpu.memory_space<vmem>>, vector<16xf32>,
        %get3A_456 = arith.constant 4 : i32
        %get3A_457 = arith.index_cast %get3A_456 : i32 to index
        %get3A_458 = arith.constant 80 : index
        %get3A_459 = tpu.vector_load %arg19[%get3A_457, %get3A_458] {strides = array<i32>} : memref<16x128xf32, #tpu.memory_space<vmem>>, vector<16xf32>,
        %mul3A_460 = arith.mulf %get3A_459, %gather3A_410 : vector<16xf32>
        %swap3A_461 = arith.constant 4 : i32
        %swap3A_462 = arith.index_cast %swap3A_461 : i32 to index
        %swap3A_463 = arith.constant 80 : index
        %swap3A_464 = tpu.vector_load %arg20[%swap3A_462, %swap3A_463] {strides = array<i32>} : memref<16x128xf32, #tpu.memory_space<vmem>>, vector<16xf32>,
        tpu.vector_store %arg20[%swap3A_462, %swap3A_463], %mul3A_460 {strides = array<i32>} : memref<16x128xf32, #tpu.memory_space<vmem>>, vector<16xf32>,
        %get3A_465 = arith.constant 4 : i32
        %get3A_466 = arith.index_cast %get3A_465 : i32 to index
        %get3A_467 = arith.constant 96 : index
        %get3A_468 = tpu.vector_load %arg19[%get3A_466, %get3A_467] {strides = array<i32>} : memref<16x128xf32, #tpu.memory_space<vmem>>, vector<16xf32>,
        %mul3A_469 = arith.mulf %get3A_468, %gather3A_410 : vector<16xf32>
        %swap3A_470 = arith.constant 4 : i32
        %swap3A_471 = arith.index_cast %swap3A_470 : i32 to index
        %swap3A_472 = arith.constant 96 : index
        %swap3A_473 = tpu.vector_load %arg20[%swap3A_471, %swap3A_472] {strides = array<i32>} : memref<16x128xf32, #tpu.memory_space<vmem>>, vector<16xf32>,
        tpu.vector_store %arg20[%swap3A_471, %swap3A_472], %mul3A_469 {strides = array<i32>} : memref<16x128xf32, #tpu.memory_space<vmem>>, vector<16xf32>,
        %get3A_474 = arith.constant 4 : i32
        %get3A_475 = arith.index_cast %get3A_474 : i32 to index
        %get3A_476 = arith.constant 112 : index
        %get3A_477 = tpu.vector_load %arg19[%get3A_475, %get3A_476] {strides = array<i32>} : memref<16x128xf32, #tpu.memory_space<vmem>>, vector<16xf32>,
        %mul3A_478 = arith.mulf %get3A_477, %gather3A_410 : vector<16xf32>
        %swap3A_479 = arith.constant 4 : i32
        %swap3A_480 = arith.index_cast %swap3A_479 : i32 to index
        %swap3A_481 = arith.constant 112 : index
        %swap3A_482 = tpu.vector_load %arg20[%swap3A_480, %swap3A_481] {strides = array<i32>} : memref<16x128xf32, #tpu.memory_space<vmem>>, vector<16xf32>,
        tpu.vector_store %arg20[%swap3A_480, %swap3A_481], %mul3A_478 {strides = array<i32>} : memref<16x128xf32, #tpu.memory_space<vmem>>, vector<16xf32>,
        %broadcast_in_dim3A_483 = arith.constant 5 : i32
        %broadcast_in_dim3A_484 = vector.broadcast %broadcast_in_dim3A_483 : i32 to vector<16xi32>
        %reshape3A_485 = vector.shape_cast %broadcast_in_dim3A_484 : vector<16xi32> to vector<16x1xi32>
        %gather3A_486 = vector.shape_cast %reshape3A_485 : vector<16x1xi32> to vector<16xi32>
        %gather3A_487 = tpu.dynamic_gather %select_n3A_96[%gather3A_486] in [0] : vector<16xf32>, vector<16xi32> -> vector<16xf32>
        %get3A_488 = arith.constant 5 : i32
        %get3A_489 = arith.index_cast %get3A_488 : i32 to index
        %get3A_490 = arith.constant 0 : index
        %get3A_491 = tpu.vector_load %arg19[%get3A_489, %get3A_490] {strides = array<i32>} : memref<16x128xf32, #tpu.memory_space<vmem>>, vector<16xf32>,
        %mul3A_492 = arith.mulf %get3A_491, %gather3A_487 : vector<16xf32>
        %swap3A_493 = arith.constant 5 : i32
        %swap3A_494 = arith.index_cast %swap3A_493 : i32 to index
        %swap3A_495 = arith.constant 0 : index
        %swap3A_496 = tpu.vector_load %arg20[%swap3A_494, %swap3A_495] {strides = array<i32>} : memref<16x128xf32, #tpu.memory_space<vmem>>, vector<16xf32>,
        tpu.vector_store %arg20[%swap3A_494, %swap3A_495], %mul3A_492 {strides = array<i32>} : memref<16x128xf32, #tpu.memory_space<vmem>>, vector<16xf32>,
        %get3A_497 = arith.constant 5 : i32
        %get3A_498 = arith.index_cast %get3A_497 : i32 to index
        %get3A_499 = arith.constant 16 : index
        %get3A_500 = tpu.vector_load %arg19[%get3A_498, %get3A_499] {strides = array<i32>} : memref<16x128xf32, #tpu.memory_space<vmem>>, vector<16xf32>,
        %mul3A_501 = arith.mulf %get3A_500, %gather3A_487 : vector<16xf32>
        %swap3A_502 = arith.constant 5 : i32
        %swap3A_503 = arith.index_cast %swap3A_502 : i32 to index
        %swap3A_504 = arith.constant 16 : index
        %swap3A_505 = tpu.vector_load %arg20[%swap3A_503, %swap3A_504] {strides = array<i32>} : memref<16x128xf32, #tpu.memory_space<vmem>>, vector<16xf32>,
        tpu.vector_store %arg20[%swap3A_503, %swap3A_504], %mul3A_501 {strides = array<i32>} : memref<16x128xf32, #tpu.memory_space<vmem>>, vector<16xf32>,
        %get3A_506 = arith.constant 5 : i32
        %get3A_507 = arith.index_cast %get3A_506 : i32 to index
        %get3A_508 = arith.constant 32 : index
        %get3A_509 = tpu.vector_load %arg19[%get3A_507, %get3A_508] {strides = array<i32>} : memref<16x128xf32, #tpu.memory_space<vmem>>, vector<16xf32>,
        %mul3A_510 = arith.mulf %get3A_509, %gather3A_487 : vector<16xf32>
        %swap3A_511 = arith.constant 5 : i32
        %swap3A_512 = arith.index_cast %swap3A_511 : i32 to index
        %swap3A_513 = arith.constant 32 : index
        %swap3A_514 = tpu.vector_load %arg20[%swap3A_512, %swap3A_513] {strides = array<i32>} : memref<16x128xf32, #tpu.memory_space<vmem>>, vector<16xf32>,
        tpu.vector_store %arg20[%swap3A_512, %swap3A_513], %mul3A_510 {strides = array<i32>} : memref<16x128xf32, #tpu.memory_space<vmem>>, vector<16xf32>,
        %get3A_515 = arith.constant 5 : i32
        %get3A_516 = arith.index_cast %get3A_515 : i32 to index
        %get3A_517 = arith.constant 48 : index
        %get3A_518 = tpu.vector_load %arg19[%get3A_516, %get3A_517] {strides = array<i32>} : memref<16x128xf32, #tpu.memory_space<vmem>>, vector<16xf32>,
        %mul3A_519 = arith.mulf %get3A_518, %gather3A_487 : vector<16xf32>
        %swap3A_520 = arith.constant 5 : i32
        %swap3A_521 = arith.index_cast %swap3A_520 : i32 to index
        %swap3A_522 = arith.constant 48 : index
        %swap3A_523 = tpu.vector_load %arg20[%swap3A_521, %swap3A_522] {strides = array<i32>} : memref<16x128xf32, #tpu.memory_space<vmem>>, vector<16xf32>,
        tpu.vector_store %arg20[%swap3A_521, %swap3A_522], %mul3A_519 {strides = array<i32>} : memref<16x128xf32, #tpu.memory_space<vmem>>, vector<16xf32>,
        %get3A_524 = arith.constant 5 : i32
        %get3A_525 = arith.index_cast %get3A_524 : i32 to index
        %get3A_526 = arith.constant 64 : index
        %get3A_527 = tpu.vector_load %arg19[%get3A_525, %get3A_526] {strides = array<i32>} : memref<16x128xf32, #tpu.memory_space<vmem>>, vector<16xf32>,
        %mul3A_528 = arith.mulf %get3A_527, %gather3A_487 : vector<16xf32>
        %swap3A_529 = arith.constant 5 : i32
        %swap3A_530 = arith.index_cast %swap3A_529 : i32 to index
        %swap3A_531 = arith.constant 64 : index
        %swap3A_532 = tpu.vector_load %arg20[%swap3A_530, %swap3A_531] {strides = array<i32>} : memref<16x128xf32, #tpu.memory_space<vmem>>, vector<16xf32>,
        tpu.vector_store %arg20[%swap3A_530, %swap3A_531], %mul3A_528 {strides = array<i32>} : memref<16x128xf32, #tpu.memory_space<vmem>>, vector<16xf32>,
        %get3A_533 = arith.constant 5 : i32
        %get3A_534 = arith.index_cast %get3A_533 : i32 to index
        %get3A_535 = arith.constant 80 : index
        %get3A_536 = tpu.vector_load %arg19[%get3A_534, %get3A_535] {strides = array<i32>} : memref<16x128xf32, #tpu.memory_space<vmem>>, vector<16xf32>,
        %mul3A_537 = arith.mulf %get3A_536, %gather3A_487 : vector<16xf32>
        %swap3A_538 = arith.constant 5 : i32
        %swap3A_539 = arith.index_cast %swap3A_538 : i32 to index
        %swap3A_540 = arith.constant 80 : index
        %swap3A_541 = tpu.vector_load %arg20[%swap3A_539, %swap3A_540] {strides = array<i32>} : memref<16x128xf32, #tpu.memory_space<vmem>>, vector<16xf32>,
        tpu.vector_store %arg20[%swap3A_539, %swap3A_540], %mul3A_537 {strides = array<i32>} : memref<16x128xf32, #tpu.memory_space<vmem>>, vector<16xf32>,
        %get3A_542 = arith.constant 5 : i32
        %get3A_543 = arith.index_cast %get3A_542 : i32 to index
        %get3A_544 = arith.constant 96 : index
        %get3A_545 = tpu.vector_load %arg19[%get3A_543, %get3A_544] {strides = array<i32>} : memref<16x128xf32, #tpu.memory_space<vmem>>, vector<16xf32>,
        %mul3A_546 = arith.mulf %get3A_545, %gather3A_487 : vector<16xf32>
        %swap3A_547 = arith.constant 5 : i32
        %swap3A_548 = arith.index_cast %swap3A_547 : i32 to index
        %swap3A_549 = arith.constant 96 : index
        %swap3A_550 = tpu.vector_load %arg20[%swap3A_548, %swap3A_549] {strides = array<i32>} : memref<16x128xf32, #tpu.memory_space<vmem>>, vector<16xf32>,
        tpu.vector_store %arg20[%swap3A_548, %swap3A_549], %mul3A_546 {strides = array<i32>} : memref<16x128xf32, #tpu.memory_space<vmem>>, vector<16xf32>,
        %get3A_551 = arith.constant 5 : i32
        %get3A_552 = arith.index_cast %get3A_551 : i32 to index
        %get3A_553 = arith.constant 112 : index
        %get3A_554 = tpu.vector_load %arg19[%get3A_552, %get3A_553] {strides = array<i32>} : memref<16x128xf32, #tpu.memory_space<vmem>>, vector<16xf32>,
        %mul3A_555 = arith.mulf %get3A_554, %gather3A_487 : vector<16xf32>
        %swap3A_556 = arith.constant 5 : i32
        %swap3A_557 = arith.index_cast %swap3A_556 : i32 to index
        %swap3A_558 = arith.constant 112 : index
        %swap3A_559 = tpu.vector_load %arg20[%swap3A_557, %swap3A_558] {strides = array<i32>} : memref<16x128xf32, #tpu.memory_space<vmem>>, vector<16xf32>,
        tpu.vector_store %arg20[%swap3A_557, %swap3A_558], %mul3A_555 {strides = array<i32>} : memref<16x128xf32, #tpu.memory_space<vmem>>, vector<16xf32>,
        %broadcast_in_dim3A_560 = arith.constant 6 : i32
        %broadcast_in_dim3A_561 = vector.broadcast %broadcast_in_dim3A_560 : i32 to vector<16xi32>
        %reshape3A_562 = vector.shape_cast %broadcast_in_dim3A_561 : vector<16xi32> to vector<16x1xi32>
        %gather3A_563 = vector.shape_cast %reshape3A_562 : vector<16x1xi32> to vector<16xi32>
        %gather3A_564 = tpu.dynamic_gather %select_n3A_96[%gather3A_563] in [0] : vector<16xf32>, vector<16xi32> -> vector<16xf32>
        %get3A_565 = arith.constant 6 : i32
        %get3A_566 = arith.index_cast %get3A_565 : i32 to index
        %get3A_567 = arith.constant 0 : index
        %get3A_568 = tpu.vector_load %arg19[%get3A_566, %get3A_567] {strides = array<i32>} : memref<16x128xf32, #tpu.memory_space<vmem>>, vector<16xf32>,
        %mul3A_569 = arith.mulf %get3A_568, %gather3A_564 : vector<16xf32>
        %swap3A_570 = arith.constant 6 : i32
        %swap3A_571 = arith.index_cast %swap3A_570 : i32 to index
        %swap3A_572 = arith.constant 0 : index
        %swap3A_573 = tpu.vector_load %arg20[%swap3A_571, %swap3A_572] {strides = array<i32>} : memref<16x128xf32, #tpu.memory_space<vmem>>, vector<16xf32>,
        tpu.vector_store %arg20[%swap3A_571, %swap3A_572], %mul3A_569 {strides = array<i32>} : memref<16x128xf32, #tpu.memory_space<vmem>>, vector<16xf32>,
        %get3A_574 = arith.constant 6 : i32
        %get3A_575 = arith.index_cast %get3A_574 : i32 to index
        %get3A_576 = arith.constant 16 : index
        %get3A_577 = tpu.vector_load %arg19[%get3A_575, %get3A_576] {strides = array<i32>} : memref<16x128xf32, #tpu.memory_space<vmem>>, vector<16xf32>,
        %mul3A_578 = arith.mulf %get3A_577, %gather3A_564 : vector<16xf32>
        %swap3A_579 = arith.constant 6 : i32
        %swap3A_580 = arith.index_cast %swap3A_579 : i32 to index
        %swap3A_581 = arith.constant 16 : index
        %swap3A_582 = tpu.vector_load %arg20[%swap3A_580, %swap3A_581] {strides = array<i32>} : memref<16x128xf32, #tpu.memory_space<vmem>>, vector<16xf32>,
        tpu.vector_store %arg20[%swap3A_580, %swap3A_581], %mul3A_578 {strides = array<i32>} : memref<16x128xf32, #tpu.memory_space<vmem>>, vector<16xf32>,
        %get3A_583 = arith.constant 6 : i32
        %get3A_584 = arith.index_cast %get3A_583 : i32 to index
        %get3A_585 = arith.constant 32 : index
        %get3A_586 = tpu.vector_load %arg19[%get3A_584, %get3A_585] {strides = array<i32>} : memref<16x128xf32, #tpu.memory_space<vmem>>, vector<16xf32>,
        %mul3A_587 = arith.mulf %get3A_586, %gather3A_564 : vector<16xf32>
        %swap3A_588 = arith.constant 6 : i32
        %swap3A_589 = arith.index_cast %swap3A_588 : i32 to index
        %swap3A_590 = arith.constant 32 : index
        %swap3A_591 = tpu.vector_load %arg20[%swap3A_589, %swap3A_590] {strides = array<i32>} : memref<16x128xf32, #tpu.memory_space<vmem>>, vector<16xf32>,
        tpu.vector_store %arg20[%swap3A_589, %swap3A_590], %mul3A_587 {strides = array<i32>} : memref<16x128xf32, #tpu.memory_space<vmem>>, vector<16xf32>,
        %get3A_592 = arith.constant 6 : i32
        %get3A_593 = arith.index_cast %get3A_592 : i32 to index
        %get3A_594 = arith.constant 48 : index
        %get3A_595 = tpu.vector_load %arg19[%get3A_593, %get3A_594] {strides = array<i32>} : memref<16x128xf32, #tpu.memory_space<vmem>>, vector<16xf32>,
        %mul3A_596 = arith.mulf %get3A_595, %gather3A_564 : vector<16xf32>
        %swap3A_597 = arith.constant 6 : i32
        %swap3A_598 = arith.index_cast %swap3A_597 : i32 to index
        %swap3A_599 = arith.constant 48 : index
        %swap3A_600 = tpu.vector_load %arg20[%swap3A_598, %swap3A_599] {strides = array<i32>} : memref<16x128xf32, #tpu.memory_space<vmem>>, vector<16xf32>,
        tpu.vector_store %arg20[%swap3A_598, %swap3A_599], %mul3A_596 {strides = array<i32>} : memref<16x128xf32, #tpu.memory_space<vmem>>, vector<16xf32>,
        %get3A_601 = arith.constant 6 : i32
        %get3A_602 = arith.index_cast %get3A_601 : i32 to index
        %get3A_603 = arith.constant 64 : index
        %get3A_604 = tpu.vector_load %arg19[%get3A_602, %get3A_603] {strides = array<i32>} : memref<16x128xf32, #tpu.memory_space<vmem>>, vector<16xf32>,
        %mul3A_605 = arith.mulf %get3A_604, %gather3A_564 : vector<16xf32>
        %swap3A_606 = arith.constant 6 : i32
        %swap3A_607 = arith.index_cast %swap3A_606 : i32 to index
        %swap3A_608 = arith.constant 64 : index
        %swap3A_609 = tpu.vector_load %arg20[%swap3A_607, %swap3A_608] {strides = array<i32>} : memref<16x128xf32, #tpu.memory_space<vmem>>, vector<16xf32>,
        tpu.vector_store %arg20[%swap3A_607, %swap3A_608], %mul3A_605 {strides = array<i32>} : memref<16x128xf32, #tpu.memory_space<vmem>>, vector<16xf32>,
        %get3A_610 = arith.constant 6 : i32
        %get3A_611 = arith.index_cast %get3A_610 : i32 to index
        %get3A_612 = arith.constant 80 : index
        %get3A_613 = tpu.vector_load %arg19[%get3A_611, %get3A_612] {strides = array<i32>} : memref<16x128xf32, #tpu.memory_space<vmem>>, vector<16xf32>,
        %mul3A_614 = arith.mulf %get3A_613, %gather3A_564 : vector<16xf32>
        %swap3A_615 = arith.constant 6 : i32
        %swap3A_616 = arith.index_cast %swap3A_615 : i32 to index
        %swap3A_617 = arith.constant 80 : index
        %swap3A_618 = tpu.vector_load %arg20[%swap3A_616, %swap3A_617] {strides = array<i32>} : memref<16x128xf32, #tpu.memory_space<vmem>>, vector<16xf32>,
        tpu.vector_store %arg20[%swap3A_616, %swap3A_617], %mul3A_614 {strides = array<i32>} : memref<16x128xf32, #tpu.memory_space<vmem>>, vector<16xf32>,
        %get3A_619 = arith.constant 6 : i32
        %get3A_620 = arith.index_cast %get3A_619 : i32 to index
        %get3A_621 = arith.constant 96 : index
        %get3A_622 = tpu.vector_load %arg19[%get3A_620, %get3A_621] {strides = array<i32>} : memref<16x128xf32, #tpu.memory_space<vmem>>, vector<16xf32>,
        %mul3A_623 = arith.mulf %get3A_622, %gather3A_564 : vector<16xf32>
        %swap3A_624 = arith.constant 6 : i32
        %swap3A_625 = arith.index_cast %swap3A_624 : i32 to index
        %swap3A_626 = arith.constant 96 : index
        %swap3A_627 = tpu.vector_load %arg20[%swap3A_625, %swap3A_626] {strides = array<i32>} : memref<16x128xf32, #tpu.memory_space<vmem>>, vector<16xf32>,
        tpu.vector_store %arg20[%swap3A_625, %swap3A_626], %mul3A_623 {strides = array<i32>} : memref<16x128xf32, #tpu.memory_space<vmem>>, vector<16xf32>,
        %get3A_628 = arith.constant 6 : i32
        %get3A_629 = arith.index_cast %get3A_628 : i32 to index
        %get3A_630 = arith.constant 112 : index
        %get3A_631 = tpu.vector_load %arg19[%get3A_629, %get3A_630] {strides = array<i32>} : memref<16x128xf32, #tpu.memory_space<vmem>>, vector<16xf32>,
        %mul3A_632 = arith.mulf %get3A_631, %gather3A_564 : vector<16xf32>
        %swap3A_633 = arith.constant 6 : i32
        %swap3A_634 = arith.index_cast %swap3A_633 : i32 to index
        %swap3A_635 = arith.constant 112 : index
        %swap3A_636 = tpu.vector_load %arg20[%swap3A_634, %swap3A_635] {strides = array<i32>} : memref<16x128xf32, #tpu.memory_space<vmem>>, vector<16xf32>,
        tpu.vector_store %arg20[%swap3A_634, %swap3A_635], %mul3A_632 {strides = array<i32>} : memref<16x128xf32, #tpu.memory_space<vmem>>, vector<16xf32>,
        %broadcast_in_dim3A_637 = arith.constant 7 : i32
        %broadcast_in_dim3A_638 = vector.broadcast %broadcast_in_dim3A_637 : i32 to vector<16xi32>
        %reshape3A_639 = vector.shape_cast %broadcast_in_dim3A_638 : vector<16xi32> to vector<16x1xi32>
        %gather3A_640 = vector.shape_cast %reshape3A_639 : vector<16x1xi32> to vector<16xi32>
        %gather3A_641 = tpu.dynamic_gather %select_n3A_96[%gather3A_640] in [0] : vector<16xf32>, vector<16xi32> -> vector<16xf32>
        %get3A_642 = arith.constant 7 : i32
        %get3A_643 = arith.index_cast %get3A_642 : i32 to index
        %get3A_644 = arith.constant 0 : index
        %get3A_645 = tpu.vector_load %arg19[%get3A_643, %get3A_644] {strides = array<i32>} : memref<16x128xf32, #tpu.memory_space<vmem>>, vector<16xf32>,
        %mul3A_646 = arith.mulf %get3A_645, %gather3A_641 : vector<16xf32>
        %swap3A_647 = arith.constant 7 : i32
        %swap3A_648 = arith.index_cast %swap3A_647 : i32 to index
        %swap3A_649 = arith.constant 0 : index
        %swap3A_650 = tpu.vector_load %arg20[%swap3A_648, %swap3A_649] {strides = array<i32>} : memref<16x128xf32, #tpu.memory_space<vmem>>, vector<16xf32>,
        tpu.vector_store %arg20[%swap3A_648, %swap3A_649], %mul3A_646 {strides = array<i32>} : memref<16x128xf32, #tpu.memory_space<vmem>>, vector<16xf32>,
        %get3A_651 = arith.constant 7 : i32
        %get3A_652 = arith.index_cast %get3A_651 : i32 to index
        %get3A_653 = arith.constant 16 : index
        %get3A_654 = tpu.vector_load %arg19[%get3A_652, %get3A_653] {strides = array<i32>} : memref<16x128xf32, #tpu.memory_space<vmem>>, vector<16xf32>,
        %mul3A_655 = arith.mulf %get3A_654, %gather3A_641 : vector<16xf32>
        %swap3A_656 = arith.constant 7 : i32
        %swap3A_657 = arith.index_cast %swap3A_656 : i32 to index
        %swap3A_658 = arith.constant 16 : index
        %swap3A_659 = tpu.vector_load %arg20[%swap3A_657, %swap3A_658] {strides = array<i32>} : memref<16x128xf32, #tpu.memory_space<vmem>>, vector<16xf32>,
        tpu.vector_store %arg20[%swap3A_657, %swap3A_658], %mul3A_655 {strides = array<i32>} : memref<16x128xf32, #tpu.memory_space<vmem>>, vector<16xf32>,
        %get3A_660 = arith.constant 7 : i32
        %get3A_661 = arith.index_cast %get3A_660 : i32 to index
        %get3A_662 = arith.constant 32 : index
        %get3A_663 = tpu.vector_load %arg19[%get3A_661, %get3A_662] {strides = array<i32>} : memref<16x128xf32, #tpu.memory_space<vmem>>, vector<16xf32>,
        %mul3A_664 = arith.mulf %get3A_663, %gather3A_641 : vector<16xf32>
        %swap3A_665 = arith.constant 7 : i32
        %swap3A_666 = arith.index_cast %swap3A_665 : i32 to index
        %swap3A_667 = arith.constant 32 : index
        %swap3A_668 = tpu.vector_load %arg20[%swap3A_666, %swap3A_667] {strides = array<i32>} : memref<16x128xf32, #tpu.memory_space<vmem>>, vector<16xf32>,
        tpu.vector_store %arg20[%swap3A_666, %swap3A_667], %mul3A_664 {strides = array<i32>} : memref<16x128xf32, #tpu.memory_space<vmem>>, vector<16xf32>,
        %get3A_669 = arith.constant 7 : i32
        %get3A_670 = arith.index_cast %get3A_669 : i32 to index
        %get3A_671 = arith.constant 48 : index
        %get3A_672 = tpu.vector_load %arg19[%get3A_670, %get3A_671] {strides = array<i32>} : memref<16x128xf32, #tpu.memory_space<vmem>>, vector<16xf32>,
        %mul3A_673 = arith.mulf %get3A_672, %gather3A_641 : vector<16xf32>
        %swap3A_674 = arith.constant 7 : i32
        %swap3A_675 = arith.index_cast %swap3A_674 : i32 to index
        %swap3A_676 = arith.constant 48 : index
        %swap3A_677 = tpu.vector_load %arg20[%swap3A_675, %swap3A_676] {strides = array<i32>} : memref<16x128xf32, #tpu.memory_space<vmem>>, vector<16xf32>,
        tpu.vector_store %arg20[%swap3A_675, %swap3A_676], %mul3A_673 {strides = array<i32>} : memref<16x128xf32, #tpu.memory_space<vmem>>, vector<16xf32>,
        %get3A_678 = arith.constant 7 : i32
        %get3A_679 = arith.index_cast %get3A_678 : i32 to index
        %get3A_680 = arith.constant 64 : index
        %get3A_681 = tpu.vector_load %arg19[%get3A_679, %get3A_680] {strides = array<i32>} : memref<16x128xf32, #tpu.memory_space<vmem>>, vector<16xf32>,
        %mul3A_682 = arith.mulf %get3A_681, %gather3A_641 : vector<16xf32>
        %swap3A_683 = arith.constant 7 : i32
        %swap3A_684 = arith.index_cast %swap3A_683 : i32 to index
        %swap3A_685 = arith.constant 64 : index
        %swap3A_686 = tpu.vector_load %arg20[%swap3A_684, %swap3A_685] {strides = array<i32>} : memref<16x128xf32, #tpu.memory_space<vmem>>, vector<16xf32>,
        tpu.vector_store %arg20[%swap3A_684, %swap3A_685], %mul3A_682 {strides = array<i32>} : memref<16x128xf32, #tpu.memory_space<vmem>>, vector<16xf32>,
        %get3A_687 = arith.constant 7 : i32
        %get3A_688 = arith.index_cast %get3A_687 : i32 to index
        %get3A_689 = arith.constant 80 : index
        %get3A_690 = tpu.vector_load %arg19[%get3A_688, %get3A_689] {strides = array<i32>} : memref<16x128xf32, #tpu.memory_space<vmem>>, vector<16xf32>,
        %mul3A_691 = arith.mulf %get3A_690, %gather3A_641 : vector<16xf32>
        %swap3A_692 = arith.constant 7 : i32
        %swap3A_693 = arith.index_cast %swap3A_692 : i32 to index
        %swap3A_694 = arith.constant 80 : index
        %swap3A_695 = tpu.vector_load %arg20[%swap3A_693, %swap3A_694] {strides = array<i32>} : memref<16x128xf32, #tpu.memory_space<vmem>>, vector<16xf32>,
        tpu.vector_store %arg20[%swap3A_693, %swap3A_694], %mul3A_691 {strides = array<i32>} : memref<16x128xf32, #tpu.memory_space<vmem>>, vector<16xf32>,
        %get3A_696 = arith.constant 7 : i32
        %get3A_697 = arith.index_cast %get3A_696 : i32 to index
        %get3A_698 = arith.constant 96 : index
        %get3A_699 = tpu.vector_load %arg19[%get3A_697, %get3A_698] {strides = array<i32>} : memref<16x128xf32, #tpu.memory_space<vmem>>, vector<16xf32>,
        %mul3A_700 = arith.mulf %get3A_699, %gather3A_641 : vector<16xf32>
        %swap3A_701 = arith.constant 7 : i32
        %swap3A_702 = arith.index_cast %swap3A_701 : i32 to index
        %swap3A_703 = arith.constant 96 : index
        %swap3A_704 = tpu.vector_load %arg20[%swap3A_702, %swap3A_703] {strides = array<i32>} : memref<16x128xf32, #tpu.memory_space<vmem>>, vector<16xf32>,
        tpu.vector_store %arg20[%swap3A_702, %swap3A_703], %mul3A_700 {strides = array<i32>} : memref<16x128xf32, #tpu.memory_space<vmem>>, vector<16xf32>,
        %get3A_705 = arith.constant 7 : i32
        %get3A_706 = arith.index_cast %get3A_705 : i32 to index
        %get3A_707 = arith.constant 112 : index
        %get3A_708 = tpu.vector_load %arg19[%get3A_706, %get3A_707] {strides = array<i32>} : memref<16x128xf32, #tpu.memory_space<vmem>>, vector<16xf32>,
        %mul3A_709 = arith.mulf %get3A_708, %gather3A_641 : vector<16xf32>
        %swap3A_710 = arith.constant 7 : i32
        %swap3A_711 = arith.index_cast %swap3A_710 : i32 to index
        %swap3A_712 = arith.constant 112 : index
        %swap3A_713 = tpu.vector_load %arg20[%swap3A_711, %swap3A_712] {strides = array<i32>} : memref<16x128xf32, #tpu.memory_space<vmem>>, vector<16xf32>,
        tpu.vector_store %arg20[%swap3A_711, %swap3A_712], %mul3A_709 {strides = array<i32>} : memref<16x128xf32, #tpu.memory_space<vmem>>, vector<16xf32>,
        %broadcast_in_dim3A_714 = arith.constant 8 : i32
        %broadcast_in_dim3A_715 = vector.broadcast %broadcast_in_dim3A_714 : i32 to vector<16xi32>
        %reshape3A_716 = vector.shape_cast %broadcast_in_dim3A_715 : vector<16xi32> to vector<16x1xi32>
        %gather3A_717 = vector.shape_cast %reshape3A_716 : vector<16x1xi32> to vector<16xi32>
        %gather3A_718 = tpu.dynamic_gather %select_n3A_96[%gather3A_717] in [0] : vector<16xf32>, vector<16xi32> -> vector<16xf32>
        %get3A_719 = arith.constant 8 : i32
        %get3A_720 = arith.index_cast %get3A_719 : i32 to index
        %get3A_721 = arith.constant 0 : index
        %get3A_722 = tpu.vector_load %arg19[%get3A_720, %get3A_721] {strides = array<i32>} : memref<16x128xf32, #tpu.memory_space<vmem>>, vector<16xf32>,
        %mul3A_723 = arith.mulf %get3A_722, %gather3A_718 : vector<16xf32>
        %swap3A_724 = arith.constant 8 : i32
        %swap3A_725 = arith.index_cast %swap3A_724 : i32 to index
        %swap3A_726 = arith.constant 0 : index
        %swap3A_727 = tpu.vector_load %arg20[%swap3A_725, %swap3A_726] {strides = array<i32>} : memref<16x128xf32, #tpu.memory_space<vmem>>, vector<16xf32>,
        tpu.vector_store %arg20[%swap3A_725, %swap3A_726], %mul3A_723 {strides = array<i32>} : memref<16x128xf32, #tpu.memory_space<vmem>>, vector<16xf32>,
        %get3A_728 = arith.constant 8 : i32
        %get3A_729 = arith.index_cast %get3A_728 : i32 to index
        %get3A_730 = arith.constant 16 : index
        %get3A_731 = tpu.vector_load %arg19[%get3A_729, %get3A_730] {strides = array<i32>} : memref<16x128xf32, #tpu.memory_space<vmem>>, vector<16xf32>,
        %mul3A_732 = arith.mulf %get3A_731, %gather3A_718 : vector<16xf32>
        %swap3A_733 = arith.constant 8 : i32
        %swap3A_734 = arith.index_cast %swap3A_733 : i32 to index
        %swap3A_735 = arith.constant 16 : index
        %swap3A_736 = tpu.vector_load %arg20[%swap3A_734, %swap3A_735] {strides = array<i32>} : memref<16x128xf32, #tpu.memory_space<vmem>>, vector<16xf32>,
        tpu.vector_store %arg20[%swap3A_734, %swap3A_735], %mul3A_732 {strides = array<i32>} : memref<16x128xf32, #tpu.memory_space<vmem>>, vector<16xf32>,
        %get3A_737 = arith.constant 8 : i32
        %get3A_738 = arith.index_cast %get3A_737 : i32 to index
        %get3A_739 = arith.constant 32 : index
        %get3A_740 = tpu.vector_load %arg19[%get3A_738, %get3A_739] {strides = array<i32>} : memref<16x128xf32, #tpu.memory_space<vmem>>, vector<16xf32>,
        %mul3A_741 = arith.mulf %get3A_740, %gather3A_718 : vector<16xf32>
        %swap3A_742 = arith.constant 8 : i32
        %swap3A_743 = arith.index_cast %swap3A_742 : i32 to index
        %swap3A_744 = arith.constant 32 : index
        %swap3A_745 = tpu.vector_load %arg20[%swap3A_743, %swap3A_744] {strides = array<i32>} : memref<16x128xf32, #tpu.memory_space<vmem>>, vector<16xf32>,
        tpu.vector_store %arg20[%swap3A_743, %swap3A_744], %mul3A_741 {strides = array<i32>} : memref<16x128xf32, #tpu.memory_space<vmem>>, vector<16xf32>,
        %get3A_746 = arith.constant 8 : i32
        %get3A_747 = arith.index_cast %get3A_746 : i32 to index
        %get3A_748 = arith.constant 48 : index
        %get3A_749 = tpu.vector_load %arg19[%get3A_747, %get3A_748] {strides = array<i32>} : memref<16x128xf32, #tpu.memory_space<vmem>>, vector<16xf32>,
        %mul3A_750 = arith.mulf %get3A_749, %gather3A_718 : vector<16xf32>
        %swap3A_751 = arith.constant 8 : i32
        %swap3A_752 = arith.index_cast %swap3A_751 : i32 to index
        %swap3A_753 = arith.constant 48 : index
        %swap3A_754 = tpu.vector_load %arg20[%swap3A_752, %swap3A_753] {strides = array<i32>} : memref<16x128xf32, #tpu.memory_space<vmem>>, vector<16xf32>,
        tpu.vector_store %arg20[%swap3A_752, %swap3A_753], %mul3A_750 {strides = array<i32>} : memref<16x128xf32, #tpu.memory_space<vmem>>, vector<16xf32>,
        %get3A_755 = arith.constant 8 : i32
        %get3A_756 = arith.index_cast %get3A_755 : i32 to index
        %get3A_757 = arith.constant 64 : index
        %get3A_758 = tpu.vector_load %arg19[%get3A_756, %get3A_757] {strides = array<i32>} : memref<16x128xf32, #tpu.memory_space<vmem>>, vector<16xf32>,
        %mul3A_759 = arith.mulf %get3A_758, %gather3A_718 : vector<16xf32>
        %swap3A_760 = arith.constant 8 : i32
        %swap3A_761 = arith.index_cast %swap3A_760 : i32 to index
        %swap3A_762 = arith.constant 64 : index
        %swap3A_763 = tpu.vector_load %arg20[%swap3A_761, %swap3A_762] {strides = array<i32>} : memref<16x128xf32, #tpu.memory_space<vmem>>, vector<16xf32>,
        tpu.vector_store %arg20[%swap3A_761, %swap3A_762], %mul3A_759 {strides = array<i32>} : memref<16x128xf32, #tpu.memory_space<vmem>>, vector<16xf32>,
        %get3A_764 = arith.constant 8 : i32
        %get3A_765 = arith.index_cast %get3A_764 : i32 to index
        %get3A_766 = arith.constant 80 : index
        %get3A_767 = tpu.vector_load %arg19[%get3A_765, %get3A_766] {strides = array<i32>} : memref<16x128xf32, #tpu.memory_space<vmem>>, vector<16xf32>,
        %mul3A_768 = arith.mulf %get3A_767, %gather3A_718 : vector<16xf32>
        %swap3A_769 = arith.constant 8 : i32
        %swap3A_770 = arith.index_cast %swap3A_769 : i32 to index
        %swap3A_771 = arith.constant 80 : index
        %swap3A_772 = tpu.vector_load %arg20[%swap3A_770, %swap3A_771] {strides = array<i32>} : memref<16x128xf32, #tpu.memory_space<vmem>>, vector<16xf32>,
        tpu.vector_store %arg20[%swap3A_770, %swap3A_771], %mul3A_768 {strides = array<i32>} : memref<16x128xf32, #tpu.memory_space<vmem>>, vector<16xf32>,
        %get3A_773 = arith.constant 8 : i32
        %get3A_774 = arith.index_cast %get3A_773 : i32 to index
        %get3A_775 = arith.constant 96 : index
        %get3A_776 = tpu.vector_load %arg19[%get3A_774, %get3A_775] {strides = array<i32>} : memref<16x128xf32, #tpu.memory_space<vmem>>, vector<16xf32>,
        %mul3A_777 = arith.mulf %get3A_776, %gather3A_718 : vector<16xf32>
        %swap3A_778 = arith.constant 8 : i32
        %swap3A_779 = arith.index_cast %swap3A_778 : i32 to index
        %swap3A_780 = arith.constant 96 : index
        %swap3A_781 = tpu.vector_load %arg20[%swap3A_779, %swap3A_780] {strides = array<i32>} : memref<16x128xf32, #tpu.memory_space<vmem>>, vector<16xf32>,
        tpu.vector_store %arg20[%swap3A_779, %swap3A_780], %mul3A_777 {strides = array<i32>} : memref<16x128xf32, #tpu.memory_space<vmem>>, vector<16xf32>,
        %get3A_782 = arith.constant 8 : i32
        %get3A_783 = arith.index_cast %get3A_782 : i32 to index
        %get3A_784 = arith.constant 112 : index
        %get3A_785 = tpu.vector_load %arg19[%get3A_783, %get3A_784] {strides = array<i32>} : memref<16x128xf32, #tpu.memory_space<vmem>>, vector<16xf32>,
        %mul3A_786 = arith.mulf %get3A_785, %gather3A_718 : vector<16xf32>
        %swap3A_787 = arith.constant 8 : i32
        %swap3A_788 = arith.index_cast %swap3A_787 : i32 to index
        %swap3A_789 = arith.constant 112 : index
        %swap3A_790 = tpu.vector_load %arg20[%swap3A_788, %swap3A_789] {strides = array<i32>} : memref<16x128xf32, #tpu.memory_space<vmem>>, vector<16xf32>,
        tpu.vector_store %arg20[%swap3A_788, %swap3A_789], %mul3A_786 {strides = array<i32>} : memref<16x128xf32, #tpu.memory_space<vmem>>, vector<16xf32>,
        %broadcast_in_dim3A_791 = arith.constant 9 : i32
        %broadcast_in_dim3A_792 = vector.broadcast %broadcast_in_dim3A_791 : i32 to vector<16xi32>
        %reshape3A_793 = vector.shape_cast %broadcast_in_dim3A_792 : vector<16xi32> to vector<16x1xi32>
        %gather3A_794 = vector.shape_cast %reshape3A_793 : vector<16x1xi32> to vector<16xi32>
        %gather3A_795 = tpu.dynamic_gather %select_n3A_96[%gather3A_794] in [0] : vector<16xf32>, vector<16xi32> -> vector<16xf32>
        %get3A_796 = arith.constant 9 : i32
        %get3A_797 = arith.index_cast %get3A_796 : i32 to index
        %get3A_798 = arith.constant 0 : index
        %get3A_799 = tpu.vector_load %arg19[%get3A_797, %get3A_798] {strides = array<i32>} : memref<16x128xf32, #tpu.memory_space<vmem>>, vector<16xf32>,
        %mul3A_800 = arith.mulf %get3A_799, %gather3A_795 : vector<16xf32>
        %swap3A_801 = arith.constant 9 : i32
        %swap3A_802 = arith.index_cast %swap3A_801 : i32 to index
        %swap3A_803 = arith.constant 0 : index
        %swap3A_804 = tpu.vector_load %arg20[%swap3A_802, %swap3A_803] {strides = array<i32>} : memref<16x128xf32, #tpu.memory_space<vmem>>, vector<16xf32>,
        tpu.vector_store %arg20[%swap3A_802, %swap3A_803], %mul3A_800 {strides = array<i32>} : memref<16x128xf32, #tpu.memory_space<vmem>>, vector<16xf32>,
        %get3A_805 = arith.constant 9 : i32
        %get3A_806 = arith.index_cast %get3A_805 : i32 to index
        %get3A_807 = arith.constant 16 : index
        %get3A_808 = tpu.vector_load %arg19[%get3A_806, %get3A_807] {strides = array<i32>} : memref<16x128xf32, #tpu.memory_space<vmem>>, vector<16xf32>,
        %mul3A_809 = arith.mulf %get3A_808, %gather3A_795 : vector<16xf32>
        %swap3A_810 = arith.constant 9 : i32
        %swap3A_811 = arith.index_cast %swap3A_810 : i32 to index
        %swap3A_812 = arith.constant 16 : index
        %swap3A_813 = tpu.vector_load %arg20[%swap3A_811, %swap3A_812] {strides = array<i32>} : memref<16x128xf32, #tpu.memory_space<vmem>>, vector<16xf32>,
        tpu.vector_store %arg20[%swap3A_811, %swap3A_812], %mul3A_809 {strides = array<i32>} : memref<16x128xf32, #tpu.memory_space<vmem>>, vector<16xf32>,
        %get3A_814 = arith.constant 9 : i32
        %get3A_815 = arith.index_cast %get3A_814 : i32 to index
        %get3A_816 = arith.constant 32 : index
        %get3A_817 = tpu.vector_load %arg19[%get3A_815, %get3A_816] {strides = array<i32>} : memref<16x128xf32, #tpu.memory_space<vmem>>, vector<16xf32>,
        %mul3A_818 = arith.mulf %get3A_817, %gather3A_795 : vector<16xf32>
        %swap3A_819 = arith.constant 9 : i32
        %swap3A_820 = arith.index_cast %swap3A_819 : i32 to index
        %swap3A_821 = arith.constant 32 : index
        %swap3A_822 = tpu.vector_load %arg20[%swap3A_820, %swap3A_821] {strides = array<i32>} : memref<16x128xf32, #tpu.memory_space<vmem>>, vector<16xf32>,
        tpu.vector_store %arg20[%swap3A_820, %swap3A_821], %mul3A_818 {strides = array<i32>} : memref<16x128xf32, #tpu.memory_space<vmem>>, vector<16xf32>,
        %get3A_823 = arith.constant 9 : i32
        %get3A_824 = arith.index_cast %get3A_823 : i32 to index
        %get3A_825 = arith.constant 48 : index
        %get3A_826 = tpu.vector_load %arg19[%get3A_824, %get3A_825] {strides = array<i32>} : memref<16x128xf32, #tpu.memory_space<vmem>>, vector<16xf32>,
        %mul3A_827 = arith.mulf %get3A_826, %gather3A_795 : vector<16xf32>
        %swap3A_828 = arith.constant 9 : i32
        %swap3A_829 = arith.index_cast %swap3A_828 : i32 to index
        %swap3A_830 = arith.constant 48 : index
        %swap3A_831 = tpu.vector_load %arg20[%swap3A_829, %swap3A_830] {strides = array<i32>} : memref<16x128xf32, #tpu.memory_space<vmem>>, vector<16xf32>,
        tpu.vector_store %arg20[%swap3A_829, %swap3A_830], %mul3A_827 {strides = array<i32>} : memref<16x128xf32, #tpu.memory_space<vmem>>, vector<16xf32>,
        %get3A_832 = arith.constant 9 : i32
        %get3A_833 = arith.index_cast %get3A_832 : i32 to index
        %get3A_834 = arith.constant 64 : index
        %get3A_835 = tpu.vector_load %arg19[%get3A_833, %get3A_834] {strides = array<i32>} : memref<16x128xf32, #tpu.memory_space<vmem>>, vector<16xf32>,
        %mul3A_836 = arith.mulf %get3A_835, %gather3A_795 : vector<16xf32>
        %swap3A_837 = arith.constant 9 : i32
        %swap3A_838 = arith.index_cast %swap3A_837 : i32 to index
        %swap3A_839 = arith.constant 64 : index
        %swap3A_840 = tpu.vector_load %arg20[%swap3A_838, %swap3A_839] {strides = array<i32>} : memref<16x128xf32, #tpu.memory_space<vmem>>, vector<16xf32>,
        tpu.vector_store %arg20[%swap3A_838, %swap3A_839], %mul3A_836 {strides = array<i32>} : memref<16x128xf32, #tpu.memory_space<vmem>>, vector<16xf32>,
        %get3A_841 = arith.constant 9 : i32
        %get3A_842 = arith.index_cast %get3A_841 : i32 to index
        %get3A_843 = arith.constant 80 : index
        %get3A_844 = tpu.vector_load %arg19[%get3A_842, %get3A_843] {strides = array<i32>} : memref<16x128xf32, #tpu.memory_space<vmem>>, vector<16xf32>,
        %mul3A_845 = arith.mulf %get3A_844, %gather3A_795 : vector<16xf32>
        %swap3A_846 = arith.constant 9 : i32
        %swap3A_847 = arith.index_cast %swap3A_846 : i32 to index
        %swap3A_848 = arith.constant 80 : index
        %swap3A_849 = tpu.vector_load %arg20[%swap3A_847, %swap3A_848] {strides = array<i32>} : memref<16x128xf32, #tpu.memory_space<vmem>>, vector<16xf32>,
        tpu.vector_store %arg20[%swap3A_847, %swap3A_848], %mul3A_845 {strides = array<i32>} : memref<16x128xf32, #tpu.memory_space<vmem>>, vector<16xf32>,
        %get3A_850 = arith.constant 9 : i32
        %get3A_851 = arith.index_cast %get3A_850 : i32 to index
        %get3A_852 = arith.constant 96 : index
        %get3A_853 = tpu.vector_load %arg19[%get3A_851, %get3A_852] {strides = array<i32>} : memref<16x128xf32, #tpu.memory_space<vmem>>, vector<16xf32>,
        %mul3A_854 = arith.mulf %get3A_853, %gather3A_795 : vector<16xf32>
        %swap3A_855 = arith.constant 9 : i32
        %swap3A_856 = arith.index_cast %swap3A_855 : i32 to index
        %swap3A_857 = arith.constant 96 : index
        %swap3A_858 = tpu.vector_load %arg20[%swap3A_856, %swap3A_857] {strides = array<i32>} : memref<16x128xf32, #tpu.memory_space<vmem>>, vector<16xf32>,
        tpu.vector_store %arg20[%swap3A_856, %swap3A_857], %mul3A_854 {strides = array<i32>} : memref<16x128xf32, #tpu.memory_space<vmem>>, vector<16xf32>,
        %get3A_859 = arith.constant 9 : i32
        %get3A_860 = arith.index_cast %get3A_859 : i32 to index
        %get3A_861 = arith.constant 112 : index
        %get3A_862 = tpu.vector_load %arg19[%get3A_860, %get3A_861] {strides = array<i32>} : memref<16x128xf32, #tpu.memory_space<vmem>>, vector<16xf32>,
        %mul3A_863 = arith.mulf %get3A_862, %gather3A_795 : vector<16xf32>
        %swap3A_864 = arith.constant 9 : i32
        %swap3A_865 = arith.index_cast %swap3A_864 : i32 to index
        %swap3A_866 = arith.constant 112 : index
        %swap3A_867 = tpu.vector_load %arg20[%swap3A_865, %swap3A_866] {strides = array<i32>} : memref<16x128xf32, #tpu.memory_space<vmem>>, vector<16xf32>,
        tpu.vector_store %arg20[%swap3A_865, %swap3A_866], %mul3A_863 {strides = array<i32>} : memref<16x128xf32, #tpu.memory_space<vmem>>, vector<16xf32>,
        %broadcast_in_dim3A_868 = arith.constant 10 : i32
        %broadcast_in_dim3A_869 = vector.broadcast %broadcast_in_dim3A_868 : i32 to vector<16xi32>
        %reshape3A_870 = vector.shape_cast %broadcast_in_dim3A_869 : vector<16xi32> to vector<16x1xi32>
        %gather3A_871 = vector.shape_cast %reshape3A_870 : vector<16x1xi32> to vector<16xi32>
        %gather3A_872 = tpu.dynamic_gather %select_n3A_96[%gather3A_871] in [0] : vector<16xf32>, vector<16xi32> -> vector<16xf32>
        %get3A_873 = arith.constant 10 : i32
        %get3A_874 = arith.index_cast %get3A_873 : i32 to index
        %get3A_875 = arith.constant 0 : index
        %get3A_876 = tpu.vector_load %arg19[%get3A_874, %get3A_875] {strides = array<i32>} : memref<16x128xf32, #tpu.memory_space<vmem>>, vector<16xf32>,
        %mul3A_877 = arith.mulf %get3A_876, %gather3A_872 : vector<16xf32>
        %swap3A_878 = arith.constant 10 : i32
        %swap3A_879 = arith.index_cast %swap3A_878 : i32 to index
        %swap3A_880 = arith.constant 0 : index
        %swap3A_881 = tpu.vector_load %arg20[%swap3A_879, %swap3A_880] {strides = array<i32>} : memref<16x128xf32, #tpu.memory_space<vmem>>, vector<16xf32>,
        tpu.vector_store %arg20[%swap3A_879, %swap3A_880], %mul3A_877 {strides = array<i32>} : memref<16x128xf32, #tpu.memory_space<vmem>>, vector<16xf32>,
        %get3A_882 = arith.constant 10 : i32
        %get3A_883 = arith.index_cast %get3A_882 : i32 to index
        %get3A_884 = arith.constant 16 : index
        %get3A_885 = tpu.vector_load %arg19[%get3A_883, %get3A_884] {strides = array<i32>} : memref<16x128xf32, #tpu.memory_space<vmem>>, vector<16xf32>,
        %mul3A_886 = arith.mulf %get3A_885, %gather3A_872 : vector<16xf32>
        %swap3A_887 = arith.constant 10 : i32
        %swap3A_888 = arith.index_cast %swap3A_887 : i32 to index
        %swap3A_889 = arith.constant 16 : index
        %swap3A_890 = tpu.vector_load %arg20[%swap3A_888, %swap3A_889] {strides = array<i32>} : memref<16x128xf32, #tpu.memory_space<vmem>>, vector<16xf32>,
        tpu.vector_store %arg20[%swap3A_888, %swap3A_889], %mul3A_886 {strides = array<i32>} : memref<16x128xf32, #tpu.memory_space<vmem>>, vector<16xf32>,
        %get3A_891 = arith.constant 10 : i32
        %get3A_892 = arith.index_cast %get3A_891 : i32 to index
        %get3A_893 = arith.constant 32 : index
        %get3A_894 = tpu.vector_load %arg19[%get3A_892, %get3A_893] {strides = array<i32>} : memref<16x128xf32, #tpu.memory_space<vmem>>, vector<16xf32>,
        %mul3A_895 = arith.mulf %get3A_894, %gather3A_872 : vector<16xf32>
        %swap3A_896 = arith.constant 10 : i32
        %swap3A_897 = arith.index_cast %swap3A_896 : i32 to index
        %swap3A_898 = arith.constant 32 : index
        %swap3A_899 = tpu.vector_load %arg20[%swap3A_897, %swap3A_898] {strides = array<i32>} : memref<16x128xf32, #tpu.memory_space<vmem>>, vector<16xf32>,
        tpu.vector_store %arg20[%swap3A_897, %swap3A_898], %mul3A_895 {strides = array<i32>} : memref<16x128xf32, #tpu.memory_space<vmem>>, vector<16xf32>,
        %get3A_900 = arith.constant 10 : i32
        %get3A_901 = arith.index_cast %get3A_900 : i32 to index
        %get3A_902 = arith.constant 48 : index
        %get3A_903 = tpu.vector_load %arg19[%get3A_901, %get3A_902] {strides = array<i32>} : memref<16x128xf32, #tpu.memory_space<vmem>>, vector<16xf32>,
        %mul3A_904 = arith.mulf %get3A_903, %gather3A_872 : vector<16xf32>
        %swap3A_905 = arith.constant 10 : i32
        %swap3A_906 = arith.index_cast %swap3A_905 : i32 to index
        %swap3A_907 = arith.constant 48 : index
        %swap3A_908 = tpu.vector_load %arg20[%swap3A_906, %swap3A_907] {strides = array<i32>} : memref<16x128xf32, #tpu.memory_space<vmem>>, vector<16xf32>,
        tpu.vector_store %arg20[%swap3A_906, %swap3A_907], %mul3A_904 {strides = array<i32>} : memref<16x128xf32, #tpu.memory_space<vmem>>, vector<16xf32>,
        %get3A_909 = arith.constant 10 : i32
        %get3A_910 = arith.index_cast %get3A_909 : i32 to index
        %get3A_911 = arith.constant 64 : index
        %get3A_912 = tpu.vector_load %arg19[%get3A_910, %get3A_911] {strides = array<i32>} : memref<16x128xf32, #tpu.memory_space<vmem>>, vector<16xf32>,
        %mul3A_913 = arith.mulf %get3A_912, %gather3A_872 : vector<16xf32>
        %swap3A_914 = arith.constant 10 : i32
        %swap3A_915 = arith.index_cast %swap3A_914 : i32 to index
        %swap3A_916 = arith.constant 64 : index
        %swap3A_917 = tpu.vector_load %arg20[%swap3A_915, %swap3A_916] {strides = array<i32>} : memref<16x128xf32, #tpu.memory_space<vmem>>, vector<16xf32>,
        tpu.vector_store %arg20[%swap3A_915, %swap3A_916], %mul3A_913 {strides = array<i32>} : memref<16x128xf32, #tpu.memory_space<vmem>>, vector<16xf32>,
        %get3A_918 = arith.constant 10 : i32
        %get3A_919 = arith.index_cast %get3A_918 : i32 to index
        %get3A_920 = arith.constant 80 : index
        %get3A_921 = tpu.vector_load %arg19[%get3A_919, %get3A_920] {strides = array<i32>} : memref<16x128xf32, #tpu.memory_space<vmem>>, vector<16xf32>,
        %mul3A_922 = arith.mulf %get3A_921, %gather3A_872 : vector<16xf32>
        %swap3A_923 = arith.constant 10 : i32
        %swap3A_924 = arith.index_cast %swap3A_923 : i32 to index
        %swap3A_925 = arith.constant 80 : index
        %swap3A_926 = tpu.vector_load %arg20[%swap3A_924, %swap3A_925] {strides = array<i32>} : memref<16x128xf32, #tpu.memory_space<vmem>>, vector<16xf32>,
        tpu.vector_store %arg20[%swap3A_924, %swap3A_925], %mul3A_922 {strides = array<i32>} : memref<16x128xf32, #tpu.memory_space<vmem>>, vector<16xf32>,
        %get3A_927 = arith.constant 10 : i32
        %get3A_928 = arith.index_cast %get3A_927 : i32 to index
        %get3A_929 = arith.constant 96 : index
        %get3A_930 = tpu.vector_load %arg19[%get3A_928, %get3A_929] {strides = array<i32>} : memref<16x128xf32, #tpu.memory_space<vmem>>, vector<16xf32>,
        %mul3A_931 = arith.mulf %get3A_930, %gather3A_872 : vector<16xf32>
        %swap3A_932 = arith.constant 10 : i32
        %swap3A_933 = arith.index_cast %swap3A_932 : i32 to index
        %swap3A_934 = arith.constant 96 : index
        %swap3A_935 = tpu.vector_load %arg20[%swap3A_933, %swap3A_934] {strides = array<i32>} : memref<16x128xf32, #tpu.memory_space<vmem>>, vector<16xf32>,
        tpu.vector_store %arg20[%swap3A_933, %swap3A_934], %mul3A_931 {strides = array<i32>} : memref<16x128xf32, #tpu.memory_space<vmem>>, vector<16xf32>,
        %get3A_936 = arith.constant 10 : i32
        %get3A_937 = arith.index_cast %get3A_936 : i32 to index
        %get3A_938 = arith.constant 112 : index
        %get3A_939 = tpu.vector_load %arg19[%get3A_937, %get3A_938] {strides = array<i32>} : memref<16x128xf32, #tpu.memory_space<vmem>>, vector<16xf32>,
        %mul3A_940 = arith.mulf %get3A_939, %gather3A_872 : vector<16xf32>
        %swap3A_941 = arith.constant 10 : i32
        %swap3A_942 = arith.index_cast %swap3A_941 : i32 to index
        %swap3A_943 = arith.constant 112 : index
        %swap3A_944 = tpu.vector_load %arg20[%swap3A_942, %swap3A_943] {strides = array<i32>} : memref<16x128xf32, #tpu.memory_space<vmem>>, vector<16xf32>,
        tpu.vector_store %arg20[%swap3A_942, %swap3A_943], %mul3A_940 {strides = array<i32>} : memref<16x128xf32, #tpu.memory_space<vmem>>, vector<16xf32>,
        %broadcast_in_dim3A_945 = arith.constant 11 : i32
        %broadcast_in_dim3A_946 = vector.broadcast %broadcast_in_dim3A_945 : i32 to vector<16xi32>
        %reshape3A_947 = vector.shape_cast %broadcast_in_dim3A_946 : vector<16xi32> to vector<16x1xi32>
        %gather3A_948 = vector.shape_cast %reshape3A_947 : vector<16x1xi32> to vector<16xi32>
        %gather3A_949 = tpu.dynamic_gather %select_n3A_96[%gather3A_948] in [0] : vector<16xf32>, vector<16xi32> -> vector<16xf32>
        %get3A_950 = arith.constant 11 : i32
        %get3A_951 = arith.index_cast %get3A_950 : i32 to index
        %get3A_952 = arith.constant 0 : index
        %get3A_953 = tpu.vector_load %arg19[%get3A_951, %get3A_952] {strides = array<i32>} : memref<16x128xf32, #tpu.memory_space<vmem>>, vector<16xf32>,
        %mul3A_954 = arith.mulf %get3A_953, %gather3A_949 : vector<16xf32>
        %swap3A_955 = arith.constant 11 : i32
        %swap3A_956 = arith.index_cast %swap3A_955 : i32 to index
        %swap3A_957 = arith.constant 0 : index
        %swap3A_958 = tpu.vector_load %arg20[%swap3A_956, %swap3A_957] {strides = array<i32>} : memref<16x128xf32, #tpu.memory_space<vmem>>, vector<16xf32>,
        tpu.vector_store %arg20[%swap3A_956, %swap3A_957], %mul3A_954 {strides = array<i32>} : memref<16x128xf32, #tpu.memory_space<vmem>>, vector<16xf32>,
        %get3A_959 = arith.constant 11 : i32
        %get3A_960 = arith.index_cast %get3A_959 : i32 to index
        %get3A_961 = arith.constant 16 : index
        %get3A_962 = tpu.vector_load %arg19[%get3A_960, %get3A_961] {strides = array<i32>} : memref<16x128xf32, #tpu.memory_space<vmem>>, vector<16xf32>,
        %mul3A_963 = arith.mulf %get3A_962, %gather3A_949 : vector<16xf32>
        %swap3A_964 = arith.constant 11 : i32
        %swap3A_965 = arith.index_cast %swap3A_964 : i32 to index
        %swap3A_966 = arith.constant 16 : index
        %swap3A_967 = tpu.vector_load %arg20[%swap3A_965, %swap3A_966] {strides = array<i32>} : memref<16x128xf32, #tpu.memory_space<vmem>>, vector<16xf32>,
        tpu.vector_store %arg20[%swap3A_965, %swap3A_966], %mul3A_963 {strides = array<i32>} : memref<16x128xf32, #tpu.memory_space<vmem>>, vector<16xf32>,
        %get3A_968 = arith.constant 11 : i32
        %get3A_969 = arith.index_cast %get3A_968 : i32 to index
        %get3A_970 = arith.constant 32 : index
        %get3A_971 = tpu.vector_load %arg19[%get3A_969, %get3A_970] {strides = array<i32>} : memref<16x128xf32, #tpu.memory_space<vmem>>, vector<16xf32>,
        %mul3A_972 = arith.mulf %get3A_971, %gather3A_949 : vector<16xf32>
        %swap3A_973 = arith.constant 11 : i32
        %swap3A_974 = arith.index_cast %swap3A_973 : i32 to index
        %swap3A_975 = arith.constant 32 : index
        %swap3A_976 = tpu.vector_load %arg20[%swap3A_974, %swap3A_975] {strides = array<i32>} : memref<16x128xf32, #tpu.memory_space<vmem>>, vector<16xf32>,
        tpu.vector_store %arg20[%swap3A_974, %swap3A_975], %mul3A_972 {strides = array<i32>} : memref<16x128xf32, #tpu.memory_space<vmem>>, vector<16xf32>,
        %get3A_977 = arith.constant 11 : i32
        %get3A_978 = arith.index_cast %get3A_977 : i32 to index
        %get3A_979 = arith.constant 48 : index
        %get3A_980 = tpu.vector_load %arg19[%get3A_978, %get3A_979] {strides = array<i32>} : memref<16x128xf32, #tpu.memory_space<vmem>>, vector<16xf32>,
        %mul3A_981 = arith.mulf %get3A_980, %gather3A_949 : vector<16xf32>
        %swap3A_982 = arith.constant 11 : i32
        %swap3A_983 = arith.index_cast %swap3A_982 : i32 to index
        %swap3A_984 = arith.constant 48 : index
        %swap3A_985 = tpu.vector_load %arg20[%swap3A_983, %swap3A_984] {strides = array<i32>} : memref<16x128xf32, #tpu.memory_space<vmem>>, vector<16xf32>,
        tpu.vector_store %arg20[%swap3A_983, %swap3A_984], %mul3A_981 {strides = array<i32>} : memref<16x128xf32, #tpu.memory_space<vmem>>, vector<16xf32>,
        %get3A_986 = arith.constant 11 : i32
        %get3A_987 = arith.index_cast %get3A_986 : i32 to index
        %get3A_988 = arith.constant 64 : index
        %get3A_989 = tpu.vector_load %arg19[%get3A_987, %get3A_988] {strides = array<i32>} : memref<16x128xf32, #tpu.memory_space<vmem>>, vector<16xf32>,
        %mul3A_990 = arith.mulf %get3A_989, %gather3A_949 : vector<16xf32>
        %swap3A_991 = arith.constant 11 : i32
        %swap3A_992 = arith.index_cast %swap3A_991 : i32 to index
        %swap3A_993 = arith.constant 64 : index
        %swap3A_994 = tpu.vector_load %arg20[%swap3A_992, %swap3A_993] {strides = array<i32>} : memref<16x128xf32, #tpu.memory_space<vmem>>, vector<16xf32>,
        tpu.vector_store %arg20[%swap3A_992, %swap3A_993], %mul3A_990 {strides = array<i32>} : memref<16x128xf32, #tpu.memory_space<vmem>>, vector<16xf32>,
        %get3A_995 = arith.constant 11 : i32
        %get3A_996 = arith.index_cast %get3A_995 : i32 to index
        %get3A_997 = arith.constant 80 : index
        %get3A_998 = tpu.vector_load %arg19[%get3A_996, %get3A_997] {strides = array<i32>} : memref<16x128xf32, #tpu.memory_space<vmem>>, vector<16xf32>,
        %mul3A_999 = arith.mulf %get3A_998, %gather3A_949 : vector<16xf32>
        %swap3A_1000 = arith.constant 11 : i32
        %swap3A_1001 = arith.index_cast %swap3A_1000 : i32 to index
        %swap3A_1002 = arith.constant 80 : index
        %swap3A_1003 = tpu.vector_load %arg20[%swap3A_1001, %swap3A_1002] {strides = array<i32>} : memref<16x128xf32, #tpu.memory_space<vmem>>, vector<16xf32>,
        tpu.vector_store %arg20[%swap3A_1001, %swap3A_1002], %mul3A_999 {strides = array<i32>} : memref<16x128xf32, #tpu.memory_space<vmem>>, vector<16xf32>,
        %get3A_1004 = arith.constant 11 : i32
        %get3A_1005 = arith.index_cast %get3A_1004 : i32 to index
        %get3A_1006 = arith.constant 96 : index
        %get3A_1007 = tpu.vector_load %arg19[%get3A_1005, %get3A_1006] {strides = array<i32>} : memref<16x128xf32, #tpu.memory_space<vmem>>, vector<16xf32>,
        %mul3A_1008 = arith.mulf %get3A_1007, %gather3A_949 : vector<16xf32>
        %swap3A_1009 = arith.constant 11 : i32
        %swap3A_1010 = arith.index_cast %swap3A_1009 : i32 to index
        %swap3A_1011 = arith.constant 96 : index
        %swap3A_1012 = tpu.vector_load %arg20[%swap3A_1010, %swap3A_1011] {strides = array<i32>} : memref<16x128xf32, #tpu.memory_space<vmem>>, vector<16xf32>,
        tpu.vector_store %arg20[%swap3A_1010, %swap3A_1011], %mul3A_1008 {strides = array<i32>} : memref<16x128xf32, #tpu.memory_space<vmem>>, vector<16xf32>,
        %get3A_1013 = arith.constant 11 : i32
        %get3A_1014 = arith.index_cast %get3A_1013 : i32 to index
        %get3A_1015 = arith.constant 112 : index
        %get3A_1016 = tpu.vector_load %arg19[%get3A_1014, %get3A_1015] {strides = array<i32>} : memref<16x128xf32, #tpu.memory_space<vmem>>, vector<16xf32>,
        %mul3A_1017 = arith.mulf %get3A_1016, %gather3A_949 : vector<16xf32>
        %swap3A_1018 = arith.constant 11 : i32
        %swap3A_1019 = arith.index_cast %swap3A_1018 : i32 to index
        %swap3A_1020 = arith.constant 112 : index
        %swap3A_1021 = tpu.vector_load %arg20[%swap3A_1019, %swap3A_1020] {strides = array<i32>} : memref<16x128xf32, #tpu.memory_space<vmem>>, vector<16xf32>,
        tpu.vector_store %arg20[%swap3A_1019, %swap3A_1020], %mul3A_1017 {strides = array<i32>} : memref<16x128xf32, #tpu.memory_space<vmem>>, vector<16xf32>,
        %broadcast_in_dim3A_1022 = arith.constant 12 : i32
        %broadcast_in_dim3A_1023 = vector.broadcast %broadcast_in_dim3A_1022 : i32 to vector<16xi32>
        %reshape3A_1024 = vector.shape_cast %broadcast_in_dim3A_1023 : vector<16xi32> to vector<16x1xi32>
        %gather3A_1025 = vector.shape_cast %reshape3A_1024 : vector<16x1xi32> to vector<16xi32>
        %gather3A_1026 = tpu.dynamic_gather %select_n3A_96[%gather3A_1025] in [0] : vector<16xf32>, vector<16xi32> -> vector<16xf32>
        %get3A_1027 = arith.constant 12 : i32
        %get3A_1028 = arith.index_cast %get3A_1027 : i32 to index
        %get3A_1029 = arith.constant 0 : index
        %get3A_1030 = tpu.vector_load %arg19[%get3A_1028, %get3A_1029] {strides = array<i32>} : memref<16x128xf32, #tpu.memory_space<vmem>>, vector<16xf32>,
        %mul3A_1031 = arith.mulf %get3A_1030, %gather3A_1026 : vector<16xf32>
        %swap3A_1032 = arith.constant 12 : i32
        %swap3A_1033 = arith.index_cast %swap3A_1032 : i32 to index
        %swap3A_1034 = arith.constant 0 : index
        %swap3A_1035 = tpu.vector_load %arg20[%swap3A_1033, %swap3A_1034] {strides = array<i32>} : memref<16x128xf32, #tpu.memory_space<vmem>>, vector<16xf32>,
        tpu.vector_store %arg20[%swap3A_1033, %swap3A_1034], %mul3A_1031 {strides = array<i32>} : memref<16x128xf32, #tpu.memory_space<vmem>>, vector<16xf32>,
        %get3A_1036 = arith.constant 12 : i32
        %get3A_1037 = arith.index_cast %get3A_1036 : i32 to index
        %get3A_1038 = arith.constant 16 : index
        %get3A_1039 = tpu.vector_load %arg19[%get3A_1037, %get3A_1038] {strides = array<i32>} : memref<16x128xf32, #tpu.memory_space<vmem>>, vector<16xf32>,
        %mul3A_1040 = arith.mulf %get3A_1039, %gather3A_1026 : vector<16xf32>
        %swap3A_1041 = arith.constant 12 : i32
        %swap3A_1042 = arith.index_cast %swap3A_1041 : i32 to index
        %swap3A_1043 = arith.constant 16 : index
        %swap3A_1044 = tpu.vector_load %arg20[%swap3A_1042, %swap3A_1043] {strides = array<i32>} : memref<16x128xf32, #tpu.memory_space<vmem>>, vector<16xf32>,
        tpu.vector_store %arg20[%swap3A_1042, %swap3A_1043], %mul3A_1040 {strides = array<i32>} : memref<16x128xf32, #tpu.memory_space<vmem>>, vector<16xf32>,
        %get3A_1045 = arith.constant 12 : i32
        %get3A_1046 = arith.index_cast %get3A_1045 : i32 to index
        %get3A_1047 = arith.constant 32 : index
        %get3A_1048 = tpu.vector_load %arg19[%get3A_1046, %get3A_1047] {strides = array<i32>} : memref<16x128xf32, #tpu.memory_space<vmem>>, vector<16xf32>,
        %mul3A_1049 = arith.mulf %get3A_1048, %gather3A_1026 : vector<16xf32>
        %swap3A_1050 = arith.constant 12 : i32
        %swap3A_1051 = arith.index_cast %swap3A_1050 : i32 to index
        %swap3A_1052 = arith.constant 32 : index
        %swap3A_1053 = tpu.vector_load %arg20[%swap3A_1051, %swap3A_1052] {strides = array<i32>} : memref<16x128xf32, #tpu.memory_space<vmem>>, vector<16xf32>,
        tpu.vector_store %arg20[%swap3A_1051, %swap3A_1052], %mul3A_1049 {strides = array<i32>} : memref<16x128xf32, #tpu.memory_space<vmem>>, vector<16xf32>,
        %get3A_1054 = arith.constant 12 : i32
        %get3A_1055 = arith.index_cast %get3A_1054 : i32 to index
        %get3A_1056 = arith.constant 48 : index
        %get3A_1057 = tpu.vector_load %arg19[%get3A_1055, %get3A_1056] {strides = array<i32>} : memref<16x128xf32, #tpu.memory_space<vmem>>, vector<16xf32>,
        %mul3A_1058 = arith.mulf %get3A_1057, %gather3A_1026 : vector<16xf32>
        %swap3A_1059 = arith.constant 12 : i32
        %swap3A_1060 = arith.index_cast %swap3A_1059 : i32 to index
        %swap3A_1061 = arith.constant 48 : index
        %swap3A_1062 = tpu.vector_load %arg20[%swap3A_1060, %swap3A_1061] {strides = array<i32>} : memref<16x128xf32, #tpu.memory_space<vmem>>, vector<16xf32>,
        tpu.vector_store %arg20[%swap3A_1060, %swap3A_1061], %mul3A_1058 {strides = array<i32>} : memref<16x128xf32, #tpu.memory_space<vmem>>, vector<16xf32>,
        %get3A_1063 = arith.constant 12 : i32
        %get3A_1064 = arith.index_cast %get3A_1063 : i32 to index
        %get3A_1065 = arith.constant 64 : index
        %get3A_1066 = tpu.vector_load %arg19[%get3A_1064, %get3A_1065] {strides = array<i32>} : memref<16x128xf32, #tpu.memory_space<vmem>>, vector<16xf32>,
        %mul3A_1067 = arith.mulf %get3A_1066, %gather3A_1026 : vector<16xf32>
        %swap3A_1068 = arith.constant 12 : i32
        %swap3A_1069 = arith.index_cast %swap3A_1068 : i32 to index
        %swap3A_1070 = arith.constant 64 : index
        %swap3A_1071 = tpu.vector_load %arg20[%swap3A_1069, %swap3A_1070] {strides = array<i32>} : memref<16x128xf32, #tpu.memory_space<vmem>>, vector<16xf32>,
        tpu.vector_store %arg20[%swap3A_1069, %swap3A_1070], %mul3A_1067 {strides = array<i32>} : memref<16x128xf32, #tpu.memory_space<vmem>>, vector<16xf32>,
        %get3A_1072 = arith.constant 12 : i32
        %get3A_1073 = arith.index_cast %get3A_1072 : i32 to index
        %get3A_1074 = arith.constant 80 : index
        %get3A_1075 = tpu.vector_load %arg19[%get3A_1073, %get3A_1074] {strides = array<i32>} : memref<16x128xf32, #tpu.memory_space<vmem>>, vector<16xf32>,
        %mul3A_1076 = arith.mulf %get3A_1075, %gather3A_1026 : vector<16xf32>
        %swap3A_1077 = arith.constant 12 : i32
        %swap3A_1078 = arith.index_cast %swap3A_1077 : i32 to index
        %swap3A_1079 = arith.constant 80 : index
        %swap3A_1080 = tpu.vector_load %arg20[%swap3A_1078, %swap3A_1079] {strides = array<i32>} : memref<16x128xf32, #tpu.memory_space<vmem>>, vector<16xf32>,
        tpu.vector_store %arg20[%swap3A_1078, %swap3A_1079], %mul3A_1076 {strides = array<i32>} : memref<16x128xf32, #tpu.memory_space<vmem>>, vector<16xf32>,
        %get3A_1081 = arith.constant 12 : i32
        %get3A_1082 = arith.index_cast %get3A_1081 : i32 to index
        %get3A_1083 = arith.constant 96 : index
        %get3A_1084 = tpu.vector_load %arg19[%get3A_1082, %get3A_1083] {strides = array<i32>} : memref<16x128xf32, #tpu.memory_space<vmem>>, vector<16xf32>,
        %mul3A_1085 = arith.mulf %get3A_1084, %gather3A_1026 : vector<16xf32>
        %swap3A_1086 = arith.constant 12 : i32
        %swap3A_1087 = arith.index_cast %swap3A_1086 : i32 to index
        %swap3A_1088 = arith.constant 96 : index
        %swap3A_1089 = tpu.vector_load %arg20[%swap3A_1087, %swap3A_1088] {strides = array<i32>} : memref<16x128xf32, #tpu.memory_space<vmem>>, vector<16xf32>,
        tpu.vector_store %arg20[%swap3A_1087, %swap3A_1088], %mul3A_1085 {strides = array<i32>} : memref<16x128xf32, #tpu.memory_space<vmem>>, vector<16xf32>,
        %get3A_1090 = arith.constant 12 : i32
        %get3A_1091 = arith.index_cast %get3A_1090 : i32 to index
        %get3A_1092 = arith.constant 112 : index
        %get3A_1093 = tpu.vector_load %arg19[%get3A_1091, %get3A_1092] {strides = array<i32>} : memref<16x128xf32, #tpu.memory_space<vmem>>, vector<16xf32>,
        %mul3A_1094 = arith.mulf %get3A_1093, %gather3A_1026 : vector<16xf32>
        %swap3A_1095 = arith.constant 12 : i32
        %swap3A_1096 = arith.index_cast %swap3A_1095 : i32 to index
        %swap3A_1097 = arith.constant 112 : index
        %swap3A_1098 = tpu.vector_load %arg20[%swap3A_1096, %swap3A_1097] {strides = array<i32>} : memref<16x128xf32, #tpu.memory_space<vmem>>, vector<16xf32>,
        tpu.vector_store %arg20[%swap3A_1096, %swap3A_1097], %mul3A_1094 {strides = array<i32>} : memref<16x128xf32, #tpu.memory_space<vmem>>, vector<16xf32>,
        %broadcast_in_dim3A_1099 = arith.constant 13 : i32
        %broadcast_in_dim3A_1100 = vector.broadcast %broadcast_in_dim3A_1099 : i32 to vector<16xi32>
        %reshape3A_1101 = vector.shape_cast %broadcast_in_dim3A_1100 : vector<16xi32> to vector<16x1xi32>
        %gather3A_1102 = vector.shape_cast %reshape3A_1101 : vector<16x1xi32> to vector<16xi32>
        %gather3A_1103 = tpu.dynamic_gather %select_n3A_96[%gather3A_1102] in [0] : vector<16xf32>, vector<16xi32> -> vector<16xf32>
        %get3A_1104 = arith.constant 13 : i32
        %get3A_1105 = arith.index_cast %get3A_1104 : i32 to index
        %get3A_1106 = arith.constant 0 : index
        %get3A_1107 = tpu.vector_load %arg19[%get3A_1105, %get3A_1106] {strides = array<i32>} : memref<16x128xf32, #tpu.memory_space<vmem>>, vector<16xf32>,
        %mul3A_1108 = arith.mulf %get3A_1107, %gather3A_1103 : vector<16xf32>
        %swap3A_1109 = arith.constant 13 : i32
        %swap3A_1110 = arith.index_cast %swap3A_1109 : i32 to index
        %swap3A_1111 = arith.constant 0 : index
        %swap3A_1112 = tpu.vector_load %arg20[%swap3A_1110, %swap3A_1111] {strides = array<i32>} : memref<16x128xf32, #tpu.memory_space<vmem>>, vector<16xf32>,
        tpu.vector_store %arg20[%swap3A_1110, %swap3A_1111], %mul3A_1108 {strides = array<i32>} : memref<16x128xf32, #tpu.memory_space<vmem>>, vector<16xf32>,
        %get3A_1113 = arith.constant 13 : i32
        %get3A_1114 = arith.index_cast %get3A_1113 : i32 to index
        %get3A_1115 = arith.constant 16 : index
        %get3A_1116 = tpu.vector_load %arg19[%get3A_1114, %get3A_1115] {strides = array<i32>} : memref<16x128xf32, #tpu.memory_space<vmem>>, vector<16xf32>,
        %mul3A_1117 = arith.mulf %get3A_1116, %gather3A_1103 : vector<16xf32>
        %swap3A_1118 = arith.constant 13 : i32
        %swap3A_1119 = arith.index_cast %swap3A_1118 : i32 to index
        %swap3A_1120 = arith.constant 16 : index
        %swap3A_1121 = tpu.vector_load %arg20[%swap3A_1119, %swap3A_1120] {strides = array<i32>} : memref<16x128xf32, #tpu.memory_space<vmem>>, vector<16xf32>,
        tpu.vector_store %arg20[%swap3A_1119, %swap3A_1120], %mul3A_1117 {strides = array<i32>} : memref<16x128xf32, #tpu.memory_space<vmem>>, vector<16xf32>,
        %get3A_1122 = arith.constant 13 : i32
        %get3A_1123 = arith.index_cast %get3A_1122 : i32 to index
        %get3A_1124 = arith.constant 32 : index
        %get3A_1125 = tpu.vector_load %arg19[%get3A_1123, %get3A_1124] {strides = array<i32>} : memref<16x128xf32, #tpu.memory_space<vmem>>, vector<16xf32>,
        %mul3A_1126 = arith.mulf %get3A_1125, %gather3A_1103 : vector<16xf32>
        %swap3A_1127 = arith.constant 13 : i32
        %swap3A_1128 = arith.index_cast %swap3A_1127 : i32 to index
        %swap3A_1129 = arith.constant 32 : index
        %swap3A_1130 = tpu.vector_load %arg20[%swap3A_1128, %swap3A_1129] {strides = array<i32>} : memref<16x128xf32, #tpu.memory_space<vmem>>, vector<16xf32>,
        tpu.vector_store %arg20[%swap3A_1128, %swap3A_1129], %mul3A_1126 {strides = array<i32>} : memref<16x128xf32, #tpu.memory_space<vmem>>, vector<16xf32>,
        %get3A_1131 = arith.constant 13 : i32
        %get3A_1132 = arith.index_cast %get3A_1131 : i32 to index
        %get3A_1133 = arith.constant 48 : index
        %get3A_1134 = tpu.vector_load %arg19[%get3A_1132, %get3A_1133] {strides = array<i32>} : memref<16x128xf32, #tpu.memory_space<vmem>>, vector<16xf32>,
        %mul3A_1135 = arith.mulf %get3A_1134, %gather3A_1103 : vector<16xf32>
        %swap3A_1136 = arith.constant 13 : i32
        %swap3A_1137 = arith.index_cast %swap3A_1136 : i32 to index
        %swap3A_1138 = arith.constant 48 : index
        %swap3A_1139 = tpu.vector_load %arg20[%swap3A_1137, %swap3A_1138] {strides = array<i32>} : memref<16x128xf32, #tpu.memory_space<vmem>>, vector<16xf32>,
        tpu.vector_store %arg20[%swap3A_1137, %swap3A_1138], %mul3A_1135 {strides = array<i32>} : memref<16x128xf32, #tpu.memory_space<vmem>>, vector<16xf32>,
        %get3A_1140 = arith.constant 13 : i32
        %get3A_1141 = arith.index_cast %get3A_1140 : i32 to index
        %get3A_1142 = arith.constant 64 : index
        %get3A_1143 = tpu.vector_load %arg19[%get3A_1141, %get3A_1142] {strides = array<i32>} : memref<16x128xf32, #tpu.memory_space<vmem>>, vector<16xf32>,
        %mul3A_1144 = arith.mulf %get3A_1143, %gather3A_1103 : vector<16xf32>
        %swap3A_1145 = arith.constant 13 : i32
        %swap3A_1146 = arith.index_cast %swap3A_1145 : i32 to index
        %swap3A_1147 = arith.constant 64 : index
        %swap3A_1148 = tpu.vector_load %arg20[%swap3A_1146, %swap3A_1147] {strides = array<i32>} : memref<16x128xf32, #tpu.memory_space<vmem>>, vector<16xf32>,
        tpu.vector_store %arg20[%swap3A_1146, %swap3A_1147], %mul3A_1144 {strides = array<i32>} : memref<16x128xf32, #tpu.memory_space<vmem>>, vector<16xf32>,
        %get3A_1149 = arith.constant 13 : i32
        %get3A_1150 = arith.index_cast %get3A_1149 : i32 to index
        %get3A_1151 = arith.constant 80 : index
        %get3A_1152 = tpu.vector_load %arg19[%get3A_1150, %get3A_1151] {strides = array<i32>} : memref<16x128xf32, #tpu.memory_space<vmem>>, vector<16xf32>,
        %mul3A_1153 = arith.mulf %get3A_1152, %gather3A_1103 : vector<16xf32>
        %swap3A_1154 = arith.constant 13 : i32
        %swap3A_1155 = arith.index_cast %swap3A_1154 : i32 to index
        %swap3A_1156 = arith.constant 80 : index
        %swap3A_1157 = tpu.vector_load %arg20[%swap3A_1155, %swap3A_1156] {strides = array<i32>} : memref<16x128xf32, #tpu.memory_space<vmem>>, vector<16xf32>,
        tpu.vector_store %arg20[%swap3A_1155, %swap3A_1156], %mul3A_1153 {strides = array<i32>} : memref<16x128xf32, #tpu.memory_space<vmem>>, vector<16xf32>,
        %get3A_1158 = arith.constant 13 : i32
        %get3A_1159 = arith.index_cast %get3A_1158 : i32 to index
        %get3A_1160 = arith.constant 96 : index
        %get3A_1161 = tpu.vector_load %arg19[%get3A_1159, %get3A_1160] {strides = array<i32>} : memref<16x128xf32, #tpu.memory_space<vmem>>, vector<16xf32>,
        %mul3A_1162 = arith.mulf %get3A_1161, %gather3A_1103 : vector<16xf32>
        %swap3A_1163 = arith.constant 13 : i32
        %swap3A_1164 = arith.index_cast %swap3A_1163 : i32 to index
        %swap3A_1165 = arith.constant 96 : index
        %swap3A_1166 = tpu.vector_load %arg20[%swap3A_1164, %swap3A_1165] {strides = array<i32>} : memref<16x128xf32, #tpu.memory_space<vmem>>, vector<16xf32>,
        tpu.vector_store %arg20[%swap3A_1164, %swap3A_1165], %mul3A_1162 {strides = array<i32>} : memref<16x128xf32, #tpu.memory_space<vmem>>, vector<16xf32>,
        %get3A_1167 = arith.constant 13 : i32
        %get3A_1168 = arith.index_cast %get3A_1167 : i32 to index
        %get3A_1169 = arith.constant 112 : index
        %get3A_1170 = tpu.vector_load %arg19[%get3A_1168, %get3A_1169] {strides = array<i32>} : memref<16x128xf32, #tpu.memory_space<vmem>>, vector<16xf32>,
        %mul3A_1171 = arith.mulf %get3A_1170, %gather3A_1103 : vector<16xf32>
        %swap3A_1172 = arith.constant 13 : i32
        %swap3A_1173 = arith.index_cast %swap3A_1172 : i32 to index
        %swap3A_1174 = arith.constant 112 : index
        %swap3A_1175 = tpu.vector_load %arg20[%swap3A_1173, %swap3A_1174] {strides = array<i32>} : memref<16x128xf32, #tpu.memory_space<vmem>>, vector<16xf32>,
        tpu.vector_store %arg20[%swap3A_1173, %swap3A_1174], %mul3A_1171 {strides = array<i32>} : memref<16x128xf32, #tpu.memory_space<vmem>>, vector<16xf32>,
        %broadcast_in_dim3A_1176 = arith.constant 14 : i32
        %broadcast_in_dim3A_1177 = vector.broadcast %broadcast_in_dim3A_1176 : i32 to vector<16xi32>
        %reshape3A_1178 = vector.shape_cast %broadcast_in_dim3A_1177 : vector<16xi32> to vector<16x1xi32>
        %gather3A_1179 = vector.shape_cast %reshape3A_1178 : vector<16x1xi32> to vector<16xi32>
        %gather3A_1180 = tpu.dynamic_gather %select_n3A_96[%gather3A_1179] in [0] : vector<16xf32>, vector<16xi32> -> vector<16xf32>
        %get3A_1181 = arith.constant 14 : i32
        %get3A_1182 = arith.index_cast %get3A_1181 : i32 to index
        %get3A_1183 = arith.constant 0 : index
        %get3A_1184 = tpu.vector_load %arg19[%get3A_1182, %get3A_1183] {strides = array<i32>} : memref<16x128xf32, #tpu.memory_space<vmem>>, vector<16xf32>,
        %mul3A_1185 = arith.mulf %get3A_1184, %gather3A_1180 : vector<16xf32>
        %swap3A_1186 = arith.constant 14 : i32
        %swap3A_1187 = arith.index_cast %swap3A_1186 : i32 to index
        %swap3A_1188 = arith.constant 0 : index
        %swap3A_1189 = tpu.vector_load %arg20[%swap3A_1187, %swap3A_1188] {strides = array<i32>} : memref<16x128xf32, #tpu.memory_space<vmem>>, vector<16xf32>,
        tpu.vector_store %arg20[%swap3A_1187, %swap3A_1188], %mul3A_1185 {strides = array<i32>} : memref<16x128xf32, #tpu.memory_space<vmem>>, vector<16xf32>,
        %get3A_1190 = arith.constant 14 : i32
        %get3A_1191 = arith.index_cast %get3A_1190 : i32 to index
        %get3A_1192 = arith.constant 16 : index
        %get3A_1193 = tpu.vector_load %arg19[%get3A_1191, %get3A_1192] {strides = array<i32>} : memref<16x128xf32, #tpu.memory_space<vmem>>, vector<16xf32>,
        %mul3A_1194 = arith.mulf %get3A_1193, %gather3A_1180 : vector<16xf32>
        %swap3A_1195 = arith.constant 14 : i32
        %swap3A_1196 = arith.index_cast %swap3A_1195 : i32 to index
        %swap3A_1197 = arith.constant 16 : index
        %swap3A_1198 = tpu.vector_load %arg20[%swap3A_1196, %swap3A_1197] {strides = array<i32>} : memref<16x128xf32, #tpu.memory_space<vmem>>, vector<16xf32>,
        tpu.vector_store %arg20[%swap3A_1196, %swap3A_1197], %mul3A_1194 {strides = array<i32>} : memref<16x128xf32, #tpu.memory_space<vmem>>, vector<16xf32>,
        %get3A_1199 = arith.constant 14 : i32
        %get3A_1200 = arith.index_cast %get3A_1199 : i32 to index
        %get3A_1201 = arith.constant 32 : index
        %get3A_1202 = tpu.vector_load %arg19[%get3A_1200, %get3A_1201] {strides = array<i32>} : memref<16x128xf32, #tpu.memory_space<vmem>>, vector<16xf32>,
        %mul3A_1203 = arith.mulf %get3A_1202, %gather3A_1180 : vector<16xf32>
        %swap3A_1204 = arith.constant 14 : i32
        %swap3A_1205 = arith.index_cast %swap3A_1204 : i32 to index
        %swap3A_1206 = arith.constant 32 : index
        %swap3A_1207 = tpu.vector_load %arg20[%swap3A_1205, %swap3A_1206] {strides = array<i32>} : memref<16x128xf32, #tpu.memory_space<vmem>>, vector<16xf32>,
        tpu.vector_store %arg20[%swap3A_1205, %swap3A_1206], %mul3A_1203 {strides = array<i32>} : memref<16x128xf32, #tpu.memory_space<vmem>>, vector<16xf32>,
        %get3A_1208 = arith.constant 14 : i32
        %get3A_1209 = arith.index_cast %get3A_1208 : i32 to index
        %get3A_1210 = arith.constant 48 : index
        %get3A_1211 = tpu.vector_load %arg19[%get3A_1209, %get3A_1210] {strides = array<i32>} : memref<16x128xf32, #tpu.memory_space<vmem>>, vector<16xf32>,
        %mul3A_1212 = arith.mulf %get3A_1211, %gather3A_1180 : vector<16xf32>
        %swap3A_1213 = arith.constant 14 : i32
        %swap3A_1214 = arith.index_cast %swap3A_1213 : i32 to index
        %swap3A_1215 = arith.constant 48 : index
        %swap3A_1216 = tpu.vector_load %arg20[%swap3A_1214, %swap3A_1215] {strides = array<i32>} : memref<16x128xf32, #tpu.memory_space<vmem>>, vector<16xf32>,
        tpu.vector_store %arg20[%swap3A_1214, %swap3A_1215], %mul3A_1212 {strides = array<i32>} : memref<16x128xf32, #tpu.memory_space<vmem>>, vector<16xf32>,
        %get3A_1217 = arith.constant 14 : i32
        %get3A_1218 = arith.index_cast %get3A_1217 : i32 to index
        %get3A_1219 = arith.constant 64 : index
        %get3A_1220 = tpu.vector_load %arg19[%get3A_1218, %get3A_1219] {strides = array<i32>} : memref<16x128xf32, #tpu.memory_space<vmem>>, vector<16xf32>,
        %mul3A_1221 = arith.mulf %get3A_1220, %gather3A_1180 : vector<16xf32>
        %swap3A_1222 = arith.constant 14 : i32
        %swap3A_1223 = arith.index_cast %swap3A_1222 : i32 to index
        %swap3A_1224 = arith.constant 64 : index
        %swap3A_1225 = tpu.vector_load %arg20[%swap3A_1223, %swap3A_1224] {strides = array<i32>} : memref<16x128xf32, #tpu.memory_space<vmem>>, vector<16xf32>,
        tpu.vector_store %arg20[%swap3A_1223, %swap3A_1224], %mul3A_1221 {strides = array<i32>} : memref<16x128xf32, #tpu.memory_space<vmem>>, vector<16xf32>,
        %get3A_1226 = arith.constant 14 : i32
        %get3A_1227 = arith.index_cast %get3A_1226 : i32 to index
        %get3A_1228 = arith.constant 80 : index
        %get3A_1229 = tpu.vector_load %arg19[%get3A_1227, %get3A_1228] {strides = array<i32>} : memref<16x128xf32, #tpu.memory_space<vmem>>, vector<16xf32>,
        %mul3A_1230 = arith.mulf %get3A_1229, %gather3A_1180 : vector<16xf32>
        %swap3A_1231 = arith.constant 14 : i32
        %swap3A_1232 = arith.index_cast %swap3A_1231 : i32 to index
        %swap3A_1233 = arith.constant 80 : index
        %swap3A_1234 = tpu.vector_load %arg20[%swap3A_1232, %swap3A_1233] {strides = array<i32>} : memref<16x128xf32, #tpu.memory_space<vmem>>, vector<16xf32>,
        tpu.vector_store %arg20[%swap3A_1232, %swap3A_1233], %mul3A_1230 {strides = array<i32>} : memref<16x128xf32, #tpu.memory_space<vmem>>, vector<16xf32>,
        %get3A_1235 = arith.constant 14 : i32
        %get3A_1236 = arith.index_cast %get3A_1235 : i32 to index
        %get3A_1237 = arith.constant 96 : index
        %get3A_1238 = tpu.vector_load %arg19[%get3A_1236, %get3A_1237] {strides = array<i32>} : memref<16x128xf32, #tpu.memory_space<vmem>>, vector<16xf32>,
        %mul3A_1239 = arith.mulf %get3A_1238, %gather3A_1180 : vector<16xf32>
        %swap3A_1240 = arith.constant 14 : i32
        %swap3A_1241 = arith.index_cast %swap3A_1240 : i32 to index
        %swap3A_1242 = arith.constant 96 : index
        %swap3A_1243 = tpu.vector_load %arg20[%swap3A_1241, %swap3A_1242] {strides = array<i32>} : memref<16x128xf32, #tpu.memory_space<vmem>>, vector<16xf32>,
        tpu.vector_store %arg20[%swap3A_1241, %swap3A_1242], %mul3A_1239 {strides = array<i32>} : memref<16x128xf32, #tpu.memory_space<vmem>>, vector<16xf32>,
        %get3A_1244 = arith.constant 14 : i32
        %get3A_1245 = arith.index_cast %get3A_1244 : i32 to index
        %get3A_1246 = arith.constant 112 : index
        %get3A_1247 = tpu.vector_load %arg19[%get3A_1245, %get3A_1246] {strides = array<i32>} : memref<16x128xf32, #tpu.memory_space<vmem>>, vector<16xf32>,
        %mul3A_1248 = arith.mulf %get3A_1247, %gather3A_1180 : vector<16xf32>
        %swap3A_1249 = arith.constant 14 : i32
        %swap3A_1250 = arith.index_cast %swap3A_1249 : i32 to index
        %swap3A_1251 = arith.constant 112 : index
        %swap3A_1252 = tpu.vector_load %arg20[%swap3A_1250, %swap3A_1251] {strides = array<i32>} : memref<16x128xf32, #tpu.memory_space<vmem>>, vector<16xf32>,
        tpu.vector_store %arg20[%swap3A_1250, %swap3A_1251], %mul3A_1248 {strides = array<i32>} : memref<16x128xf32, #tpu.memory_space<vmem>>, vector<16xf32>,
        %broadcast_in_dim3A_1253 = arith.constant 15 : i32
        %broadcast_in_dim3A_1254 = vector.broadcast %broadcast_in_dim3A_1253 : i32 to vector<16xi32>
        %reshape3A_1255 = vector.shape_cast %broadcast_in_dim3A_1254 : vector<16xi32> to vector<16x1xi32>
        %gather3A_1256 = vector.shape_cast %reshape3A_1255 : vector<16x1xi32> to vector<16xi32>
        %gather3A_1257 = tpu.dynamic_gather %select_n3A_96[%gather3A_1256] in [0] : vector<16xf32>, vector<16xi32> -> vector<16xf32>
        %get3A_1258 = arith.constant 15 : i32
        %get3A_1259 = arith.index_cast %get3A_1258 : i32 to index
        %get3A_1260 = arith.constant 0 : index
        %get3A_1261 = tpu.vector_load %arg19[%get3A_1259, %get3A_1260] {strides = array<i32>} : memref<16x128xf32, #tpu.memory_space<vmem>>, vector<16xf32>,
        %mul3A_1262 = arith.mulf %get3A_1261, %gather3A_1257 : vector<16xf32>
        %swap3A_1263 = arith.constant 15 : i32
        %swap3A_1264 = arith.index_cast %swap3A_1263 : i32 to index
        %swap3A_1265 = arith.constant 0 : index
        %swap3A_1266 = tpu.vector_load %arg20[%swap3A_1264, %swap3A_1265] {strides = array<i32>} : memref<16x128xf32, #tpu.memory_space<vmem>>, vector<16xf32>,
        tpu.vector_store %arg20[%swap3A_1264, %swap3A_1265], %mul3A_1262 {strides = array<i32>} : memref<16x128xf32, #tpu.memory_space<vmem>>, vector<16xf32>,
        %get3A_1267 = arith.constant 15 : i32
        %get3A_1268 = arith.index_cast %get3A_1267 : i32 to index
        %get3A_1269 = arith.constant 16 : index
        %get3A_1270 = tpu.vector_load %arg19[%get3A_1268, %get3A_1269] {strides = array<i32>} : memref<16x128xf32, #tpu.memory_space<vmem>>, vector<16xf32>,
        %mul3A_1271 = arith.mulf %get3A_1270, %gather3A_1257 : vector<16xf32>
        %swap3A_1272 = arith.constant 15 : i32
        %swap3A_1273 = arith.index_cast %swap3A_1272 : i32 to index
        %swap3A_1274 = arith.constant 16 : index
        %swap3A_1275 = tpu.vector_load %arg20[%swap3A_1273, %swap3A_1274] {strides = array<i32>} : memref<16x128xf32, #tpu.memory_space<vmem>>, vector<16xf32>,
        tpu.vector_store %arg20[%swap3A_1273, %swap3A_1274], %mul3A_1271 {strides = array<i32>} : memref<16x128xf32, #tpu.memory_space<vmem>>, vector<16xf32>,
        %get3A_1276 = arith.constant 15 : i32
        %get3A_1277 = arith.index_cast %get3A_1276 : i32 to index
        %get3A_1278 = arith.constant 32 : index
        %get3A_1279 = tpu.vector_load %arg19[%get3A_1277, %get3A_1278] {strides = array<i32>} : memref<16x128xf32, #tpu.memory_space<vmem>>, vector<16xf32>,
        %mul3A_1280 = arith.mulf %get3A_1279, %gather3A_1257 : vector<16xf32>
        %swap3A_1281 = arith.constant 15 : i32
        %swap3A_1282 = arith.index_cast %swap3A_1281 : i32 to index
        %swap3A_1283 = arith.constant 32 : index
        %swap3A_1284 = tpu.vector_load %arg20[%swap3A_1282, %swap3A_1283] {strides = array<i32>} : memref<16x128xf32, #tpu.memory_space<vmem>>, vector<16xf32>,
        tpu.vector_store %arg20[%swap3A_1282, %swap3A_1283], %mul3A_1280 {strides = array<i32>} : memref<16x128xf32, #tpu.memory_space<vmem>>, vector<16xf32>,
        %get3A_1285 = arith.constant 15 : i32
        %get3A_1286 = arith.index_cast %get3A_1285 : i32 to index
        %get3A_1287 = arith.constant 48 : index
        %get3A_1288 = tpu.vector_load %arg19[%get3A_1286, %get3A_1287] {strides = array<i32>} : memref<16x128xf32, #tpu.memory_space<vmem>>, vector<16xf32>,
        %mul3A_1289 = arith.mulf %get3A_1288, %gather3A_1257 : vector<16xf32>
        %swap3A_1290 = arith.constant 15 : i32
        %swap3A_1291 = arith.index_cast %swap3A_1290 : i32 to index
        %swap3A_1292 = arith.constant 48 : index
        %swap3A_1293 = tpu.vector_load %arg20[%swap3A_1291, %swap3A_1292] {strides = array<i32>} : memref<16x128xf32, #tpu.memory_space<vmem>>, vector<16xf32>,
        tpu.vector_store %arg20[%swap3A_1291, %swap3A_1292], %mul3A_1289 {strides = array<i32>} : memref<16x128xf32, #tpu.memory_space<vmem>>, vector<16xf32>,
        %get3A_1294 = arith.constant 15 : i32
        %get3A_1295 = arith.index_cast %get3A_1294 : i32 to index
        %get3A_1296 = arith.constant 64 : index
        %get3A_1297 = tpu.vector_load %arg19[%get3A_1295, %get3A_1296] {strides = array<i32>} : memref<16x128xf32, #tpu.memory_space<vmem>>, vector<16xf32>,
        %mul3A_1298 = arith.mulf %get3A_1297, %gather3A_1257 : vector<16xf32>
        %swap3A_1299 = arith.constant 15 : i32
        %swap3A_1300 = arith.index_cast %swap3A_1299 : i32 to index
        %swap3A_1301 = arith.constant 64 : index
        %swap3A_1302 = tpu.vector_load %arg20[%swap3A_1300, %swap3A_1301] {strides = array<i32>} : memref<16x128xf32, #tpu.memory_space<vmem>>, vector<16xf32>,
        tpu.vector_store %arg20[%swap3A_1300, %swap3A_1301], %mul3A_1298 {strides = array<i32>} : memref<16x128xf32, #tpu.memory_space<vmem>>, vector<16xf32>,
        %get3A_1303 = arith.constant 15 : i32
        %get3A_1304 = arith.index_cast %get3A_1303 : i32 to index
        %get3A_1305 = arith.constant 80 : index
        %get3A_1306 = tpu.vector_load %arg19[%get3A_1304, %get3A_1305] {strides = array<i32>} : memref<16x128xf32, #tpu.memory_space<vmem>>, vector<16xf32>,
        %mul3A_1307 = arith.mulf %get3A_1306, %gather3A_1257 : vector<16xf32>
        %swap3A_1308 = arith.constant 15 : i32
        %swap3A_1309 = arith.index_cast %swap3A_1308 : i32 to index
        %swap3A_1310 = arith.constant 80 : index
        %swap3A_1311 = tpu.vector_load %arg20[%swap3A_1309, %swap3A_1310] {strides = array<i32>} : memref<16x128xf32, #tpu.memory_space<vmem>>, vector<16xf32>,
        tpu.vector_store %arg20[%swap3A_1309, %swap3A_1310], %mul3A_1307 {strides = array<i32>} : memref<16x128xf32, #tpu.memory_space<vmem>>, vector<16xf32>,
        %get3A_1312 = arith.constant 15 : i32
        %get3A_1313 = arith.index_cast %get3A_1312 : i32 to index
        %get3A_1314 = arith.constant 96 : index
        %get3A_1315 = tpu.vector_load %arg19[%get3A_1313, %get3A_1314] {strides = array<i32>} : memref<16x128xf32, #tpu.memory_space<vmem>>, vector<16xf32>,
        %mul3A_1316 = arith.mulf %get3A_1315, %gather3A_1257 : vector<16xf32>
        %swap3A_1317 = arith.constant 15 : i32
        %swap3A_1318 = arith.index_cast %swap3A_1317 : i32 to index
        %swap3A_1319 = arith.constant 96 : index
        %swap3A_1320 = tpu.vector_load %arg20[%swap3A_1318, %swap3A_1319] {strides = array<i32>} : memref<16x128xf32, #tpu.memory_space<vmem>>, vector<16xf32>,
        tpu.vector_store %arg20[%swap3A_1318, %swap3A_1319], %mul3A_1316 {strides = array<i32>} : memref<16x128xf32, #tpu.memory_space<vmem>>, vector<16xf32>,
        %get3A_1321 = arith.constant 15 : i32
        %get3A_1322 = arith.index_cast %get3A_1321 : i32 to index
        %get3A_1323 = arith.constant 112 : index
        %get3A_1324 = tpu.vector_load %arg19[%get3A_1322, %get3A_1323] {strides = array<i32>} : memref<16x128xf32, #tpu.memory_space<vmem>>, vector<16xf32>,
        %mul3A_1325 = arith.mulf %get3A_1324, %gather3A_1257 : vector<16xf32>
        %swap3A_1326 = arith.constant 15 : i32
        %swap3A_1327 = arith.index_cast %swap3A_1326 : i32 to index
        %swap3A_1328 = arith.constant 112 : index
        %swap3A_1329 = tpu.vector_load %arg20[%swap3A_1327, %swap3A_1328] {strides = array<i32>} : memref<16x128xf32, #tpu.memory_space<vmem>>, vector<16xf32>,
        tpu.vector_store %arg20[%swap3A_1327, %swap3A_1328], %mul3A_1325 {strides = array<i32>} : memref<16x128xf32, #tpu.memory_space<vmem>>, vector<16xf32>,
        "tpu.region"() ({
          %run_scoped3A = tpu.sem_alloc : memref<!tpu.dma_semaphore, #tpu.memory_space<semaphore_mem>>
          %dma_start3A_1343 = arith.constant 0 : i32
          %dma_start3A_1344 = arith.constant 0 : i32
          %dma_start3A_1345 = tpu.memref_slice %arg24[%dma_start3A_1343, %dma_start3A_1344] : memref<5120x128xf32, #tpu.memory_space<vmem_shared>> -> memref<5120x128xf32, #tpu.memory_space<vmem_shared>>
          tpu.enqueue_indirect_dma source(%arg20 : memref<16x128xf32, #tpu.memory_space<vmem>>) target(%dma_start3A_1345 : memref<5120x128xf32, #tpu.memory_space<vmem_shared>>) offsets(%select_n3A_93 : vector<16xi32>) semaphore(%run_scoped3A : memref<!tpu.dma_semaphore, #tpu.memory_space<semaphore_mem>>) {add = true}
          %dma_wait3A_1346 = arith.constant 0 : i32
          %dma_wait3A_1347 = arith.constant 0 : i32
          %dma_wait3A_1348 = tpu.memref_slice %arg24[%dma_wait3A_1346, %dma_wait3A_1347] : memref<5120x128xf32, #tpu.memory_space<vmem_shared>> -> memref<5120x128xf32, #tpu.memory_space<vmem_shared>>
          tpu.wait_indirect_dma semaphore(%run_scoped3A : memref<!tpu.dma_semaphore, #tpu.memory_space<semaphore_mem>>) src(%arg20 : memref<16x128xf32, #tpu.memory_space<vmem>>) dst(%dma_wait3A_1348 : memref<5120x128xf32, #tpu.memory_space<vmem_shared>>)
          tpu.yield
        }) : () -> ()
        %eq3A_1330 = arith.constant 0 : i32
        %eq3A_1331 = vector.broadcast %eq3A_1330 : i32 to vector<16xi32>
        %eq3A_1332 = arith.cmpi eq, %get3A_80, %eq3A_1331 : vector<16xi32>
        %and3A_1333 = arith.andi %eq3A_1332, %lt3A_85 : vector<16xi1>
        %jit3A_1334 = arith.constant 0.000000e+00 : f32
        %broadcast_in_dim3A_1335 = vector.broadcast %jit3A_1334 : f32 to vector<16xf32>
        %select_n3A_1336 = arith.select %and3A_1333, %select_n3A_96, %broadcast_in_dim3A_1335 : vector<16xi1>, vector<16xf32>
        %swap3A_1337 = arith.constant 0 : index
        %swap3A_1338 = tpu.vector_load %arg21[%swap3A_1337] {strides = array<i32>} : memref<16xf32, #tpu.memory_space<vmem>>, vector<16xf32>,
        tpu.vector_store %arg21[%swap3A_1337], %select_n3A_1336 {strides = array<i32>} : memref<16xf32, #tpu.memory_space<vmem>>, vector<16xf32>,
        %jit3A_1339 = arith.constant 0 : i32
        %broadcast_in_dim3A_1340 = vector.broadcast %jit3A_1339 : i32 to vector<16xi32>
        %select_n3A_1341 = arith.select %and3A_1333, %select_n3A_88, %broadcast_in_dim3A_1340 : vector<16xi1>, vector<16xi32>
        "tpu.region"() ({
          %run_scoped3A = tpu.sem_alloc : memref<!tpu.dma_semaphore, #tpu.memory_space<semaphore_mem>>
          %dma_start3A_1343 = arith.constant 0 : i32
          %dma_start3A_1344 = tpu.memref_slice %arg25[%dma_start3A_1343] : memref<10240xf32, #tpu.memory_space<vmem_shared>> -> memref<10240xf32, #tpu.memory_space<vmem_shared>>
          tpu.enqueue_indirect_dma source(%arg21 : memref<16xf32, #tpu.memory_space<vmem>>) target(%dma_start3A_1344 : memref<10240xf32, #tpu.memory_space<vmem_shared>>) offsets(%select_n3A_1341 : vector<16xi32>) semaphore(%run_scoped3A : memref<!tpu.dma_semaphore, #tpu.memory_space<semaphore_mem>>) {add = true}
          %dma_wait3A_1345 = arith.constant 0 : i32
          %dma_wait3A_1346 = tpu.memref_slice %arg25[%dma_wait3A_1345] : memref<10240xf32, #tpu.memory_space<vmem_shared>> -> memref<10240xf32, #tpu.memory_space<vmem_shared>>
          tpu.wait_indirect_dma semaphore(%run_scoped3A : memref<!tpu.dma_semaphore, #tpu.memory_space<semaphore_mem>>) src(%arg21 : memref<16xf32, #tpu.memory_space<vmem>>) dst(%dma_wait3A_1346 : memref<10240xf32, #tpu.memory_space<vmem_shared>>)
          tpu.yield
        }) : () -> ()
        %while3A_1342 = arith.constant 0 : i32
        scf.yield %while3A_1342 : i32
      }
      %scan3A_73 = arith.constant 0 : i32
      scf.yield %scan3A_73 : i32
    }
    %scan3A_31 = arith.constant 11 : i32
    %barrier3A_32 = arith.constant 0 : index
    tpu.barrier barrier_id(%barrier3A_32)
    %eq3A = arith.constant 0 : i32
    %eq3A_33 = arith.cmpi eq, %arg1, %eq3A : i32
    %convert_element_type3A = arith.extui %eq3A_33 : i1 to i32
    %cond3A = arith.constant 0 : i32
    %cond3A_34 = arith.cmpi ne, %convert_element_type3A, %cond3A : i32
    scf.if %cond3A_34 {
      "tpu.region"() ({
        %run_scoped3A = tpu.sem_alloc : memref<!tpu.dma_semaphore, #tpu.memory_space<semaphore_mem>>
        %dma_start3A = arith.constant 0 : i32
        %dma_start3A_35 = arith.constant 0 : i32
        %dma_start3A_36 = tpu.memref_slice %arg8[%arg0, %dma_start3A, %dma_start3A_35] : memref<2x5120x128xf32, #tpu.memory_space<hbm>> -> memref<1x5120x128xf32, #tpu.memory_space<hbm>>
        %dma_start3A_37 = tpu.memref_squeeze %dma_start3A_36 : memref<1x5120x128xf32, #tpu.memory_space<hbm>> -> memref<5120x128xf32, #tpu.memory_space<hbm>>
        tpu.enqueue_dma source(%arg24 : memref<5120x128xf32, #tpu.memory_space<vmem_shared>>) target(%dma_start3A_37 : memref<5120x128xf32, #tpu.memory_space<hbm>>) target_semaphore(%run_scoped3A : memref<!tpu.dma_semaphore, #tpu.memory_space<semaphore_mem>>)
        %dma_wait3A = arith.constant 0 : i32
        %dma_wait3A_38 = arith.constant 0 : i32
        %dma_wait3A_39 = tpu.memref_slice %arg8[%arg0, %dma_wait3A, %dma_wait3A_38] : memref<2x5120x128xf32, #tpu.memory_space<hbm>> -> memref<1x5120x128xf32, #tpu.memory_space<hbm>>
        %dma_wait3A_40 = tpu.memref_squeeze %dma_wait3A_39 : memref<1x5120x128xf32, #tpu.memory_space<hbm>> -> memref<5120x128xf32, #tpu.memory_space<hbm>>
        tpu.wait_dma2 semaphore(%run_scoped3A : memref<!tpu.dma_semaphore, #tpu.memory_space<semaphore_mem>>) src(%arg24 : memref<5120x128xf32, #tpu.memory_space<vmem_shared>>) dst(%dma_wait3A_40 : memref<5120x128xf32, #tpu.memory_space<hbm>>)
        tpu.yield
      }) : () -> ()
      "tpu.region"() ({
        %run_scoped3A = tpu.sem_alloc : memref<!tpu.dma_semaphore, #tpu.memory_space<semaphore_mem>>
        %dma_start3A = arith.constant 0 : i32
        %dma_start3A_35 = tpu.memref_slice %arg9[%arg0, %dma_start3A] : memref<2x10240xf32, #tpu.memory_space<hbm>> -> memref<1x10240xf32, #tpu.memory_space<hbm>>
        %dma_start3A_36 = tpu.memref_squeeze %dma_start3A_35 : memref<1x10240xf32, #tpu.memory_space<hbm>> -> memref<10240xf32, #tpu.memory_space<hbm>>
        tpu.enqueue_dma source(%arg25 : memref<10240xf32, #tpu.memory_space<vmem_shared>>) target(%dma_start3A_36 : memref<10240xf32, #tpu.memory_space<hbm>>) target_semaphore(%run_scoped3A : memref<!tpu.dma_semaphore, #tpu.memory_space<semaphore_mem>>)
        %dma_wait3A = arith.constant 0 : i32
        %dma_wait3A_37 = tpu.memref_slice %arg9[%arg0, %dma_wait3A] : memref<2x10240xf32, #tpu.memory_space<hbm>> -> memref<1x10240xf32, #tpu.memory_space<hbm>>
        %dma_wait3A_38 = tpu.memref_squeeze %dma_wait3A_37 : memref<1x10240xf32, #tpu.memory_space<hbm>> -> memref<10240xf32, #tpu.memory_space<hbm>>
        tpu.wait_dma2 semaphore(%run_scoped3A : memref<!tpu.dma_semaphore, #tpu.memory_space<semaphore_mem>>) src(%arg25 : memref<10240xf32, #tpu.memory_space<vmem_shared>>) dst(%dma_wait3A_38 : memref<10240xf32, #tpu.memory_space<hbm>>)
        tpu.yield
      }) : () -> ()
    } else {
    }
    return
  }
}

module attributes {stable_mosaic.version = 14 : i64} {
  func.func @_kern_b(%arg0: memref<10240x128xf32, #tpu.memory_space<vmem>>, %arg1: memref<1x128xf32, #tpu.memory_space<vmem>>, %arg2: memref<128x128xf32, #tpu.memory_space<vmem>>, %arg3: memref<1x128xf32, #tpu.memory_space<vmem>>, %arg4: memref<160x128xf32, #tpu.memory_space<vmem>>, %arg5: memref<2560x128xf32, #tpu.memory_space<vmem>>, %arg6: memref<10240x128xf32, #tpu.memory_space<vmem>>, %arg7: memref<80x128xf32, #tpu.memory_space<vmem>>, %arg8: memref<80x128xf32, #tpu.memory_space<vmem>>) attributes {dimension_semantics = [], scalar_prefetch = 0 : i64, scratch_operands = 0 : i64, tpu.core_type = #tpu.core_type<tc>} {
    %get3A = arith.constant 0 : index
    %get3A_0 = arith.constant 0 : index
    %get3A_1 = vector.load %arg0[%get3A, %get3A_0] : memref<10240x128xf32, #tpu.memory_space<vmem>>, vector<10240x128xf32>
    %get3A_2 = arith.constant 0 : index
    %get3A_3 = arith.constant 0 : index
    %get3A_4 = vector.load %arg1[%get3A_2, %get3A_3] : memref<1x128xf32, #tpu.memory_space<vmem>>, vector<1x128xf32>
    %mul3A = vector.broadcast %get3A_4 : vector<1x128xf32> to vector<10240x128xf32>
    %mul3A_5 = arith.mulf %get3A_1, %mul3A : vector<10240x128xf32>
    %get3A_6 = arith.constant 0 : index
    %get3A_7 = arith.constant 0 : index
    %get3A_8 = vector.load %arg2[%get3A_6, %get3A_7] : memref<128x128xf32, #tpu.memory_space<vmem>>, vector<128x128xf32>
    %dot_general3A = arith.constant dense<0.000000e+00> : vector<10240x128xf32>
    %dot_general3A_9 = tpu.matmul %mul3A_5, %get3A_8, %dot_general3A {dimension_numbers = #tpu.dot_dimension_numbers<[1], [0], [0], [1], [0, 0, 1, 1], [], []>, precision = #tpu.contract_precision<fp32>, transpose_lhs_hint = false} : vector<10240x128xf32>, vector<128x128xf32>, vector<10240x128xf32> -> vector<10240x128xf32>
    %get3A_10 = arith.constant 0 : index
    %get3A_11 = arith.constant 0 : index
    %get3A_12 = vector.load %arg3[%get3A_10, %get3A_11] : memref<1x128xf32, #tpu.memory_space<vmem>>, vector<1x128xf32>
    %add3A = vector.broadcast %get3A_12 : vector<1x128xf32> to vector<10240x128xf32>
    %add3A_13 = arith.addf %dot_general3A_9, %add3A : vector<10240x128xf32>
    %swap3A = arith.constant 0 : index
    %swap3A_14 = arith.constant 0 : index
    %swap3A_15 = vector.load %arg6[%swap3A, %swap3A_14] : memref<10240x128xf32, #tpu.memory_space<vmem>>, vector<10240x128xf32>
    tpu.vector_store %arg6[%swap3A, %swap3A_14], %add3A_13 {strides = array<i32>} : memref<10240x128xf32, #tpu.memory_space<vmem>>, vector<10240x128xf32>,
    %get3A_16 = arith.constant 0 : index
    %get3A_17 = arith.constant 0 : index
    %get3A_18 = vector.load %arg4[%get3A_16, %get3A_17] : memref<160x128xf32, #tpu.memory_space<vmem>>, vector<160x128xf32>
    %slice3A = vector.extract_strided_slice %get3A_18 {offsets = [0, 0], sizes = [80, 128], strides = [1, 1]} : vector<160x128xf32> to vector<80x128xf32>
    %slice3A_19 = vector.extract_strided_slice %get3A_18 {offsets = [80, 0], sizes = [80, 128], strides = [1, 1]} : vector<160x128xf32> to vector<80x128xf32>
    %add3A_20 = arith.addf %slice3A, %slice3A_19 : vector<80x128xf32>
    %add3A_21 = arith.constant 1.000000e+00 : f32
    %add3A_22 = vector.broadcast %add3A_21 : f32 to vector<80x128xf32>
    %add3A_23 = arith.addf %add3A_20, %add3A_22 : vector<80x128xf32>
    %rsqrt3A = math.rsqrt %add3A_23 : vector<80x128xf32>
    %swap3A_24 = arith.constant 0 : index
    %swap3A_25 = arith.constant 0 : index
    %swap3A_26 = vector.load %arg7[%swap3A_24, %swap3A_25] : memref<80x128xf32, #tpu.memory_space<vmem>>, vector<80x128xf32>
    tpu.vector_store %arg7[%swap3A_24, %swap3A_25], %rsqrt3A {strides = array<i32>} : memref<80x128xf32, #tpu.memory_space<vmem>>, vector<80x128xf32>,
    %get3A_27 = arith.constant 0 : index
    %get3A_28 = arith.constant 0 : index
    %get3A_29 = vector.load %arg5[%get3A_27, %get3A_28] : memref<2560x128xf32, #tpu.memory_space<vmem>>, vector<2560x128xf32>
    %slice3A_30 = vector.extract_strided_slice %get3A_29 {offsets = [0, 0], sizes = [80, 128], strides = [1, 1]} : vector<2560x128xf32> to vector<80x128xf32>
    %slice3A_31 = vector.extract_strided_slice %get3A_29 {offsets = [80, 0], sizes = [80, 128], strides = [1, 1]} : vector<2560x128xf32> to vector<80x128xf32>
    %add3A_32 = arith.addf %slice3A_30, %slice3A_31 : vector<80x128xf32>
    %slice3A_33 = vector.extract_strided_slice %get3A_29 {offsets = [160, 0], sizes = [80, 128], strides = [1, 1]} : vector<2560x128xf32> to vector<80x128xf32>
    %add3A_34 = arith.addf %add3A_32, %slice3A_33 : vector<80x128xf32>
    %slice3A_35 = vector.extract_strided_slice %get3A_29 {offsets = [240, 0], sizes = [80, 128], strides = [1, 1]} : vector<2560x128xf32> to vector<80x128xf32>
    %add3A_36 = arith.addf %add3A_34, %slice3A_35 : vector<80x128xf32>
    %slice3A_37 = vector.extract_strided_slice %get3A_29 {offsets = [320, 0], sizes = [80, 128], strides = [1, 1]} : vector<2560x128xf32> to vector<80x128xf32>
    %add3A_38 = arith.addf %add3A_36, %slice3A_37 : vector<80x128xf32>
    %slice3A_39 = vector.extract_strided_slice %get3A_29 {offsets = [400, 0], sizes = [80, 128], strides = [1, 1]} : vector<2560x128xf32> to vector<80x128xf32>
    %add3A_40 = arith.addf %add3A_38, %slice3A_39 : vector<80x128xf32>
    %slice3A_41 = vector.extract_strided_slice %get3A_29 {offsets = [480, 0], sizes = [80, 128], strides = [1, 1]} : vector<2560x128xf32> to vector<80x128xf32>
    %add3A_42 = arith.addf %add3A_40, %slice3A_41 : vector<80x128xf32>
    %slice3A_43 = vector.extract_strided_slice %get3A_29 {offsets = [560, 0], sizes = [80, 128], strides = [1, 1]} : vector<2560x128xf32> to vector<80x128xf32>
    %add3A_44 = arith.addf %add3A_42, %slice3A_43 : vector<80x128xf32>
    %slice3A_45 = vector.extract_strided_slice %get3A_29 {offsets = [640, 0], sizes = [80, 128], strides = [1, 1]} : vector<2560x128xf32> to vector<80x128xf32>
    %add3A_46 = arith.addf %add3A_44, %slice3A_45 : vector<80x128xf32>
    %slice3A_47 = vector.extract_strided_slice %get3A_29 {offsets = [720, 0], sizes = [80, 128], strides = [1, 1]} : vector<2560x128xf32> to vector<80x128xf32>
    %add3A_48 = arith.addf %add3A_46, %slice3A_47 : vector<80x128xf32>
    %slice3A_49 = vector.extract_strided_slice %get3A_29 {offsets = [800, 0], sizes = [80, 128], strides = [1, 1]} : vector<2560x128xf32> to vector<80x128xf32>
    %add3A_50 = arith.addf %add3A_48, %slice3A_49 : vector<80x128xf32>
    %slice3A_51 = vector.extract_strided_slice %get3A_29 {offsets = [880, 0], sizes = [80, 128], strides = [1, 1]} : vector<2560x128xf32> to vector<80x128xf32>
    %add3A_52 = arith.addf %add3A_50, %slice3A_51 : vector<80x128xf32>
    %slice3A_53 = vector.extract_strided_slice %get3A_29 {offsets = [960, 0], sizes = [80, 128], strides = [1, 1]} : vector<2560x128xf32> to vector<80x128xf32>
    %add3A_54 = arith.addf %add3A_52, %slice3A_53 : vector<80x128xf32>
    %slice3A_55 = vector.extract_strided_slice %get3A_29 {offsets = [1040, 0], sizes = [80, 128], strides = [1, 1]} : vector<2560x128xf32> to vector<80x128xf32>
    %add3A_56 = arith.addf %add3A_54, %slice3A_55 : vector<80x128xf32>
    %slice3A_57 = vector.extract_strided_slice %get3A_29 {offsets = [1120, 0], sizes = [80, 128], strides = [1, 1]} : vector<2560x128xf32> to vector<80x128xf32>
    %add3A_58 = arith.addf %add3A_56, %slice3A_57 : vector<80x128xf32>
    %slice3A_59 = vector.extract_strided_slice %get3A_29 {offsets = [1200, 0], sizes = [80, 128], strides = [1, 1]} : vector<2560x128xf32> to vector<80x128xf32>
    %add3A_60 = arith.addf %add3A_58, %slice3A_59 : vector<80x128xf32>
    %slice3A_61 = vector.extract_strided_slice %get3A_29 {offsets = [1280, 0], sizes = [80, 128], strides = [1, 1]} : vector<2560x128xf32> to vector<80x128xf32>
    %add3A_62 = arith.addf %add3A_60, %slice3A_61 : vector<80x128xf32>
    %slice3A_63 = vector.extract_strided_slice %get3A_29 {offsets = [1360, 0], sizes = [80, 128], strides = [1, 1]} : vector<2560x128xf32> to vector<80x128xf32>
    %add3A_64 = arith.addf %add3A_62, %slice3A_63 : vector<80x128xf32>
    %slice3A_65 = vector.extract_strided_slice %get3A_29 {offsets = [1440, 0], sizes = [80, 128], strides = [1, 1]} : vector<2560x128xf32> to vector<80x128xf32>
    %add3A_66 = arith.addf %add3A_64, %slice3A_65 : vector<80x128xf32>
    %slice3A_67 = vector.extract_strided_slice %get3A_29 {offsets = [1520, 0], sizes = [80, 128], strides = [1, 1]} : vector<2560x128xf32> to vector<80x128xf32>
    %add3A_68 = arith.addf %add3A_66, %slice3A_67 : vector<80x128xf32>
    %slice3A_69 = vector.extract_strided_slice %get3A_29 {offsets = [1600, 0], sizes = [80, 128], strides = [1, 1]} : vector<2560x128xf32> to vector<80x128xf32>
    %add3A_70 = arith.addf %add3A_68, %slice3A_69 : vector<80x128xf32>
    %slice3A_71 = vector.extract_strided_slice %get3A_29 {offsets = [1680, 0], sizes = [80, 128], strides = [1, 1]} : vector<2560x128xf32> to vector<80x128xf32>
    %add3A_72 = arith.addf %add3A_70, %slice3A_71 : vector<80x128xf32>
    %slice3A_73 = vector.extract_strided_slice %get3A_29 {offsets = [1760, 0], sizes = [80, 128], strides = [1, 1]} : vector<2560x128xf32> to vector<80x128xf32>
    %add3A_74 = arith.addf %add3A_72, %slice3A_73 : vector<80x128xf32>
    %slice3A_75 = vector.extract_strided_slice %get3A_29 {offsets = [1840, 0], sizes = [80, 128], strides = [1, 1]} : vector<2560x128xf32> to vector<80x128xf32>
    %add3A_76 = arith.addf %add3A_74, %slice3A_75 : vector<80x128xf32>
    %slice3A_77 = vector.extract_strided_slice %get3A_29 {offsets = [1920, 0], sizes = [80, 128], strides = [1, 1]} : vector<2560x128xf32> to vector<80x128xf32>
    %add3A_78 = arith.addf %add3A_76, %slice3A_77 : vector<80x128xf32>
    %slice3A_79 = vector.extract_strided_slice %get3A_29 {offsets = [2000, 0], sizes = [80, 128], strides = [1, 1]} : vector<2560x128xf32> to vector<80x128xf32>
    %add3A_80 = arith.addf %add3A_78, %slice3A_79 : vector<80x128xf32>
    %slice3A_81 = vector.extract_strided_slice %get3A_29 {offsets = [2080, 0], sizes = [80, 128], strides = [1, 1]} : vector<2560x128xf32> to vector<80x128xf32>
    %add3A_82 = arith.addf %add3A_80, %slice3A_81 : vector<80x128xf32>
    %slice3A_83 = vector.extract_strided_slice %get3A_29 {offsets = [2160, 0], sizes = [80, 128], strides = [1, 1]} : vector<2560x128xf32> to vector<80x128xf32>
    %add3A_84 = arith.addf %add3A_82, %slice3A_83 : vector<80x128xf32>
    %slice3A_85 = vector.extract_strided_slice %get3A_29 {offsets = [2240, 0], sizes = [80, 128], strides = [1, 1]} : vector<2560x128xf32> to vector<80x128xf32>
    %add3A_86 = arith.addf %add3A_84, %slice3A_85 : vector<80x128xf32>
    %slice3A_87 = vector.extract_strided_slice %get3A_29 {offsets = [2320, 0], sizes = [80, 128], strides = [1, 1]} : vector<2560x128xf32> to vector<80x128xf32>
    %add3A_88 = arith.addf %add3A_86, %slice3A_87 : vector<80x128xf32>
    %slice3A_89 = vector.extract_strided_slice %get3A_29 {offsets = [2400, 0], sizes = [80, 128], strides = [1, 1]} : vector<2560x128xf32> to vector<80x128xf32>
    %add3A_90 = arith.addf %add3A_88, %slice3A_89 : vector<80x128xf32>
    %slice3A_91 = vector.extract_strided_slice %get3A_29 {offsets = [2480, 0], sizes = [80, 128], strides = [1, 1]} : vector<2560x128xf32> to vector<80x128xf32>
    %add3A_92 = arith.addf %add3A_90, %slice3A_91 : vector<80x128xf32>
    %iota3A = tpu.iota {dimensions = array<i32: 0>} : vector<80x128xi32>
    %mul3A_93 = arith.constant 128 : i32
    %mul3A_94 = vector.broadcast %mul3A_93 : i32 to vector<80x128xi32>
    %mul3A_95 = arith.muli %iota3A, %mul3A_94 : vector<80x128xi32>
    %iota3A_96 = tpu.iota {dimensions = array<i32: 1>} : vector<80x128xi32>
    %add3A_97 = arith.addi %mul3A_95, %iota3A_96 : vector<80x128xi32>
    %gt3A = arith.constant 0.000000e+00 : f32
    %gt3A_98 = vector.broadcast %gt3A : f32 to vector<80x128xf32>
    %gt3A_99 = arith.cmpf ogt, %add3A_92, %gt3A_98 : vector<80x128xf32>
    %eq3A = arith.constant 0 : i32
    %eq3A_100 = vector.broadcast %eq3A : i32 to vector<80x128xi32>
    %eq3A_101 = arith.cmpi eq, %add3A_97, %eq3A_100 : vector<80x128xi32>
    %or3A = arith.ori %gt3A_99, %eq3A_101 : vector<80x128xi1>
    %jit3A = arith.constant 1.000000e+00 : f32
    %jit3A_102 = arith.constant 0.000000e+00 : f32
    %broadcast_in_dim3A = vector.broadcast %jit3A : f32 to vector<80x128xf32>
    %broadcast_in_dim3A_103 = vector.broadcast %jit3A_102 : f32 to vector<80x128xf32>
    %select_n3A = arith.select %or3A, %broadcast_in_dim3A, %broadcast_in_dim3A_103 : vector<80x128xi1>, vector<80x128xf32>
    %swap3A_104 = arith.constant 0 : index
    %swap3A_105 = arith.constant 0 : index
    %swap3A_106 = vector.load %arg8[%swap3A_104, %swap3A_105] : memref<80x128xf32, #tpu.memory_space<vmem>>, vector<80x128xf32>
    tpu.vector_store %arg8[%swap3A_104, %swap3A_105], %select_n3A {strides = array<i32>} : memref<80x128xf32, #tpu.memory_space<vmem>>, vector<80x128xf32>,
    return
  }
}

module attributes {stable_mosaic.version = 14 : i64} {
  func.func @_kern_d(%arg0: memref<10240x128xf32, #tpu.memory_space<vmem>>, %arg1: memref<2x1x10240xf32, #tpu.memory_space<vmem>>, %arg2: memref<1x128xf32, #tpu.memory_space<vmem>>, %arg3: memref<1x512xf32, #tpu.memory_space<vmem>>, %arg4: memref<1x256xf32, #tpu.memory_space<vmem>>, %arg5: memref<128x128xf32, #tpu.memory_space<vmem>>, %arg6: memref<1x128xf32, #tpu.memory_space<vmem>>, %arg7: memref<128x128xf32, #tpu.memory_space<vmem>>, %arg8: memref<1x128xf32, #tpu.memory_space<vmem>>, %arg9: memref<384x1xf32, #tpu.memory_space<vmem>>, %arg10: memref<1x1xf32, #tpu.memory_space<vmem>>, %arg11: memref<1x1xf32, #tpu.memory_space<vmem>>) attributes {dimension_semantics = [], scalar_prefetch = 0 : i64, scratch_operands = 0 : i64, tpu.core_type = #tpu.core_type<tc>} {
    %get3A = arith.constant 0 : index
    %get3A_0 = arith.constant 0 : index
    %get3A_1 = vector.load %arg0[%get3A, %get3A_0] : memref<10240x128xf32, #tpu.memory_space<vmem>>, vector<10240x128xf32>
    %get3A_2 = arith.constant 0 : index
    %get3A_3 = arith.constant 0 : index
    %get3A_4 = vector.load %arg5[%get3A_2, %get3A_3] : memref<128x128xf32, #tpu.memory_space<vmem>>, vector<128x128xf32>
    %dot_general3A = arith.constant dense<0.000000e+00> : vector<10240x128xf32>
    %dot_general3A_5 = tpu.matmul %get3A_1, %get3A_4, %dot_general3A {dimension_numbers = #tpu.dot_dimension_numbers<[1], [0], [0], [1], [0, 0, 1, 1], [], []>, precision = #tpu.contract_precision<fp32>, transpose_lhs_hint = false} : vector<10240x128xf32>, vector<128x128xf32>, vector<10240x128xf32> -> vector<10240x128xf32>
    %get3A_6 = arith.constant 0 : index
    %get3A_7 = arith.constant 0 : index
    %get3A_8 = vector.load %arg6[%get3A_6, %get3A_7] : memref<1x128xf32, #tpu.memory_space<vmem>>, vector<1x128xf32>
    %add3A = vector.broadcast %get3A_8 : vector<1x128xf32> to vector<10240x128xf32>
    %add3A_9 = arith.addf %dot_general3A_5, %add3A : vector<10240x128xf32>
    %max3A = arith.constant 0.000000e+00 : f32
    %max3A_10 = vector.broadcast %max3A : f32 to vector<10240x128xf32>
    %max3A_11 = arith.maximumf %add3A_9, %max3A_10 : vector<10240x128xf32>
    %get3A_12 = arith.constant 0 : index
    %get3A_13 = arith.constant 0 : index
    %get3A_14 = arith.constant 0 : index
    %get3A_15 = vector.load %arg1[%get3A_12, %get3A_13, %get3A_14] : memref<2x1x10240xf32, #tpu.memory_space<vmem>>, vector<2x1x10240xf32>
    %slice3A = vector.extract_strided_slice %get3A_15 {offsets = [0, 0, 0], sizes = [1, 1, 10240], strides = [1, 1, 1]} : vector<2x1x10240xf32> to vector<1x1x10240xf32>
    %squeeze3A = vector.shape_cast %slice3A : vector<1x1x10240xf32> to vector<1x10240xf32>
    %slice3A_16 = vector.extract_strided_slice %get3A_15 {offsets = [1, 0, 0], sizes = [1, 1, 10240], strides = [1, 1, 1]} : vector<2x1x10240xf32> to vector<1x1x10240xf32>
    %squeeze3A_17 = vector.shape_cast %slice3A_16 : vector<1x1x10240xf32> to vector<1x10240xf32>
    %add3A_18 = arith.addf %squeeze3A, %squeeze3A_17 : vector<1x10240xf32>
    %dot_general3A_19 = arith.constant dense<0.000000e+00> : vector<1x128xf32>
    %dot_general3A_20 = tpu.matmul %add3A_18, %max3A_11, %dot_general3A_19 {dimension_numbers = #tpu.dot_dimension_numbers<[1], [0], [0], [1], [0, 0, 1, 1], [], []>, precision = #tpu.contract_precision<fp32>, transpose_lhs_hint = false} : vector<1x10240xf32>, vector<10240x128xf32>, vector<1x128xf32> -> vector<1x128xf32>
    %get3A_21 = arith.constant 0 : index
    %get3A_22 = arith.constant 0 : index
    %get3A_23 = vector.load %arg7[%get3A_21, %get3A_22] : memref<128x128xf32, #tpu.memory_space<vmem>>, vector<128x128xf32>
    %dot_general3A_24 = arith.constant dense<0.000000e+00> : vector<1x128xf32>
    %dot_general3A_25 = tpu.matmul %dot_general3A_20, %get3A_23, %dot_general3A_24 {dimension_numbers = #tpu.dot_dimension_numbers<[1], [0], [0], [1], [0, 0, 1, 1], [], []>, precision = #tpu.contract_precision<fp32>, transpose_lhs_hint = false} : vector<1x128xf32>, vector<128x128xf32>, vector<1x128xf32> -> vector<1x128xf32>
    %get3A_26 = arith.constant 0 : index
    %get3A_27 = arith.constant 0 : index
    %get3A_28 = vector.load %arg8[%get3A_26, %get3A_27] : memref<1x128xf32, #tpu.memory_space<vmem>>, vector<1x128xf32>
    %add3A_29 = arith.addf %dot_general3A_25, %get3A_28 : vector<1x128xf32>
    %max3A_30 = arith.constant 0.000000e+00 : f32
    %max3A_31 = vector.broadcast %max3A_30 : f32 to vector<1x128xf32>
    %max3A_32 = arith.maximumf %add3A_29, %max3A_31 : vector<1x128xf32>
    %get3A_33 = arith.constant 0 : index
    %get3A_34 = arith.constant 0 : index
    %get3A_35 = vector.load %arg3[%get3A_33, %get3A_34] : memref<1x512xf32, #tpu.memory_space<vmem>>, vector<1x512xf32>
    %get3A_36 = arith.constant 0 : index
    %get3A_37 = arith.constant 0 : index
    %get3A_38 = vector.load %arg4[%get3A_36, %get3A_37] : memref<1x256xf32, #tpu.memory_space<vmem>>, vector<1x256xf32>
    %slice3A_39 = vector.extract_strided_slice %get3A_35 {offsets = [0, 0], sizes = [1, 256], strides = [1, 1]} : vector<1x512xf32> to vector<1x256xf32>
    %slice3A_40 = vector.extract_strided_slice %get3A_35 {offsets = [0, 256], sizes = [1, 256], strides = [1, 1]} : vector<1x512xf32> to vector<1x256xf32>
    %add3A_41 = arith.addf %slice3A_39, %slice3A_40 : vector<1x256xf32>
    %slice3A_42 = vector.extract_strided_slice %max3A_11 {offsets = [0, 0], sizes = [1, 128], strides = [1, 1]} : vector<10240x128xf32> to vector<1x128xf32>
    %concatenate3A = tpu.concatenate %slice3A_42, %max3A_32 in 1 : vector<1x128xf32>, vector<1x128xf32> -> vector<1x256xf32>
    %add3A_43 = arith.addf %add3A_41, %concatenate3A : vector<1x256xf32>
    %div3A = arith.constant 3.000000e+00 : f32
    %div3A_44 = vector.broadcast %div3A : f32 to vector<1x256xf32>
    %div3A_45 = arith.divf %add3A_43, %div3A_44 : vector<1x256xf32>
    %slice3A_46 = vector.extract_strided_slice %get3A_38 {offsets = [0, 0], sizes = [1, 128], strides = [1, 1]} : vector<1x256xf32> to vector<1x128xf32>
    %slice3A_47 = vector.extract_strided_slice %get3A_38 {offsets = [0, 128], sizes = [1, 128], strides = [1, 1]} : vector<1x256xf32> to vector<1x128xf32>
    %add3A_48 = arith.addf %slice3A_46, %slice3A_47 : vector<1x128xf32>
    %get3A_49 = arith.constant 0 : index
    %get3A_50 = arith.constant 0 : index
    %get3A_51 = vector.load %arg2[%get3A_49, %get3A_50] : memref<1x128xf32, #tpu.memory_space<vmem>>, vector<1x128xf32>
    %add3A_52 = arith.addf %add3A_48, %get3A_51 : vector<1x128xf32>
    %div3A_53 = arith.constant 3.000000e+00 : f32
    %div3A_54 = vector.broadcast %div3A_53 : f32 to vector<1x128xf32>
    %div3A_55 = arith.divf %add3A_52, %div3A_54 : vector<1x128xf32>
    %concatenate3A_56 = tpu.concatenate %div3A_45, %div3A_55 in 1 : vector<1x256xf32>, vector<1x128xf32> -> vector<1x384xf32>
    %get3A_57 = arith.constant 0 : index
    %get3A_58 = arith.constant 0 : index
    %get3A_59 = vector.load %arg9[%get3A_57, %get3A_58] : memref<384x1xf32, #tpu.memory_space<vmem>>, vector<384x1xf32>
    %dot_general3A_60 = arith.constant dense<0.000000e+00> : vector<1x1xf32>
    %dot_general3A_61 = tpu.matmul %concatenate3A_56, %get3A_59, %dot_general3A_60 {dimension_numbers = #tpu.dot_dimension_numbers<[1], [0], [0], [1], [0, 0, 1, 1], [], []>, precision = #tpu.contract_precision<fp32>, transpose_lhs_hint = false} : vector<1x384xf32>, vector<384x1xf32>, vector<1x1xf32> -> vector<1x1xf32>
    %get3A_62 = arith.constant 0 : index
    %get3A_63 = arith.constant 0 : index
    %get3A_64 = vector.load %arg10[%get3A_62, %get3A_63] : memref<1x1xf32, #tpu.memory_space<vmem>>, vector<1x1xf32>
    %get3A_65 = vector.extract %get3A_64[0, 0] : f32 from vector<1x1xf32>
    %add3A_66 = vector.broadcast %get3A_65 : f32 to vector<1x1xf32>
    %add3A_67 = arith.addf %dot_general3A_61, %add3A_66 : vector<1x1xf32>
    %swap3A = arith.constant 0 : index
    %swap3A_68 = arith.constant 0 : index
    %swap3A_69 = vector.load %arg11[%swap3A, %swap3A_68] : memref<1x1xf32, #tpu.memory_space<vmem>>, vector<1x1xf32>
    tpu.vector_store %arg11[%swap3A, %swap3A_68], %add3A_67 {strides = array<i32>} : memref<1x1xf32, #tpu.memory_space<vmem>>, vector<1x1xf32>,
    return
  }
}

</mosaic_0001>

<sc_bundles>
// kernel: kernel.6.cloned.1.call-start
scs
__scs_entry_jumppad:
0x0: {  	(pc) =	sbr.rel $0x88, $3  }
0x1: {  	(tag) =	ssettag $0x0;
	lr =	simm.s32 $0x1  }
0x2: {  	[smem:$0x3F93] =	sst lr;
	_ =	strace $0xD0000000  }
0x3: {  	_ = 	snop  }
0x4: {  	_ = 	snop  }
0x5: {  	_ = 	snop  }
0x6: {  	_ = 	snop  }
0x7: {  	_ = 	snop  }
__scs_overlays_trampoline_lowered:
0x8: {  	[smem:$0x3FA2] =	sst s0  }
0x9: {  	[smem:$0x3FA3] =	sst s1  }
0xa: {  	[smem:$0x3FA4] =	sst s2  }
0xb: {  	[smem:$0x3FA5] =	sst s3  }
0xc: {  	[smem:$0x3FA6] =	sst s4  }
0xd: {  	[smem:$0x3FA7] =	sst s5  }
0xe: {  	[smem:$0x3FA8] =	sst s6  }
0xf: {  	[smem:$0x3FA9] =	sst s7  }
0x10: {  	[smem:$0x3FAA] =	sst s8  }
0x11: {  	[smem:$0x3FAB] =	sst s9;
	s0 =	simm.s32 @!p0 $0x0  }
0x12: {  	s1 =	sld [smem:$0x3F91];
	s0 =	simm.s32 @p0 $0x1  }
0x13: {  	[smem:$0x3FAC] =	sst s0;
	s0 =	simm.s32 @!p1 $0x0  }
0x14: {  	s2 =	sld [smem:$0x3F90];
	s0 =	simm.s32 @p1 $0x1  }
0x15: {  	[smem:$0x3FAD] =	sst s0;
	s0 =	simm.s32 @!p2 $0x0  }
0x16: {  	s3 =	sld [smem:$0x3FDB];
	s0 =	simm.s32 @p2 $0x1  }
0x17: {  	s4 =	simm.s32 $0x1BF5;
	[smem:$0x3FAF] =	sst s0  }
0x18: {  	s0 =	sld [smem:$0x3F92];
	_ =	swait.ge [sflag:s4], $0x0  }
0x19: {  	s7 =	sld [smem:$0x3F93]  }
0x1a: {  	s8 =	sadd.s32 $0xFFFFE003, lr  }
0x1b: {  	s9 =	sadd.s32 $0xFFFFFEF7, lr;
	s5 =	simm.s32 $0xFFFFFFFF;
	p2 =	slt.u32 s8, $0xFFFFF086  }
0x1c: {  	p1 =	slt.u32 s9, $0xF7A;
	s5 =	simm.s32 @!p2 $0x0  }
0x1d: {  	s5 =	simm.s32 @p1 $0x1;
	p0 =	seq.s32 s7, s2  }
0x1e: {  	s7 =	smul.u32 @!p0 $0xF7A, s2;
	p2 =	seq.s32 @!p0 s5, $0x0  }
0x1f: {  	s9 =	smul.u32 $0xF7A, s1;
	s8 =	simm.s32 @!p0 $0x1BF5;
	p2 =	por !p2, p0  }
0x20: {  	[sflag:s8] =	ssyncset.s32 @!p0 $0xFFFFF086;
	s6 =	sadd.s32 @!p0 s3, s7;
	s7 =	simm.s32 @!p0 $0x108  }
0x21: {  	s3 =	sadd.s32 s3, s9;
	s6 =	sadd.s32 @!p0 $0x88, s6;
	s7 =	simm.s32 @p2 $0x1082  }
0x22: {  	[simem:s7], [sflag:s8] =	dma.local @!p0 [hbm:s6], $0xF7A  }
0x23: {  	s9 =	sor.u32 $0xD0000000, s2;
	s6 =	simm.s32 $0x108;
	_ =	swait.ge @!p0 [sflag:s8], $0x0  }
0x24: {  	s3 =	sadd.s32 $0x88, s3;
	s6 =	simm.s32 @!p1 $0x1082;
	[sflag:s4] =	ssyncset.s32 $0xFFFFF086  }
0x25: {  	[simem:s6], [sflag:s4] =	dma.local [hbm:s3], $0xF7A  }
0x26: {  	[smem:$0x3F93] =	sst s1;
	(tag) =	ssettag s2;
	_ =	strace s9  }
0x27: {  	s1 =	sld [smem:$0x3FA3]  }
0x28: {  	s2 =	sld [smem:$0x3FA4]  }
0x29: {  	s4 =	sld [smem:$0x3FA6]  }
0x2a: {  	p0 =	seq.s32 s5, $0x0;
	s5 =	sld [smem:$0x3FA7]  }
0x2b: {  	s6 =	sld [smem:$0x3FA8]  }
0x2c: {  	s7 =	sld [smem:$0x3FA9]  }
0x2d: {  	s3 =	simm.s32 $0x108;
	s8 =	sld [smem:$0x3FAA]  }
0x2e: {  	s3 =	simm.s32 @!p0 $0x1082;
	s9 =	sld [smem:$0x3FAB]  }
0x2f: {  	lr =	sadd.s32 s0, s3;
	s0 =	sld [smem:$0x3FA2]  }
0x30: {  	s3 =	sld [smem:$0x3FA5]  }
0x31: {  	[smem:$0x3FAE] =	sst s10  }
0x32: {  	s10 =	sld [smem:$0x3FAC];
	_ =	sdelay $0x3  }
0x33: {  	p0 =	seq.s32 s10, $0x1;
	s10 =	sld [smem:$0x3FAE];
	_ =	sdelay $0x3  }
0x34: {  	[smem:$0x3FAE] =	sst s10  }
0x35: {  	s10 =	sld [smem:$0x3FAD];
	_ =	sdelay $0x3  }
0x36: {  	p1 =	seq.s32 s10, $0x1;
	s10 =	sld [smem:$0x3FAE];
	_ =	sdelay $0x3  }
0x37: {  	[smem:$0x3FAE] =	sst s10  }
0x38: {  	s10 =	sld [smem:$0x3FAF]  }
0x39: {  	_ = 	snop;
	(pc) =	sbr.ind lr, $3  }
0x3a: {  	_ = 	snop  }
0x3b: {  	_ = 	snop  }
0x3c: {  	p2 =	seq.s32 s10, $0x1;
	s10 =	sld [smem:$0x3FAE]  }
0x3d: {  	_ =	shalt  }
0x3e: {  	_ =	shalt  }
0x3f: {  	_ =	shalt  }
0x40: {  	_ =	shalt  }
0x41: {  	_ =	shalt  }
0x42: {  	_ =	shalt  }
0x43: {  	_ =	shalt  }
0x44: {  	_ =	shalt  }
0x45: {  	_ =	shalt  }
0x46: {  	_ =	shalt  }
0x47: {  	_ =	shalt  }
0x48: {  	_ =	shalt  }
0x49: {  	_ =	shalt  }
0x4a: {  	_ =	shalt  }
0x4b: {  	_ =	shalt  }
0x4c: {  	_ =	shalt  }
0x4d: {  	_ =	shalt  }
0x4e: {  	_ =	shalt  }
0x4f: {  	_ =	shalt  }
0x50: {  	_ =	shalt  }
0x51: {  	_ =	shalt  }
0x52: {  	_ =	shalt  }
0x53: {  	_ =	shalt  }
0x54: {  	_ =	shalt  }
0x55: {  	_ =	shalt  }
0x56: {  	_ =	shalt  }
0x57: {  	_ =	shalt  }
0x58: {  	_ =	shalt  }
0x59: {  	_ =	shalt  }
0x5a: {  	_ =	shalt  }
0x5b: {  	_ =	shalt  }
0x5c: {  	_ =	shalt  }
0x5d: {  	_ =	shalt  }
0x5e: {  	_ =	shalt  }
0x5f: {  	_ =	shalt  }
0x60: {  	_ =	shalt  }
0x61: {  	_ =	shalt  }
0x62: {  	_ =	shalt  }
0x63: {  	_ =	shalt  }
0x64: {  	_ =	shalt  }
0x65: {  	_ =	shalt  }
0x66: {  	_ =	shalt  }
0x67: {  	_ =	shalt  }
0x68: {  	_ =	shalt  }
0x69: {  	_ =	shalt  }
0x6a: {  	_ =	shalt  }
0x6b: {  	_ =	shalt  }
0x6c: {  	_ =	shalt  }
0x6d: {  	_ =	shalt  }
0x6e: {  	_ =	shalt  }
0x6f: {  	_ =	shalt  }
0x70: {  	_ =	shalt  }
0x71: {  	_ =	shalt  }
0x72: {  	_ =	shalt  }
0x73: {  	_ =	shalt  }
0x74: {  	_ =	shalt  }
0x75: {  	_ =	shalt  }
0x76: {  	_ =	shalt  }
0x77: {  	_ =	shalt  }
0x78: {  	_ =	shalt  }
0x79: {  	_ =	shalt  }
0x7a: {  	_ =	shalt  }
0x7b: {  	_ =	shalt  }
0x7c: {  	_ =	shalt  }
0x7d: {  	_ =	shalt  }
0x7e: {  	_ =	shalt  }
0x7f: {  	_ =	shalt  }
0x80: {  	_ =	shalt  }
0x81: {  	_ =	shalt  }
0x82: {  	_ =	shalt  }
0x83: {  	_ =	shalt  }
0x84: {  	_ =	shalt  }
0x85: {  	_ =	shalt  }
0x86: {  	_ =	shalt  }
0x87: {  	_ =	shalt  }
.Lfunc_end0:
.L_simem_size_0:
called_computation_lowered:
.L_overlay_start_0:
0x88: {  	s2 =	sld [smem:$0x3FD9]  }
0x89: {  	s3 =	sld [smem:$0x3FFE];
	_ =	sdelay $0x1  }
0x8a: {  	s1 =	srdreg.scid  }
0x8b: {  	s0 =	sand.u32 $0x1, s1  }
0x8c: {  	s16 =	sshll.u32 s0, $0xA;
	s2 =	sadd.s32 s3, s2  }
0x8d: {  	s2 =	sadd.s32 s2, s16  }
0x8e: {  	[smem:$0x3FBA] =	sst s2  }
0x8f: {  	_ = 	snop  }
0x90: {  	(tm) =	ssettm $0x1  }
0x91: {  	s17 =	sld [smem:$0x3FFB];
	_ =	sdelay $0x3  }
0x92: {  	_ =	strace s17  }
0x93: {  	s2 =	sld [smem:$0x3FFC];
	_ =	sdelay $0x3  }
0x94: {  	_ =	strace s2  }
0x95: {  	s2 =	sld [smem:$0x3FFD];
	_ =	sdelay $0x3  }
0x96: {  	_ =	strace s2  }
0x97: {  	_ =	strace $0x8FFFFFFF  }
0x98: {  	s18 =	sld [smem:$0x3FDB];
	_ =	sdelay $0x1  }
0x99: {  	s19 =	simm.s32 $_scs_section_size  }
0x9a: {  	s4 =	simm.s32 $_size__tile_overlayer_lowered;
	s5 =	simm.s32 $_tile_overlayer_lowered  }
0x9b: {  	s22 =	simm.s32 $0x1BFF;
	s21 =	sshll.u32 s5, $0x1;
	s2 =	sadd.s32 s19, s18  }
0x9c: {  	s6 =	simm.s32 $0x0;
	s20 =	sshll.u32 s4, $0x1;
	s4 =	sadd.s32 s21, s2  }
0x9d: {  	[timem:s6], [sflag:s22] =	dma.local [hbm:s4], s20  }
0x9e: {  	_ =	swait.ge [sflag:s22], s20  }
0x9f: {  	s3 =	ssub.s32 $0x0, s20;
	[sflag:s22] =	ssyncset.done $0x0  }
0xa0: {  	[sflag:s22] =	ssyncadd.s32 s3;
	_ =	sdelay $0x1  }
0xa1: {  	s23 =	simm.s32 $0x1B8B  }
0xa2: {  	_ =	swait.ge [sflag:s23], $0x1  }
0xa3: {  	[sflag:s23] =	ssyncset.done $0x0  }
0xa4: {  	s25 =	simm.s32 $0x1B8E;
	s24 =	sld [smem:$0x3FFE];
	[sflag:s23] =	ssyncadd.s32 $0xFFFFFFFF  }
0xa5: {  	s26 =	simm.s32 $execute0_lowered;
	[smem:$0x3FD2] =	sst s25  }
0xa6: {  	s4 =	sshll.u32 s26, $0x1;
	_ =	strace $0x80000046;
	[dreg:$0x1] =	wrdreg $0xFFFFFFFF  }
0xa7: {  	s28 =	simm.s32 $_size_execute0_lowered;
	s2 =	sadd.s32 s2, s4;
	[dreg:$0x0] =	wrdreg $0x0  }
0xa8: {  	s4 =	sshll.u32 s28, $0x1;
	[dreg:$0x2] =	wrdreg s2  }
0xa9: {  	[dreg:$0x3] =	wrdreg s4  }
0xaa: {  	[dreg:$0x4] =	wrdreg $0xC0  }
0xab: {  	_ =	task [dreg:s6], $0x5FFFF  }
0xac: {  	[dreg:$0x1] =	wrdreg $0xFFFFFFFF  }
0xad: {  	[dreg:$0x0] =	wrdreg $0x60  }
0xae: {  	[dreg:$0x2] =	wrdreg s24  }
0xaf: {  	[dreg:$0x3] =	wrdreg $0xA2800  }
0xb0: {  	[dreg:$0x4] =	wrdreg $0x9  }
0xb1: {  	_ =	task.clear_ibuf [dreg:s6], $0x5FFFF;
	_ =	strace $0x90000046  }
0xb2: {  	s29 =	simm.s32 $0x9;
	_ =	strace $0x80000048  }
0xb3: {  	_ =	swait.ge [sflag:s29], $0x1  }
0xb4: {  	[sflag:s29] =	ssyncadd.s32 $0xFFFFFFFF  }
0xb5: {  	_ =	strace $0x90000048  }
0xb6: {  	_ =	sfence  }
0xb7: {  	s30 =	sld [smem:$0x0];
	_ =	sdelay $0x2  }
0xb8: {  	s31 =	sshll.u32 s1, $0xD;
	s1 =	sshrl.u32 s1, $0x2  }
0xb9: {  	s3 =	sand.u32 $0x4000, s31;
	s1 =	sadd.s32 s1, s30  }
0xba: {  	s0 =	sor.u32 s3, s0;
	s1 =	sshll.u32 s1, $0x11  }
0xbb: {  	s0 =	sor.u32 s1, s0  }
0xbc: {  	s0 =	sadd.s32 $0x8F2B, s0  }
0xbd: {  	[sflag:s0] =	ssyncadd.remote.s32 $0x1  }
0xbe: {  	_ =	sfence.sel $0xFFFF  }
0xbf: {  	[dreg:$0x0] =	wrdreg $0xFFFFFFFF;
	(pc) =	sbr.abs _section_cstart, $3  }
0xc0: {  	[dreg:$0x1] =	wrdreg $0xFFFFFFFF  }
0xc1: {  	_ =	task.clear_ibuf [dreg:s6], $0x2FFFF;
	_ =	strace $0x9FFFFFFF  }
0xc2: {  	(tm) =	ssettm $0x7FFFFFFF  }
0xc3: {  	_ =	shalt  }
tec
execute0_lowered:
.L_overlay_start_1:
0x0: {  	(tag) =	ssettag $0x1  }
0x1: {  	s3 =	rddreg [dreg:$0x0];
	s0 =	srdreg.scid  }
0x2: {  	s16 =	stileid.u32;
	s1 =	rddreg [dreg:$0x1];
	s12 =	simm.s32 $0x5000  }
0x3: {  	s13 =	simm.s32 $0xA000;
	s14 =	simm.s32 $0x80;
	s15 =	simm.s32 $0x7800  }
0x4: {  	s17 =	simm.s32 $0x400;
	s18 =	simm.s32 $0x0;
	s4 =	sand.u32 $0x1, s0  }
0x5: {  	s2 =	sshll.u32 s16, $0x1;
	s0 =	rddreg [dreg:$0x2];
	s7 =	sshrl.u32 s16, $0x2  }
0x6: {  	s9 =	smul.u32 $0xA00, s16;
	p0 =	sne.s32 s16, $0x0;
	s5 =	sor.u32 s4, s2  }
0x7: {  	s2 =	simm.s32 $0x0;
	s7 =	smul.u32 $0x14000, s7;
	s8 =	sshll.u32 s4, $0x4  }
0x8: {  	s4 =	ssub.s32 $0x2, s4;
	s16 =	sshrl.u32 @!p0 s1, $0x3;
	s6 =	smul.u32 $0x500, s5  }
0x9: {  	[smem:$0x7FF] =	sst s2;
	s5 =	sshll.u32 s5, $0x7;
	s30 =	sshrl.u32 s4, $0x1  }
0xa: {  	s8 =	sadd.s32 s8, s3;
	s31 =	sshrl.u32 s9, $0x2;
	_ =	strace $0x80000047  }
0xb: {  	s5 =	sand.u32 $0x380, s5;
	s11 =	ssub.s32 s4, s30;
	s6 =	sadd.s32 s6, s3  }
0xc: {  	s5 =	sor.u32 s7, s5;
	s7 =	sadd.s32 $0x2B200, s8;
	s9 =	smax.u32 s11, $0x1  }
0xd: {  	s11 =	simm.s32 $0x2800;
	s5 =	sshrl.u32 s5, $0x3;
	s4 =	sadd.s32 $0x3200, s6  }
0xe: {  	s10 =	sadd.s32 s5, s3;
	s3 =	sadd.s32 $0xD200, s6;
	s5 =	sadd.s32 $0x17200, s6  }
0xf: {  	v0 =	vimm.f32 $0.0e+00;
	v1 =	vimm.f32 $1.000000000e+00;
	s6 =	sadd.s32 s31, s1;
	s8 =	sadd.s32 $0x21200, s10;
	s10 =	simm.s32 $0x1  }
.LBB2_1:
0x10: {  	[tilespmem:s2], [sflag:$0x1] =	stream.linear.gather [hbm4b:s3+s2], $0x2800, $0x38;
	[tilespmem:$0xA500] =	vst v63  }
0x11: {  	_ =	swait.ge [sflag:s10], $0x2800  }
0x12: {  	[sflag:s10] =	ssyncset.done $0x0  }
0x13: {  	[sflag:s10] =	ssyncadd.s32 $0xFFFFD800  }
0x14: {  	[tilespmem:s11], [sflag:$0x1] =	stream.linear.gather [hbm4b:s4+s2], $0x2800, $0x38;
	[tilespmem:$0xA500] =	vst v63  }
0x15: {  	_ =	swait.ge [sflag:s10], $0x2800  }
0x16: {  	[sflag:s10] =	ssyncset.done $0x0  }
0x17: {  	[sflag:s10] =	ssyncadd.s32 $0xFFFFD800  }
0x18: {  	[tilespmem:s12], [sflag:$0x1] =	stream.linear.gather [hbm4b:s5+s2], $0x2800, $0x38;
	[tilespmem:$0xA500] =	vst v63  }
0x19: {  	_ =	swait.ge [sflag:s10], $0x2800  }
0x1a: {  	[sflag:s10] =	ssyncset.done $0x0  }
0x1b: {  	[sflag:s10] =	ssyncadd.s32 $0xFFFFD800  }
0x1c: {  	[tilespmem:$0xA000] =	vst v0  }
0x1d: {  	[tilespmem:$0xA010] =	vst v0  }
0x1e: {  	[tilespmem:$0xA020] =	vst v0  }
0x1f: {  	[tilespmem:$0xA030] =	vst v0  }
0x20: {  	[tilespmem:$0xA040] =	vst v0  }
0x21: {  	[tilespmem:$0xA050] =	vst v0  }
0x22: {  	[tilespmem:$0xA060] =	vst v0  }
0x23: {  	[tilespmem:$0xA070] =	vst v0  }
0x24: {  	[tilespmem:$0xA080] =	vst v0  }
0x25: {  	[tilespmem:$0xA090] =	vst v0  }
0x26: {  	[tilespmem:$0xA0A0] =	vst v0  }
0x27: {  	[tilespmem:$0xA0B0] =	vst v0  }
0x28: {  	[tilespmem:$0xA0C0] =	vst v0  }
0x29: {  	[tilespmem:$0xA0D0] =	vst v0  }
0x2a: {  	[tilespmem:$0xA0E0] =	vst v0  }
0x2b: {  	[tilespmem:$0xA0F0] =	vst v0  }
0x2c: {  	[tilespmem:$0xA100] =	vst v0  }
0x2d: {  	[tilespmem:$0xA110] =	vst v0  }
0x2e: {  	[tilespmem:$0xA120] =	vst v0  }
0x2f: {  	[tilespmem:$0xA130] =	vst v0  }
0x30: {  	[tilespmem:$0xA140] =	vst v0  }
0x31: {  	[tilespmem:$0xA150] =	vst v0  }
0x32: {  	[tilespmem:$0xA160] =	vst v0  }
0x33: {  	[tilespmem:$0xA170] =	vst v0  }
0x34: {  	[tilespmem:$0xA180] =	vst v0  }
0x35: {  	[tilespmem:$0xA190] =	vst v0  }
0x36: {  	[tilespmem:$0xA1A0] =	vst v0  }
0x37: {  	[tilespmem:$0xA1B0] =	vst v0  }
0x38: {  	[tilespmem:$0xA1C0] =	vst v0  }
0x39: {  	[tilespmem:$0xA1D0] =	vst v0  }
0x3a: {  	[tilespmem:$0xA1E0] =	vst v0  }
0x3b: {  	[tilespmem:$0xA1F0] =	vst v0  }
0x3c: {  	[tilespmem:$0xA200] =	vst v0  }
0x3d: {  	[tilespmem:$0xA210] =	vst v0  }
0x3e: {  	[tilespmem:$0xA220] =	vst v0  }
0x3f: {  	[tilespmem:$0xA230] =	vst v0  }
0x40: {  	[tilespmem:$0xA240] =	vst v0  }
0x41: {  	[tilespmem:$0xA250] =	vst v0  }
0x42: {  	[tilespmem:$0xA260] =	vst v0  }
0x43: {  	s19 =	simm.s32 $0x40;
	s20 =	simm.s32 $0x0;
	[tilespmem:$0xA270] =	vst v0  }
.LBB2_2:
0x44: {  	p1 =	sne.s32 s19, $0x9FC0;
	[tilespmem:s20+$0x7800] =	vst v0;
	s20 =	smov.u32 s19;
	s19 =	sadd.s32 $0x40, s19  }
.Ltmp0:
0x45: {  	(pc) =	sbr.rel @p1 .LBB2_2-.Ltmp0, $2  }
0x46: {  	_ =	sdelay $0x2  }
0x47: {  	s20 =	sshra.s32 s20, $0x2  }
0x48: {  	[tilespmem:s20+$0x7800] =	vst v0  }
0x49: {  	[spmem:s6] =	stream.linear.scatter [tilespmem:s13], [sflag:$0x1], $0x280, $0x38;
	[tilespmem:$0xA500] =	vst v63  }
0x4a: {  	_ =	swait.ge [sflag:s10], $0x280  }
0x4b: {  	[sflag:s10] =	ssyncset.done $0x0  }
0x4c: {  	[sflag:s10] =	ssyncadd.s32 $0xFFFFFD80  }
0x4d: {  	s19 =	simm.s32 $0x0;
	s31 =	simm.s32 $0x5000;
	[bflag:$0x0] =	sbarrier.arrive $0xFFFF  }
0x4e: {  	[spmem:s1] =	stream.indirect.scatter.add.f32 [tilespmem:s31], [sflag:$0x1], $0x1, s19, s14, $0xb8;
	[tilespmem:$0xA500] =	vst v63  }
0x4f: {  	s20 =	simm.s32 $0x200;
	_ =	swait.ge [sflag:s10], $0x80  }
.LBB2_4:
0x50: {  	s21 =	sshra.s32 s20, $0x2;
	[sflag:s10] =	ssyncset.done $0x0;
	p1 =	sne.s32 s20, $0x9E00  }
.Ltmp1:
0x51: {  	s22 =	sadd.s32 $0x5000, s21;
	[sflag:s10] =	ssyncadd.s32 $0xFFFFFF80;
	(pc) =	sbr.rel @p1 .LBB2_4-.Ltmp1, $3  }
0x52: {  	[spmem:s1] =	stream.indirect.scatter.add.f32 [tilespmem:s22], [sflag:$0x1], $0x1, s21, s14, $0xb8;
	[tilespmem:$0xA500] =	vst v63  }
0x53: {  	s20 =	sadd.s32 $0x200, s20;
	_ =	sdelay $0x1  }
0x54: {  	_ =	swait.ge [sflag:s10], $0x80  }
0x55: {  	[sflag:s10] =	ssyncset.done $0x0  }
0x56: {  	s20 =	simm.s32 $0x40;
	[sflag:s10] =	ssyncadd.s32 $0xFFFFFF80  }
.LBB2_6:
0x57: {  	p1 =	sne.s32 s20, $0x9FC0;
	v2 =	vld [tilespmem:s19+$0x0];
	_ =	sdelay $0x2  }
0x58: {  	v3 =	vld [tilespmem:s19+$0x2800];
	_ =	sdelay $0x1  }
0x59: {  	vm0 =	veq.s32 v2, $0x0;
	_ =	sdelay $0x1  }
.Ltmp2:
0x5a: {  	(pc) =	sbr.rel @p1 .LBB2_6-.Ltmp2, $2  }
0x5b: {  	_ =	sdelay $0x2  }
0x5c: {  	s19 =	sshra.s32 s20, $0x2;
	s20 =	sadd.s32 $0x40, s20;
	[tilespmem:v3+s15+$0x0] =	vst.idx.msk vm0, v1  }
0x5d: {  	v2 =	vld [tilespmem:s19+$0x0];
	_ =	sdelay $0x2  }
0x5e: {  	v3 =	vld [tilespmem:s19+$0x2800];
	_ =	sdelay $0x1  }
0x5f: {  	vm0 =	veq.s32 v2, $0x0;
	_ =	sdelay $0x5  }
0x60: {  	s19 =	simm.s32 @!p0 $0x1;
	s20 =	simm.s32 @!p0 $0x20;
	[tilespmem:v3+s15+$0x0] =	vst.idx.msk vm0, v1  }
0x61: {  	s21 =	simm.s32 @!p0 $0x10;
	s22 =	simm.s32 @!p0 $0x1C01;
	[bflag:$0x0] =	sbarrier.arrive $0xFFFF  }
0x62: {  	[hbm:s7@s20], [sflag:s22] =	dma.strided @!p0 [spmem:s16@s21], $0x500, s19, $0x10   }
0x63: {  	s18 =	sadd.s32 $0x1, s18;
	_ =	swait.ge @!p0 [sflag:s19], $0x500  }
0x64: {  	p1 =	sne.s32 s18, s9;
	[sflag:s19] =	ssyncset.done @!p0 $0x0  }
.Ltmp3:
0x65: {  	[sflag:s19] =	ssyncadd.s32 @!p0 $0xFFFFFB00;
	(pc) =	sbr.rel @p1 .LBB2_1-.Ltmp3, $4  }
0x66: {  	[hbm4b:s8+s14] =	stream.strided.scatter [tilespmem:s15], [sflag:$0x1], $0x2800, s17, s14, $0x38;
	[tilespmem:$0xA500] =	vst v63  }
0x67: {  	_ =	swait.ge [sflag:s10], $0x2800  }
0x68: {  	[sflag:s10] =	ssyncset.done $0x0  }
0x69: {  	[sflag:s10] =	ssyncadd.s32 $0xFFFFD800  }
0x6a: {  	_ =	sfence.sel $0x180000  }
0x6b: {  	[bflag:$0x0] =	sbarrier.arrive $0xFFFF  }
0x6c: {  	_ =	strace $0x90000047  }
0x6d: {  	s0 =	sadd.s32 @!p0 $0x100000, s0;
	[bflag:$0x2] =	sbarrier.arrive $0xFFFF  }
0x6e: {  	[sflag:s0] =	ssyncadd.tile.s32 @!p0 $0x1;
	_ =	shalt  }
.Lfunc_end2:
_tile_overlayer_lowered:
.L_overlay_start_2:
0x6f: {  	(tag) =	ssettag $0x2  }
0x70: {  	s0 =	rddreg [dreg:$0x0];
	s2 =	stileid.u32  }
0x71: {  	s1 =	rddreg [dreg:$0x1];
	p0 =	sne.s32 s2, $0x0  }
0x72: {  	s3 =	rddreg [dreg:$0x2];
	[bflag:$0x3] =	sbarrier.arrive $0xFFFF;
	s2 =	simm.s32 @!p0 $0x1C01  }
0x73: {  	[timem:s3], [sflag:s2] =	dma.local @!p0 [hbm:s0], s1  }
0x74: {  	s0 =	simm.s32 @!p0 $0x1  }
0x75: {  	_ =	swait.ge @!p0 [sflag:s0], s1  }
0x76: {  	s1 =	ssub.s32 @!p0 $0x0, s1;
	[sflag:s0] =	ssyncset.done @!p0 $0x0  }
0x77: {  	[sflag:s0] =	ssyncadd.s32 @!p0 s1  }
0x78: {  	[bflag:$0x3] =	sbarrier.arrive $0xFFFF  }
0x79: {  	_ =	shalt  }

// kernel: kernel.9.cloned.1.call-start
scs
__scs_entry_jumppad:
0x0: {  	(pc) =	sbr.rel $0x88, $3  }
0x1: {  	(tag) =	ssettag $0x0;
	lr =	simm.s32 $0x1  }
0x2: {  	[smem:$0x3F93] =	sst lr;
	_ =	strace $0xD0000000  }
0x3: {  	_ = 	snop  }
0x4: {  	_ = 	snop  }
0x5: {  	_ = 	snop  }
0x6: {  	_ = 	snop  }
0x7: {  	_ = 	snop  }
__scs_overlays_trampoline_lowered:
0x8: {  	[smem:$0x3FA2] =	sst s0  }
0x9: {  	[smem:$0x3FA3] =	sst s1  }
0xa: {  	[smem:$0x3FA4] =	sst s2  }
0xb: {  	[smem:$0x3FA5] =	sst s3  }
0xc: {  	[smem:$0x3FA6] =	sst s4  }
0xd: {  	[smem:$0x3FA7] =	sst s5  }
0xe: {  	[smem:$0x3FA8] =	sst s6  }
0xf: {  	[smem:$0x3FA9] =	sst s7  }
0x10: {  	[smem:$0x3FAA] =	sst s8  }
0x11: {  	[smem:$0x3FAB] =	sst s9;
	s0 =	simm.s32 @!p0 $0x0  }
0x12: {  	s1 =	sld [smem:$0x3F91];
	s0 =	simm.s32 @p0 $0x1  }
0x13: {  	[smem:$0x3FAC] =	sst s0;
	s0 =	simm.s32 @!p1 $0x0  }
0x14: {  	s2 =	sld [smem:$0x3F90];
	s0 =	simm.s32 @p1 $0x1  }
0x15: {  	[smem:$0x3FAD] =	sst s0;
	s0 =	simm.s32 @!p2 $0x0  }
0x16: {  	s3 =	sld [smem:$0x3FDB];
	s0 =	simm.s32 @p2 $0x1  }
0x17: {  	s4 =	simm.s32 $0x1BF5;
	[smem:$0x3FAF] =	sst s0  }
0x18: {  	s0 =	sld [smem:$0x3F92];
	_ =	swait.ge [sflag:s4], $0x0  }
0x19: {  	s7 =	sld [smem:$0x3F93]  }
0x1a: {  	s8 =	sadd.s32 $0xFFFFE003, lr  }
0x1b: {  	s9 =	sadd.s32 $0xFFFFFEF7, lr;
	s5 =	simm.s32 $0xFFFFFFFF;
	p2 =	slt.u32 s8, $0xFFFFF086  }
0x1c: {  	p1 =	slt.u32 s9, $0xF7A;
	s5 =	simm.s32 @!p2 $0x0  }
0x1d: {  	s5 =	simm.s32 @p1 $0x1;
	p0 =	seq.s32 s7, s2  }
0x1e: {  	s7 =	smul.u32 @!p0 $0xF7A, s2;
	p2 =	seq.s32 @!p0 s5, $0x0  }
0x1f: {  	s9 =	smul.u32 $0xF7A, s1;
	s8 =	simm.s32 @!p0 $0x1BF5;
	p2 =	por !p2, p0  }
0x20: {  	[sflag:s8] =	ssyncset.s32 @!p0 $0xFFFFF086;
	s6 =	sadd.s32 @!p0 s3, s7;
	s7 =	simm.s32 @!p0 $0x108  }
0x21: {  	s3 =	sadd.s32 s3, s9;
	s6 =	sadd.s32 @!p0 $0x88, s6;
	s7 =	simm.s32 @p2 $0x1082  }
0x22: {  	[simem:s7], [sflag:s8] =	dma.local @!p0 [hbm:s6], $0xF7A  }
0x23: {  	s9 =	sor.u32 $0xD0000000, s2;
	s6 =	simm.s32 $0x108;
	_ =	swait.ge @!p0 [sflag:s8], $0x0  }
0x24: {  	s3 =	sadd.s32 $0x88, s3;
	s6 =	simm.s32 @!p1 $0x1082;
	[sflag:s4] =	ssyncset.s32 $0xFFFFF086  }
0x25: {  	[simem:s6], [sflag:s4] =	dma.local [hbm:s3], $0xF7A  }
0x26: {  	[smem:$0x3F93] =	sst s1;
	(tag) =	ssettag s2;
	_ =	strace s9  }
0x27: {  	s1 =	sld [smem:$0x3FA3]  }
0x28: {  	s2 =	sld [smem:$0x3FA4]  }
0x29: {  	s4 =	sld [smem:$0x3FA6]  }
0x2a: {  	p0 =	seq.s32 s5, $0x0;
	s5 =	sld [smem:$0x3FA7]  }
0x2b: {  	s6 =	sld [smem:$0x3FA8]  }
0x2c: {  	s7 =	sld [smem:$0x3FA9]  }
0x2d: {  	s3 =	simm.s32 $0x108;
	s8 =	sld [smem:$0x3FAA]  }
0x2e: {  	s3 =	simm.s32 @!p0 $0x1082;
	s9 =	sld [smem:$0x3FAB]  }
0x2f: {  	lr =	sadd.s32 s0, s3;
	s0 =	sld [smem:$0x3FA2]  }
0x30: {  	s3 =	sld [smem:$0x3FA5]  }
0x31: {  	[smem:$0x3FAE] =	sst s10  }
0x32: {  	s10 =	sld [smem:$0x3FAC];
	_ =	sdelay $0x3  }
0x33: {  	p0 =	seq.s32 s10, $0x1;
	s10 =	sld [smem:$0x3FAE];
	_ =	sdelay $0x3  }
0x34: {  	[smem:$0x3FAE] =	sst s10  }
0x35: {  	s10 =	sld [smem:$0x3FAD];
	_ =	sdelay $0x3  }
0x36: {  	p1 =	seq.s32 s10, $0x1;
	s10 =	sld [smem:$0x3FAE];
	_ =	sdelay $0x3  }
0x37: {  	[smem:$0x3FAE] =	sst s10  }
0x38: {  	s10 =	sld [smem:$0x3FAF]  }
0x39: {  	_ = 	snop;
	(pc) =	sbr.ind lr, $3  }
0x3a: {  	_ = 	snop  }
0x3b: {  	_ = 	snop  }
0x3c: {  	p2 =	seq.s32 s10, $0x1;
	s10 =	sld [smem:$0x3FAE]  }
0x3d: {  	_ =	shalt  }
0x3e: {  	_ =	shalt  }
0x3f: {  	_ =	shalt  }
0x40: {  	_ =	shalt  }
0x41: {  	_ =	shalt  }
0x42: {  	_ =	shalt  }
0x43: {  	_ =	shalt  }
0x44: {  	_ =	shalt  }
0x45: {  	_ =	shalt  }
0x46: {  	_ =	shalt  }
0x47: {  	_ =	shalt  }
0x48: {  	_ =	shalt  }
0x49: {  	_ =	shalt  }
0x4a: {  	_ =	shalt  }
0x4b: {  	_ =	shalt  }
0x4c: {  	_ =	shalt  }
0x4d: {  	_ =	shalt  }
0x4e: {  	_ =	shalt  }
0x4f: {  	_ =	shalt  }
0x50: {  	_ =	shalt  }
0x51: {  	_ =	shalt  }
0x52: {  	_ =	shalt  }
0x53: {  	_ =	shalt  }
0x54: {  	_ =	shalt  }
0x55: {  	_ =	shalt  }
0x56: {  	_ =	shalt  }
0x57: {  	_ =	shalt  }
0x58: {  	_ =	shalt  }
0x59: {  	_ =	shalt  }
0x5a: {  	_ =	shalt  }
0x5b: {  	_ =	shalt  }
0x5c: {  	_ =	shalt  }
0x5d: {  	_ =	shalt  }
0x5e: {  	_ =	shalt  }
0x5f: {  	_ =	shalt  }
0x60: {  	_ =	shalt  }
0x61: {  	_ =	shalt  }
0x62: {  	_ =	shalt  }
0x63: {  	_ =	shalt  }
0x64: {  	_ =	shalt  }
0x65: {  	_ =	shalt  }
0x66: {  	_ =	shalt  }
0x67: {  	_ =	shalt  }
0x68: {  	_ =	shalt  }
0x69: {  	_ =	shalt  }
0x6a: {  	_ =	shalt  }
0x6b: {  	_ =	shalt  }
0x6c: {  	_ =	shalt  }
0x6d: {  	_ =	shalt  }
0x6e: {  	_ =	shalt  }
0x6f: {  	_ =	shalt  }
0x70: {  	_ =	shalt  }
0x71: {  	_ =	shalt  }
0x72: {  	_ =	shalt  }
0x73: {  	_ =	shalt  }
0x74: {  	_ =	shalt  }
0x75: {  	_ =	shalt  }
0x76: {  	_ =	shalt  }
0x77: {  	_ =	shalt  }
0x78: {  	_ =	shalt  }
0x79: {  	_ =	shalt  }
0x7a: {  	_ =	shalt  }
0x7b: {  	_ =	shalt  }
0x7c: {  	_ =	shalt  }
0x7d: {  	_ =	shalt  }
0x7e: {  	_ =	shalt  }
0x7f: {  	_ =	shalt  }
0x80: {  	_ =	shalt  }
0x81: {  	_ =	shalt  }
0x82: {  	_ =	shalt  }
0x83: {  	_ =	shalt  }
0x84: {  	_ =	shalt  }
0x85: {  	_ =	shalt  }
0x86: {  	_ =	shalt  }
0x87: {  	_ =	shalt  }
.Lfunc_end0:
.L_simem_size_0:
called_computation.1_lowered:
.L_overlay_start_0:
0x88: {  	s2 =	sld [smem:$0x3FD9]  }
0x89: {  	s3 =	sld [smem:$0x3FFE];
	_ =	sdelay $0x1  }
0x8a: {  	s1 =	srdreg.scid  }
0x8b: {  	s0 =	sand.u32 $0x1, s1  }
0x8c: {  	s16 =	sshll.u32 s0, $0xA;
	s2 =	sadd.s32 s3, s2  }
0x8d: {  	s2 =	sadd.s32 s2, s16  }
0x8e: {  	[smem:$0x3FBA] =	sst s2  }
0x8f: {  	_ = 	snop  }
0x90: {  	(tm) =	ssettm $0x1  }
0x91: {  	s17 =	sld [smem:$0x3FFB];
	_ =	sdelay $0x3  }
0x92: {  	_ =	strace s17  }
0x93: {  	s2 =	sld [smem:$0x3FFC];
	_ =	sdelay $0x3  }
0x94: {  	_ =	strace s2  }
0x95: {  	s2 =	sld [smem:$0x3FFD];
	_ =	sdelay $0x3  }
0x96: {  	_ =	strace s2  }
0x97: {  	_ =	strace $0x8FFFFFFF  }
0x98: {  	s18 =	sld [smem:$0x3FDB];
	_ =	sdelay $0x1  }
0x99: {  	s19 =	simm.s32 $_scs_section_size  }
0x9a: {  	s4 =	simm.s32 $_size__tile_overlayer_lowered;
	s5 =	simm.s32 $_tile_overlayer_lowered  }
0x9b: {  	s22 =	simm.s32 $0x1BFF;
	s21 =	sshll.u32 s5, $0x1;
	s2 =	sadd.s32 s19, s18  }
0x9c: {  	s6 =	simm.s32 $0x0;
	s20 =	sshll.u32 s4, $0x1;
	s4 =	sadd.s32 s21, s2  }
0x9d: {  	[timem:s6], [sflag:s22] =	dma.local [hbm:s4], s20  }
0x9e: {  	_ =	swait.ge [sflag:s22], s20  }
0x9f: {  	s3 =	ssub.s32 $0x0, s20;
	[sflag:s22] =	ssyncset.done $0x0  }
0xa0: {  	[sflag:s22] =	ssyncadd.s32 s3;
	_ =	sdelay $0x1  }
0xa1: {  	s23 =	simm.s32 $0x1B8B  }
0xa2: {  	_ =	swait.ge [sflag:s23], $0x1  }
0xa3: {  	[sflag:s23] =	ssyncset.done $0x0  }
0xa4: {  	s25 =	simm.s32 $0x1B8E;
	s24 =	sld [smem:$0x3FFE];
	[sflag:s23] =	ssyncadd.s32 $0xFFFFFFFF  }
0xa5: {  	s26 =	simm.s32 $execute0_lowered;
	[smem:$0x3FD2] =	sst s25  }
0xa6: {  	s4 =	sshll.u32 s26, $0x1;
	_ =	strace $0x80000049;
	[dreg:$0x1] =	wrdreg $0xFFFFFFFF  }
0xa7: {  	s28 =	simm.s32 $_size_execute0_lowered;
	s2 =	sadd.s32 s2, s4;
	[dreg:$0x0] =	wrdreg $0x0  }
0xa8: {  	s4 =	sshll.u32 s28, $0x1;
	[dreg:$0x2] =	wrdreg s2  }
0xa9: {  	[dreg:$0x3] =	wrdreg s4  }
0xaa: {  	[dreg:$0x4] =	wrdreg $0xC0  }
0xab: {  	_ =	task [dreg:s6], $0x5FFFF  }
0xac: {  	[dreg:$0x1] =	wrdreg $0xFFFFFFFF  }
0xad: {  	[dreg:$0x0] =	wrdreg $0x60  }
0xae: {  	[dreg:$0x2] =	wrdreg s24  }
0xaf: {  	[dreg:$0x3] =	wrdreg $0x9B000  }
0xb0: {  	[dreg:$0x4] =	wrdreg $0x13B000  }
0xb1: {  	[dreg:$0x5] =	wrdreg $0x9  }
0xb2: {  	_ =	task.clear_ibuf [dreg:s6], $0x6FFFF;
	_ =	strace $0x90000049  }
0xb3: {  	s29 =	simm.s32 $0x9;
	_ =	strace $0x8000004B  }
0xb4: {  	_ =	swait.ge [sflag:s29], $0x1  }
0xb5: {  	[sflag:s29] =	ssyncadd.s32 $0xFFFFFFFF  }
0xb6: {  	_ =	strace $0x9000004B  }
0xb7: {  	_ =	sfence  }
0xb8: {  	s30 =	sld [smem:$0x0];
	_ =	sdelay $0x2  }
0xb9: {  	s31 =	sshll.u32 s1, $0xD;
	s1 =	sshrl.u32 s1, $0x2  }
0xba: {  	s3 =	sand.u32 $0x4000, s31;
	s1 =	sadd.s32 s1, s30  }
0xbb: {  	s0 =	sor.u32 s3, s0;
	s1 =	sshll.u32 s1, $0x11  }
0xbc: {  	s0 =	sor.u32 s1, s0  }
0xbd: {  	s0 =	sadd.s32 $0x8F2B, s0  }
0xbe: {  	[sflag:s0] =	ssyncadd.remote.s32 $0x1  }
0xbf: {  	_ =	sfence.sel $0xFFFF  }
0xc0: {  	[dreg:$0x0] =	wrdreg $0xFFFFFFFF;
	(pc) =	sbr.abs _section_cstart, $3  }
0xc1: {  	[dreg:$0x1] =	wrdreg $0xFFFFFFFF  }
0xc2: {  	_ =	task.clear_ibuf [dreg:s6], $0x2FFFF;
	_ =	strace $0x9FFFFFFF  }
0xc3: {  	(tm) =	ssettm $0x7FFFFFFF  }
tec
execute0_lowered:
.L_overlay_start_1:
0x0: {  	(tag) =	ssettag $0x1  }
0x1: {  	s0 =	rddreg [dreg:$0x0]  }
0x2: {  	s1 =	rddreg [dreg:$0x1]  }
0x3: {  	s2 =	rddreg [dreg:$0x2];
	s3 =	simm.s32 $0x0;
	s7 =	srdreg.scid  }
0x4: {  	s11 =	stileid.u32;
	[smem:$0x7FF] =	sst s3  }
0x5: {  	s4 =	sadd.s32 $0x2BC00, s0;
	s5 =	sadd.s32 $0x3BC00, s0;
	s7 =	sand.u32 $0x1, s7  }
0x6: {  	s8 =	sadd.s32 $0x2B200, s0;
	s9 =	sadd.s32 $0x5BC00, s0;
	s10 =	smul.u32 $0x28000, s11  }
0x7: {  	s14 =	smul.u32 $0xA00, s11;
	_ =	strace $0x8000004A;
	[dreg:$0x4] =	wrdreg s8  }
0x8: {  	s6 =	sadd.s32 $0x4BC00, s0;
	s28 =	smul.u32 $0x14000, s7;
	[dreg:$0x5] =	wrdreg s9  }
0x9: {  	s9 =	sadd.s32 $0x3200, s0;
	s12 =	sshll.u32 s7, $0x4;
	s14 =	sshrl.u32 s14, $0x2  }
0xa: {  	s10 =	sshrl.u32 s10, $0x2;
	s8 =	sadd.s32 s28, s0;
	s30 =	sadd.s32 s14, s2  }
0xb: {  	s0 =	sadd.s32 s12, s0;
	[dreg:$0x6] =	wrdreg s30;
	s8 =	sadd.s32 $0x5CC00, s8  }
0xc: {  	s10 =	sadd.s32 s10, s1;
	s0 =	sadd.s32 $0x5C200, s0;
	[dreg:$0x7] =	wrdreg s8  }
0xd: {  	s15 =	sadd.s32 $0x1000, s10;
	[dreg:$0x8] =	wrdreg s0  }
0xe: {  	s16 =	sadd.s32 $0x1800, s10;
	[dreg:$0xb] =	wrdreg s15  }
0xf: {  	s17 =	sadd.s32 $0x2000, s10;
	[dreg:$0xc] =	wrdreg s16  }
0x10: {  	s18 =	sadd.s32 $0x2800, s10;
	[dreg:$0xd] =	wrdreg s17  }
0x11: {  	s19 =	sadd.s32 $0x3000, s10;
	[dreg:$0xe] =	wrdreg s18  }
0x12: {  	s20 =	sadd.s32 $0x3800, s10;
	[dreg:$0xf] =	wrdreg s19  }
0x13: {  	p0 =	sne.s32 s11, $0x0;
	s21 =	sadd.s32 $0x4000, s10;
	[dreg:$0x10] =	wrdreg s20  }
0x14: {  	s13 =	ssub.s32 $0x2, s7;
	s22 =	sadd.s32 $0x4800, s10;
	[dreg:$0x11] =	wrdreg s21  }
0x15: {  	s7 =	smul.u32 $0x1400, s7;
	s23 =	sadd.s32 $0x5000, s10;
	[dreg:$0x12] =	wrdreg s22  }
0x16: {  	s29 =	sshrl.u32 s13, $0x1;
	s24 =	sadd.s32 $0x5800, s10;
	[dreg:$0x13] =	wrdreg s23  }
0x17: {  	s13 =	ssub.s32 s13, s29;
	s25 =	sadd.s32 $0x6000, s10;
	[dreg:$0x14] =	wrdreg s24  }
0x18: {  	s31 =	sadd.s32 $0x1400, s7;
	s26 =	sadd.s32 $0x6800, s10;
	[dreg:$0x15] =	wrdreg s25  }
0x19: {  	s12 =	sshll.u32 s11, $0xC;
	s28 =	sadd.s32 $0x7000, s10;
	[dreg:$0x16] =	wrdreg s26  }
0x1a: {  	s14 =	simm.s32 $0x2;
	s29 =	sadd.s32 $0x7800, s10;
	[dreg:$0x17] =	wrdreg s28  }
0x1b: {  	v1 =	vmov s31;
	s30 =	sadd.s32 $0x8000, s10;
	s31 =	sadd.s32 $0x8800, s10;
	[dreg:$0x18] =	wrdreg s29  }
0x1c: {  	v2 =	vimm.f32 $0.0e+00;
	v3 =	vimm.s32 $0x0;
	s11 =	sadd.s32 $0x9800, s10;
	s8 =	smax.u32 s13, $0x1;
	[dreg:$0x19] =	wrdreg s30  }
0x1d: {  	v4 =	vlaneseq.u32;
	vm0 =	vmmov $0xffff;
	v5 =	vimm.s32 $0x1;
	s13 =	sadd.s32 $0x800, s10;
	[dreg:$0x1a] =	wrdreg s31;
	s15 =	simm.s32 $0x4000  }
.Ltmp0:
0x1e: {  	v6 =	vimm.s32 $0x2;
	v7 =	vimm.s32 $0x3;
	v8 =	vimm.s32 $0x4;
	s16 =	simm.s32 $0x9080;
	s17 =	simm.s32 $0x80;
	(pc) =	sbr.rel .LBB2_1-.Ltmp0, $4  }
0x1f: {  	v9 =	vimm.s32 $0x5;
	v10 =	vimm.s32 $0x6;
	v11 =	vimm.s32 $0x7;
	s18 =	simm.s32 $0x400;
	s19 =	simm.s32 $0x800;
	s20 =	simm.s32 $0x1000  }
0x20: {  	v12 =	vimm.s32 $0x8;
	v13 =	vimm.s32 $0x9;
	v14 =	vimm.s32 $0xA;
	s21 =	simm.s32 $0x1;
	s22 =	simm.s32 $0x8000;
	s23 =	simm.s32 $0x8800  }
0x21: {  	v15 =	vimm.s32 $0xB;
	v16 =	vimm.s32 $0xC;
	v17 =	vimm.s32 $0xD;
	s24 =	simm.s32 $0x9000;
	s25 =	simm.s32 $0x0;
	[dreg:$0x9] =	wrdreg s8  }
0x22: {  	v18 =	vimm.s32 $0xE;
	v19 =	vimm.s32 $0xF;
	v0 =	vmov s7;
	[dreg:$0xa] =	wrdreg s13;
	s8 =	sadd.s32 $0x9000, s10;
	s13 =	simm.s32 $0x1800  }
.LBB2_10:
0x23: {  	[bflag:$0x0] =	sbarrier.arrive $0xFFFF  }
0x24: {  	s0 =	sshrl.u32 @!p0 s1, $0x3;
	s7 =	simm.s32 @!p0 $0x1C02;
	s26 =	rddreg [dreg:$0x7]  }
0x25: {  	[hbm:s26], [sflag:s7] =	dma.local @!p0 [spmem:s0], $0x14000  }
0x26: {  	s0 =	simm.s32 @!p0 $0x2  }
0x27: {  	s28 =	simm.s32 @!p0 $0x1;
	_ =	swait.ge @!p0 [sflag:s0], $0x14000  }
0x28: {  	s29 =	simm.s32 @!p0 $0x20;
	s30 =	simm.s32 @!p0 $0x10;
	[sflag:s0] =	ssyncset.done @!p0 $0x0  }
0x29: {  	s26 =	sshrl.u32 @!p0 s2, $0x3;
	s31 =	rddreg [dreg:$0x8];
	[sflag:s0] =	ssyncadd.s32 @!p0 $0xFFFEC000  }
0x2a: {  	[hbm:s31@s29], [sflag:s7] =	dma.strided @!p0 [spmem:s26@s30], $0x500, s28, $0x10   }
0x2b: {  	_ =	swait.ge @!p0 [sflag:s0], $0x500  }
0x2c: {  	s25 =	sadd.s32 $0x1, s25;
	s31 =	rddreg [dreg:$0x9]  }
0x2d: {  	p1 =	sne.s32 s25, s31  }
.Ltmp1:
0x2e: {  	_ = 	snop;
	(pc) =	sbr.rel @!p1 .LBB2_11-.Ltmp1, $3  }
0x2f: {  	_ =	sdelay $0x1  }
0x30: {  	[sflag:s0] =	ssyncset.done @!p0 $0x0  }
0x31: {  	[sflag:s0] =	ssyncadd.s32 @!p0 $0xFFFFFB00  }
.LBB2_1:
0x32: {  	s0 =	rddreg [dreg:$0x4]  }
0x33: {  	[tilespmem:s13], [sflag:$0x2] =	stream.linear.gather [hbm4b:s0+s3], $0x2800, $0x38;
	[tilespmem:$0x13D80] =	vst v63  }
0x34: {  	_ =	swait.ge [sflag:s14], $0x2800  }
0x35: {  	[sflag:s14] =	ssyncset.done $0x0  }
0x36: {  	s30 =	rddreg [dreg:$0x5];
	[sflag:s14] =	ssyncadd.s32 $0xFFFFD800  }
0x37: {  	[tilespmem:s15], [sflag:$0x2] =	stream.linear.gather [hbm4b:s30+s3], $0x2800, $0x38;
	[tilespmem:$0x13D80] =	vst v63  }
0x38: {  	s31 =	sand.u32 $0x1E00, s3;
	s7 =	sand.u32 $0x70, s3;
	_ =	swait.ge [sflag:s14], $0x2800  }
0x39: {  	s26 =	sshrl.u32 s31, $0x2;
	s0 =	simm.s32 $0x40;
	[sflag:s14] =	ssyncset.done $0x0  }
0x3a: {  	s26 =	sor.u32 s7, s26;
	s7 =	simm.s32 $0x0;
	[sflag:s14] =	ssyncadd.s32 $0xFFFFD800  }
.LBB2_2:
0x3b: {  	p1 =	sne.s32 s0, $0x1FC0  }
0x3c: {  	[tilespmem:s26+$0x9080] =	vst v2;
	s7 =	sadd.s32 $0x10, s7;
	s26 =	smov.u32 s0;
	s0 =	sadd.s32 $0x40, s0  }
.Ltmp2:
0x3d: {  	(pc) =	sbr.rel @p1 .LBB2_2-.Ltmp2, $4  }
0x3e: {  	_ = 	snop  }
0x3f: {  	s26 =	sand.u32 $0x1E00, s26  }
0x40: {  	s28 =	sand.u32 $0x70, s7;
	s26 =	sshrl.u32 s26, $0x2  }
0x41: {  	s26 =	sor.u32 s28, s26  }
0x42: {  	[tilespmem:s26+$0x9080] =	vst v2  }
0x43: {  	[tilespmem:$0x9880] =	vst v2  }
0x44: {  	[tilespmem:$0x9890] =	vst v2  }
0x45: {  	[tilespmem:$0x98A0] =	vst v2  }
0x46: {  	[tilespmem:$0x98B0] =	vst v2  }
0x47: {  	[tilespmem:$0x98C0] =	vst v2  }
0x48: {  	[tilespmem:$0x98D0] =	vst v2  }
0x49: {  	[tilespmem:$0x98E0] =	vst v2  }
0x4a: {  	[tilespmem:$0x98F0] =	vst v2  }
0x4b: {  	[tilespmem:$0x9900] =	vst v2  }
0x4c: {  	[tilespmem:$0x9910] =	vst v2  }
0x4d: {  	[tilespmem:$0x9920] =	vst v2  }
0x4e: {  	[tilespmem:$0x9930] =	vst v2  }
0x4f: {  	[tilespmem:$0x9940] =	vst v2  }
0x50: {  	[tilespmem:$0x9950] =	vst v2  }
0x51: {  	[tilespmem:$0x9960] =	vst v2  }
0x52: {  	[tilespmem:$0x9970] =	vst v2  }
0x53: {  	[tilespmem:$0x9980] =	vst v2  }
0x54: {  	[tilespmem:$0x9990] =	vst v2  }
0x55: {  	[tilespmem:$0x99A0] =	vst v2  }
0x56: {  	[tilespmem:$0x99B0] =	vst v2  }
0x57: {  	[tilespmem:$0x99C0] =	vst v2  }
0x58: {  	[tilespmem:$0x99D0] =	vst v2  }
0x59: {  	[tilespmem:$0x99E0] =	vst v2  }
0x5a: {  	[tilespmem:$0x99F0] =	vst v2  }
0x5b: {  	[tilespmem:$0x9A00] =	vst v2  }
0x5c: {  	[tilespmem:$0x9A10] =	vst v2  }
0x5d: {  	[tilespmem:$0x9A20] =	vst v2  }
0x5e: {  	[tilespmem:$0x9A30] =	vst v2  }
0x5f: {  	[tilespmem:$0x9A40] =	vst v2  }
0x60: {  	[tilespmem:$0x9A50] =	vst v2  }
0x61: {  	[tilespmem:$0x9A60] =	vst v2  }
0x62: {  	[tilespmem:$0x9A70] =	vst v2  }
0x63: {  	[tilespmem:$0x9A80] =	vst v2  }
0x64: {  	[tilespmem:$0x9A90] =	vst v2  }
0x65: {  	[tilespmem:$0x9AA0] =	vst v2  }
0x66: {  	[tilespmem:$0x9AB0] =	vst v2  }
0x67: {  	[tilespmem:$0x9AC0] =	vst v2  }
0x68: {  	[tilespmem:$0x9AD0] =	vst v2  }
0x69: {  	[tilespmem:$0x9AE0] =	vst v2  }
0x6a: {  	[tilespmem:$0x9AF0] =	vst v2  }
0x6b: {  	[spmem:s10] =	stream.linear.scatter [tilespmem:s16], [sflag:$0x2], $0x800, $0x38;
	[tilespmem:$0x13D80] =	vst v63  }
0x6c: {  	_ =	swait.ge [sflag:s14], $0x800  }
0x6d: {  	[sflag:s14] =	ssyncset.done $0x0  }
0x6e: {  	s0 =	rddreg [dreg:$0xa];
	[sflag:s14] =	ssyncadd.s32 $0xFFFFF800  }
0x6f: {  	[spmem:s0] =	stream.linear.scatter [tilespmem:s16], [sflag:$0x2], $0x800, $0x38;
	[tilespmem:$0x13D80] =	vst v63  }
0x70: {  	_ =	swait.ge [sflag:s14], $0x800  }
0x71: {  	[sflag:s14] =	ssyncset.done $0x0  }
0x72: {  	s30 =	rddreg [dreg:$0xb];
	[sflag:s14] =	ssyncadd.s32 $0xFFFFF800  }
0x73: {  	[spmem:s30] =	stream.linear.scatter [tilespmem:s16], [sflag:$0x2], $0x800, $0x38;
	[tilespmem:$0x13D80] =	vst v63  }
0x74: {  	_ =	swait.ge [sflag:s14], $0x800  }
0x75: {  	[sflag:s14] =	ssyncset.done $0x0  }
0x76: {  	s31 =	rddreg [dreg:$0xc];
	[sflag:s14] =	ssyncadd.s32 $0xFFFFF800  }
0x77: {  	[spmem:s31] =	stream.linear.scatter [tilespmem:s16], [sflag:$0x2], $0x800, $0x38;
	[tilespmem:$0x13D80] =	vst v63  }
0x78: {  	_ =	swait.ge [sflag:s14], $0x800  }
0x79: {  	[sflag:s14] =	ssyncset.done $0x0  }
0x7a: {  	s7 =	rddreg [dreg:$0xd];
	[sflag:s14] =	ssyncadd.s32 $0xFFFFF800  }
0x7b: {  	[spmem:s7] =	stream.linear.scatter [tilespmem:s16], [sflag:$0x2], $0x800, $0x38;
	[tilespmem:$0x13D80] =	vst v63  }
0x7c: {  	_ =	swait.ge [sflag:s14], $0x800  }
0x7d: {  	[sflag:s14] =	ssyncset.done $0x0  }
0x7e: {  	s26 =	rddreg [dreg:$0xe];
	[sflag:s14] =	ssyncadd.s32 $0xFFFFF800  }
0x7f: {  	[spmem:s26] =	stream.linear.scatter [tilespmem:s16], [sflag:$0x2], $0x800, $0x38;
	[tilespmem:$0x13D80] =	vst v63  }
0x80: {  	_ =	swait.ge [sflag:s14], $0x800  }
0x81: {  	[sflag:s14] =	ssyncset.done $0x0  }
0x82: {  	s29 =	rddreg [dreg:$0xf];
	[sflag:s14] =	ssyncadd.s32 $0xFFFFF800  }
0x83: {  	[spmem:s29] =	stream.linear.scatter [tilespmem:s16], [sflag:$0x2], $0x800, $0x38;
	[tilespmem:$0x13D80] =	vst v63  }
0x84: {  	_ =	swait.ge [sflag:s14], $0x800  }
0x85: {  	[sflag:s14] =	ssyncset.done $0x0  }
0x86: {  	s30 =	rddreg [dreg:$0x10];
	[sflag:s14] =	ssyncadd.s32 $0xFFFFF800  }
0x87: {  	[spmem:s30] =	stream.linear.scatter [tilespmem:s16], [sflag:$0x2], $0x800, $0x38;
	[tilespmem:$0x13D80] =	vst v63  }
0x88: {  	_ =	swait.ge [sflag:s14], $0x800  }
0x89: {  	[sflag:s14] =	ssyncset.done $0x0  }
0x8a: {  	s31 =	rddreg [dreg:$0x11];
	[sflag:s14] =	ssyncadd.s32 $0xFFFFF800  }
0x8b: {  	[spmem:s31] =	stream.linear.scatter [tilespmem:s16], [sflag:$0x2], $0x800, $0x38;
	[tilespmem:$0x13D80] =	vst v63  }
0x8c: {  	_ =	swait.ge [sflag:s14], $0x800  }
0x8d: {  	[sflag:s14] =	ssyncset.done $0x0  }
0x8e: {  	s7 =	rddreg [dreg:$0x12];
	[sflag:s14] =	ssyncadd.s32 $0xFFFFF800  }
0x8f: {  	[spmem:s7] =	stream.linear.scatter [tilespmem:s16], [sflag:$0x2], $0x800, $0x38;
	[tilespmem:$0x13D80] =	vst v63  }
0x90: {  	_ =	swait.ge [sflag:s14], $0x800  }
0x91: {  	[sflag:s14] =	ssyncset.done $0x0  }
0x92: {  	s26 =	rddreg [dreg:$0x13];
	[sflag:s14] =	ssyncadd.s32 $0xFFFFF800  }
0x93: {  	[spmem:s26] =	stream.linear.scatter [tilespmem:s16], [sflag:$0x2], $0x800, $0x38;
	[tilespmem:$0x13D80] =	vst v63  }
0x94: {  	_ =	swait.ge [sflag:s14], $0x800  }
0x95: {  	[sflag:s14] =	ssyncset.done $0x0  }
0x96: {  	s29 =	rddreg [dreg:$0x14];
	[sflag:s14] =	ssyncadd.s32 $0xFFFFF800  }
0x97: {  	[spmem:s29] =	stream.linear.scatter [tilespmem:s16], [sflag:$0x2], $0x800, $0x38;
	[tilespmem:$0x13D80] =	vst v63  }
0x98: {  	_ =	swait.ge [sflag:s14], $0x800  }
0x99: {  	[sflag:s14] =	ssyncset.done $0x0  }
0x9a: {  	s30 =	rddreg [dreg:$0x15];
	[sflag:s14] =	ssyncadd.s32 $0xFFFFF800  }
0x9b: {  	[spmem:s30] =	stream.linear.scatter [tilespmem:s16], [sflag:$0x2], $0x800, $0x38;
	[tilespmem:$0x13D80] =	vst v63  }
0x9c: {  	_ =	swait.ge [sflag:s14], $0x800  }
0x9d: {  	[sflag:s14] =	ssyncset.done $0x0  }
0x9e: {  	s31 =	rddreg [dreg:$0x16];
	[sflag:s14] =	ssyncadd.s32 $0xFFFFF800  }
0x9f: {  	[spmem:s31] =	stream.linear.scatter [tilespmem:s16], [sflag:$0x2], $0x800, $0x38;
	[tilespmem:$0x13D80] =	vst v63  }
0xa0: {  	_ =	swait.ge [sflag:s14], $0x800  }
0xa1: {  	[sflag:s14] =	ssyncset.done $0x0  }
0xa2: {  	s7 =	rddreg [dreg:$0x17];
	[sflag:s14] =	ssyncadd.s32 $0xFFFFF800  }
0xa3: {  	[spmem:s7] =	stream.linear.scatter [tilespmem:s16], [sflag:$0x2], $0x800, $0x38;
	[tilespmem:$0x13D80] =	vst v63  }
0xa4: {  	_ =	swait.ge [sflag:s14], $0x800  }
0xa5: {  	[sflag:s14] =	ssyncset.done $0x0  }
0xa6: {  	s26 =	rddreg [dreg:$0x18];
	[sflag:s14] =	ssyncadd.s32 $0xFFFFF800  }
0xa7: {  	[spmem:s26] =	stream.linear.scatter [tilespmem:s16], [sflag:$0x2], $0x800, $0x38;
	[tilespmem:$0x13D80] =	vst v63  }
0xa8: {  	_ =	swait.ge [sflag:s14], $0x800  }
0xa9: {  	[sflag:s14] =	ssyncset.done $0x0  }
0xaa: {  	s29 =	rddreg [dreg:$0x19];
	[sflag:s14] =	ssyncadd.s32 $0xFFFFF800  }
0xab: {  	[spmem:s29] =	stream.linear.scatter [tilespmem:s16], [sflag:$0x2], $0x800, $0x38;
	[tilespmem:$0x13D80] =	vst v63  }
0xac: {  	_ =	swait.ge [sflag:s14], $0x800  }
0xad: {  	[sflag:s14] =	ssyncset.done $0x0  }
0xae: {  	s30 =	rddreg [dreg:$0x1a];
	[sflag:s14] =	ssyncadd.s32 $0xFFFFF800  }
0xaf: {  	[spmem:s30] =	stream.linear.scatter [tilespmem:s16], [sflag:$0x2], $0x800, $0x38;
	[tilespmem:$0x13D80] =	vst v63  }
0xb0: {  	_ =	swait.ge [sflag:s14], $0x800  }
0xb1: {  	[sflag:s14] =	ssyncset.done $0x0  }
0xb2: {  	[sflag:s14] =	ssyncadd.s32 $0xFFFFF800  }
0xb3: {  	[spmem:s8] =	stream.linear.scatter [tilespmem:s16], [sflag:$0x2], $0x800, $0x38;
	[tilespmem:$0x13D80] =	vst v63  }
0xb4: {  	_ =	swait.ge [sflag:s14], $0x800  }
0xb5: {  	[sflag:s14] =	ssyncset.done $0x0  }
0xb6: {  	[sflag:s14] =	ssyncadd.s32 $0xFFFFF800  }
0xb7: {  	[spmem:s11] =	stream.linear.scatter [tilespmem:s16], [sflag:$0x2], $0x800, $0x38;
	[tilespmem:$0x13D80] =	vst v63  }
0xb8: {  	_ =	swait.ge [sflag:s14], $0x800  }
0xb9: {  	[sflag:s14] =	ssyncset.done $0x0  }
0xba: {  	s7 =	simm.s32 $0x9880;
	s31 =	rddreg [dreg:$0x6];
	[sflag:s14] =	ssyncadd.s32 $0xFFFFF800  }
0xbb: {  	[spmem:s31] =	stream.linear.scatter [tilespmem:s7], [sflag:$0x2], $0x280, $0x38;
	[tilespmem:$0x13D80] =	vst v63  }
.Ltmp3:
0xbc: {  	_ =	swait.ge [sflag:s14], $0x280;
	(pc) =	sbr.rel .LBB2_4-.Ltmp3, $4  }
0xbd: {  	[sflag:s14] =	ssyncset.done $0x0  }
0xbe: {  	[sflag:s14] =	ssyncadd.s32 $0xFFFFFD80  }
0xbf: {  	[bflag:$0x0] =	sbarrier.arrive $0xFFFF  }
0xc0: {  	s28 =	simm.s32 $0x0;
	s26 =	simm.s32 $0x0  }
.LBB2_9:
0xc1: {  	s28 =	sadd.s32 $0x1, s28  }
0xc2: {  	p1 =	sne.s32 s28, $0xB  }
.Ltmp4:
0xc3: {  	_ = 	snop;
	(pc) =	sbr.rel @!p1 .LBB2_10-.Ltmp4, $1  }
0xc4: {  	_ =	sdelay $0x3  }
.LBB2_4:
0xc5: {  	s0 =	sshll.u32 s28, $0x8  }
0xc6: {  	s7 =	sshll.u32 s28, $0x4;
	s0 =	sand.u32 $0x800, s0  }
0xc7: {  	s7 =	sand.u32 $0x70, s7;
	s0 =	sor.u32 s12, s0  }
0xc8: {  	s0 =	sor.u32 s7, s0  }
0xc9: {  	s7 =	sadd.s32 s4, s0  }
0xca: {  	[tilespmem:s26], [sflag:$0x2] =	stream.strided.gather [hbm4b:s7+s17], $0x800, s18, s17, $0x38;
	[tilespmem:$0x13D80] =	vst v63  }
0xcb: {  	_ =	swait.ge [sflag:s14], $0x800  }
0xcc: {  	[sflag:s14] =	ssyncset.done $0x0  }
0xcd: {  	s31 =	sadd.s32 s5, s0;
	[sflag:s14] =	ssyncadd.s32 $0xFFFFF800  }
0xce: {  	[tilespmem:s19], [sflag:$0x2] =	stream.strided.gather [hbm4b:s31+s17], $0x800, s18, s17, $0x38;
	[tilespmem:$0x13D80] =	vst v63  }
0xcf: {  	_ =	swait.ge [sflag:s14], $0x800  }
0xd0: {  	[sflag:s14] =	ssyncset.done $0x0  }
0xd1: {  	s0 =	sadd.s32 s6, s0;
	[sflag:s14] =	ssyncadd.s32 $0xFFFFF800  }
0xd2: {  	[tilespmem:s20], [sflag:$0x2] =	stream.strided.gather [hbm4b:s0+s17], $0x800, s18, s17, $0x38;
	[tilespmem:$0x13D80] =	vst v63  }
0xd3: {  	_ =	swait.ge [sflag:s14], $0x800  }
0xd4: {  	[sflag:s14] =	ssyncset.done $0x0  }
0xd5: {  	s30 =	simm.s32 $0x0;
	[sflag:s14] =	ssyncadd.s32 $0xFFFFF800  }
0xd6: {  	v20 =	vld [tilespmem:s30+$0x800];
	_ =	sdelay $0x4  }
0xd7: {  	v21 =	vld [tilespmem:s30+$0x0];
	_ =	sdelay $0x2  }
0xd8: {  	v22 =	vld.idx.msk [tilespmem:v20+s15+$0x0], $0xffff;
	_ =	sdelay $0x3  }
0xd9: {  	v24 =	vld [tilespmem:s30+$0x1000]  }
0xda: {  	vm2 =	vge.s32 v20, v0;
	v23 =	vld.idx.msk [tilespmem:v21+s13+$0x0], $0xffff;
	vm1 =	vgt.f32 v22, $0.0e+00  }
0xdb: {  	vm1 =	vmand vm2, vm1;
	vm2 =	vlt.s32 v20, v1  }
0xdc: {  	v22 =	vld.idx.msk [tilespmem:v20+s13+$0x0], $0xffff;
	vm1 =	vmand vm2, vm1  }
0xdd: {  	v25 =	vsel vm1, $0x1, v3  }
0xde: {  	(xrf0) =	vadd.scan.msk.s32 $0xffff, v25  }
0xdf: {  	v23 =	vmul.f32 v23, v24;
	_ =	sdelay $0x1  }
0xe0: {  	[tilespmem:s26+$0x6800] =	vst.msk vm1, v21;
	v22 =	vmul.f32 v22, v23  }
0xe1: {  	[tilespmem:s26+$0x7000] =	vst.msk vm1, v20  }
0xe2: {  	s31 =	simm.s32 $0x10;
	[tilespmem:s26+$0x7800] =	vst.msk vm1, v22  }
0xe3: {  	v20 =	vld [tilespmem:s31+$0x800];
	v21, _, _ =	vpop (xrf0)  }
0xe4: {  	(v2sf) =	vpush v21, $0xF;
	_ =	sdelay $0x1  }
0xe5: {  	v21 =	vld [tilespmem:s31+$0x0];
	_ =	sdelay $0x4  }
0xe6: {  	v22 =	vld.idx.msk [tilespmem:v20+s15+$0x0], $0xffff;
	_ =	sdelay $0x1  }
0xe7: {  	v24 =	vld [tilespmem:s31+$0x1000]  }
0xe8: {  	v23 =	vld.idx.msk [tilespmem:v21+s13+$0x0], $0xffff;
	_ =	sdelay $0x1  }
0xe9: {  	vm2 =	vge.s32 v20, v0;
	vm1 =	vgt.f32 v22, $0.0e+00  }
0xea: {  	v22 =	vld.idx.msk [tilespmem:v20+s13+$0x0], $0xffff;
	vm1 =	vmand vm2, vm1;
	vm2 =	vlt.s32 v20, v1  }
0xeb: {  	vm1 =	vmand vm2, vm1  }
0xec: {  	s7 =	simm.s32 $0x0;
	s0 =	simm.s32 $0x80;
	v23 =	vmul.f32 v23, v24;
	v24 =	vsel vm1, $0x1, v3;
	s29 =	spop (v2sf)  }
.LBB2_5:
0xed: {  	p1 =	sne.s32 s0, $0x1FC0  }
0xee: {  	(xrf0) =	vadd.scan.msk.s32 $0xffff, v24;
	s7 =	sadd.s32 s7, s29;
	s29 =	smov.u32 s0;
	s0 =	sadd.s32 $0x40, s0  }
0xef: {  	v22 =	vmul.f32 v22, v23;
	[tilespmem:s7+$0x6800] =	vst.msk vm1, v21  }
0xf0: {  	[tilespmem:s7+$0x7000] =	vst.msk vm1, v20  }
0xf1: {  	[tilespmem:s7+$0x7800] =	vst.msk vm1, v22  }
0xf2: {  	s29 =	sshra.s32 s29, $0x2  }
0xf3: {  	v20 =	vld [tilespmem:s29+$0x800]  }
0xf4: {  	v21, _, _ =	vpop (xrf0)  }
0xf5: {  	(v2sf) =	vpush v21, $0xF  }
0xf6: {  	v21 =	vld [tilespmem:s29+$0x0];
	_ =	sdelay $0x4  }
0xf7: {  	v23 =	vld.idx.msk [tilespmem:v20+s15+$0x0], $0xffff;
	_ =	sdelay $0x2  }
0xf8: {  	v24 =	vld.idx.msk [tilespmem:v21+s13+$0x0], $0xffff  }
0xf9: {  	v25 =	vld [tilespmem:s29+$0x1000]  }
.Ltmp5:
0xfa: {  	v22 =	vld.idx.msk [tilespmem:v20+s13+$0x0], $0xffff;
	(pc) =	sbr.rel @p1 .LBB2_5-.Ltmp5, $4  }
0xfb: {  	vm2 =	vge.s32 v20, v0;
	vm1 =	vgt.f32 v23, $0.0e+00  }
0xfc: {  	vm1 =	vmand vm2, vm1;
	vm2 =	vlt.s32 v20, v1  }
0xfd: {  	vm1 =	vmand vm2, vm1  }
0xfe: {  	v23 =	vmul.f32 v24, v25;
	v24 =	vsel vm1, $0x1, v3;
	s29 =	spop (v2sf)  }
0xff: {  	(xrf0) =	vadd.scan.msk.s32 $0xffff, v24;
	_ =	sdelay $0x5  }
0x100: {  	v24, _, _ =	vpop (xrf0)  }
0x101: {  	(v2sf) =	vpush v24, $0xF;
	_ =	sdelay $0xe  }
0x102: {  	s7 =	sadd.s32 s7, s29;
	s0 =	spop (v2sf)  }
0x103: {  	s0 =	sadd.s32 s7, s0  }
0x104: {  	s29 =	sadd.s32 $0xF, s0  }
0x105: {  	s30 =	sand.u32 $0xF, s29  }
0x106: {  	s31 =	sshra.s32 s29, $0x1F;
	p2 =	slt.s32 s29, $0x1;
	p1 =	sne.s32 s30, $0x0  }
0x107: {  	s30 =	sshrl.u32 s31, $0x1C;
	p1 =	por !p2, !p1  }
0x108: {  	s29 =	sadd.s32 s30, s29;
	s30 =	simm.s32 $0x1;
	p1 =	por !p1, !p1  }
0x109: {  	s29 =	sshra.s32 s29, $0x4;
	s30 =	simm.s32 @!p1 $0x0  }
0x10a: {  	s29 =	ssub.s32 s29, s30  }
0x10b: {  	p1 =	slt.s32 s29, $0x1  }
.Ltmp6:
0x10c: {  	_ = 	snop;
	(pc) =	sbr.rel @p1 .LBB2_9-.Ltmp6, $4  }
0x10d: {  	_ = 	snop  }
0x10e: {  	v22 =	vmul.f32 v22, v23;
	[tilespmem:s7+$0x6800] =	vst.msk vm1, v21  }
0x10f: {  	[tilespmem:s7+$0x7000] =	vst.msk vm1, v20  }
0x110: {  	[tilespmem:s7+$0x7800] =	vst.msk vm1, v22  }
0x111: {  	s30 =	simm.s32 $0x6800  }
0x112: {  	v20 =	vmov s0;
	s31 =	simm.s32 $0x7000;
	s0 =	simm.s32 $0x7800;
	s7 =	simm.s32 $0x0  }
.LBB2_8:
0x113: {  	v21 =	vld [tilespmem:s30+$0x0];
	_ =	sdelay $0x2  }
0x114: {  	v22 =	vor.u32 s7, v4  }
0x115: {  	vm1 =	vlt.s32 v22, v20  }
0x116: {  	v24 =	vnsel vm1, $0x0, v21;
	_ =	sdelay $0x3  }
0x117: {  	v23 =	vld [tilespmem:s31+$0x0]  }
0x118: {  	v22 =	vld [tilespmem:s0+$0x0];
	[tilespmem:s22], [sflag:$0x1] =	stream.indirect_vreg.gather [hbm4b:s9+s3], $0x80, v24, vm0, $0xb8  }
0x119: {  	_ =	swait.ge [sflag:s21], $0x800  }
0x11a: {  	[sflag:s21] =	ssyncset.done $0x0  }
0x11b: {  	[sflag:s21] =	ssyncadd.s32 $0xFFFFF800  }
0x11c: {  	v25 =	vld [tilespmem:$0x8000]  }
0x11d: {  	v26 =	vld [tilespmem:$0x8010]  }
0x11e: {  	v27 =	vld [tilespmem:$0x8020]  }
0x11f: {  	v24 =	vnsel vm1, $0x0, v22;
	v29 =	vld [tilespmem:$0x8030]  }
0x120: {  	v28 =	vperm.xlane v24, v3;
	v30 =	vld [tilespmem:$0x8040]  }
0x121: {  	v31 =	vld [tilespmem:$0x8050]  }
0x122: {  	v32 =	vld [tilespmem:$0x8060];
	v25 =	vmul.f32 v25, v28  }
0x123: {  	v61 =	vld [tilespmem:$0x8070];
	v26 =	vmul.f32 v26, v28  }
0x124: {  	v63 =	vld [tilespmem:$0x8080];
	v60 =	vmul.f32 v27, v28;
	[tilespmem:$0x8800] =	vst v25  }
0x125: {  	v36 =	vld [tilespmem:$0x8090];
	v62 =	vmul.f32 v29, v28;
	[tilespmem:$0x8810] =	vst v26  }
0x126: {  	v38 =	vld [tilespmem:$0x80A0];
	v35 =	vmul.f32 v30, v28;
	[tilespmem:$0x8820] =	vst v60  }
0x127: {  	v33 =	vld [tilespmem:$0x80B0];
	v37 =	vmul.f32 v31, v28;
	[tilespmem:$0x8830] =	vst v62  }
0x128: {  	v40 =	vperm.xlane v24, v5;
	v42 =	vld [tilespmem:$0x80C0];
	v39 =	vmul.f32 v32, v28;
	[tilespmem:$0x8840] =	vst v35  }
0x129: {  	v44 =	vld [tilespmem:$0x80D0];
	v41 =	vmul.f32 v61, v28;
	[tilespmem:$0x8850] =	vst v37  }
0x12a: {  	v46 =	vld [tilespmem:$0x80E0];
	v43 =	vmul.f32 v63, v40;
	[tilespmem:$0x8860] =	vst v39  }
0x12b: {  	v48 =	vld [tilespmem:$0x80F0];
	v45 =	vmul.f32 v36, v40;
	[tilespmem:$0x8870] =	vst v41  }
0x12c: {  	v50 =	vld [tilespmem:$0x8100];
	v47 =	vmul.f32 v38, v40;
	[tilespmem:$0x8880] =	vst v43  }
0x12d: {  	v54 =	vld [tilespmem:$0x8120];
	v49 =	vmul.f32 v33, v40;
	[tilespmem:$0x8890] =	vst v45  }
0x12e: {  	v57 =	vld [tilespmem:$0x8130];
	v51 =	vmul.f32 v42, v40;
	[tilespmem:$0x88A0] =	vst v47  }
0x12f: {  	v59 =	vld [tilespmem:$0x8140];
	v53 =	vmul.f32 v44, v40;
	[tilespmem:$0x88B0] =	vst v49  }
0x130: {  	v56 =	vperm.xlane v24, v6;
	v52 =	vld [tilespmem:$0x8110];
	v55 =	vmul.f32 v46, v40;
	[tilespmem:$0x88C0] =	vst v51  }
0x131: {  	v58 =	vmul.f32 v48, v40;
	v61 =	vld [tilespmem:$0x8150];
	[tilespmem:$0x88D0] =	vst v53  }
0x132: {  	v63 =	vld [tilespmem:$0x8160];
	v36 =	vmul.f32 v54, v56;
	[tilespmem:$0x88E0] =	vst v55  }
0x133: {  	v38 =	vmul.f32 v57, v56;
	v46 =	vld [tilespmem:$0x81B0];
	[tilespmem:$0x88F0] =	vst v58  }
0x134: {  	v40 =	vmul.f32 v59, v56;
	v48 =	vld [tilespmem:$0x81C0];
	[tilespmem:$0x8920] =	vst v36  }
0x135: {  	v54 =	vld [tilespmem:$0x81F0];
	v60 =	vmul.f32 v50, v56;
	[tilespmem:$0x8930] =	vst v38  }
0x136: {  	v62 =	vmul.f32 v52, v56;
	v37 =	vld [tilespmem:$0x8170];
	[tilespmem:$0x8940] =	vst v40  }
0x137: {  	v39 =	vld [tilespmem:$0x8180];
	v45 =	vperm.xlane v24, v7;
	[tilespmem:$0x8900] =	vst v60;
	v42 =	vmul.f32 v61, v56  }
0x138: {  	v41 =	vld [tilespmem:$0x8190];
	[tilespmem:$0x8910] =	vst v62;
	v44 =	vmul.f32 v63, v56  }
0x139: {  	v43 =	vld [tilespmem:$0x81A0];
	v55 =	vmul.f32 v46, v45;
	[tilespmem:$0x8950] =	vst v42  }
0x13a: {  	v50 =	vld [tilespmem:$0x81D0];
	v57 =	vmul.f32 v48, v45;
	[tilespmem:$0x8960] =	vst v44  }
0x13b: {  	v52 =	vld [tilespmem:$0x81E0];
	v35 =	vmul.f32 v54, v45;
	[tilespmem:$0x89B0] =	vst v55  }
0x13c: {  	v58 =	vld [tilespmem:$0x8210];
	v47 =	vmul.f32 v37, v56;
	[tilespmem:$0x89C0] =	vst v57  }
0x13d: {  	v36 =	vld [tilespmem:$0x8240];
	v49 =	vmul.f32 v39, v45;
	[tilespmem:$0x89F0] =	vst v35  }
0x13e: {  	v38 =	vld [tilespmem:$0x8250];
	v51 =	vmul.f32 v41, v45;
	[tilespmem:$0x8970] =	vst v47  }
0x13f: {  	v60 =	vld [tilespmem:$0x8220];
	v53 =	vmul.f32 v43, v45;
	[tilespmem:$0x8980] =	vst v49  }
0x140: {  	v40 =	vld [tilespmem:$0x8260];
	v62 =	vperm.xlane v24, v8;
	v59 =	vmul.f32 v50, v45;
	[tilespmem:$0x8990] =	vst v51  }
0x141: {  	v63 =	vld [tilespmem:$0x8230];
	v61 =	vmul.f32 v52, v45;
	[tilespmem:$0x89A0] =	vst v53  }
0x142: {  	v46 =	vld [tilespmem:$0x8290];
	v39 =	vmul.f32 v58, v62;
	[tilespmem:$0x89D0] =	vst v59  }
0x143: {  	v48 =	vld [tilespmem:$0x82A0];
	v45 =	vmul.f32 v36, v62;
	[tilespmem:$0x89E0] =	vst v61  }
0x144: {  	v56 =	vld [tilespmem:$0x8200];
	v41 =	vmul.f32 v60, v62;
	[tilespmem:$0x8A10] =	vst v39  }
0x145: {  	v42 =	vld [tilespmem:$0x8270];
	v47 =	vmul.f32 v38, v62;
	[tilespmem:$0x8A40] =	vst v45  }
0x146: {  	v44 =	vld [tilespmem:$0x8280];
	v50 =	vperm.xlane v24, v9;
	v49 =	vmul.f32 v40, v62;
	[tilespmem:$0x8A20] =	vst v41  }
0x147: {  	v55 =	vld [tilespmem:$0x82D0];
	v43 =	vmul.f32 v63, v62;
	[tilespmem:$0x8A50] =	vst v47  }
0x148: {  	v57 =	vld [tilespmem:$0x82E0];
	v58 =	vmul.f32 v48, v50;
	[tilespmem:$0x8A60] =	vst v49  }
0x149: {  	v51 =	vld [tilespmem:$0x82B0];
	v37 =	vmul.f32 v56, v62;
	[tilespmem:$0x8A30] =	vst v43  }
0x14a: {  	v53 =	vld [tilespmem:$0x82C0];
	v52 =	vmul.f32 v42, v62;
	[tilespmem:$0x8AA0] =	vst v58  }
0x14b: {  	v59 =	vld [tilespmem:$0x82F0];
	v54 =	vmul.f32 v44, v50;
	[tilespmem:$0x8A00] =	vst v37  }
0x14c: {  	v61 =	vld [tilespmem:$0x8300];
	v56 =	vmul.f32 v46, v50;
	[tilespmem:$0x8A70] =	vst v52  }
0x14d: {  	v40 =	vld [tilespmem:$0x8330];
	v36 =	vmul.f32 v55, v50;
	[tilespmem:$0x8A80] =	vst v54  }
0x14e: {  	v63 =	vld [tilespmem:$0x8310];
	v38 =	vmul.f32 v57, v50;
	[tilespmem:$0x8A90] =	vst v56  }
0x14f: {  	v48 =	vld [tilespmem:$0x8370];
	v60 =	vmul.f32 v51, v50;
	[tilespmem:$0x8AD0] =	vst v36  }
0x150: {  	v39 =	vperm.xlane v24, v10;
	v42 =	vld [tilespmem:$0x8340];
	v62 =	vmul.f32 v53, v50;
	[tilespmem:$0x8AE0] =	vst v38  }
0x151: {  	v44 =	vld [tilespmem:$0x8350];
	v41 =	vmul.f32 v59, v50;
	[tilespmem:$0x8AB0] =	vst v60  }
0x152: {  	v46 =	vld [tilespmem:$0x8360];
	v43 =	vmul.f32 v61, v39;
	[tilespmem:$0x8AC0] =	vst v62  }
0x153: {  	v57 =	vld [tilespmem:$0x83B0];
	v49 =	vmul.f32 v40, v39;
	[tilespmem:$0x8AF0] =	vst v41  }
0x154: {  	v37 =	vld [tilespmem:$0x8320];
	v45 =	vmul.f32 v63, v39;
	[tilespmem:$0x8B00] =	vst v43  }
0x155: {  	v50 =	vld [tilespmem:$0x8380];
	v58 =	vmul.f32 v48, v39;
	[tilespmem:$0x8B30] =	vst v49  }
0x156: {  	v52 =	vld [tilespmem:$0x8390];
	[tilespmem:$0x8B10] =	vst v45;
	v51 =	vmul.f32 v42, v39  }
0x157: {  	v54 =	vld [tilespmem:$0x83A0];
	v56 =	vperm.xlane v24, v11;
	v53 =	vmul.f32 v44, v39;
	[tilespmem:$0x8B70] =	vst v58  }
0x158: {  	v59 =	vld [tilespmem:$0x83C0];
	v55 =	vmul.f32 v46, v39;
	[tilespmem:$0x8B40] =	vst v51  }
0x159: {  	v61 =	vld [tilespmem:$0x83D0];
	v38 =	vmul.f32 v57, v56;
	[tilespmem:$0x8B50] =	vst v53  }
0x15a: {  	v63 =	vld [tilespmem:$0x83E0];
	v47 =	vmul.f32 v37, v39;
	[tilespmem:$0x8B60] =	vst v55  }
0x15b: {  	v48 =	vld [tilespmem:$0x8440];
	v60 =	vmul.f32 v50, v56;
	[tilespmem:$0x8BB0] =	vst v38  }
0x15c: {  	v41 =	vld [tilespmem:$0x8410];
	v62 =	vmul.f32 v52, v56;
	[tilespmem:$0x8B20] =	vst v47  }
0x15d: {  	v43 =	vld [tilespmem:$0x8420];
	v36 =	vmul.f32 v54, v56;
	[tilespmem:$0x8B80] =	vst v60  }
0x15e: {  	v46 =	vld [tilespmem:$0x8430];
	v40 =	vmul.f32 v59, v56;
	[tilespmem:$0x8B90] =	vst v62  }
0x15f: {  	v45 =	vperm.xlane v24, v12;
	v58 =	vld [tilespmem:$0x8490];
	v42 =	vmul.f32 v61, v56;
	[tilespmem:$0x8BA0] =	vst v36  }
0x160: {  	v37 =	vld [tilespmem:$0x83F0];
	v44 =	vmul.f32 v63, v56;
	[tilespmem:$0x8BC0] =	vst v40  }
0x161: {  	v39 =	vld [tilespmem:$0x8400];
	v57 =	vmul.f32 v48, v45;
	[tilespmem:$0x8BD0] =	vst v42  }
0x162: {  	v50 =	vld [tilespmem:$0x8450];
	v51 =	vmul.f32 v41, v45;
	[tilespmem:$0x8BE0] =	vst v44  }
0x163: {  	v52 =	vld [tilespmem:$0x8460];
	v53 =	vmul.f32 v43, v45;
	[tilespmem:$0x8C40] =	vst v57  }
0x164: {  	v54 =	vld [tilespmem:$0x8470];
	v55 =	vmul.f32 v46, v45;
	[tilespmem:$0x8C10] =	vst v51  }
0x165: {  	v38 =	vld [tilespmem:$0x84D0];
	[tilespmem:$0x8C20] =	vst v53;
	v47 =	vmul.f32 v37, v56  }
0x166: {  	v63 =	vld [tilespmem:$0x84B0];
	v49 =	vmul.f32 v39, v45;
	[tilespmem:$0x8C30] =	vst v55  }
0x167: {  	v60 =	vld [tilespmem:$0x84A0];
	v59 =	vmul.f32 v50, v45;
	[tilespmem:$0x8BF0] =	vst v47  }
0x168: {  	v62 =	vperm.xlane v24, v13;
	v36 =	vld [tilespmem:$0x84C0];
	v61 =	vmul.f32 v52, v45;
	[tilespmem:$0x8C00] =	vst v49  }
0x169: {  	v48 =	vld [tilespmem:$0x8520];
	v35 =	vmul.f32 v54, v45;
	[tilespmem:$0x8C50] =	vst v59  }
0x16a: {  	v40 =	vld [tilespmem:$0x84E0];
	v39 =	vmul.f32 v58, v62;
	[tilespmem:$0x8C60] =	vst v61  }
0x16b: {  	v42 =	vld [tilespmem:$0x84F0];
	v43 =	vmul.f32 v63, v62;
	[tilespmem:$0x8C70] =	vst v35  }
0x16c: {  	v44 =	vld [tilespmem:$0x8500];
	v41 =	vmul.f32 v60, v62;
	[tilespmem:$0x8C90] =	vst v39  }
0x16d: {  	v46 =	vld [tilespmem:$0x8510];
	v45 =	vmul.f32 v36, v62;
	[tilespmem:$0x8CB0] =	vst v43  }
0x16e: {  	v57 =	vld [tilespmem:$0x8560];
	v47 =	vmul.f32 v38, v62;
	[tilespmem:$0x8CA0] =	vst v41  }
0x16f: {  	v51 =	vld [tilespmem:$0x8530];
	v50 =	vperm.xlane v24, v14;
	v49 =	vmul.f32 v40, v62;
	[tilespmem:$0x8CC0] =	vst v45  }
0x170: {  	v56 =	vld [tilespmem:$0x8480];
	v52 =	vmul.f32 v42, v62;
	[tilespmem:$0x8CD0] =	vst v47  }
0x171: {  	v53 =	vld [tilespmem:$0x8540];
	v58 =	vmul.f32 v48, v50;
	[tilespmem:$0x8CE0] =	vst v49  }
0x172: {  	v55 =	vld [tilespmem:$0x8550];
	v54 =	vmul.f32 v44, v50;
	[tilespmem:$0x8CF0] =	vst v52  }
0x173: {  	v63 =	vld [tilespmem:$0x8590];
	v38 =	vmul.f32 v57, v50;
	[tilespmem:$0x8D20] =	vst v58  }
0x174: {  	v59 =	vld [tilespmem:$0x8570];
	v60 =	vmul.f32 v51, v50;
	[tilespmem:$0x8D00] =	vst v54  }
0x175: {  	v61 =	vld [tilespmem:$0x8580];
	v37 =	vmul.f32 v56, v62;
	[tilespmem:$0x8D60] =	vst v38  }
0x176: {  	v40 =	vld [tilespmem:$0x85B0];
	v56 =	vmul.f32 v46, v50;
	[tilespmem:$0x8D30] =	vst v60  }
0x177: {  	v39 =	vperm.xlane v24, v15;
	v42 =	vld [tilespmem:$0x85C0];
	v62 =	vmul.f32 v53, v50;
	[tilespmem:$0x8C80] =	vst v37  }
0x178: {  	v48 =	vld [tilespmem:$0x85F0];
	v36 =	vmul.f32 v55, v50;
	[tilespmem:$0x8D10] =	vst v56  }
0x179: {  	v44 =	vld [tilespmem:$0x85D0];
	v45 =	vmul.f32 v63, v39;
	[tilespmem:$0x8D40] =	vst v62  }
0x17a: {  	v57 =	vld [tilespmem:$0x8630];
	[tilespmem:$0x8D50] =	vst v36;
	v41 =	vmul.f32 v59, v50  }
0x17b: {  	v52 =	vld [tilespmem:$0x8610];
	v43 =	vmul.f32 v61, v39;
	[tilespmem:$0x8D90] =	vst v45  }
0x17c: {  	v46 =	vld [tilespmem:$0x85E0];
	v49 =	vmul.f32 v40, v39;
	[tilespmem:$0x8D70] =	vst v41  }
0x17d: {  	v54 =	vld [tilespmem:$0x8620];
	v51 =	vmul.f32 v42, v39;
	[tilespmem:$0x8D80] =	vst v43  }
0x17e: {  	v63 =	vld [tilespmem:$0x8660];
	v56 =	vperm.xlane v24, v16;
	v58 =	vmul.f32 v48, v39;
	[tilespmem:$0x8DB0] =	vst v49  }
0x17f: {  	v37 =	vld [tilespmem:$0x85A0];
	v53 =	vmul.f32 v44, v39;
	[tilespmem:$0x8DC0] =	vst v51  }
0x180: {  	v50 =	vld [tilespmem:$0x8600];
	[tilespmem:$0x8DF0] =	vst v58;
	v62 =	vmul.f32 v52, v56  }
0x181: {  	v59 =	vld [tilespmem:$0x8640];
	v38 =	vmul.f32 v57, v56;
	[tilespmem:$0x8DD0] =	vst v53  }
0x182: {  	v61 =	vld [tilespmem:$0x8650];
	v55 =	vmul.f32 v46, v39;
	[tilespmem:$0x8E10] =	vst v62  }
0x183: {  	v48 =	vld [tilespmem:$0x86C0];
	v36 =	vmul.f32 v54, v56;
	[tilespmem:$0x8E30] =	vst v38  }
0x184: {  	v41 =	vld [tilespmem:$0x8690];
	v44 =	vmul.f32 v63, v56;
	[tilespmem:$0x8DE0] =	vst v55  }
0x185: {  	v43 =	vld [tilespmem:$0x86A0];
	v47 =	vmul.f32 v37, v39;
	[tilespmem:$0x8E20] =	vst v36  }
0x186: {  	v52 =	vld [tilespmem:$0x86E0];
	v60 =	vmul.f32 v50, v56;
	[tilespmem:$0x8E60] =	vst v44  }
0x187: {  	v45 =	vperm.xlane v24, v17;
	v58 =	vld [tilespmem:$0x8710];
	v40 =	vmul.f32 v59, v56;
	[tilespmem:$0x8DA0] =	vst v47  }
0x188: {  	v46 =	vld [tilespmem:$0x86B0];
	v42 =	vmul.f32 v61, v56;
	[tilespmem:$0x8E00] =	vst v60  }
0x189: {  	v54 =	vld [tilespmem:$0x86F0];
	v57 =	vmul.f32 v48, v45;
	[tilespmem:$0x8E40] =	vst v40  }
0x18a: {  	v63 =	vld [tilespmem:$0x8730];
	[tilespmem:$0x8E50] =	vst v42;
	v51 =	vmul.f32 v41, v45  }
0x18b: {  	v37 =	vld [tilespmem:$0x8670];
	v53 =	vmul.f32 v43, v45;
	[tilespmem:$0x8EC0] =	vst v57  }
0x18c: {  	v39 =	vld [tilespmem:$0x8680];
	v61 =	vmul.f32 v52, v45;
	[tilespmem:$0x8E90] =	vst v51  }
0x18d: {  	v62 =	vperm.xlane v24, v18;
	v50 =	vld [tilespmem:$0x86D0];
	v55 =	vmul.f32 v46, v45;
	[tilespmem:$0x8EA0] =	vst v53  }
0x18e: {  	v38 =	vld [tilespmem:$0x8750];
	v35 =	vmul.f32 v54, v45;
	[tilespmem:$0x8EE0] =	vst v61  }
0x18f: {  	v36 =	vld [tilespmem:$0x8740];
	v43 =	vmul.f32 v63, v62;
	[tilespmem:$0x8EB0] =	vst v55  }
0x190: {  	v48 =	vld [tilespmem:$0x87A0];
	v47 =	vmul.f32 v37, v56;
	[tilespmem:$0x8EF0] =	vst v35  }
0x191: {  	v44 =	vld [tilespmem:$0x8780];
	v49 =	vmul.f32 v39, v45;
	[tilespmem:$0x8F30] =	vst v43  }
0x192: {  	v60 =	vld [tilespmem:$0x8720];
	v59 =	vmul.f32 v50, v45;
	[tilespmem:$0x8E70] =	vst v47  }
0x193: {  	v24 =	vperm.xlane v24, v19;
	v40 =	vld [tilespmem:$0x8760];
	v39 =	vmul.f32 v58, v62;
	[tilespmem:$0x8E80] =	vst v49  }
0x194: {  	v42 =	vld [tilespmem:$0x8770];
	v45 =	vmul.f32 v36, v62;
	[tilespmem:$0x8ED0] =	vst v59  }
0x195: {  	v52 =	vld [tilespmem:$0x87C0];
	v57 =	vmul.f32 v48, v24;
	[tilespmem:$0x8F10] =	vst v39  }
0x196: {  	v56 =	vld [tilespmem:$0x8700];
	v53 =	vmul.f32 v44, v24;
	[tilespmem:$0x8F40] =	vst v45  }
0x197: {  	v46 =	vld [tilespmem:$0x8790];
	v41 =	vmul.f32 v60, v62;
	[tilespmem:$0x8FA0] =	vst v57  }
0x198: {  	v47 =	vmul.f32 v38, v62;
	[tilespmem:$0x8F80] =	vst v53  }
0x199: {  	v50 =	vld [tilespmem:$0x87B0];
	v49 =	vmul.f32 v40, v62;
	[tilespmem:$0x8F20] =	vst v41  }
0x19a: {  	v54 =	vld [tilespmem:$0x87D0];
	v51 =	vmul.f32 v42, v62;
	[tilespmem:$0x8F50] =	vst v47  }
0x19b: {  	v61 =	vmul.f32 v52, v24;
	[tilespmem:$0x8F60] =	vst v49;
	v37 =	vmul.f32 v56, v62;
	v56 =	vld [tilespmem:$0x87E0]  }
0x19c: {  	v58 =	vld [tilespmem:$0x87F0];
	v55 =	vmul.f32 v46, v24;
	[tilespmem:$0x8F70] =	vst v51  }
0x19d: {  	[tilespmem:$0x8FC0] =	vst v61  }
0x19e: {  	v60 =	vsub.s32 v23, v0;
	[tilespmem:$0x8F90] =	vst v55;
	v59 =	vmul.f32 v50, v24  }
0x19f: {  	v25 =	vnsel vm1, $0x0, v60;
	v62 =	vmul.f32 v54, v24;
	[tilespmem:$0x8F00] =	vst v37  }
0x1a0: {  	[tilespmem:$0x8FB0] =	vst v59;
	v63 =	vmul.f32 v56, v24  }
0x1a1: {  	[tilespmem:$0x8FD0] =	vst v62;
	v24 =	vmul.f32 v58, v24  }
0x1a2: {  	vm2 =	veq.s32 v23, $0x0;
	[tilespmem:$0x8FE0] =	vst v63  }
0x1a3: {  	vm1 =	vmand vm1, vm2;
	[tilespmem:$0x8FF0] =	vst v24  }
0x1a4: {  	v21 =	vnsel vm1, $0x0, v21;
	[spmem:s1] =	stream.indirect_vreg.scatter.add.f32 [tilespmem:s23], [sflag:$0x2], $0x80, v25, vm0, $0xb8;
	[tilespmem:$0x13D80] =	vst v63  }
0x1a5: {  	_ =	swait.ge [sflag:s14], $0x800  }
0x1a6: {  	[sflag:s14] =	ssyncset.done $0x0  }
0x1a7: {  	p1 =	sne.s32 s29, $0x1;
	v22 =	vnsel vm1, $0x0, v22;
	[sflag:s14] =	ssyncadd.s32 $0xFFFFF800  }
.Ltmp7:
0x1a8: {  	[tilespmem:$0x9000] =	vst v22;
	(pc) =	sbr.rel @p1 .LBB2_8-.Ltmp7, $4  }
0x1a9: {  	[spmem:s2] =	stream.indirect_vreg.scatter.add.f32 [tilespmem:s24], [sflag:$0x2], $0x1, v21, vm0, $0xb8;
	[tilespmem:$0x13D80] =	vst v63  }
0x1aa: {  	s30 =	sadd.s32 $0x10, s30;
	_ =	swait.ge [sflag:s14], $0x10  }
0x1ab: {  	s31 =	sadd.s32 $0x10, s31;
	s7 =	sadd.s32 $0x10, s7;
	[sflag:s14] =	ssyncset.done $0x0  }
0x1ac: {  	s29 =	sadd.s32 $0xFFFFFFFF, s29;
	s0 =	sadd.s32 $0x10, s0;
	[sflag:s14] =	ssyncadd.s32 $0xFFFFFFF0  }
.Ltmp8:
0x1ad: {  	_ = 	snop;
	(pc) =	sbr.rel .LBB2_9-.Ltmp8, $1  }
0x1ae: {  	_ =	sdelay $0x3  }
.LBB2_11:
0x1af: {  	_ =	sfence.sel $0x180000  }
0x1b0: {  	[bflag:$0x0] =	sbarrier.arrive $0xFFFF  }
0x1b1: {  	_ =	strace $0x9000004A  }
0x1b2: {  	[bflag:$0x2] =	sbarrier.arrive $0xFFFF  }
0x1b3: {  	s0 =	rddreg [dreg:$0x3]  }
0x1b4: {  	s0 =	sadd.s32 @!p0 $0x100000, s0  }
0x1b5: {  	[sflag:s0] =	ssyncadd.tile.s32 @!p0 $0x1;
	_ =	shalt  }
.Lfunc_end2:
_tile_overlayer_lowered:
.L_overlay_start_2:
0x1b6: {  	(tag) =	ssettag $0x2  }
0x1b7: {  	s0 =	rddreg [dreg:$0x0];
	s2 =	stileid.u32  }
0x1b8: {  	s1 =	rddreg [dreg:$0x1];
	p0 =	sne.s32 s2, $0x0  }
0x1b9: {  	s3 =	rddreg [dreg:$0x2];
	[bflag:$0x3] =	sbarrier.arrive $0xFFFF;
	s2 =	simm.s32 @!p0 $0x1C02  }
0x1ba: {  	[timem:s3], [sflag:s2] =	dma.local @!p0 [hbm:s0], s1  }
0x1bb: {  	s0 =	simm.s32 @!p0 $0x2  }
0x1bc: {  	_ =	swait.ge @!p0 [sflag:s0], s1  }
0x1bd: {  	s1 =	ssub.s32 @!p0 $0x0, s1;
	[sflag:s0] =	ssyncset.done @!p0 $0x0  }
0x1be: {  	[sflag:s0] =	ssyncadd.s32 @!p0 s1  }
0x1bf: {  	[bflag:$0x3] =	sbarrier.arrive $0xFFFF  }
0x1c0: {  	_ =	shalt  }

</sc_bundles>
